<compile_context>
chip_gen: v7x
topology: tpu7x:2x2x1
jax: 0.10.2.dev20260603
libtpu: 0.0.44.dev20260713+nightly
codegen_flags: <defaults>
</compile_context>

<pallas_src>
import functools

import jax
import jax.numpy as jnp
from jax import lax
from jax.experimental import pallas as pl
from jax.experimental.pallas import tpu as pltpu
from jax.experimental.pallas import tpu_sc as plsc

N = 10000
K = 16
IN_DIM = 256
OUT_DIM = 256
EPS = 1e-5

NA = 4000
BN = 1000
NB_A = NA // BN
NB_B = (N - NA) // BN
NB_ALL = N // BN

NC = 2
NS = 16
NW = NC * NS
BASE = 128
TAIL = NA - (NW - 1) * BASE
C = 4
CK = C * K
NCHUNK = BASE // C


def _sc_agg(neigh2d):
    mesh = plsc.VectorSubcoreMesh(core_axis_name="c", subcore_axis_name="s")

    @functools.partial(
        pl.kernel,
        out_type=jax.ShapeDtypeStruct((NA, IN_DIM), jnp.float32),
        mesh=mesh,
        cost_estimate=pl.CostEstimate(
            flops=2 * NA * K * IN_DIM,
            bytes_accessed=NA * K * IN_DIM * 4 + NA * IN_DIM * 4,
            transcendentals=0,
        ),
        scratch_types=[
            pltpu.VMEM((CK, IN_DIM), jnp.float32),
            pltpu.VMEM((CK, IN_DIM), jnp.float32),
            pltpu.VMEM((BASE, IN_DIM), jnp.float32),
            pltpu.SemaphoreType.DMA,
            pltpu.SemaphoreType.DMA,
        ],
    )
    def sck(neigh_hbm, out_hbm, buf_a, buf_b, acc_v, sem_a, sem_b):
        cid = lax.axis_index("c")
        sid = lax.axis_index("s")
        wid = sid * NC + cid
        node0 = wid * BASE
        my_nchunk = jnp.where(wid == NW - 1, TAIL // C, NCHUNK)

        def start(t, buf, sem):
            pltpu.async_copy(
                neigh_hbm.at[pl.ds((node0 + t * C) * K, CK)], buf, sem)

        def wait(buf, sem):
            pltpu.make_async_copy(neigh_hbm.at[pl.ds(0, CK)], buf, sem).wait()

        def reduce_chunk(t, buf):
            @pl.loop(0, C)
            def _node(n):
                row0 = n * K
                for c16 in range(IN_DIM // 16):
                    sl = pl.ds(c16 * 16, 16)
                    vals = [buf[row0 + k, sl] for k in range(K)]
                    while len(vals) > 1:
                        vals = [a + b for a, b in zip(vals[::2], vals[1::2])]
                    acc_v[t * C + n, sl] = vals[0]

        start(0, buf_a, sem_a)

        @pl.loop(0, (NCHUNK + 1) // 2)
        def _pair(p):
            t0 = 2 * p
            t1 = t0 + 1

            @pl.when(t1 < my_nchunk)
            def _():
                start(t1, buf_b, sem_b)

            @pl.when(t0 < my_nchunk)
            def _():
                wait(buf_a, sem_a)
                reduce_chunk(t0, buf_a)

            @pl.when(t0 + 2 < my_nchunk)
            def _():
                start(t0 + 2, buf_a, sem_a)

            @pl.when(t1 < my_nchunk)
            def _():
                wait(buf_b, sem_b)
                reduce_chunk(t1, buf_b)

        @pl.when(wid < NW - 1)
        def _full_out():
            pltpu.sync_copy(acc_v.at[pl.ds(0, BASE)],
                            out_hbm.at[pl.ds(node0, BASE)])

        @pl.when(wid == NW - 1)
        def _tail_out():
            pltpu.sync_copy(acc_v.at[pl.ds(0, TAIL)],
                            out_hbm.at[pl.ds(node0, TAIL)])

    return sck(neigh2d)


def _tc1_body(self_ref, neigh_ref, ws_ref, wn_ref, b_ref, y_ref, stats_ref,
              acc_ref):
    i = pl.program_id(0)

    @pl.when(i == 0)
    def _init():
        acc_ref[...] = jnp.zeros_like(acc_ref)

    agg = jnp.mean(neigh_ref[...], axis=1)
    y = (
        jnp.dot(self_ref[...], ws_ref[...], preferred_element_type=jnp.float32)
        + jnp.dot(agg, wn_ref[...], preferred_element_type=jnp.float32)
        + b_ref[...]
    )
    y_ref[...] = y
    acc_ref[0:1, :] += jnp.sum(y, axis=0, keepdims=True)
    acc_ref[1:2, :] += jnp.sum(y * y, axis=0, keepdims=True)

    @pl.when(i == NB_B - 1)
    def _emit():
        stats_ref[...] = acc_ref[...]


def _tc2_body(self_ref, agg_ref, yb_ref, stats_ref, ws_ref, wns_ref, b_ref,
              gamma_ref, beta_ref, out_ref, y_scr, acc_ref):
    i = pl.program_id(0)

    @pl.when(i == 0)
    def _init():
        acc_ref[...] = stats_ref[...]

    @pl.when(i < NB_A)
    def _compute():
        y = (
            jnp.dot(self_ref[...], ws_ref[...], preferred_element_type=jnp.float32)
            + jnp.dot(agg_ref[...], wns_ref[...], preferred_element_type=jnp.float32)
            + b_ref[...]
        )
        y_scr[pl.ds(i * BN, BN), :] = y
        acc_ref[0:1, :] += jnp.sum(y, axis=0, keepdims=True)
        acc_ref[1:2, :] += jnp.sum(y * y, axis=0, keepdims=True)

    @pl.when(i >= NB_A)
    def _normalize():
        j = i - NB_A
        mean = acc_ref[0:1, :] / N
        var = acc_ref[1:2, :] / N - mean * mean
        scale = gamma_ref[...] * jax.lax.rsqrt(var + EPS)
        shift = beta_ref[...] - mean * scale

        @pl.when(j < NB_A)
        def _from_scratch():
            y = y_scr[pl.ds(j * BN, BN), :]
            out_ref[...] = jnp.maximum(y * scale + shift, 0.0)

        @pl.when(j >= NB_A)
        def _from_yb():
            out_ref[...] = jnp.maximum(yb_ref[...] * scale + shift, 0.0)


@jax.jit
def kernel(self_feat, neighbor_feat, W, b, gamma, beta):
    ws = W[:, :IN_DIM].T
    wn = W[:, IN_DIM:].T
    wns = wn * (1.0 / K)
    b2 = b.reshape(1, OUT_DIM)
    gamma2 = gamma.reshape(1, OUT_DIM)
    beta2 = beta.reshape(1, OUT_DIM)

    neigh2d = neighbor_feat.reshape(N * K, IN_DIM)
    agg_a = _sc_agg(neigh2d)

    y_b, stats = pl.pallas_call(
        _tc1_body,
        grid=(NB_B,),
        in_specs=[
            pl.BlockSpec((BN, IN_DIM), lambda i: (NB_A + i, 0)),
            pl.BlockSpec((BN, K, IN_DIM), lambda i: (NB_A + i, 0, 0)),
            pl.BlockSpec((IN_DIM, OUT_DIM), lambda i: (0, 0)),
            pl.BlockSpec((IN_DIM, OUT_DIM), lambda i: (0, 0)),
            pl.BlockSpec((1, OUT_DIM), lambda i: (0, 0)),
        ],
        out_specs=[
            pl.BlockSpec((BN, OUT_DIM), lambda i: (i, 0)),
            pl.BlockSpec((2, OUT_DIM), lambda i: (0, 0)),
        ],
        out_shape=[
            jax.ShapeDtypeStruct((N - NA, OUT_DIM), jnp.float32),
            jax.ShapeDtypeStruct((2, OUT_DIM), jnp.float32),
        ],
        scratch_shapes=[pltpu.VMEM((2, OUT_DIM), jnp.float32)],
    )(self_feat, neighbor_feat, ws, wn, b2)

    out = pl.pallas_call(
        _tc2_body,
        grid=(NB_A + NB_ALL,),
        in_specs=[
            pl.BlockSpec((BN, IN_DIM), lambda i: (jnp.minimum(i, NB_A - 1), 0)),
            pl.BlockSpec((BN, IN_DIM), lambda i: (jnp.minimum(i, NB_A - 1), 0)),
            pl.BlockSpec(
                (BN, OUT_DIM),
                lambda i: (jnp.clip(i - 2 * NB_A, 0, NB_B - 1), 0),
            ),
            pl.BlockSpec((2, OUT_DIM), lambda i: (0, 0)),
            pl.BlockSpec((IN_DIM, OUT_DIM), lambda i: (0, 0)),
            pl.BlockSpec((IN_DIM, OUT_DIM), lambda i: (0, 0)),
            pl.BlockSpec((1, OUT_DIM), lambda i: (0, 0)),
            pl.BlockSpec((1, OUT_DIM), lambda i: (0, 0)),
            pl.BlockSpec((1, OUT_DIM), lambda i: (0, 0)),
        ],
        out_specs=pl.BlockSpec((BN, OUT_DIM), lambda i: (jnp.maximum(i - NB_A, 0), 0)),
        out_shape=jax.ShapeDtypeStruct((N, OUT_DIM), jnp.float32),
        scratch_shapes=[
            pltpu.VMEM((NA, OUT_DIM), jnp.float32),
            pltpu.VMEM((2, OUT_DIM), jnp.float32),
        ],
    )(self_feat, agg_a, y_b, stats, ws, wns, b2, gamma2, beta2)
    return out

# --- scband reference (transcript-rebuilt; emitter-appended) ---
"""Pipeline reference for scband-graph-sagelayer-72181220376826 (READ-ONLY COPY).

The authoritative reference and input builder live on the scoring server;
editing this copy changes nothing except your own understanding.
"""

import jax, jax.numpy as jnp
import numpy as np

N = 10000
K = 16
IN_DIM = 256
OUT_DIM = 256

def setup_inputs(seed: int = 0) -> dict:
    key = jax.random.key(seed)
    k1, k2, k3, k4, k5, k6 = jax.random.split(key, 6)
    self_feat = jax.random.normal(k1, (N, IN_DIM), dtype=jnp.float32)
    neighbor_feat = jax.random.normal(k2, (N, K, IN_DIM), dtype=jnp.float32)
    # Linear(in_dim*2, out_dim): weight [out_dim, 2*in_dim], bias [out_dim]
    bound = 1.0 / np.sqrt(2 * IN_DIM)
    W = jax.random.uniform(k3, (OUT_DIM, 2 * IN_DIM), dtype=jnp.float32, minval=-bound, maxval=bound)
    b = jax.random.uniform(k4, (OUT_DIM,), dtype=jnp.float32, minval=-bound, maxval=bound)
    # BatchNorm1d affine params
    gamma = jnp.ones((OUT_DIM,), dtype=jnp.float32)
    beta = jnp.zeros((OUT_DIM,), dtype=jnp.float32)
    return {"self_feat": self_feat, "neighbor_feat": neighbor_feat, "W": W, "b": b, "gamma": gamma, "beta": beta}

def reference(self_feat, neighbor_feat, W, b, gamma, beta):
    # mean aggregation over sampled neighbors
    agg = neighbor_feat.mean(axis=1)
    combined = jnp.concatenate([self_feat, agg], axis=-1)
    y = combined @ W.T + b
    # BatchNorm1d in training mode: batch statistics, biased variance, eps=1e-5
    mean = y.mean(axis=0)
    var = y.var(axis=0)
    y_norm = (y - mean) / jnp.sqrt(var + 1e-5)
    y_bn = gamma * y_norm + beta
    return jax.nn.relu(y_bn)

if __name__ == "__main__":
    import jax
    _d = setup_inputs()
    print(jax.jit(kernel)(*tuple(_d.values())))

</pallas_src>

<mosaic_0001>
#map = affine_map<(d0, d1) -> (0, 0)>
module attributes {stable_mosaic.version = 14 : i64} {
  func.func @sck(%arg0: i32, %arg1: i32, %arg2: memref<160000x256xf32, #tpu.memory_space<hbm>>, %arg3: memref<4000x256xf32, #tpu.memory_space<hbm>>, %arg4: memref<64x256xf32, #tpu.memory_space<vmem>>, %arg5: memref<64x256xf32, #tpu.memory_space<vmem>>, %arg6: memref<128x256xf32, #tpu.memory_space<vmem>>, %arg7: memref<!tpu.dma_semaphore, #tpu.memory_space<semaphore_mem>>, %arg8: memref<!tpu.dma_semaphore, #tpu.memory_space<semaphore_mem>>) attributes {dimension_semantics = [#tpu.dimension_semantics<core_parallel>, #tpu.dimension_semantics<subcore_parallel>], iteration_bounds = array<i64: 2, 16>, scalar_prefetch = 0 : i64, scratch_operands = 5 : i64, tpu.core_type = #tpu.core_type<sc_vector_subcore>, window_params = [{transform_indices = #map}, {transform_indices = #map}]} {
    %mul3A = arith.constant 2 : i32
    %mul3A_0 = arith.muli %arg1, %mul3A : i32
    %add3A = arith.addi %mul3A_0, %arg0 : i32
    %mul3A_1 = arith.constant 128 : i32
    %mul3A_2 = arith.muli %add3A, %mul3A_1 : i32
    %eq3A = arith.constant 31 : i32
    %eq3A_3 = arith.cmpi eq, %add3A, %eq3A : i32
    %jit3A = arith.constant 8 : i32
    %jit3A_4 = arith.constant 32 : i32
    %select_n3A = arith.select %eq3A_3, %jit3A, %jit3A_4 : i32
    %add3A_5 = arith.constant 0 : i32
    %add3A_6 = arith.addi %mul3A_2, %add3A_5 : i32
    %mul3A_7 = arith.constant 16 : i32
    %mul3A_8 = arith.muli %add3A_6, %mul3A_7 : i32
    %dma_start3A = arith.constant 0 : i32
    %dma_start3A_9 = tpu.memref_slice %arg2[%mul3A_8, %dma_start3A] : memref<160000x256xf32, #tpu.memory_space<hbm>> -> memref<64x256xf32, #tpu.memory_space<hbm>>
    %dma_start3A_10 = arith.constant 0 : i32
    %dma_start3A_11 = tpu.memref_slice %arg2[%mul3A_8, %dma_start3A_10] : memref<160000x256xf32, #tpu.memory_space<hbm>> -> memref<64x256xf32, #tpu.memory_space<hbm>>
    tpu.enqueue_dma source(%dma_start3A_11 : memref<64x256xf32, #tpu.memory_space<hbm>>) target(%arg4 : memref<64x256xf32, #tpu.memory_space<vmem>>) target_semaphore(%arg7 : memref<!tpu.dma_semaphore, #tpu.memory_space<semaphore_mem>>)
    %scan3A = arith.constant 0 : i32
    %scan3A_12 = arith.constant 16 : i32
    %scan3A_13 = arith.addi %scan3A, %scan3A_12 : i32
    %scan3A_14 = arith.constant 1 : i32
    scf.for %scan3A_23 = %scan3A to %scan3A_13 step %scan3A_14  : i32 {
      %mul3A_24 = arith.constant 1 : i32
      %mul3A_25 = arith.muli %scan3A_23, %mul3A_24 : i32
      %add3A_26 = arith.constant 0 : i32
      %add3A_27 = arith.addi %add3A_26, %mul3A_25 : i32
      %mul3A_28 = arith.constant 2 : i32
      %mul3A_29 = arith.muli %mul3A_28, %add3A_27 : i32
      %add3A_30 = arith.constant 1 : i32
      %add3A_31 = arith.addi %mul3A_29, %add3A_30 : i32
      %lt3A_32 = arith.cmpi slt, %add3A_31, %select_n3A : i32
      %convert_element_type3A_33 = arith.extui %lt3A_32 : i1 to i32
      %cond3A_34 = arith.constant 0 : i32
      %cond3A_35 = arith.cmpi ne, %convert_element_type3A_33, %cond3A_34 : i32
      scf.if %cond3A_35 {
        %mul3A_50 = arith.constant 4 : i32
        %mul3A_51 = arith.muli %add3A_31, %mul3A_50 : i32
        %add3A_52 = arith.addi %mul3A_2, %mul3A_51 : i32
        %mul3A_53 = arith.constant 16 : i32
        %mul3A_54 = arith.muli %add3A_52, %mul3A_53 : i32
        %dma_start3A_55 = arith.constant 0 : i32
        %dma_start3A_56 = tpu.memref_slice %arg2[%mul3A_54, %dma_start3A_55] : memref<160000x256xf32, #tpu.memory_space<hbm>> -> memref<64x256xf32, #tpu.memory_space<hbm>>
        %dma_start3A_57 = arith.constant 0 : i32
        %dma_start3A_58 = tpu.memref_slice %arg2[%mul3A_54, %dma_start3A_57] : memref<160000x256xf32, #tpu.memory_space<hbm>> -> memref<64x256xf32, #tpu.memory_space<hbm>>
        tpu.enqueue_dma source(%dma_start3A_58 : memref<64x256xf32, #tpu.memory_space<hbm>>) target(%arg5 : memref<64x256xf32, #tpu.memory_space<vmem>>) target_semaphore(%arg8 : memref<!tpu.dma_semaphore, #tpu.memory_space<semaphore_mem>>)
      } else {
      }
      %lt3A_36 = arith.cmpi slt, %mul3A_29, %select_n3A : i32
      %convert_element_type3A_37 = arith.extui %lt3A_36 : i1 to i32
      %cond3A_38 = arith.constant 0 : i32
      %cond3A_39 = arith.cmpi ne, %convert_element_type3A_37, %cond3A_38 : i32
      scf.if %cond3A_39 {
        %dma_wait3A = arith.constant 0 : i32
        %dma_wait3A_50 = arith.constant 0 : i32
        %dma_wait3A_51 = tpu.memref_slice %arg2[%dma_wait3A, %dma_wait3A_50] : memref<160000x256xf32, #tpu.memory_space<hbm>> -> memref<64x256xf32, #tpu.memory_space<hbm>>
        %dma_wait3A_52 = arith.constant 0 : i32
        %dma_wait3A_53 = arith.constant 0 : i32
        %dma_wait3A_54 = tpu.memref_slice %arg2[%dma_wait3A_52, %dma_wait3A_53] : memref<160000x256xf32, #tpu.memory_space<hbm>> -> memref<64x256xf32, #tpu.memory_space<hbm>>
        tpu.wait_dma2 semaphore(%arg7 : memref<!tpu.dma_semaphore, #tpu.memory_space<semaphore_mem>>) src(%dma_wait3A_54 : memref<64x256xf32, #tpu.memory_space<hbm>>) dst(%arg4 : memref<64x256xf32, #tpu.memory_space<vmem>>)
        %scan3A_55 = arith.constant 0 : i32
        %scan3A_56 = arith.constant 4 : i32
        %scan3A_57 = arith.addi %scan3A_55, %scan3A_56 : i32
        %scan3A_58 = arith.constant 1 : i32
        scf.for %scan3A_60 = %scan3A_55 to %scan3A_57 step %scan3A_58  : i32 {
          %mul3A_61 = arith.constant 1 : i32
          %mul3A_62 = arith.muli %scan3A_60, %mul3A_61 : i32
          %add3A_63 = arith.constant 0 : i32
          %add3A_64 = arith.addi %add3A_63, %mul3A_62 : i32
          %mul3A_65 = arith.constant 16 : i32
          %mul3A_66 = arith.muli %add3A_64, %mul3A_65 : i32
          %add3A_67 = arith.constant 0 : i32
          %add3A_68 = arith.addi %mul3A_66, %add3A_67 : i32
          %get3A = arith.index_cast %add3A_68 : i32 to index
          %get3A_69 = arith.constant 0 : index
          %get3A_70 = tpu.vector_load %arg4[%get3A, %get3A_69] {strides = array<i32>} : memref<64x256xf32, #tpu.memory_space<vmem>>, vector<1x16xf32>,
          %get3A_71 = vector.shape_cast %get3A_70 : vector<1x16xf32> to vector<16xf32>
          %add3A_72 = arith.constant 1 : i32
          %add3A_73 = arith.addi %mul3A_66, %add3A_72 : i32
          %get3A_74 = arith.index_cast %add3A_73 : i32 to index
          %get3A_75 = arith.constant 0 : index
          %get3A_76 = tpu.vector_load %arg4[%get3A_74, %get3A_75] {strides = array<i32>} : memref<64x256xf32, #tpu.memory_space<vmem>>, vector<1x16xf32>,
          %get3A_77 = vector.shape_cast %get3A_76 : vector<1x16xf32> to vector<16xf32>
          %add3A_78 = arith.constant 2 : i32
          %add3A_79 = arith.addi %mul3A_66, %add3A_78 : i32
          %get3A_80 = arith.index_cast %add3A_79 : i32 to index
          %get3A_81 = arith.constant 0 : index
          %get3A_82 = tpu.vector_load %arg4[%get3A_80, %get3A_81] {strides = array<i32>} : memref<64x256xf32, #tpu.memory_space<vmem>>, vector<1x16xf32>,
          %get3A_83 = vector.shape_cast %get3A_82 : vector<1x16xf32> to vector<16xf32>
          %add3A_84 = arith.constant 3 : i32
          %add3A_85 = arith.addi %mul3A_66, %add3A_84 : i32
          %get3A_86 = arith.index_cast %add3A_85 : i32 to index
          %get3A_87 = arith.constant 0 : index
          %get3A_88 = tpu.vector_load %arg4[%get3A_86, %get3A_87] {strides = array<i32>} : memref<64x256xf32, #tpu.memory_space<vmem>>, vector<1x16xf32>,
          %get3A_89 = vector.shape_cast %get3A_88 : vector<1x16xf32> to vector<16xf32>
          %add3A_90 = arith.constant 4 : i32
          %add3A_91 = arith.addi %mul3A_66, %add3A_90 : i32
          %get3A_92 = arith.index_cast %add3A_91 : i32 to index
          %get3A_93 = arith.constant 0 : index
          %get3A_94 = tpu.vector_load %arg4[%get3A_92, %get3A_93] {strides = array<i32>} : memref<64x256xf32, #tpu.memory_space<vmem>>, vector<1x16xf32>,
          %get3A_95 = vector.shape_cast %get3A_94 : vector<1x16xf32> to vector<16xf32>
          %add3A_96 = arith.constant 5 : i32
          %add3A_97 = arith.addi %mul3A_66, %add3A_96 : i32
          %get3A_98 = arith.index_cast %add3A_97 : i32 to index
          %get3A_99 = arith.constant 0 : index
          %get3A_100 = tpu.vector_load %arg4[%get3A_98, %get3A_99] {strides = array<i32>} : memref<64x256xf32, #tpu.memory_space<vmem>>, vector<1x16xf32>,
          %get3A_101 = vector.shape_cast %get3A_100 : vector<1x16xf32> to vector<16xf32>
          %add3A_102 = arith.constant 6 : i32
          %add3A_103 = arith.addi %mul3A_66, %add3A_102 : i32
          %get3A_104 = arith.index_cast %add3A_103 : i32 to index
          %get3A_105 = arith.constant 0 : index
          %get3A_106 = tpu.vector_load %arg4[%get3A_104, %get3A_105] {strides = array<i32>} : memref<64x256xf32, #tpu.memory_space<vmem>>, vector<1x16xf32>,
          %get3A_107 = vector.shape_cast %get3A_106 : vector<1x16xf32> to vector<16xf32>
          %add3A_108 = arith.constant 7 : i32
          %add3A_109 = arith.addi %mul3A_66, %add3A_108 : i32
          %get3A_110 = arith.index_cast %add3A_109 : i32 to index
          %get3A_111 = arith.constant 0 : index
          %get3A_112 = tpu.vector_load %arg4[%get3A_110, %get3A_111] {strides = array<i32>} : memref<64x256xf32, #tpu.memory_space<vmem>>, vector<1x16xf32>,
          %get3A_113 = vector.shape_cast %get3A_112 : vector<1x16xf32> to vector<16xf32>
          %add3A_114 = arith.constant 8 : i32
          %add3A_115 = arith.addi %mul3A_66, %add3A_114 : i32
          %get3A_116 = arith.index_cast %add3A_115 : i32 to index
          %get3A_117 = arith.constant 0 : index
          %get3A_118 = tpu.vector_load %arg4[%get3A_116, %get3A_117] {strides = array<i32>} : memref<64x256xf32, #tpu.memory_space<vmem>>, vector<1x16xf32>,
          %get3A_119 = vector.shape_cast %get3A_118 : vector<1x16xf32> to vector<16xf32>
          %add3A_120 = arith.constant 9 : i32
          %add3A_121 = arith.addi %mul3A_66, %add3A_120 : i32
          %get3A_122 = arith.index_cast %add3A_121 : i32 to index
          %get3A_123 = arith.constant 0 : index
          %get3A_124 = tpu.vector_load %arg4[%get3A_122, %get3A_123] {strides = array<i32>} : memref<64x256xf32, #tpu.memory_space<vmem>>, vector<1x16xf32>,
          %get3A_125 = vector.shape_cast %get3A_124 : vector<1x16xf32> to vector<16xf32>
          %add3A_126 = arith.constant 10 : i32
          %add3A_127 = arith.addi %mul3A_66, %add3A_126 : i32
          %get3A_128 = arith.index_cast %add3A_127 : i32 to index
          %get3A_129 = arith.constant 0 : index
          %get3A_130 = tpu.vector_load %arg4[%get3A_128, %get3A_129] {strides = array<i32>} : memref<64x256xf32, #tpu.memory_space<vmem>>, vector<1x16xf32>,
          %get3A_131 = vector.shape_cast %get3A_130 : vector<1x16xf32> to vector<16xf32>
          %add3A_132 = arith.constant 11 : i32
          %add3A_133 = arith.addi %mul3A_66, %add3A_132 : i32
          %get3A_134 = arith.index_cast %add3A_133 : i32 to index
          %get3A_135 = arith.constant 0 : index
          %get3A_136 = tpu.vector_load %arg4[%get3A_134, %get3A_135] {strides = array<i32>} : memref<64x256xf32, #tpu.memory_space<vmem>>, vector<1x16xf32>,
          %get3A_137 = vector.shape_cast %get3A_136 : vector<1x16xf32> to vector<16xf32>
          %add3A_138 = arith.constant 12 : i32
          %add3A_139 = arith.addi %mul3A_66, %add3A_138 : i32
          %get3A_140 = arith.index_cast %add3A_139 : i32 to index
          %get3A_141 = arith.constant 0 : index
          %get3A_142 = tpu.vector_load %arg4[%get3A_140, %get3A_141] {strides = array<i32>} : memref<64x256xf32, #tpu.memory_space<vmem>>, vector<1x16xf32>,
          %get3A_143 = vector.shape_cast %get3A_142 : vector<1x16xf32> to vector<16xf32>
          %add3A_144 = arith.constant 13 : i32
          %add3A_145 = arith.addi %mul3A_66, %add3A_144 : i32
          %get3A_146 = arith.index_cast %add3A_145 : i32 to index
          %get3A_147 = arith.constant 0 : index
          %get3A_148 = tpu.vector_load %arg4[%get3A_146, %get3A_147] {strides = array<i32>} : memref<64x256xf32, #tpu.memory_space<vmem>>, vector<1x16xf32>,
          %get3A_149 = vector.shape_cast %get3A_148 : vector<1x16xf32> to vector<16xf32>
          %add3A_150 = arith.constant 14 : i32
          %add3A_151 = arith.addi %mul3A_66, %add3A_150 : i32
          %get3A_152 = arith.index_cast %add3A_151 : i32 to index
          %get3A_153 = arith.constant 0 : index
          %get3A_154 = tpu.vector_load %arg4[%get3A_152, %get3A_153] {strides = array<i32>} : memref<64x256xf32, #tpu.memory_space<vmem>>, vector<1x16xf32>,
          %get3A_155 = vector.shape_cast %get3A_154 : vector<1x16xf32> to vector<16xf32>
          %add3A_156 = arith.constant 15 : i32
          %add3A_157 = arith.addi %mul3A_66, %add3A_156 : i32
          %get3A_158 = arith.index_cast %add3A_157 : i32 to index
          %get3A_159 = arith.constant 0 : index
          %get3A_160 = tpu.vector_load %arg4[%get3A_158, %get3A_159] {strides = array<i32>} : memref<64x256xf32, #tpu.memory_space<vmem>>, vector<1x16xf32>,
          %get3A_161 = vector.shape_cast %get3A_160 : vector<1x16xf32> to vector<16xf32>
          %add3A_162 = arith.addf %get3A_71, %get3A_77 : vector<16xf32>
          %add3A_163 = arith.addf %get3A_83, %get3A_89 : vector<16xf32>
          %add3A_164 = arith.addf %get3A_95, %get3A_101 : vector<16xf32>
          %add3A_165 = arith.addf %get3A_107, %get3A_113 : vector<16xf32>
          %add3A_166 = arith.addf %get3A_119, %get3A_125 : vector<16xf32>
          %add3A_167 = arith.addf %get3A_131, %get3A_137 : vector<16xf32>
          %add3A_168 = arith.addf %get3A_143, %get3A_149 : vector<16xf32>
          %add3A_169 = arith.addf %get3A_155, %get3A_161 : vector<16xf32>
          %add3A_170 = arith.addf %add3A_162, %add3A_163 : vector<16xf32>
          %add3A_171 = arith.addf %add3A_164, %add3A_165 : vector<16xf32>
          %add3A_172 = arith.addf %add3A_166, %add3A_167 : vector<16xf32>
          %add3A_173 = arith.addf %add3A_168, %add3A_169 : vector<16xf32>
          %add3A_174 = arith.addf %add3A_170, %add3A_171 : vector<16xf32>
          %add3A_175 = arith.addf %add3A_172, %add3A_173 : vector<16xf32>
          %add3A_176 = arith.addf %add3A_174, %add3A_175 : vector<16xf32>
          %mul3A_177 = arith.constant 4 : i32
          %mul3A_178 = arith.muli %mul3A_29, %mul3A_177 : i32
          %add3A_179 = arith.addi %mul3A_178, %add3A_64 : i32
          %swap3A = arith.index_cast %add3A_179 : i32 to index
          %swap3A_180 = arith.constant 0 : index
          %swap3A_181 = tpu.vector_load %arg6[%swap3A, %swap3A_180] {strides = array<i32>} : memref<128x256xf32, #tpu.memory_space<vmem>>, vector<1x16xf32>,
          %swap3A_182 = vector.shape_cast %swap3A_181 : vector<1x16xf32> to vector<16xf32>
          %swap3A_183 = vector.shape_cast %add3A_176 : vector<16xf32> to vector<1x16xf32>
          tpu.vector_store %arg6[%swap3A, %swap3A_180], %swap3A_183 {strides = array<i32>} : memref<128x256xf32, #tpu.memory_space<vmem>>, vector<1x16xf32>,
          %add3A_184 = arith.constant 0 : i32
          %add3A_185 = arith.addi %mul3A_66, %add3A_184 : i32
          %get3A_186 = arith.index_cast %add3A_185 : i32 to index
          %get3A_187 = arith.constant 16 : index
          %get3A_188 = tpu.vector_load %arg4[%get3A_186, %get3A_187] {strides = array<i32>} : memref<64x256xf32, #tpu.memory_space<vmem>>, vector<1x16xf32>,
          %get3A_189 = vector.shape_cast %get3A_188 : vector<1x16xf32> to vector<16xf32>
          %add3A_190 = arith.constant 1 : i32
          %add3A_191 = arith.addi %mul3A_66, %add3A_190 : i32
          %get3A_192 = arith.index_cast %add3A_191 : i32 to index
          %get3A_193 = arith.constant 16 : index
          %get3A_194 = tpu.vector_load %arg4[%get3A_192, %get3A_193] {strides = array<i32>} : memref<64x256xf32, #tpu.memory_space<vmem>>, vector<1x16xf32>,
          %get3A_195 = vector.shape_cast %get3A_194 : vector<1x16xf32> to vector<16xf32>
          %add3A_196 = arith.constant 2 : i32
          %add3A_197 = arith.addi %mul3A_66, %add3A_196 : i32
          %get3A_198 = arith.index_cast %add3A_197 : i32 to index
          %get3A_199 = arith.constant 16 : index
          %get3A_200 = tpu.vector_load %arg4[%get3A_198, %get3A_199] {strides = array<i32>} : memref<64x256xf32, #tpu.memory_space<vmem>>, vector<1x16xf32>,
          %get3A_201 = vector.shape_cast %get3A_200 : vector<1x16xf32> to vector<16xf32>
          %add3A_202 = arith.constant 3 : i32
          %add3A_203 = arith.addi %mul3A_66, %add3A_202 : i32
          %get3A_204 = arith.index_cast %add3A_203 : i32 to index
          %get3A_205 = arith.constant 16 : index
          %get3A_206 = tpu.vector_load %arg4[%get3A_204, %get3A_205] {strides = array<i32>} : memref<64x256xf32, #tpu.memory_space<vmem>>, vector<1x16xf32>,
          %get3A_207 = vector.shape_cast %get3A_206 : vector<1x16xf32> to vector<16xf32>
          %add3A_208 = arith.constant 4 : i32
          %add3A_209 = arith.addi %mul3A_66, %add3A_208 : i32
          %get3A_210 = arith.index_cast %add3A_209 : i32 to index
          %get3A_211 = arith.constant 16 : index
          %get3A_212 = tpu.vector_load %arg4[%get3A_210, %get3A_211] {strides = array<i32>} : memref<64x256xf32, #tpu.memory_space<vmem>>, vector<1x16xf32>,
          %get3A_213 = vector.shape_cast %get3A_212 : vector<1x16xf32> to vector<16xf32>
          %add3A_214 = arith.constant 5 : i32
          %add3A_215 = arith.addi %mul3A_66, %add3A_214 : i32
          %get3A_216 = arith.index_cast %add3A_215 : i32 to index
          %get3A_217 = arith.constant 16 : index
          %get3A_218 = tpu.vector_load %arg4[%get3A_216, %get3A_217] {strides = array<i32>} : memref<64x256xf32, #tpu.memory_space<vmem>>, vector<1x16xf32>,
          %get3A_219 = vector.shape_cast %get3A_218 : vector<1x16xf32> to vector<16xf32>
          %add3A_220 = arith.constant 6 : i32
          %add3A_221 = arith.addi %mul3A_66, %add3A_220 : i32
          %get3A_222 = arith.index_cast %add3A_221 : i32 to index
          %get3A_223 = arith.constant 16 : index
          %get3A_224 = tpu.vector_load %arg4[%get3A_222, %get3A_223] {strides = array<i32>} : memref<64x256xf32, #tpu.memory_space<vmem>>, vector<1x16xf32>,
          %get3A_225 = vector.shape_cast %get3A_224 : vector<1x16xf32> to vector<16xf32>
          %add3A_226 = arith.constant 7 : i32
          %add3A_227 = arith.addi %mul3A_66, %add3A_226 : i32
          %get3A_228 = arith.index_cast %add3A_227 : i32 to index
          %get3A_229 = arith.constant 16 : index
          %get3A_230 = tpu.vector_load %arg4[%get3A_228, %get3A_229] {strides = array<i32>} : memref<64x256xf32, #tpu.memory_space<vmem>>, vector<1x16xf32>,
          %get3A_231 = vector.shape_cast %get3A_230 : vector<1x16xf32> to vector<16xf32>
          %add3A_232 = arith.constant 8 : i32
          %add3A_233 = arith.addi %mul3A_66, %add3A_232 : i32
          %get3A_234 = arith.index_cast %add3A_233 : i32 to index
          %get3A_235 = arith.constant 16 : index
          %get3A_236 = tpu.vector_load %arg4[%get3A_234, %get3A_235] {strides = array<i32>} : memref<64x256xf32, #tpu.memory_space<vmem>>, vector<1x16xf32>,
          %get3A_237 = vector.shape_cast %get3A_236 : vector<1x16xf32> to vector<16xf32>
          %add3A_238 = arith.constant 9 : i32
          %add3A_239 = arith.addi %mul3A_66, %add3A_238 : i32
          %get3A_240 = arith.index_cast %add3A_239 : i32 to index
          %get3A_241 = arith.constant 16 : index
          %get3A_242 = tpu.vector_load %arg4[%get3A_240, %get3A_241] {strides = array<i32>} : memref<64x256xf32, #tpu.memory_space<vmem>>, vector<1x16xf32>,
          %get3A_243 = vector.shape_cast %get3A_242 : vector<1x16xf32> to vector<16xf32>
          %add3A_244 = arith.constant 10 : i32
          %add3A_245 = arith.addi %mul3A_66, %add3A_244 : i32
          %get3A_246 = arith.index_cast %add3A_245 : i32 to index
          %get3A_247 = arith.constant 16 : index
          %get3A_248 = tpu.vector_load %arg4[%get3A_246, %get3A_247] {strides = array<i32>} : memref<64x256xf32, #tpu.memory_space<vmem>>, vector<1x16xf32>,
          %get3A_249 = vector.shape_cast %get3A_248 : vector<1x16xf32> to vector<16xf32>
          %add3A_250 = arith.constant 11 : i32
          %add3A_251 = arith.addi %mul3A_66, %add3A_250 : i32
          %get3A_252 = arith.index_cast %add3A_251 : i32 to index
          %get3A_253 = arith.constant 16 : index
          %get3A_254 = tpu.vector_load %arg4[%get3A_252, %get3A_253] {strides = array<i32>} : memref<64x256xf32, #tpu.memory_space<vmem>>, vector<1x16xf32>,
          %get3A_255 = vector.shape_cast %get3A_254 : vector<1x16xf32> to vector<16xf32>
          %add3A_256 = arith.constant 12 : i32
          %add3A_257 = arith.addi %mul3A_66, %add3A_256 : i32
          %get3A_258 = arith.index_cast %add3A_257 : i32 to index
          %get3A_259 = arith.constant 16 : index
          %get3A_260 = tpu.vector_load %arg4[%get3A_258, %get3A_259] {strides = array<i32>} : memref<64x256xf32, #tpu.memory_space<vmem>>, vector<1x16xf32>,
          %get3A_261 = vector.shape_cast %get3A_260 : vector<1x16xf32> to vector<16xf32>
          %add3A_262 = arith.constant 13 : i32
          %add3A_263 = arith.addi %mul3A_66, %add3A_262 : i32
          %get3A_264 = arith.index_cast %add3A_263 : i32 to index
          %get3A_265 = arith.constant 16 : index
          %get3A_266 = tpu.vector_load %arg4[%get3A_264, %get3A_265] {strides = array<i32>} : memref<64x256xf32, #tpu.memory_space<vmem>>, vector<1x16xf32>,
          %get3A_267 = vector.shape_cast %get3A_266 : vector<1x16xf32> to vector<16xf32>
          %add3A_268 = arith.constant 14 : i32
          %add3A_269 = arith.addi %mul3A_66, %add3A_268 : i32
          %get3A_270 = arith.index_cast %add3A_269 : i32 to index
          %get3A_271 = arith.constant 16 : index
          %get3A_272 = tpu.vector_load %arg4[%get3A_270, %get3A_271] {strides = array<i32>} : memref<64x256xf32, #tpu.memory_space<vmem>>, vector<1x16xf32>,
          %get3A_273 = vector.shape_cast %get3A_272 : vector<1x16xf32> to vector<16xf32>
          %add3A_274 = arith.constant 15 : i32
          %add3A_275 = arith.addi %mul3A_66, %add3A_274 : i32
          %get3A_276 = arith.index_cast %add3A_275 : i32 to index
          %get3A_277 = arith.constant 16 : index
          %get3A_278 = tpu.vector_load %arg4[%get3A_276, %get3A_277] {strides = array<i32>} : memref<64x256xf32, #tpu.memory_space<vmem>>, vector<1x16xf32>,
          %get3A_279 = vector.shape_cast %get3A_278 : vector<1x16xf32> to vector<16xf32>
          %add3A_280 = arith.addf %get3A_189, %get3A_195 : vector<16xf32>
          %add3A_281 = arith.addf %get3A_201, %get3A_207 : vector<16xf32>
          %add3A_282 = arith.addf %get3A_213, %get3A_219 : vector<16xf32>
          %add3A_283 = arith.addf %get3A_225, %get3A_231 : vector<16xf32>
          %add3A_284 = arith.addf %get3A_237, %get3A_243 : vector<16xf32>
          %add3A_285 = arith.addf %get3A_249, %get3A_255 : vector<16xf32>
          %add3A_286 = arith.addf %get3A_261, %get3A_267 : vector<16xf32>
          %add3A_287 = arith.addf %get3A_273, %get3A_279 : vector<16xf32>
          %add3A_288 = arith.addf %add3A_280, %add3A_281 : vector<16xf32>
          %add3A_289 = arith.addf %add3A_282, %add3A_283 : vector<16xf32>
          %add3A_290 = arith.addf %add3A_284, %add3A_285 : vector<16xf32>
          %add3A_291 = arith.addf %add3A_286, %add3A_287 : vector<16xf32>
          %add3A_292 = arith.addf %add3A_288, %add3A_289 : vector<16xf32>
          %add3A_293 = arith.addf %add3A_290, %add3A_291 : vector<16xf32>
          %add3A_294 = arith.addf %add3A_292, %add3A_293 : vector<16xf32>
          %mul3A_295 = arith.constant 4 : i32
          %mul3A_296 = arith.muli %mul3A_29, %mul3A_295 : i32
          %add3A_297 = arith.addi %mul3A_296, %add3A_64 : i32
          %swap3A_298 = arith.index_cast %add3A_297 : i32 to index
          %swap3A_299 = arith.constant 16 : index
          %swap3A_300 = tpu.vector_load %arg6[%swap3A_298, %swap3A_299] {strides = array<i32>} : memref<128x256xf32, #tpu.memory_space<vmem>>, vector<1x16xf32>,
          %swap3A_301 = vector.shape_cast %swap3A_300 : vector<1x16xf32> to vector<16xf32>
          %swap3A_302 = vector.shape_cast %add3A_294 : vector<16xf32> to vector<1x16xf32>
          tpu.vector_store %arg6[%swap3A_298, %swap3A_299], %swap3A_302 {strides = array<i32>} : memref<128x256xf32, #tpu.memory_space<vmem>>, vector<1x16xf32>,
          %add3A_303 = arith.constant 0 : i32
          %add3A_304 = arith.addi %mul3A_66, %add3A_303 : i32
          %get3A_305 = arith.index_cast %add3A_304 : i32 to index
          %get3A_306 = arith.constant 32 : index
          %get3A_307 = tpu.vector_load %arg4[%get3A_305, %get3A_306] {strides = array<i32>} : memref<64x256xf32, #tpu.memory_space<vmem>>, vector<1x16xf32>,
          %get3A_308 = vector.shape_cast %get3A_307 : vector<1x16xf32> to vector<16xf32>
          %add3A_309 = arith.constant 1 : i32
          %add3A_310 = arith.addi %mul3A_66, %add3A_309 : i32
          %get3A_311 = arith.index_cast %add3A_310 : i32 to index
          %get3A_312 = arith.constant 32 : index
          %get3A_313 = tpu.vector_load %arg4[%get3A_311, %get3A_312] {strides = array<i32>} : memref<64x256xf32, #tpu.memory_space<vmem>>, vector<1x16xf32>,
          %get3A_314 = vector.shape_cast %get3A_313 : vector<1x16xf32> to vector<16xf32>
          %add3A_315 = arith.constant 2 : i32
          %add3A_316 = arith.addi %mul3A_66, %add3A_315 : i32
          %get3A_317 = arith.index_cast %add3A_316 : i32 to index
          %get3A_318 = arith.constant 32 : index
          %get3A_319 = tpu.vector_load %arg4[%get3A_317, %get3A_318] {strides = array<i32>} : memref<64x256xf32, #tpu.memory_space<vmem>>, vector<1x16xf32>,
          %get3A_320 = vector.shape_cast %get3A_319 : vector<1x16xf32> to vector<16xf32>
          %add3A_321 = arith.constant 3 : i32
          %add3A_322 = arith.addi %mul3A_66, %add3A_321 : i32
          %get3A_323 = arith.index_cast %add3A_322 : i32 to index
          %get3A_324 = arith.constant 32 : index
          %get3A_325 = tpu.vector_load %arg4[%get3A_323, %get3A_324] {strides = array<i32>} : memref<64x256xf32, #tpu.memory_space<vmem>>, vector<1x16xf32>,
          %get3A_326 = vector.shape_cast %get3A_325 : vector<1x16xf32> to vector<16xf32>
          %add3A_327 = arith.constant 4 : i32
          %add3A_328 = arith.addi %mul3A_66, %add3A_327 : i32
          %get3A_329 = arith.index_cast %add3A_328 : i32 to index
          %get3A_330 = arith.constant 32 : index
          %get3A_331 = tpu.vector_load %arg4[%get3A_329, %get3A_330] {strides = array<i32>} : memref<64x256xf32, #tpu.memory_space<vmem>>, vector<1x16xf32>,
          %get3A_332 = vector.shape_cast %get3A_331 : vector<1x16xf32> to vector<16xf32>
          %add3A_333 = arith.constant 5 : i32
          %add3A_334 = arith.addi %mul3A_66, %add3A_333 : i32
          %get3A_335 = arith.index_cast %add3A_334 : i32 to index
          %get3A_336 = arith.constant 32 : index
          %get3A_337 = tpu.vector_load %arg4[%get3A_335, %get3A_336] {strides = array<i32>} : memref<64x256xf32, #tpu.memory_space<vmem>>, vector<1x16xf32>,
          %get3A_338 = vector.shape_cast %get3A_337 : vector<1x16xf32> to vector<16xf32>
          %add3A_339 = arith.constant 6 : i32
          %add3A_340 = arith.addi %mul3A_66, %add3A_339 : i32
          %get3A_341 = arith.index_cast %add3A_340 : i32 to index
          %get3A_342 = arith.constant 32 : index
          %get3A_343 = tpu.vector_load %arg4[%get3A_341, %get3A_342] {strides = array<i32>} : memref<64x256xf32, #tpu.memory_space<vmem>>, vector<1x16xf32>,
          %get3A_344 = vector.shape_cast %get3A_343 : vector<1x16xf32> to vector<16xf32>
          %add3A_345 = arith.constant 7 : i32
          %add3A_346 = arith.addi %mul3A_66, %add3A_345 : i32
          %get3A_347 = arith.index_cast %add3A_346 : i32 to index
          %get3A_348 = arith.constant 32 : index
          %get3A_349 = tpu.vector_load %arg4[%get3A_347, %get3A_348] {strides = array<i32>} : memref<64x256xf32, #tpu.memory_space<vmem>>, vector<1x16xf32>,
          %get3A_350 = vector.shape_cast %get3A_349 : vector<1x16xf32> to vector<16xf32>
          %add3A_351 = arith.constant 8 : i32
          %add3A_352 = arith.addi %mul3A_66, %add3A_351 : i32
          %get3A_353 = arith.index_cast %add3A_352 : i32 to index
          %get3A_354 = arith.constant 32 : index
          %get3A_355 = tpu.vector_load %arg4[%get3A_353, %get3A_354] {strides = array<i32>} : memref<64x256xf32, #tpu.memory_space<vmem>>, vector<1x16xf32>,
          %get3A_356 = vector.shape_cast %get3A_355 : vector<1x16xf32> to vector<16xf32>
          %add3A_357 = arith.constant 9 : i32
          %add3A_358 = arith.addi %mul3A_66, %add3A_357 : i32
          %get3A_359 = arith.index_cast %add3A_358 : i32 to index
          %get3A_360 = arith.constant 32 : index
          %get3A_361 = tpu.vector_load %arg4[%get3A_359, %get3A_360] {strides = array<i32>} : memref<64x256xf32, #tpu.memory_space<vmem>>, vector<1x16xf32>,
          %get3A_362 = vector.shape_cast %get3A_361 : vector<1x16xf32> to vector<16xf32>
          %add3A_363 = arith.constant 10 : i32
          %add3A_364 = arith.addi %mul3A_66, %add3A_363 : i32
          %get3A_365 = arith.index_cast %add3A_364 : i32 to index
          %get3A_366 = arith.constant 32 : index
          %get3A_367 = tpu.vector_load %arg4[%get3A_365, %get3A_366] {strides = array<i32>} : memref<64x256xf32, #tpu.memory_space<vmem>>, vector<1x16xf32>,
          %get3A_368 = vector.shape_cast %get3A_367 : vector<1x16xf32> to vector<16xf32>
          %add3A_369 = arith.constant 11 : i32
          %add3A_370 = arith.addi %mul3A_66, %add3A_369 : i32
          %get3A_371 = arith.index_cast %add3A_370 : i32 to index
          %get3A_372 = arith.constant 32 : index
          %get3A_373 = tpu.vector_load %arg4[%get3A_371, %get3A_372] {strides = array<i32>} : memref<64x256xf32, #tpu.memory_space<vmem>>, vector<1x16xf32>,
          %get3A_374 = vector.shape_cast %get3A_373 : vector<1x16xf32> to vector<16xf32>
          %add3A_375 = arith.constant 12 : i32
          %add3A_376 = arith.addi %mul3A_66, %add3A_375 : i32
          %get3A_377 = arith.index_cast %add3A_376 : i32 to index
          %get3A_378 = arith.constant 32 : index
          %get3A_379 = tpu.vector_load %arg4[%get3A_377, %get3A_378] {strides = array<i32>} : memref<64x256xf32, #tpu.memory_space<vmem>>, vector<1x16xf32>,
          %get3A_380 = vector.shape_cast %get3A_379 : vector<1x16xf32> to vector<16xf32>
          %add3A_381 = arith.constant 13 : i32
          %add3A_382 = arith.addi %mul3A_66, %add3A_381 : i32
          %get3A_383 = arith.index_cast %add3A_382 : i32 to index
          %get3A_384 = arith.constant 32 : index
          %get3A_385 = tpu.vector_load %arg4[%get3A_383, %get3A_384] {strides = array<i32>} : memref<64x256xf32, #tpu.memory_space<vmem>>, vector<1x16xf32>,
          %get3A_386 = vector.shape_cast %get3A_385 : vector<1x16xf32> to vector<16xf32>
          %add3A_387 = arith.constant 14 : i32
          %add3A_388 = arith.addi %mul3A_66, %add3A_387 : i32
          %get3A_389 = arith.index_cast %add3A_388 : i32 to index
          %get3A_390 = arith.constant 32 : index
          %get3A_391 = tpu.vector_load %arg4[%get3A_389, %get3A_390] {strides = array<i32>} : memref<64x256xf32, #tpu.memory_space<vmem>>, vector<1x16xf32>,
          %get3A_392 = vector.shape_cast %get3A_391 : vector<1x16xf32> to vector<16xf32>
          %add3A_393 = arith.constant 15 : i32
          %add3A_394 = arith.addi %mul3A_66, %add3A_393 : i32
          %get3A_395 = arith.index_cast %add3A_394 : i32 to index
          %get3A_396 = arith.constant 32 : index
          %get3A_397 = tpu.vector_load %arg4[%get3A_395, %get3A_396] {strides = array<i32>} : memref<64x256xf32, #tpu.memory_space<vmem>>, vector<1x16xf32>,
          %get3A_398 = vector.shape_cast %get3A_397 : vector<1x16xf32> to vector<16xf32>
          %add3A_399 = arith.addf %get3A_308, %get3A_314 : vector<16xf32>
          %add3A_400 = arith.addf %get3A_320, %get3A_326 : vector<16xf32>
          %add3A_401 = arith.addf %get3A_332, %get3A_338 : vector<16xf32>
          %add3A_402 = arith.addf %get3A_344, %get3A_350 : vector<16xf32>
          %add3A_403 = arith.addf %get3A_356, %get3A_362 : vector<16xf32>
          %add3A_404 = arith.addf %get3A_368, %get3A_374 : vector<16xf32>
          %add3A_405 = arith.addf %get3A_380, %get3A_386 : vector<16xf32>
          %add3A_406 = arith.addf %get3A_392, %get3A_398 : vector<16xf32>
          %add3A_407 = arith.addf %add3A_399, %add3A_400 : vector<16xf32>
          %add3A_408 = arith.addf %add3A_401, %add3A_402 : vector<16xf32>
          %add3A_409 = arith.addf %add3A_403, %add3A_404 : vector<16xf32>
          %add3A_410 = arith.addf %add3A_405, %add3A_406 : vector<16xf32>
          %add3A_411 = arith.addf %add3A_407, %add3A_408 : vector<16xf32>
          %add3A_412 = arith.addf %add3A_409, %add3A_410 : vector<16xf32>
          %add3A_413 = arith.addf %add3A_411, %add3A_412 : vector<16xf32>
          %mul3A_414 = arith.constant 4 : i32
          %mul3A_415 = arith.muli %mul3A_29, %mul3A_414 : i32
          %add3A_416 = arith.addi %mul3A_415, %add3A_64 : i32
          %swap3A_417 = arith.index_cast %add3A_416 : i32 to index
          %swap3A_418 = arith.constant 32 : index
          %swap3A_419 = tpu.vector_load %arg6[%swap3A_417, %swap3A_418] {strides = array<i32>} : memref<128x256xf32, #tpu.memory_space<vmem>>, vector<1x16xf32>,
          %swap3A_420 = vector.shape_cast %swap3A_419 : vector<1x16xf32> to vector<16xf32>
          %swap3A_421 = vector.shape_cast %add3A_413 : vector<16xf32> to vector<1x16xf32>
          tpu.vector_store %arg6[%swap3A_417, %swap3A_418], %swap3A_421 {strides = array<i32>} : memref<128x256xf32, #tpu.memory_space<vmem>>, vector<1x16xf32>,
          %add3A_422 = arith.constant 0 : i32
          %add3A_423 = arith.addi %mul3A_66, %add3A_422 : i32
          %get3A_424 = arith.index_cast %add3A_423 : i32 to index
          %get3A_425 = arith.constant 48 : index
          %get3A_426 = tpu.vector_load %arg4[%get3A_424, %get3A_425] {strides = array<i32>} : memref<64x256xf32, #tpu.memory_space<vmem>>, vector<1x16xf32>,
          %get3A_427 = vector.shape_cast %get3A_426 : vector<1x16xf32> to vector<16xf32>
          %add3A_428 = arith.constant 1 : i32
          %add3A_429 = arith.addi %mul3A_66, %add3A_428 : i32
          %get3A_430 = arith.index_cast %add3A_429 : i32 to index
          %get3A_431 = arith.constant 48 : index
          %get3A_432 = tpu.vector_load %arg4[%get3A_430, %get3A_431] {strides = array<i32>} : memref<64x256xf32, #tpu.memory_space<vmem>>, vector<1x16xf32>,
          %get3A_433 = vector.shape_cast %get3A_432 : vector<1x16xf32> to vector<16xf32>
          %add3A_434 = arith.constant 2 : i32
          %add3A_435 = arith.addi %mul3A_66, %add3A_434 : i32
          %get3A_436 = arith.index_cast %add3A_435 : i32 to index
          %get3A_437 = arith.constant 48 : index
          %get3A_438 = tpu.vector_load %arg4[%get3A_436, %get3A_437] {strides = array<i32>} : memref<64x256xf32, #tpu.memory_space<vmem>>, vector<1x16xf32>,
          %get3A_439 = vector.shape_cast %get3A_438 : vector<1x16xf32> to vector<16xf32>
          %add3A_440 = arith.constant 3 : i32
          %add3A_441 = arith.addi %mul3A_66, %add3A_440 : i32
          %get3A_442 = arith.index_cast %add3A_441 : i32 to index
          %get3A_443 = arith.constant 48 : index
          %get3A_444 = tpu.vector_load %arg4[%get3A_442, %get3A_443] {strides = array<i32>} : memref<64x256xf32, #tpu.memory_space<vmem>>, vector<1x16xf32>,
          %get3A_445 = vector.shape_cast %get3A_444 : vector<1x16xf32> to vector<16xf32>
          %add3A_446 = arith.constant 4 : i32
          %add3A_447 = arith.addi %mul3A_66, %add3A_446 : i32
          %get3A_448 = arith.index_cast %add3A_447 : i32 to index
          %get3A_449 = arith.constant 48 : index
          %get3A_450 = tpu.vector_load %arg4[%get3A_448, %get3A_449] {strides = array<i32>} : memref<64x256xf32, #tpu.memory_space<vmem>>, vector<1x16xf32>,
          %get3A_451 = vector.shape_cast %get3A_450 : vector<1x16xf32> to vector<16xf32>
          %add3A_452 = arith.constant 5 : i32
          %add3A_453 = arith.addi %mul3A_66, %add3A_452 : i32
          %get3A_454 = arith.index_cast %add3A_453 : i32 to index
          %get3A_455 = arith.constant 48 : index
          %get3A_456 = tpu.vector_load %arg4[%get3A_454, %get3A_455] {strides = array<i32>} : memref<64x256xf32, #tpu.memory_space<vmem>>, vector<1x16xf32>,
          %get3A_457 = vector.shape_cast %get3A_456 : vector<1x16xf32> to vector<16xf32>
          %add3A_458 = arith.constant 6 : i32
          %add3A_459 = arith.addi %mul3A_66, %add3A_458 : i32
          %get3A_460 = arith.index_cast %add3A_459 : i32 to index
          %get3A_461 = arith.constant 48 : index
          %get3A_462 = tpu.vector_load %arg4[%get3A_460, %get3A_461] {strides = array<i32>} : memref<64x256xf32, #tpu.memory_space<vmem>>, vector<1x16xf32>,
          %get3A_463 = vector.shape_cast %get3A_462 : vector<1x16xf32> to vector<16xf32>
          %add3A_464 = arith.constant 7 : i32
          %add3A_465 = arith.addi %mul3A_66, %add3A_464 : i32
          %get3A_466 = arith.index_cast %add3A_465 : i32 to index
          %get3A_467 = arith.constant 48 : index
          %get3A_468 = tpu.vector_load %arg4[%get3A_466, %get3A_467] {strides = array<i32>} : memref<64x256xf32, #tpu.memory_space<vmem>>, vector<1x16xf32>,
          %get3A_469 = vector.shape_cast %get3A_468 : vector<1x16xf32> to vector<16xf32>
          %add3A_470 = arith.constant 8 : i32
          %add3A_471 = arith.addi %mul3A_66, %add3A_470 : i32
          %get3A_472 = arith.index_cast %add3A_471 : i32 to index
          %get3A_473 = arith.constant 48 : index
          %get3A_474 = tpu.vector_load %arg4[%get3A_472, %get3A_473] {strides = array<i32>} : memref<64x256xf32, #tpu.memory_space<vmem>>, vector<1x16xf32>,
          %get3A_475 = vector.shape_cast %get3A_474 : vector<1x16xf32> to vector<16xf32>
          %add3A_476 = arith.constant 9 : i32
          %add3A_477 = arith.addi %mul3A_66, %add3A_476 : i32
          %get3A_478 = arith.index_cast %add3A_477 : i32 to index
          %get3A_479 = arith.constant 48 : index
          %get3A_480 = tpu.vector_load %arg4[%get3A_478, %get3A_479] {strides = array<i32>} : memref<64x256xf32, #tpu.memory_space<vmem>>, vector<1x16xf32>,
          %get3A_481 = vector.shape_cast %get3A_480 : vector<1x16xf32> to vector<16xf32>
          %add3A_482 = arith.constant 10 : i32
          %add3A_483 = arith.addi %mul3A_66, %add3A_482 : i32
          %get3A_484 = arith.index_cast %add3A_483 : i32 to index
          %get3A_485 = arith.constant 48 : index
          %get3A_486 = tpu.vector_load %arg4[%get3A_484, %get3A_485] {strides = array<i32>} : memref<64x256xf32, #tpu.memory_space<vmem>>, vector<1x16xf32>,
          %get3A_487 = vector.shape_cast %get3A_486 : vector<1x16xf32> to vector<16xf32>
          %add3A_488 = arith.constant 11 : i32
          %add3A_489 = arith.addi %mul3A_66, %add3A_488 : i32
          %get3A_490 = arith.index_cast %add3A_489 : i32 to index
          %get3A_491 = arith.constant 48 : index
          %get3A_492 = tpu.vector_load %arg4[%get3A_490, %get3A_491] {strides = array<i32>} : memref<64x256xf32, #tpu.memory_space<vmem>>, vector<1x16xf32>,
          %get3A_493 = vector.shape_cast %get3A_492 : vector<1x16xf32> to vector<16xf32>
          %add3A_494 = arith.constant 12 : i32
          %add3A_495 = arith.addi %mul3A_66, %add3A_494 : i32
          %get3A_496 = arith.index_cast %add3A_495 : i32 to index
          %get3A_497 = arith.constant 48 : index
          %get3A_498 = tpu.vector_load %arg4[%get3A_496, %get3A_497] {strides = array<i32>} : memref<64x256xf32, #tpu.memory_space<vmem>>, vector<1x16xf32>,
          %get3A_499 = vector.shape_cast %get3A_498 : vector<1x16xf32> to vector<16xf32>
          %add3A_500 = arith.constant 13 : i32
          %add3A_501 = arith.addi %mul3A_66, %add3A_500 : i32
          %get3A_502 = arith.index_cast %add3A_501 : i32 to index
          %get3A_503 = arith.constant 48 : index
          %get3A_504 = tpu.vector_load %arg4[%get3A_502, %get3A_503] {strides = array<i32>} : memref<64x256xf32, #tpu.memory_space<vmem>>, vector<1x16xf32>,
          %get3A_505 = vector.shape_cast %get3A_504 : vector<1x16xf32> to vector<16xf32>
          %add3A_506 = arith.constant 14 : i32
          %add3A_507 = arith.addi %mul3A_66, %add3A_506 : i32
          %get3A_508 = arith.index_cast %add3A_507 : i32 to index
          %get3A_509 = arith.constant 48 : index
          %get3A_510 = tpu.vector_load %arg4[%get3A_508, %get3A_509] {strides = array<i32>} : memref<64x256xf32, #tpu.memory_space<vmem>>, vector<1x16xf32>,
          %get3A_511 = vector.shape_cast %get3A_510 : vector<1x16xf32> to vector<16xf32>
          %add3A_512 = arith.constant 15 : i32
          %add3A_513 = arith.addi %mul3A_66, %add3A_512 : i32
          %get3A_514 = arith.index_cast %add3A_513 : i32 to index
          %get3A_515 = arith.constant 48 : index
          %get3A_516 = tpu.vector_load %arg4[%get3A_514, %get3A_515] {strides = array<i32>} : memref<64x256xf32, #tpu.memory_space<vmem>>, vector<1x16xf32>,
          %get3A_517 = vector.shape_cast %get3A_516 : vector<1x16xf32> to vector<16xf32>
          %add3A_518 = arith.addf %get3A_427, %get3A_433 : vector<16xf32>
          %add3A_519 = arith.addf %get3A_439, %get3A_445 : vector<16xf32>
          %add3A_520 = arith.addf %get3A_451, %get3A_457 : vector<16xf32>
          %add3A_521 = arith.addf %get3A_463, %get3A_469 : vector<16xf32>
          %add3A_522 = arith.addf %get3A_475, %get3A_481 : vector<16xf32>
          %add3A_523 = arith.addf %get3A_487, %get3A_493 : vector<16xf32>
          %add3A_524 = arith.addf %get3A_499, %get3A_505 : vector<16xf32>
          %add3A_525 = arith.addf %get3A_511, %get3A_517 : vector<16xf32>
          %add3A_526 = arith.addf %add3A_518, %add3A_519 : vector<16xf32>
          %add3A_527 = arith.addf %add3A_520, %add3A_521 : vector<16xf32>
          %add3A_528 = arith.addf %add3A_522, %add3A_523 : vector<16xf32>
          %add3A_529 = arith.addf %add3A_524, %add3A_525 : vector<16xf32>
          %add3A_530 = arith.addf %add3A_526, %add3A_527 : vector<16xf32>
          %add3A_531 = arith.addf %add3A_528, %add3A_529 : vector<16xf32>
          %add3A_532 = arith.addf %add3A_530, %add3A_531 : vector<16xf32>
          %mul3A_533 = arith.constant 4 : i32
          %mul3A_534 = arith.muli %mul3A_29, %mul3A_533 : i32
          %add3A_535 = arith.addi %mul3A_534, %add3A_64 : i32
          %swap3A_536 = arith.index_cast %add3A_535 : i32 to index
          %swap3A_537 = arith.constant 48 : index
          %swap3A_538 = tpu.vector_load %arg6[%swap3A_536, %swap3A_537] {strides = array<i32>} : memref<128x256xf32, #tpu.memory_space<vmem>>, vector<1x16xf32>,
          %swap3A_539 = vector.shape_cast %swap3A_538 : vector<1x16xf32> to vector<16xf32>
          %swap3A_540 = vector.shape_cast %add3A_532 : vector<16xf32> to vector<1x16xf32>
          tpu.vector_store %arg6[%swap3A_536, %swap3A_537], %swap3A_540 {strides = array<i32>} : memref<128x256xf32, #tpu.memory_space<vmem>>, vector<1x16xf32>,
          %add3A_541 = arith.constant 0 : i32
          %add3A_542 = arith.addi %mul3A_66, %add3A_541 : i32
          %get3A_543 = arith.index_cast %add3A_542 : i32 to index
          %get3A_544 = arith.constant 64 : index
          %get3A_545 = tpu.vector_load %arg4[%get3A_543, %get3A_544] {strides = array<i32>} : memref<64x256xf32, #tpu.memory_space<vmem>>, vector<1x16xf32>,
          %get3A_546 = vector.shape_cast %get3A_545 : vector<1x16xf32> to vector<16xf32>
          %add3A_547 = arith.constant 1 : i32
          %add3A_548 = arith.addi %mul3A_66, %add3A_547 : i32
          %get3A_549 = arith.index_cast %add3A_548 : i32 to index
          %get3A_550 = arith.constant 64 : index
          %get3A_551 = tpu.vector_load %arg4[%get3A_549, %get3A_550] {strides = array<i32>} : memref<64x256xf32, #tpu.memory_space<vmem>>, vector<1x16xf32>,
          %get3A_552 = vector.shape_cast %get3A_551 : vector<1x16xf32> to vector<16xf32>
          %add3A_553 = arith.constant 2 : i32
          %add3A_554 = arith.addi %mul3A_66, %add3A_553 : i32
          %get3A_555 = arith.index_cast %add3A_554 : i32 to index
          %get3A_556 = arith.constant 64 : index
          %get3A_557 = tpu.vector_load %arg4[%get3A_555, %get3A_556] {strides = array<i32>} : memref<64x256xf32, #tpu.memory_space<vmem>>, vector<1x16xf32>,
          %get3A_558 = vector.shape_cast %get3A_557 : vector<1x16xf32> to vector<16xf32>
          %add3A_559 = arith.constant 3 : i32
          %add3A_560 = arith.addi %mul3A_66, %add3A_559 : i32
          %get3A_561 = arith.index_cast %add3A_560 : i32 to index
          %get3A_562 = arith.constant 64 : index
          %get3A_563 = tpu.vector_load %arg4[%get3A_561, %get3A_562] {strides = array<i32>} : memref<64x256xf32, #tpu.memory_space<vmem>>, vector<1x16xf32>,
          %get3A_564 = vector.shape_cast %get3A_563 : vector<1x16xf32> to vector<16xf32>
          %add3A_565 = arith.constant 4 : i32
          %add3A_566 = arith.addi %mul3A_66, %add3A_565 : i32
          %get3A_567 = arith.index_cast %add3A_566 : i32 to index
          %get3A_568 = arith.constant 64 : index
          %get3A_569 = tpu.vector_load %arg4[%get3A_567, %get3A_568] {strides = array<i32>} : memref<64x256xf32, #tpu.memory_space<vmem>>, vector<1x16xf32>,
          %get3A_570 = vector.shape_cast %get3A_569 : vector<1x16xf32> to vector<16xf32>
          %add3A_571 = arith.constant 5 : i32
          %add3A_572 = arith.addi %mul3A_66, %add3A_571 : i32
          %get3A_573 = arith.index_cast %add3A_572 : i32 to index
          %get3A_574 = arith.constant 64 : index
          %get3A_575 = tpu.vector_load %arg4[%get3A_573, %get3A_574] {strides = array<i32>} : memref<64x256xf32, #tpu.memory_space<vmem>>, vector<1x16xf32>,
          %get3A_576 = vector.shape_cast %get3A_575 : vector<1x16xf32> to vector<16xf32>
          %add3A_577 = arith.constant 6 : i32
          %add3A_578 = arith.addi %mul3A_66, %add3A_577 : i32
          %get3A_579 = arith.index_cast %add3A_578 : i32 to index
          %get3A_580 = arith.constant 64 : index
          %get3A_581 = tpu.vector_load %arg4[%get3A_579, %get3A_580] {strides = array<i32>} : memref<64x256xf32, #tpu.memory_space<vmem>>, vector<1x16xf32>,
          %get3A_582 = vector.shape_cast %get3A_581 : vector<1x16xf32> to vector<16xf32>
          %add3A_583 = arith.constant 7 : i32
          %add3A_584 = arith.addi %mul3A_66, %add3A_583 : i32
          %get3A_585 = arith.index_cast %add3A_584 : i32 to index
          %get3A_586 = arith.constant 64 : index
          %get3A_587 = tpu.vector_load %arg4[%get3A_585, %get3A_586] {strides = array<i32>} : memref<64x256xf32, #tpu.memory_space<vmem>>, vector<1x16xf32>,
          %get3A_588 = vector.shape_cast %get3A_587 : vector<1x16xf32> to vector<16xf32>
          %add3A_589 = arith.constant 8 : i32
          %add3A_590 = arith.addi %mul3A_66, %add3A_589 : i32
          %get3A_591 = arith.index_cast %add3A_590 : i32 to index
          %get3A_592 = arith.constant 64 : index
          %get3A_593 = tpu.vector_load %arg4[%get3A_591, %get3A_592] {strides = array<i32>} : memref<64x256xf32, #tpu.memory_space<vmem>>, vector<1x16xf32>,
          %get3A_594 = vector.shape_cast %get3A_593 : vector<1x16xf32> to vector<16xf32>
          %add3A_595 = arith.constant 9 : i32
          %add3A_596 = arith.addi %mul3A_66, %add3A_595 : i32
          %get3A_597 = arith.index_cast %add3A_596 : i32 to index
          %get3A_598 = arith.constant 64 : index
          %get3A_599 = tpu.vector_load %arg4[%get3A_597, %get3A_598] {strides = array<i32>} : memref<64x256xf32, #tpu.memory_space<vmem>>, vector<1x16xf32>,
          %get3A_600 = vector.shape_cast %get3A_599 : vector<1x16xf32> to vector<16xf32>
          %add3A_601 = arith.constant 10 : i32
          %add3A_602 = arith.addi %mul3A_66, %add3A_601 : i32
          %get3A_603 = arith.index_cast %add3A_602 : i32 to index
          %get3A_604 = arith.constant 64 : index
          %get3A_605 = tpu.vector_load %arg4[%get3A_603, %get3A_604] {strides = array<i32>} : memref<64x256xf32, #tpu.memory_space<vmem>>, vector<1x16xf32>,
          %get3A_606 = vector.shape_cast %get3A_605 : vector<1x16xf32> to vector<16xf32>
          %add3A_607 = arith.constant 11 : i32
          %add3A_608 = arith.addi %mul3A_66, %add3A_607 : i32
          %get3A_609 = arith.index_cast %add3A_608 : i32 to index
          %get3A_610 = arith.constant 64 : index
          %get3A_611 = tpu.vector_load %arg4[%get3A_609, %get3A_610] {strides = array<i32>} : memref<64x256xf32, #tpu.memory_space<vmem>>, vector<1x16xf32>,
          %get3A_612 = vector.shape_cast %get3A_611 : vector<1x16xf32> to vector<16xf32>
          %add3A_613 = arith.constant 12 : i32
          %add3A_614 = arith.addi %mul3A_66, %add3A_613 : i32
          %get3A_615 = arith.index_cast %add3A_614 : i32 to index
          %get3A_616 = arith.constant 64 : index
          %get3A_617 = tpu.vector_load %arg4[%get3A_615, %get3A_616] {strides = array<i32>} : memref<64x256xf32, #tpu.memory_space<vmem>>, vector<1x16xf32>,
          %get3A_618 = vector.shape_cast %get3A_617 : vector<1x16xf32> to vector<16xf32>
          %add3A_619 = arith.constant 13 : i32
          %add3A_620 = arith.addi %mul3A_66, %add3A_619 : i32
          %get3A_621 = arith.index_cast %add3A_620 : i32 to index
          %get3A_622 = arith.constant 64 : index
          %get3A_623 = tpu.vector_load %arg4[%get3A_621, %get3A_622] {strides = array<i32>} : memref<64x256xf32, #tpu.memory_space<vmem>>, vector<1x16xf32>,
          %get3A_624 = vector.shape_cast %get3A_623 : vector<1x16xf32> to vector<16xf32>
          %add3A_625 = arith.constant 14 : i32
          %add3A_626 = arith.addi %mul3A_66, %add3A_625 : i32
          %get3A_627 = arith.index_cast %add3A_626 : i32 to index
          %get3A_628 = arith.constant 64 : index
          %get3A_629 = tpu.vector_load %arg4[%get3A_627, %get3A_628] {strides = array<i32>} : memref<64x256xf32, #tpu.memory_space<vmem>>, vector<1x16xf32>,
          %get3A_630 = vector.shape_cast %get3A_629 : vector<1x16xf32> to vector<16xf32>
          %add3A_631 = arith.constant 15 : i32
          %add3A_632 = arith.addi %mul3A_66, %add3A_631 : i32
          %get3A_633 = arith.index_cast %add3A_632 : i32 to index
          %get3A_634 = arith.constant 64 : index
          %get3A_635 = tpu.vector_load %arg4[%get3A_633, %get3A_634] {strides = array<i32>} : memref<64x256xf32, #tpu.memory_space<vmem>>, vector<1x16xf32>,
          %get3A_636 = vector.shape_cast %get3A_635 : vector<1x16xf32> to vector<16xf32>
          %add3A_637 = arith.addf %get3A_546, %get3A_552 : vector<16xf32>
          %add3A_638 = arith.addf %get3A_558, %get3A_564 : vector<16xf32>
          %add3A_639 = arith.addf %get3A_570, %get3A_576 : vector<16xf32>
          %add3A_640 = arith.addf %get3A_582, %get3A_588 : vector<16xf32>
          %add3A_641 = arith.addf %get3A_594, %get3A_600 : vector<16xf32>
          %add3A_642 = arith.addf %get3A_606, %get3A_612 : vector<16xf32>
          %add3A_643 = arith.addf %get3A_618, %get3A_624 : vector<16xf32>
          %add3A_644 = arith.addf %get3A_630, %get3A_636 : vector<16xf32>
          %add3A_645 = arith.addf %add3A_637, %add3A_638 : vector<16xf32>
          %add3A_646 = arith.addf %add3A_639, %add3A_640 : vector<16xf32>
          %add3A_647 = arith.addf %add3A_641, %add3A_642 : vector<16xf32>
          %add3A_648 = arith.addf %add3A_643, %add3A_644 : vector<16xf32>
          %add3A_649 = arith.addf %add3A_645, %add3A_646 : vector<16xf32>
          %add3A_650 = arith.addf %add3A_647, %add3A_648 : vector<16xf32>
          %add3A_651 = arith.addf %add3A_649, %add3A_650 : vector<16xf32>
          %mul3A_652 = arith.constant 4 : i32
          %mul3A_653 = arith.muli %mul3A_29, %mul3A_652 : i32
          %add3A_654 = arith.addi %mul3A_653, %add3A_64 : i32
          %swap3A_655 = arith.index_cast %add3A_654 : i32 to index
          %swap3A_656 = arith.constant 64 : index
          %swap3A_657 = tpu.vector_load %arg6[%swap3A_655, %swap3A_656] {strides = array<i32>} : memref<128x256xf32, #tpu.memory_space<vmem>>, vector<1x16xf32>,
          %swap3A_658 = vector.shape_cast %swap3A_657 : vector<1x16xf32> to vector<16xf32>
          %swap3A_659 = vector.shape_cast %add3A_651 : vector<16xf32> to vector<1x16xf32>
          tpu.vector_store %arg6[%swap3A_655, %swap3A_656], %swap3A_659 {strides = array<i32>} : memref<128x256xf32, #tpu.memory_space<vmem>>, vector<1x16xf32>,
          %add3A_660 = arith.constant 0 : i32
          %add3A_661 = arith.addi %mul3A_66, %add3A_660 : i32
          %get3A_662 = arith.index_cast %add3A_661 : i32 to index
          %get3A_663 = arith.constant 80 : index
          %get3A_664 = tpu.vector_load %arg4[%get3A_662, %get3A_663] {strides = array<i32>} : memref<64x256xf32, #tpu.memory_space<vmem>>, vector<1x16xf32>,
          %get3A_665 = vector.shape_cast %get3A_664 : vector<1x16xf32> to vector<16xf32>
          %add3A_666 = arith.constant 1 : i32
          %add3A_667 = arith.addi %mul3A_66, %add3A_666 : i32
          %get3A_668 = arith.index_cast %add3A_667 : i32 to index
          %get3A_669 = arith.constant 80 : index
          %get3A_670 = tpu.vector_load %arg4[%get3A_668, %get3A_669] {strides = array<i32>} : memref<64x256xf32, #tpu.memory_space<vmem>>, vector<1x16xf32>,
          %get3A_671 = vector.shape_cast %get3A_670 : vector<1x16xf32> to vector<16xf32>
          %add3A_672 = arith.constant 2 : i32
          %add3A_673 = arith.addi %mul3A_66, %add3A_672 : i32
          %get3A_674 = arith.index_cast %add3A_673 : i32 to index
          %get3A_675 = arith.constant 80 : index
          %get3A_676 = tpu.vector_load %arg4[%get3A_674, %get3A_675] {strides = array<i32>} : memref<64x256xf32, #tpu.memory_space<vmem>>, vector<1x16xf32>,
          %get3A_677 = vector.shape_cast %get3A_676 : vector<1x16xf32> to vector<16xf32>
          %add3A_678 = arith.constant 3 : i32
          %add3A_679 = arith.addi %mul3A_66, %add3A_678 : i32
          %get3A_680 = arith.index_cast %add3A_679 : i32 to index
          %get3A_681 = arith.constant 80 : index
          %get3A_682 = tpu.vector_load %arg4[%get3A_680, %get3A_681] {strides = array<i32>} : memref<64x256xf32, #tpu.memory_space<vmem>>, vector<1x16xf32>,
          %get3A_683 = vector.shape_cast %get3A_682 : vector<1x16xf32> to vector<16xf32>
          %add3A_684 = arith.constant 4 : i32
          %add3A_685 = arith.addi %mul3A_66, %add3A_684 : i32
          %get3A_686 = arith.index_cast %add3A_685 : i32 to index
          %get3A_687 = arith.constant 80 : index
          %get3A_688 = tpu.vector_load %arg4[%get3A_686, %get3A_687] {strides = array<i32>} : memref<64x256xf32, #tpu.memory_space<vmem>>, vector<1x16xf32>,
          %get3A_689 = vector.shape_cast %get3A_688 : vector<1x16xf32> to vector<16xf32>
          %add3A_690 = arith.constant 5 : i32
          %add3A_691 = arith.addi %mul3A_66, %add3A_690 : i32
          %get3A_692 = arith.index_cast %add3A_691 : i32 to index
          %get3A_693 = arith.constant 80 : index
          %get3A_694 = tpu.vector_load %arg4[%get3A_692, %get3A_693] {strides = array<i32>} : memref<64x256xf32, #tpu.memory_space<vmem>>, vector<1x16xf32>,
          %get3A_695 = vector.shape_cast %get3A_694 : vector<1x16xf32> to vector<16xf32>
          %add3A_696 = arith.constant 6 : i32
          %add3A_697 = arith.addi %mul3A_66, %add3A_696 : i32
          %get3A_698 = arith.index_cast %add3A_697 : i32 to index
          %get3A_699 = arith.constant 80 : index
          %get3A_700 = tpu.vector_load %arg4[%get3A_698, %get3A_699] {strides = array<i32>} : memref<64x256xf32, #tpu.memory_space<vmem>>, vector<1x16xf32>,
          %get3A_701 = vector.shape_cast %get3A_700 : vector<1x16xf32> to vector<16xf32>
          %add3A_702 = arith.constant 7 : i32
          %add3A_703 = arith.addi %mul3A_66, %add3A_702 : i32
          %get3A_704 = arith.index_cast %add3A_703 : i32 to index
          %get3A_705 = arith.constant 80 : index
          %get3A_706 = tpu.vector_load %arg4[%get3A_704, %get3A_705] {strides = array<i32>} : memref<64x256xf32, #tpu.memory_space<vmem>>, vector<1x16xf32>,
          %get3A_707 = vector.shape_cast %get3A_706 : vector<1x16xf32> to vector<16xf32>
          %add3A_708 = arith.constant 8 : i32
          %add3A_709 = arith.addi %mul3A_66, %add3A_708 : i32
          %get3A_710 = arith.index_cast %add3A_709 : i32 to index
          %get3A_711 = arith.constant 80 : index
          %get3A_712 = tpu.vector_load %arg4[%get3A_710, %get3A_711] {strides = array<i32>} : memref<64x256xf32, #tpu.memory_space<vmem>>, vector<1x16xf32>,
          %get3A_713 = vector.shape_cast %get3A_712 : vector<1x16xf32> to vector<16xf32>
          %add3A_714 = arith.constant 9 : i32
          %add3A_715 = arith.addi %mul3A_66, %add3A_714 : i32
          %get3A_716 = arith.index_cast %add3A_715 : i32 to index
          %get3A_717 = arith.constant 80 : index
          %get3A_718 = tpu.vector_load %arg4[%get3A_716, %get3A_717] {strides = array<i32>} : memref<64x256xf32, #tpu.memory_space<vmem>>, vector<1x16xf32>,
          %get3A_719 = vector.shape_cast %get3A_718 : vector<1x16xf32> to vector<16xf32>
          %add3A_720 = arith.constant 10 : i32
          %add3A_721 = arith.addi %mul3A_66, %add3A_720 : i32
          %get3A_722 = arith.index_cast %add3A_721 : i32 to index
          %get3A_723 = arith.constant 80 : index
          %get3A_724 = tpu.vector_load %arg4[%get3A_722, %get3A_723] {strides = array<i32>} : memref<64x256xf32, #tpu.memory_space<vmem>>, vector<1x16xf32>,
          %get3A_725 = vector.shape_cast %get3A_724 : vector<1x16xf32> to vector<16xf32>
          %add3A_726 = arith.constant 11 : i32
          %add3A_727 = arith.addi %mul3A_66, %add3A_726 : i32
          %get3A_728 = arith.index_cast %add3A_727 : i32 to index
          %get3A_729 = arith.constant 80 : index
          %get3A_730 = tpu.vector_load %arg4[%get3A_728, %get3A_729] {strides = array<i32>} : memref<64x256xf32, #tpu.memory_space<vmem>>, vector<1x16xf32>,
          %get3A_731 = vector.shape_cast %get3A_730 : vector<1x16xf32> to vector<16xf32>
          %add3A_732 = arith.constant 12 : i32
          %add3A_733 = arith.addi %mul3A_66, %add3A_732 : i32
          %get3A_734 = arith.index_cast %add3A_733 : i32 to index
          %get3A_735 = arith.constant 80 : index
          %get3A_736 = tpu.vector_load %arg4[%get3A_734, %get3A_735] {strides = array<i32>} : memref<64x256xf32, #tpu.memory_space<vmem>>, vector<1x16xf32>,
          %get3A_737 = vector.shape_cast %get3A_736 : vector<1x16xf32> to vector<16xf32>
          %add3A_738 = arith.constant 13 : i32
          %add3A_739 = arith.addi %mul3A_66, %add3A_738 : i32
          %get3A_740 = arith.index_cast %add3A_739 : i32 to index
          %get3A_741 = arith.constant 80 : index
          %get3A_742 = tpu.vector_load %arg4[%get3A_740, %get3A_741] {strides = array<i32>} : memref<64x256xf32, #tpu.memory_space<vmem>>, vector<1x16xf32>,
          %get3A_743 = vector.shape_cast %get3A_742 : vector<1x16xf32> to vector<16xf32>
          %add3A_744 = arith.constant 14 : i32
          %add3A_745 = arith.addi %mul3A_66, %add3A_744 : i32
          %get3A_746 = arith.index_cast %add3A_745 : i32 to index
          %get3A_747 = arith.constant 80 : index
          %get3A_748 = tpu.vector_load %arg4[%get3A_746, %get3A_747] {strides = array<i32>} : memref<64x256xf32, #tpu.memory_space<vmem>>, vector<1x16xf32>,
          %get3A_749 = vector.shape_cast %get3A_748 : vector<1x16xf32> to vector<16xf32>
          %add3A_750 = arith.constant 15 : i32
          %add3A_751 = arith.addi %mul3A_66, %add3A_750 : i32
          %get3A_752 = arith.index_cast %add3A_751 : i32 to index
          %get3A_753 = arith.constant 80 : index
          %get3A_754 = tpu.vector_load %arg4[%get3A_752, %get3A_753] {strides = array<i32>} : memref<64x256xf32, #tpu.memory_space<vmem>>, vector<1x16xf32>,
          %get3A_755 = vector.shape_cast %get3A_754 : vector<1x16xf32> to vector<16xf32>
          %add3A_756 = arith.addf %get3A_665, %get3A_671 : vector<16xf32>
          %add3A_757 = arith.addf %get3A_677, %get3A_683 : vector<16xf32>
          %add3A_758 = arith.addf %get3A_689, %get3A_695 : vector<16xf32>
          %add3A_759 = arith.addf %get3A_701, %get3A_707 : vector<16xf32>
          %add3A_760 = arith.addf %get3A_713, %get3A_719 : vector<16xf32>
          %add3A_761 = arith.addf %get3A_725, %get3A_731 : vector<16xf32>
          %add3A_762 = arith.addf %get3A_737, %get3A_743 : vector<16xf32>
          %add3A_763 = arith.addf %get3A_749, %get3A_755 : vector<16xf32>
          %add3A_764 = arith.addf %add3A_756, %add3A_757 : vector<16xf32>
          %add3A_765 = arith.addf %add3A_758, %add3A_759 : vector<16xf32>
          %add3A_766 = arith.addf %add3A_760, %add3A_761 : vector<16xf32>
          %add3A_767 = arith.addf %add3A_762, %add3A_763 : vector<16xf32>
          %add3A_768 = arith.addf %add3A_764, %add3A_765 : vector<16xf32>
          %add3A_769 = arith.addf %add3A_766, %add3A_767 : vector<16xf32>
          %add3A_770 = arith.addf %add3A_768, %add3A_769 : vector<16xf32>
          %mul3A_771 = arith.constant 4 : i32
          %mul3A_772 = arith.muli %mul3A_29, %mul3A_771 : i32
          %add3A_773 = arith.addi %mul3A_772, %add3A_64 : i32
          %swap3A_774 = arith.index_cast %add3A_773 : i32 to index
          %swap3A_775 = arith.constant 80 : index
          %swap3A_776 = tpu.vector_load %arg6[%swap3A_774, %swap3A_775] {strides = array<i32>} : memref<128x256xf32, #tpu.memory_space<vmem>>, vector<1x16xf32>,
          %swap3A_777 = vector.shape_cast %swap3A_776 : vector<1x16xf32> to vector<16xf32>
          %swap3A_778 = vector.shape_cast %add3A_770 : vector<16xf32> to vector<1x16xf32>
          tpu.vector_store %arg6[%swap3A_774, %swap3A_775], %swap3A_778 {strides = array<i32>} : memref<128x256xf32, #tpu.memory_space<vmem>>, vector<1x16xf32>,
          %add3A_779 = arith.constant 0 : i32
          %add3A_780 = arith.addi %mul3A_66, %add3A_779 : i32
          %get3A_781 = arith.index_cast %add3A_780 : i32 to index
          %get3A_782 = arith.constant 96 : index
          %get3A_783 = tpu.vector_load %arg4[%get3A_781, %get3A_782] {strides = array<i32>} : memref<64x256xf32, #tpu.memory_space<vmem>>, vector<1x16xf32>,
          %get3A_784 = vector.shape_cast %get3A_783 : vector<1x16xf32> to vector<16xf32>
          %add3A_785 = arith.constant 1 : i32
          %add3A_786 = arith.addi %mul3A_66, %add3A_785 : i32
          %get3A_787 = arith.index_cast %add3A_786 : i32 to index
          %get3A_788 = arith.constant 96 : index
          %get3A_789 = tpu.vector_load %arg4[%get3A_787, %get3A_788] {strides = array<i32>} : memref<64x256xf32, #tpu.memory_space<vmem>>, vector<1x16xf32>,
          %get3A_790 = vector.shape_cast %get3A_789 : vector<1x16xf32> to vector<16xf32>
          %add3A_791 = arith.constant 2 : i32
          %add3A_792 = arith.addi %mul3A_66, %add3A_791 : i32
          %get3A_793 = arith.index_cast %add3A_792 : i32 to index
          %get3A_794 = arith.constant 96 : index
          %get3A_795 = tpu.vector_load %arg4[%get3A_793, %get3A_794] {strides = array<i32>} : memref<64x256xf32, #tpu.memory_space<vmem>>, vector<1x16xf32>,
          %get3A_796 = vector.shape_cast %get3A_795 : vector<1x16xf32> to vector<16xf32>
          %add3A_797 = arith.constant 3 : i32
          %add3A_798 = arith.addi %mul3A_66, %add3A_797 : i32
          %get3A_799 = arith.index_cast %add3A_798 : i32 to index
          %get3A_800 = arith.constant 96 : index
          %get3A_801 = tpu.vector_load %arg4[%get3A_799, %get3A_800] {strides = array<i32>} : memref<64x256xf32, #tpu.memory_space<vmem>>, vector<1x16xf32>,
          %get3A_802 = vector.shape_cast %get3A_801 : vector<1x16xf32> to vector<16xf32>
          %add3A_803 = arith.constant 4 : i32
          %add3A_804 = arith.addi %mul3A_66, %add3A_803 : i32
          %get3A_805 = arith.index_cast %add3A_804 : i32 to index
          %get3A_806 = arith.constant 96 : index
          %get3A_807 = tpu.vector_load %arg4[%get3A_805, %get3A_806] {strides = array<i32>} : memref<64x256xf32, #tpu.memory_space<vmem>>, vector<1x16xf32>,
          %get3A_808 = vector.shape_cast %get3A_807 : vector<1x16xf32> to vector<16xf32>
          %add3A_809 = arith.constant 5 : i32
          %add3A_810 = arith.addi %mul3A_66, %add3A_809 : i32
          %get3A_811 = arith.index_cast %add3A_810 : i32 to index
          %get3A_812 = arith.constant 96 : index
          %get3A_813 = tpu.vector_load %arg4[%get3A_811, %get3A_812] {strides = array<i32>} : memref<64x256xf32, #tpu.memory_space<vmem>>, vector<1x16xf32>,
          %get3A_814 = vector.shape_cast %get3A_813 : vector<1x16xf32> to vector<16xf32>
          %add3A_815 = arith.constant 6 : i32
          %add3A_816 = arith.addi %mul3A_66, %add3A_815 : i32
          %get3A_817 = arith.index_cast %add3A_816 : i32 to index
          %get3A_818 = arith.constant 96 : index
          %get3A_819 = tpu.vector_load %arg4[%get3A_817, %get3A_818] {strides = array<i32>} : memref<64x256xf32, #tpu.memory_space<vmem>>, vector<1x16xf32>,
          %get3A_820 = vector.shape_cast %get3A_819 : vector<1x16xf32> to vector<16xf32>
          %add3A_821 = arith.constant 7 : i32
          %add3A_822 = arith.addi %mul3A_66, %add3A_821 : i32
          %get3A_823 = arith.index_cast %add3A_822 : i32 to index
          %get3A_824 = arith.constant 96 : index
          %get3A_825 = tpu.vector_load %arg4[%get3A_823, %get3A_824] {strides = array<i32>} : memref<64x256xf32, #tpu.memory_space<vmem>>, vector<1x16xf32>,
          %get3A_826 = vector.shape_cast %get3A_825 : vector<1x16xf32> to vector<16xf32>
          %add3A_827 = arith.constant 8 : i32
          %add3A_828 = arith.addi %mul3A_66, %add3A_827 : i32
          %get3A_829 = arith.index_cast %add3A_828 : i32 to index
          %get3A_830 = arith.constant 96 : index
          %get3A_831 = tpu.vector_load %arg4[%get3A_829, %get3A_830] {strides = array<i32>} : memref<64x256xf32, #tpu.memory_space<vmem>>, vector<1x16xf32>,
          %get3A_832 = vector.shape_cast %get3A_831 : vector<1x16xf32> to vector<16xf32>
          %add3A_833 = arith.constant 9 : i32
          %add3A_834 = arith.addi %mul3A_66, %add3A_833 : i32
          %get3A_835 = arith.index_cast %add3A_834 : i32 to index
          %get3A_836 = arith.constant 96 : index
          %get3A_837 = tpu.vector_load %arg4[%get3A_835, %get3A_836] {strides = array<i32>} : memref<64x256xf32, #tpu.memory_space<vmem>>, vector<1x16xf32>,
          %get3A_838 = vector.shape_cast %get3A_837 : vector<1x16xf32> to vector<16xf32>
          %add3A_839 = arith.constant 10 : i32
          %add3A_840 = arith.addi %mul3A_66, %add3A_839 : i32
          %get3A_841 = arith.index_cast %add3A_840 : i32 to index
          %get3A_842 = arith.constant 96 : index
          %get3A_843 = tpu.vector_load %arg4[%get3A_841, %get3A_842] {strides = array<i32>} : memref<64x256xf32, #tpu.memory_space<vmem>>, vector<1x16xf32>,
          %get3A_844 = vector.shape_cast %get3A_843 : vector<1x16xf32> to vector<16xf32>
          %add3A_845 = arith.constant 11 : i32
          %add3A_846 = arith.addi %mul3A_66, %add3A_845 : i32
          %get3A_847 = arith.index_cast %add3A_846 : i32 to index
          %get3A_848 = arith.constant 96 : index
          %get3A_849 = tpu.vector_load %arg4[%get3A_847, %get3A_848] {strides = array<i32>} : memref<64x256xf32, #tpu.memory_space<vmem>>, vector<1x16xf32>,
          %get3A_850 = vector.shape_cast %get3A_849 : vector<1x16xf32> to vector<16xf32>
          %add3A_851 = arith.constant 12 : i32
          %add3A_852 = arith.addi %mul3A_66, %add3A_851 : i32
          %get3A_853 = arith.index_cast %add3A_852 : i32 to index
          %get3A_854 = arith.constant 96 : index
          %get3A_855 = tpu.vector_load %arg4[%get3A_853, %get3A_854] {strides = array<i32>} : memref<64x256xf32, #tpu.memory_space<vmem>>, vector<1x16xf32>,
          %get3A_856 = vector.shape_cast %get3A_855 : vector<1x16xf32> to vector<16xf32>
          %add3A_857 = arith.constant 13 : i32
          %add3A_858 = arith.addi %mul3A_66, %add3A_857 : i32
          %get3A_859 = arith.index_cast %add3A_858 : i32 to index
          %get3A_860 = arith.constant 96 : index
          %get3A_861 = tpu.vector_load %arg4[%get3A_859, %get3A_860] {strides = array<i32>} : memref<64x256xf32, #tpu.memory_space<vmem>>, vector<1x16xf32>,
          %get3A_862 = vector.shape_cast %get3A_861 : vector<1x16xf32> to vector<16xf32>
          %add3A_863 = arith.constant 14 : i32
          %add3A_864 = arith.addi %mul3A_66, %add3A_863 : i32
          %get3A_865 = arith.index_cast %add3A_864 : i32 to index
          %get3A_866 = arith.constant 96 : index
          %get3A_867 = tpu.vector_load %arg4[%get3A_865, %get3A_866] {strides = array<i32>} : memref<64x256xf32, #tpu.memory_space<vmem>>, vector<1x16xf32>,
          %get3A_868 = vector.shape_cast %get3A_867 : vector<1x16xf32> to vector<16xf32>
          %add3A_869 = arith.constant 15 : i32
          %add3A_870 = arith.addi %mul3A_66, %add3A_869 : i32
          %get3A_871 = arith.index_cast %add3A_870 : i32 to index
          %get3A_872 = arith.constant 96 : index
          %get3A_873 = tpu.vector_load %arg4[%get3A_871, %get3A_872] {strides = array<i32>} : memref<64x256xf32, #tpu.memory_space<vmem>>, vector<1x16xf32>,
          %get3A_874 = vector.shape_cast %get3A_873 : vector<1x16xf32> to vector<16xf32>
          %add3A_875 = arith.addf %get3A_784, %get3A_790 : vector<16xf32>
          %add3A_876 = arith.addf %get3A_796, %get3A_802 : vector<16xf32>
          %add3A_877 = arith.addf %get3A_808, %get3A_814 : vector<16xf32>
          %add3A_878 = arith.addf %get3A_820, %get3A_826 : vector<16xf32>
          %add3A_879 = arith.addf %get3A_832, %get3A_838 : vector<16xf32>
          %add3A_880 = arith.addf %get3A_844, %get3A_850 : vector<16xf32>
          %add3A_881 = arith.addf %get3A_856, %get3A_862 : vector<16xf32>
          %add3A_882 = arith.addf %get3A_868, %get3A_874 : vector<16xf32>
          %add3A_883 = arith.addf %add3A_875, %add3A_876 : vector<16xf32>
          %add3A_884 = arith.addf %add3A_877, %add3A_878 : vector<16xf32>
          %add3A_885 = arith.addf %add3A_879, %add3A_880 : vector<16xf32>
          %add3A_886 = arith.addf %add3A_881, %add3A_882 : vector<16xf32>
          %add3A_887 = arith.addf %add3A_883, %add3A_884 : vector<16xf32>
          %add3A_888 = arith.addf %add3A_885, %add3A_886 : vector<16xf32>
          %add3A_889 = arith.addf %add3A_887, %add3A_888 : vector<16xf32>
          %mul3A_890 = arith.constant 4 : i32
          %mul3A_891 = arith.muli %mul3A_29, %mul3A_890 : i32
          %add3A_892 = arith.addi %mul3A_891, %add3A_64 : i32
          %swap3A_893 = arith.index_cast %add3A_892 : i32 to index
          %swap3A_894 = arith.constant 96 : index
          %swap3A_895 = tpu.vector_load %arg6[%swap3A_893, %swap3A_894] {strides = array<i32>} : memref<128x256xf32, #tpu.memory_space<vmem>>, vector<1x16xf32>,
          %swap3A_896 = vector.shape_cast %swap3A_895 : vector<1x16xf32> to vector<16xf32>
          %swap3A_897 = vector.shape_cast %add3A_889 : vector<16xf32> to vector<1x16xf32>
          tpu.vector_store %arg6[%swap3A_893, %swap3A_894], %swap3A_897 {strides = array<i32>} : memref<128x256xf32, #tpu.memory_space<vmem>>, vector<1x16xf32>,
          %add3A_898 = arith.constant 0 : i32
          %add3A_899 = arith.addi %mul3A_66, %add3A_898 : i32
          %get3A_900 = arith.index_cast %add3A_899 : i32 to index
          %get3A_901 = arith.constant 112 : index
          %get3A_902 = tpu.vector_load %arg4[%get3A_900, %get3A_901] {strides = array<i32>} : memref<64x256xf32, #tpu.memory_space<vmem>>, vector<1x16xf32>,
          %get3A_903 = vector.shape_cast %get3A_902 : vector<1x16xf32> to vector<16xf32>
          %add3A_904 = arith.constant 1 : i32
          %add3A_905 = arith.addi %mul3A_66, %add3A_904 : i32
          %get3A_906 = arith.index_cast %add3A_905 : i32 to index
          %get3A_907 = arith.constant 112 : index
          %get3A_908 = tpu.vector_load %arg4[%get3A_906, %get3A_907] {strides = array<i32>} : memref<64x256xf32, #tpu.memory_space<vmem>>, vector<1x16xf32>,
          %get3A_909 = vector.shape_cast %get3A_908 : vector<1x16xf32> to vector<16xf32>
          %add3A_910 = arith.constant 2 : i32
          %add3A_911 = arith.addi %mul3A_66, %add3A_910 : i32
          %get3A_912 = arith.index_cast %add3A_911 : i32 to index
          %get3A_913 = arith.constant 112 : index
          %get3A_914 = tpu.vector_load %arg4[%get3A_912, %get3A_913] {strides = array<i32>} : memref<64x256xf32, #tpu.memory_space<vmem>>, vector<1x16xf32>,
          %get3A_915 = vector.shape_cast %get3A_914 : vector<1x16xf32> to vector<16xf32>
          %add3A_916 = arith.constant 3 : i32
          %add3A_917 = arith.addi %mul3A_66, %add3A_916 : i32
          %get3A_918 = arith.index_cast %add3A_917 : i32 to index
          %get3A_919 = arith.constant 112 : index
          %get3A_920 = tpu.vector_load %arg4[%get3A_918, %get3A_919] {strides = array<i32>} : memref<64x256xf32, #tpu.memory_space<vmem>>, vector<1x16xf32>,
          %get3A_921 = vector.shape_cast %get3A_920 : vector<1x16xf32> to vector<16xf32>
          %add3A_922 = arith.constant 4 : i32
          %add3A_923 = arith.addi %mul3A_66, %add3A_922 : i32
          %get3A_924 = arith.index_cast %add3A_923 : i32 to index
          %get3A_925 = arith.constant 112 : index
          %get3A_926 = tpu.vector_load %arg4[%get3A_924, %get3A_925] {strides = array<i32>} : memref<64x256xf32, #tpu.memory_space<vmem>>, vector<1x16xf32>,
          %get3A_927 = vector.shape_cast %get3A_926 : vector<1x16xf32> to vector<16xf32>
          %add3A_928 = arith.constant 5 : i32
          %add3A_929 = arith.addi %mul3A_66, %add3A_928 : i32
          %get3A_930 = arith.index_cast %add3A_929 : i32 to index
          %get3A_931 = arith.constant 112 : index
          %get3A_932 = tpu.vector_load %arg4[%get3A_930, %get3A_931] {strides = array<i32>} : memref<64x256xf32, #tpu.memory_space<vmem>>, vector<1x16xf32>,
          %get3A_933 = vector.shape_cast %get3A_932 : vector<1x16xf32> to vector<16xf32>
          %add3A_934 = arith.constant 6 : i32
          %add3A_935 = arith.addi %mul3A_66, %add3A_934 : i32
          %get3A_936 = arith.index_cast %add3A_935 : i32 to index
          %get3A_937 = arith.constant 112 : index
          %get3A_938 = tpu.vector_load %arg4[%get3A_936, %get3A_937] {strides = array<i32>} : memref<64x256xf32, #tpu.memory_space<vmem>>, vector<1x16xf32>,
          %get3A_939 = vector.shape_cast %get3A_938 : vector<1x16xf32> to vector<16xf32>
          %add3A_940 = arith.constant 7 : i32
          %add3A_941 = arith.addi %mul3A_66, %add3A_940 : i32
          %get3A_942 = arith.index_cast %add3A_941 : i32 to index
          %get3A_943 = arith.constant 112 : index
          %get3A_944 = tpu.vector_load %arg4[%get3A_942, %get3A_943] {strides = array<i32>} : memref<64x256xf32, #tpu.memory_space<vmem>>, vector<1x16xf32>,
          %get3A_945 = vector.shape_cast %get3A_944 : vector<1x16xf32> to vector<16xf32>
          %add3A_946 = arith.constant 8 : i32
          %add3A_947 = arith.addi %mul3A_66, %add3A_946 : i32
          %get3A_948 = arith.index_cast %add3A_947 : i32 to index
          %get3A_949 = arith.constant 112 : index
          %get3A_950 = tpu.vector_load %arg4[%get3A_948, %get3A_949] {strides = array<i32>} : memref<64x256xf32, #tpu.memory_space<vmem>>, vector<1x16xf32>,
          %get3A_951 = vector.shape_cast %get3A_950 : vector<1x16xf32> to vector<16xf32>
          %add3A_952 = arith.constant 9 : i32
          %add3A_953 = arith.addi %mul3A_66, %add3A_952 : i32
          %get3A_954 = arith.index_cast %add3A_953 : i32 to index
          %get3A_955 = arith.constant 112 : index
          %get3A_956 = tpu.vector_load %arg4[%get3A_954, %get3A_955] {strides = array<i32>} : memref<64x256xf32, #tpu.memory_space<vmem>>, vector<1x16xf32>,
          %get3A_957 = vector.shape_cast %get3A_956 : vector<1x16xf32> to vector<16xf32>
          %add3A_958 = arith.constant 10 : i32
          %add3A_959 = arith.addi %mul3A_66, %add3A_958 : i32
          %get3A_960 = arith.index_cast %add3A_959 : i32 to index
          %get3A_961 = arith.constant 112 : index
          %get3A_962 = tpu.vector_load %arg4[%get3A_960, %get3A_961] {strides = array<i32>} : memref<64x256xf32, #tpu.memory_space<vmem>>, vector<1x16xf32>,
          %get3A_963 = vector.shape_cast %get3A_962 : vector<1x16xf32> to vector<16xf32>
          %add3A_964 = arith.constant 11 : i32
          %add3A_965 = arith.addi %mul3A_66, %add3A_964 : i32
          %get3A_966 = arith.index_cast %add3A_965 : i32 to index
          %get3A_967 = arith.constant 112 : index
          %get3A_968 = tpu.vector_load %arg4[%get3A_966, %get3A_967] {strides = array<i32>} : memref<64x256xf32, #tpu.memory_space<vmem>>, vector<1x16xf32>,
          %get3A_969 = vector.shape_cast %get3A_968 : vector<1x16xf32> to vector<16xf32>
          %add3A_970 = arith.constant 12 : i32
          %add3A_971 = arith.addi %mul3A_66, %add3A_970 : i32
          %get3A_972 = arith.index_cast %add3A_971 : i32 to index
          %get3A_973 = arith.constant 112 : index
          %get3A_974 = tpu.vector_load %arg4[%get3A_972, %get3A_973] {strides = array<i32>} : memref<64x256xf32, #tpu.memory_space<vmem>>, vector<1x16xf32>,
          %get3A_975 = vector.shape_cast %get3A_974 : vector<1x16xf32> to vector<16xf32>
          %add3A_976 = arith.constant 13 : i32
          %add3A_977 = arith.addi %mul3A_66, %add3A_976 : i32
          %get3A_978 = arith.index_cast %add3A_977 : i32 to index
          %get3A_979 = arith.constant 112 : index
          %get3A_980 = tpu.vector_load %arg4[%get3A_978, %get3A_979] {strides = array<i32>} : memref<64x256xf32, #tpu.memory_space<vmem>>, vector<1x16xf32>,
          %get3A_981 = vector.shape_cast %get3A_980 : vector<1x16xf32> to vector<16xf32>
          %add3A_982 = arith.constant 14 : i32
          %add3A_983 = arith.addi %mul3A_66, %add3A_982 : i32
          %get3A_984 = arith.index_cast %add3A_983 : i32 to index
          %get3A_985 = arith.constant 112 : index
          %get3A_986 = tpu.vector_load %arg4[%get3A_984, %get3A_985] {strides = array<i32>} : memref<64x256xf32, #tpu.memory_space<vmem>>, vector<1x16xf32>,
          %get3A_987 = vector.shape_cast %get3A_986 : vector<1x16xf32> to vector<16xf32>
          %add3A_988 = arith.constant 15 : i32
          %add3A_989 = arith.addi %mul3A_66, %add3A_988 : i32
          %get3A_990 = arith.index_cast %add3A_989 : i32 to index
          %get3A_991 = arith.constant 112 : index
          %get3A_992 = tpu.vector_load %arg4[%get3A_990, %get3A_991] {strides = array<i32>} : memref<64x256xf32, #tpu.memory_space<vmem>>, vector<1x16xf32>,
          %get3A_993 = vector.shape_cast %get3A_992 : vector<1x16xf32> to vector<16xf32>
          %add3A_994 = arith.addf %get3A_903, %get3A_909 : vector<16xf32>
          %add3A_995 = arith.addf %get3A_915, %get3A_921 : vector<16xf32>
          %add3A_996 = arith.addf %get3A_927, %get3A_933 : vector<16xf32>
          %add3A_997 = arith.addf %get3A_939, %get3A_945 : vector<16xf32>
          %add3A_998 = arith.addf %get3A_951, %get3A_957 : vector<16xf32>
          %add3A_999 = arith.addf %get3A_963, %get3A_969 : vector<16xf32>
          %add3A_1000 = arith.addf %get3A_975, %get3A_981 : vector<16xf32>
          %add3A_1001 = arith.addf %get3A_987, %get3A_993 : vector<16xf32>
          %add3A_1002 = arith.addf %add3A_994, %add3A_995 : vector<16xf32>
          %add3A_1003 = arith.addf %add3A_996, %add3A_997 : vector<16xf32>
          %add3A_1004 = arith.addf %add3A_998, %add3A_999 : vector<16xf32>
          %add3A_1005 = arith.addf %add3A_1000, %add3A_1001 : vector<16xf32>
          %add3A_1006 = arith.addf %add3A_1002, %add3A_1003 : vector<16xf32>
          %add3A_1007 = arith.addf %add3A_1004, %add3A_1005 : vector<16xf32>
          %add3A_1008 = arith.addf %add3A_1006, %add3A_1007 : vector<16xf32>
          %mul3A_1009 = arith.constant 4 : i32
          %mul3A_1010 = arith.muli %mul3A_29, %mul3A_1009 : i32
          %add3A_1011 = arith.addi %mul3A_1010, %add3A_64 : i32
          %swap3A_1012 = arith.index_cast %add3A_1011 : i32 to index
          %swap3A_1013 = arith.constant 112 : index
          %swap3A_1014 = tpu.vector_load %arg6[%swap3A_1012, %swap3A_1013] {strides = array<i32>} : memref<128x256xf32, #tpu.memory_space<vmem>>, vector<1x16xf32>,
          %swap3A_1015 = vector.shape_cast %swap3A_1014 : vector<1x16xf32> to vector<16xf32>
          %swap3A_1016 = vector.shape_cast %add3A_1008 : vector<16xf32> to vector<1x16xf32>
          tpu.vector_store %arg6[%swap3A_1012, %swap3A_1013], %swap3A_1016 {strides = array<i32>} : memref<128x256xf32, #tpu.memory_space<vmem>>, vector<1x16xf32>,
          %add3A_1017 = arith.constant 0 : i32
          %add3A_1018 = arith.addi %mul3A_66, %add3A_1017 : i32
          %get3A_1019 = arith.index_cast %add3A_1018 : i32 to index
          %get3A_1020 = arith.constant 128 : index
          %get3A_1021 = tpu.vector_load %arg4[%get3A_1019, %get3A_1020] {strides = array<i32>} : memref<64x256xf32, #tpu.memory_space<vmem>>, vector<1x16xf32>,
          %get3A_1022 = vector.shape_cast %get3A_1021 : vector<1x16xf32> to vector<16xf32>
          %add3A_1023 = arith.constant 1 : i32
          %add3A_1024 = arith.addi %mul3A_66, %add3A_1023 : i32
          %get3A_1025 = arith.index_cast %add3A_1024 : i32 to index
          %get3A_1026 = arith.constant 128 : index
          %get3A_1027 = tpu.vector_load %arg4[%get3A_1025, %get3A_1026] {strides = array<i32>} : memref<64x256xf32, #tpu.memory_space<vmem>>, vector<1x16xf32>,
          %get3A_1028 = vector.shape_cast %get3A_1027 : vector<1x16xf32> to vector<16xf32>
          %add3A_1029 = arith.constant 2 : i32
          %add3A_1030 = arith.addi %mul3A_66, %add3A_1029 : i32
          %get3A_1031 = arith.index_cast %add3A_1030 : i32 to index
          %get3A_1032 = arith.constant 128 : index
          %get3A_1033 = tpu.vector_load %arg4[%get3A_1031, %get3A_1032] {strides = array<i32>} : memref<64x256xf32, #tpu.memory_space<vmem>>, vector<1x16xf32>,
          %get3A_1034 = vector.shape_cast %get3A_1033 : vector<1x16xf32> to vector<16xf32>
          %add3A_1035 = arith.constant 3 : i32
          %add3A_1036 = arith.addi %mul3A_66, %add3A_1035 : i32
          %get3A_1037 = arith.index_cast %add3A_1036 : i32 to index
          %get3A_1038 = arith.constant 128 : index
          %get3A_1039 = tpu.vector_load %arg4[%get3A_1037, %get3A_1038] {strides = array<i32>} : memref<64x256xf32, #tpu.memory_space<vmem>>, vector<1x16xf32>,
          %get3A_1040 = vector.shape_cast %get3A_1039 : vector<1x16xf32> to vector<16xf32>
          %add3A_1041 = arith.constant 4 : i32
          %add3A_1042 = arith.addi %mul3A_66, %add3A_1041 : i32
          %get3A_1043 = arith.index_cast %add3A_1042 : i32 to index
          %get3A_1044 = arith.constant 128 : index
          %get3A_1045 = tpu.vector_load %arg4[%get3A_1043, %get3A_1044] {strides = array<i32>} : memref<64x256xf32, #tpu.memory_space<vmem>>, vector<1x16xf32>,
          %get3A_1046 = vector.shape_cast %get3A_1045 : vector<1x16xf32> to vector<16xf32>
          %add3A_1047 = arith.constant 5 : i32
          %add3A_1048 = arith.addi %mul3A_66, %add3A_1047 : i32
          %get3A_1049 = arith.index_cast %add3A_1048 : i32 to index
          %get3A_1050 = arith.constant 128 : index
          %get3A_1051 = tpu.vector_load %arg4[%get3A_1049, %get3A_1050] {strides = array<i32>} : memref<64x256xf32, #tpu.memory_space<vmem>>, vector<1x16xf32>,
          %get3A_1052 = vector.shape_cast %get3A_1051 : vector<1x16xf32> to vector<16xf32>
          %add3A_1053 = arith.constant 6 : i32
          %add3A_1054 = arith.addi %mul3A_66, %add3A_1053 : i32
          %get3A_1055 = arith.index_cast %add3A_1054 : i32 to index
          %get3A_1056 = arith.constant 128 : index
          %get3A_1057 = tpu.vector_load %arg4[%get3A_1055, %get3A_1056] {strides = array<i32>} : memref<64x256xf32, #tpu.memory_space<vmem>>, vector<1x16xf32>,
          %get3A_1058 = vector.shape_cast %get3A_1057 : vector<1x16xf32> to vector<16xf32>
          %add3A_1059 = arith.constant 7 : i32
          %add3A_1060 = arith.addi %mul3A_66, %add3A_1059 : i32
          %get3A_1061 = arith.index_cast %add3A_1060 : i32 to index
          %get3A_1062 = arith.constant 128 : index
          %get3A_1063 = tpu.vector_load %arg4[%get3A_1061, %get3A_1062] {strides = array<i32>} : memref<64x256xf32, #tpu.memory_space<vmem>>, vector<1x16xf32>,
          %get3A_1064 = vector.shape_cast %get3A_1063 : vector<1x16xf32> to vector<16xf32>
          %add3A_1065 = arith.constant 8 : i32
          %add3A_1066 = arith.addi %mul3A_66, %add3A_1065 : i32
          %get3A_1067 = arith.index_cast %add3A_1066 : i32 to index
          %get3A_1068 = arith.constant 128 : index
          %get3A_1069 = tpu.vector_load %arg4[%get3A_1067, %get3A_1068] {strides = array<i32>} : memref<64x256xf32, #tpu.memory_space<vmem>>, vector<1x16xf32>,
          %get3A_1070 = vector.shape_cast %get3A_1069 : vector<1x16xf32> to vector<16xf32>
          %add3A_1071 = arith.constant 9 : i32
          %add3A_1072 = arith.addi %mul3A_66, %add3A_1071 : i32
          %get3A_1073 = arith.index_cast %add3A_1072 : i32 to index
          %get3A_1074 = arith.constant 128 : index
          %get3A_1075 = tpu.vector_load %arg4[%get3A_1073, %get3A_1074] {strides = array<i32>} : memref<64x256xf32, #tpu.memory_space<vmem>>, vector<1x16xf32>,
          %get3A_1076 = vector.shape_cast %get3A_1075 : vector<1x16xf32> to vector<16xf32>
          %add3A_1077 = arith.constant 10 : i32
          %add3A_1078 = arith.addi %mul3A_66, %add3A_1077 : i32
          %get3A_1079 = arith.index_cast %add3A_1078 : i32 to index
          %get3A_1080 = arith.constant 128 : index
          %get3A_1081 = tpu.vector_load %arg4[%get3A_1079, %get3A_1080] {strides = array<i32>} : memref<64x256xf32, #tpu.memory_space<vmem>>, vector<1x16xf32>,
          %get3A_1082 = vector.shape_cast %get3A_1081 : vector<1x16xf32> to vector<16xf32>
          %add3A_1083 = arith.constant 11 : i32
          %add3A_1084 = arith.addi %mul3A_66, %add3A_1083 : i32
          %get3A_1085 = arith.index_cast %add3A_1084 : i32 to index
          %get3A_1086 = arith.constant 128 : index
          %get3A_1087 = tpu.vector_load %arg4[%get3A_1085, %get3A_1086] {strides = array<i32>} : memref<64x256xf32, #tpu.memory_space<vmem>>, vector<1x16xf32>,
          %get3A_1088 = vector.shape_cast %get3A_1087 : vector<1x16xf32> to vector<16xf32>
          %add3A_1089 = arith.constant 12 : i32
          %add3A_1090 = arith.addi %mul3A_66, %add3A_1089 : i32
          %get3A_1091 = arith.index_cast %add3A_1090 : i32 to index
          %get3A_1092 = arith.constant 128 : index
          %get3A_1093 = tpu.vector_load %arg4[%get3A_1091, %get3A_1092] {strides = array<i32>} : memref<64x256xf32, #tpu.memory_space<vmem>>, vector<1x16xf32>,
          %get3A_1094 = vector.shape_cast %get3A_1093 : vector<1x16xf32> to vector<16xf32>
          %add3A_1095 = arith.constant 13 : i32
          %add3A_1096 = arith.addi %mul3A_66, %add3A_1095 : i32
          %get3A_1097 = arith.index_cast %add3A_1096 : i32 to index
          %get3A_1098 = arith.constant 128 : index
          %get3A_1099 = tpu.vector_load %arg4[%get3A_1097, %get3A_1098] {strides = array<i32>} : memref<64x256xf32, #tpu.memory_space<vmem>>, vector<1x16xf32>,
          %get3A_1100 = vector.shape_cast %get3A_1099 : vector<1x16xf32> to vector<16xf32>
          %add3A_1101 = arith.constant 14 : i32
          %add3A_1102 = arith.addi %mul3A_66, %add3A_1101 : i32
          %get3A_1103 = arith.index_cast %add3A_1102 : i32 to index
          %get3A_1104 = arith.constant 128 : index
          %get3A_1105 = tpu.vector_load %arg4[%get3A_1103, %get3A_1104] {strides = array<i32>} : memref<64x256xf32, #tpu.memory_space<vmem>>, vector<1x16xf32>,
          %get3A_1106 = vector.shape_cast %get3A_1105 : vector<1x16xf32> to vector<16xf32>
          %add3A_1107 = arith.constant 15 : i32
          %add3A_1108 = arith.addi %mul3A_66, %add3A_1107 : i32
          %get3A_1109 = arith.index_cast %add3A_1108 : i32 to index
          %get3A_1110 = arith.constant 128 : index
          %get3A_1111 = tpu.vector_load %arg4[%get3A_1109, %get3A_1110] {strides = array<i32>} : memref<64x256xf32, #tpu.memory_space<vmem>>, vector<1x16xf32>,
          %get3A_1112 = vector.shape_cast %get3A_1111 : vector<1x16xf32> to vector<16xf32>
          %add3A_1113 = arith.addf %get3A_1022, %get3A_1028 : vector<16xf32>
          %add3A_1114 = arith.addf %get3A_1034, %get3A_1040 : vector<16xf32>
          %add3A_1115 = arith.addf %get3A_1046, %get3A_1052 : vector<16xf32>
          %add3A_1116 = arith.addf %get3A_1058, %get3A_1064 : vector<16xf32>
          %add3A_1117 = arith.addf %get3A_1070, %get3A_1076 : vector<16xf32>
          %add3A_1118 = arith.addf %get3A_1082, %get3A_1088 : vector<16xf32>
          %add3A_1119 = arith.addf %get3A_1094, %get3A_1100 : vector<16xf32>
          %add3A_1120 = arith.addf %get3A_1106, %get3A_1112 : vector<16xf32>
          %add3A_1121 = arith.addf %add3A_1113, %add3A_1114 : vector<16xf32>
          %add3A_1122 = arith.addf %add3A_1115, %add3A_1116 : vector<16xf32>
          %add3A_1123 = arith.addf %add3A_1117, %add3A_1118 : vector<16xf32>
          %add3A_1124 = arith.addf %add3A_1119, %add3A_1120 : vector<16xf32>
          %add3A_1125 = arith.addf %add3A_1121, %add3A_1122 : vector<16xf32>
          %add3A_1126 = arith.addf %add3A_1123, %add3A_1124 : vector<16xf32>
          %add3A_1127 = arith.addf %add3A_1125, %add3A_1126 : vector<16xf32>
          %mul3A_1128 = arith.constant 4 : i32
          %mul3A_1129 = arith.muli %mul3A_29, %mul3A_1128 : i32
          %add3A_1130 = arith.addi %mul3A_1129, %add3A_64 : i32
          %swap3A_1131 = arith.index_cast %add3A_1130 : i32 to index
          %swap3A_1132 = arith.constant 128 : index
          %swap3A_1133 = tpu.vector_load %arg6[%swap3A_1131, %swap3A_1132] {strides = array<i32>} : memref<128x256xf32, #tpu.memory_space<vmem>>, vector<1x16xf32>,
          %swap3A_1134 = vector.shape_cast %swap3A_1133 : vector<1x16xf32> to vector<16xf32>
          %swap3A_1135 = vector.shape_cast %add3A_1127 : vector<16xf32> to vector<1x16xf32>
          tpu.vector_store %arg6[%swap3A_1131, %swap3A_1132], %swap3A_1135 {strides = array<i32>} : memref<128x256xf32, #tpu.memory_space<vmem>>, vector<1x16xf32>,
          %add3A_1136 = arith.constant 0 : i32
          %add3A_1137 = arith.addi %mul3A_66, %add3A_1136 : i32
          %get3A_1138 = arith.index_cast %add3A_1137 : i32 to index
          %get3A_1139 = arith.constant 144 : index
          %get3A_1140 = tpu.vector_load %arg4[%get3A_1138, %get3A_1139] {strides = array<i32>} : memref<64x256xf32, #tpu.memory_space<vmem>>, vector<1x16xf32>,
          %get3A_1141 = vector.shape_cast %get3A_1140 : vector<1x16xf32> to vector<16xf32>
          %add3A_1142 = arith.constant 1 : i32
          %add3A_1143 = arith.addi %mul3A_66, %add3A_1142 : i32
          %get3A_1144 = arith.index_cast %add3A_1143 : i32 to index
          %get3A_1145 = arith.constant 144 : index
          %get3A_1146 = tpu.vector_load %arg4[%get3A_1144, %get3A_1145] {strides = array<i32>} : memref<64x256xf32, #tpu.memory_space<vmem>>, vector<1x16xf32>,
          %get3A_1147 = vector.shape_cast %get3A_1146 : vector<1x16xf32> to vector<16xf32>
          %add3A_1148 = arith.constant 2 : i32
          %add3A_1149 = arith.addi %mul3A_66, %add3A_1148 : i32
          %get3A_1150 = arith.index_cast %add3A_1149 : i32 to index
          %get3A_1151 = arith.constant 144 : index
          %get3A_1152 = tpu.vector_load %arg4[%get3A_1150, %get3A_1151] {strides = array<i32>} : memref<64x256xf32, #tpu.memory_space<vmem>>, vector<1x16xf32>,
          %get3A_1153 = vector.shape_cast %get3A_1152 : vector<1x16xf32> to vector<16xf32>
          %add3A_1154 = arith.constant 3 : i32
          %add3A_1155 = arith.addi %mul3A_66, %add3A_1154 : i32
          %get3A_1156 = arith.index_cast %add3A_1155 : i32 to index
          %get3A_1157 = arith.constant 144 : index
          %get3A_1158 = tpu.vector_load %arg4[%get3A_1156, %get3A_1157] {strides = array<i32>} : memref<64x256xf32, #tpu.memory_space<vmem>>, vector<1x16xf32>,
          %get3A_1159 = vector.shape_cast %get3A_1158 : vector<1x16xf32> to vector<16xf32>
          %add3A_1160 = arith.constant 4 : i32
          %add3A_1161 = arith.addi %mul3A_66, %add3A_1160 : i32
          %get3A_1162 = arith.index_cast %add3A_1161 : i32 to index
          %get3A_1163 = arith.constant 144 : index
          %get3A_1164 = tpu.vector_load %arg4[%get3A_1162, %get3A_1163] {strides = array<i32>} : memref<64x256xf32, #tpu.memory_space<vmem>>, vector<1x16xf32>,
          %get3A_1165 = vector.shape_cast %get3A_1164 : vector<1x16xf32> to vector<16xf32>
          %add3A_1166 = arith.constant 5 : i32
          %add3A_1167 = arith.addi %mul3A_66, %add3A_1166 : i32
          %get3A_1168 = arith.index_cast %add3A_1167 : i32 to index
          %get3A_1169 = arith.constant 144 : index
          %get3A_1170 = tpu.vector_load %arg4[%get3A_1168, %get3A_1169] {strides = array<i32>} : memref<64x256xf32, #tpu.memory_space<vmem>>, vector<1x16xf32>,
          %get3A_1171 = vector.shape_cast %get3A_1170 : vector<1x16xf32> to vector<16xf32>
          %add3A_1172 = arith.constant 6 : i32
          %add3A_1173 = arith.addi %mul3A_66, %add3A_1172 : i32
          %get3A_1174 = arith.index_cast %add3A_1173 : i32 to index
          %get3A_1175 = arith.constant 144 : index
          %get3A_1176 = tpu.vector_load %arg4[%get3A_1174, %get3A_1175] {strides = array<i32>} : memref<64x256xf32, #tpu.memory_space<vmem>>, vector<1x16xf32>,
          %get3A_1177 = vector.shape_cast %get3A_1176 : vector<1x16xf32> to vector<16xf32>
          %add3A_1178 = arith.constant 7 : i32
          %add3A_1179 = arith.addi %mul3A_66, %add3A_1178 : i32
          %get3A_1180 = arith.index_cast %add3A_1179 : i32 to index
          %get3A_1181 = arith.constant 144 : index
          %get3A_1182 = tpu.vector_load %arg4[%get3A_1180, %get3A_1181] {strides = array<i32>} : memref<64x256xf32, #tpu.memory_space<vmem>>, vector<1x16xf32>,
          %get3A_1183 = vector.shape_cast %get3A_1182 : vector<1x16xf32> to vector<16xf32>
          %add3A_1184 = arith.constant 8 : i32
          %add3A_1185 = arith.addi %mul3A_66, %add3A_1184 : i32
          %get3A_1186 = arith.index_cast %add3A_1185 : i32 to index
          %get3A_1187 = arith.constant 144 : index
          %get3A_1188 = tpu.vector_load %arg4[%get3A_1186, %get3A_1187] {strides = array<i32>} : memref<64x256xf32, #tpu.memory_space<vmem>>, vector<1x16xf32>,
          %get3A_1189 = vector.shape_cast %get3A_1188 : vector<1x16xf32> to vector<16xf32>
          %add3A_1190 = arith.constant 9 : i32
          %add3A_1191 = arith.addi %mul3A_66, %add3A_1190 : i32
          %get3A_1192 = arith.index_cast %add3A_1191 : i32 to index
          %get3A_1193 = arith.constant 144 : index
          %get3A_1194 = tpu.vector_load %arg4[%get3A_1192, %get3A_1193] {strides = array<i32>} : memref<64x256xf32, #tpu.memory_space<vmem>>, vector<1x16xf32>,
          %get3A_1195 = vector.shape_cast %get3A_1194 : vector<1x16xf32> to vector<16xf32>
          %add3A_1196 = arith.constant 10 : i32
          %add3A_1197 = arith.addi %mul3A_66, %add3A_1196 : i32
          %get3A_1198 = arith.index_cast %add3A_1197 : i32 to index
          %get3A_1199 = arith.constant 144 : index
          %get3A_1200 = tpu.vector_load %arg4[%get3A_1198, %get3A_1199] {strides = array<i32>} : memref<64x256xf32, #tpu.memory_space<vmem>>, vector<1x16xf32>,
          %get3A_1201 = vector.shape_cast %get3A_1200 : vector<1x16xf32> to vector<16xf32>
          %add3A_1202 = arith.constant 11 : i32
          %add3A_1203 = arith.addi %mul3A_66, %add3A_1202 : i32
          %get3A_1204 = arith.index_cast %add3A_1203 : i32 to index
          %get3A_1205 = arith.constant 144 : index
          %get3A_1206 = tpu.vector_load %arg4[%get3A_1204, %get3A_1205] {strides = array<i32>} : memref<64x256xf32, #tpu.memory_space<vmem>>, vector<1x16xf32>,
          %get3A_1207 = vector.shape_cast %get3A_1206 : vector<1x16xf32> to vector<16xf32>
          %add3A_1208 = arith.constant 12 : i32
          %add3A_1209 = arith.addi %mul3A_66, %add3A_1208 : i32
          %get3A_1210 = arith.index_cast %add3A_1209 : i32 to index
          %get3A_1211 = arith.constant 144 : index
          %get3A_1212 = tpu.vector_load %arg4[%get3A_1210, %get3A_1211] {strides = array<i32>} : memref<64x256xf32, #tpu.memory_space<vmem>>, vector<1x16xf32>,
          %get3A_1213 = vector.shape_cast %get3A_1212 : vector<1x16xf32> to vector<16xf32>
          %add3A_1214 = arith.constant 13 : i32
          %add3A_1215 = arith.addi %mul3A_66, %add3A_1214 : i32
          %get3A_1216 = arith.index_cast %add3A_1215 : i32 to index
          %get3A_1217 = arith.constant 144 : index
          %get3A_1218 = tpu.vector_load %arg4[%get3A_1216, %get3A_1217] {strides = array<i32>} : memref<64x256xf32, #tpu.memory_space<vmem>>, vector<1x16xf32>,
          %get3A_1219 = vector.shape_cast %get3A_1218 : vector<1x16xf32> to vector<16xf32>
          %add3A_1220 = arith.constant 14 : i32
          %add3A_1221 = arith.addi %mul3A_66, %add3A_1220 : i32
          %get3A_1222 = arith.index_cast %add3A_1221 : i32 to index
          %get3A_1223 = arith.constant 144 : index
          %get3A_1224 = tpu.vector_load %arg4[%get3A_1222, %get3A_1223] {strides = array<i32>} : memref<64x256xf32, #tpu.memory_space<vmem>>, vector<1x16xf32>,
          %get3A_1225 = vector.shape_cast %get3A_1224 : vector<1x16xf32> to vector<16xf32>
          %add3A_1226 = arith.constant 15 : i32
          %add3A_1227 = arith.addi %mul3A_66, %add3A_1226 : i32
          %get3A_1228 = arith.index_cast %add3A_1227 : i32 to index
          %get3A_1229 = arith.constant 144 : index
          %get3A_1230 = tpu.vector_load %arg4[%get3A_1228, %get3A_1229] {strides = array<i32>} : memref<64x256xf32, #tpu.memory_space<vmem>>, vector<1x16xf32>,
          %get3A_1231 = vector.shape_cast %get3A_1230 : vector<1x16xf32> to vector<16xf32>
          %add3A_1232 = arith.addf %get3A_1141, %get3A_1147 : vector<16xf32>
          %add3A_1233 = arith.addf %get3A_1153, %get3A_1159 : vector<16xf32>
          %add3A_1234 = arith.addf %get3A_1165, %get3A_1171 : vector<16xf32>
          %add3A_1235 = arith.addf %get3A_1177, %get3A_1183 : vector<16xf32>
          %add3A_1236 = arith.addf %get3A_1189, %get3A_1195 : vector<16xf32>
          %add3A_1237 = arith.addf %get3A_1201, %get3A_1207 : vector<16xf32>
          %add3A_1238 = arith.addf %get3A_1213, %get3A_1219 : vector<16xf32>
          %add3A_1239 = arith.addf %get3A_1225, %get3A_1231 : vector<16xf32>
          %add3A_1240 = arith.addf %add3A_1232, %add3A_1233 : vector<16xf32>
          %add3A_1241 = arith.addf %add3A_1234, %add3A_1235 : vector<16xf32>
          %add3A_1242 = arith.addf %add3A_1236, %add3A_1237 : vector<16xf32>
          %add3A_1243 = arith.addf %add3A_1238, %add3A_1239 : vector<16xf32>
          %add3A_1244 = arith.addf %add3A_1240, %add3A_1241 : vector<16xf32>
          %add3A_1245 = arith.addf %add3A_1242, %add3A_1243 : vector<16xf32>
          %add3A_1246 = arith.addf %add3A_1244, %add3A_1245 : vector<16xf32>
          %mul3A_1247 = arith.constant 4 : i32
          %mul3A_1248 = arith.muli %mul3A_29, %mul3A_1247 : i32
          %add3A_1249 = arith.addi %mul3A_1248, %add3A_64 : i32
          %swap3A_1250 = arith.index_cast %add3A_1249 : i32 to index
          %swap3A_1251 = arith.constant 144 : index
          %swap3A_1252 = tpu.vector_load %arg6[%swap3A_1250, %swap3A_1251] {strides = array<i32>} : memref<128x256xf32, #tpu.memory_space<vmem>>, vector<1x16xf32>,
          %swap3A_1253 = vector.shape_cast %swap3A_1252 : vector<1x16xf32> to vector<16xf32>
          %swap3A_1254 = vector.shape_cast %add3A_1246 : vector<16xf32> to vector<1x16xf32>
          tpu.vector_store %arg6[%swap3A_1250, %swap3A_1251], %swap3A_1254 {strides = array<i32>} : memref<128x256xf32, #tpu.memory_space<vmem>>, vector<1x16xf32>,
          %add3A_1255 = arith.constant 0 : i32
          %add3A_1256 = arith.addi %mul3A_66, %add3A_1255 : i32
          %get3A_1257 = arith.index_cast %add3A_1256 : i32 to index
          %get3A_1258 = arith.constant 160 : index
          %get3A_1259 = tpu.vector_load %arg4[%get3A_1257, %get3A_1258] {strides = array<i32>} : memref<64x256xf32, #tpu.memory_space<vmem>>, vector<1x16xf32>,
          %get3A_1260 = vector.shape_cast %get3A_1259 : vector<1x16xf32> to vector<16xf32>
          %add3A_1261 = arith.constant 1 : i32
          %add3A_1262 = arith.addi %mul3A_66, %add3A_1261 : i32
          %get3A_1263 = arith.index_cast %add3A_1262 : i32 to index
          %get3A_1264 = arith.constant 160 : index
          %get3A_1265 = tpu.vector_load %arg4[%get3A_1263, %get3A_1264] {strides = array<i32>} : memref<64x256xf32, #tpu.memory_space<vmem>>, vector<1x16xf32>,
          %get3A_1266 = vector.shape_cast %get3A_1265 : vector<1x16xf32> to vector<16xf32>
          %add3A_1267 = arith.constant 2 : i32
          %add3A_1268 = arith.addi %mul3A_66, %add3A_1267 : i32
          %get3A_1269 = arith.index_cast %add3A_1268 : i32 to index
          %get3A_1270 = arith.constant 160 : index
          %get3A_1271 = tpu.vector_load %arg4[%get3A_1269, %get3A_1270] {strides = array<i32>} : memref<64x256xf32, #tpu.memory_space<vmem>>, vector<1x16xf32>,
          %get3A_1272 = vector.shape_cast %get3A_1271 : vector<1x16xf32> to vector<16xf32>
          %add3A_1273 = arith.constant 3 : i32
          %add3A_1274 = arith.addi %mul3A_66, %add3A_1273 : i32
          %get3A_1275 = arith.index_cast %add3A_1274 : i32 to index
          %get3A_1276 = arith.constant 160 : index
          %get3A_1277 = tpu.vector_load %arg4[%get3A_1275, %get3A_1276] {strides = array<i32>} : memref<64x256xf32, #tpu.memory_space<vmem>>, vector<1x16xf32>,
          %get3A_1278 = vector.shape_cast %get3A_1277 : vector<1x16xf32> to vector<16xf32>
          %add3A_1279 = arith.constant 4 : i32
          %add3A_1280 = arith.addi %mul3A_66, %add3A_1279 : i32
          %get3A_1281 = arith.index_cast %add3A_1280 : i32 to index
          %get3A_1282 = arith.constant 160 : index
          %get3A_1283 = tpu.vector_load %arg4[%get3A_1281, %get3A_1282] {strides = array<i32>} : memref<64x256xf32, #tpu.memory_space<vmem>>, vector<1x16xf32>,
          %get3A_1284 = vector.shape_cast %get3A_1283 : vector<1x16xf32> to vector<16xf32>
          %add3A_1285 = arith.constant 5 : i32
          %add3A_1286 = arith.addi %mul3A_66, %add3A_1285 : i32
          %get3A_1287 = arith.index_cast %add3A_1286 : i32 to index
          %get3A_1288 = arith.constant 160 : index
          %get3A_1289 = tpu.vector_load %arg4[%get3A_1287, %get3A_1288] {strides = array<i32>} : memref<64x256xf32, #tpu.memory_space<vmem>>, vector<1x16xf32>,
          %get3A_1290 = vector.shape_cast %get3A_1289 : vector<1x16xf32> to vector<16xf32>
          %add3A_1291 = arith.constant 6 : i32
          %add3A_1292 = arith.addi %mul3A_66, %add3A_1291 : i32
          %get3A_1293 = arith.index_cast %add3A_1292 : i32 to index
          %get3A_1294 = arith.constant 160 : index
          %get3A_1295 = tpu.vector_load %arg4[%get3A_1293, %get3A_1294] {strides = array<i32>} : memref<64x256xf32, #tpu.memory_space<vmem>>, vector<1x16xf32>,
          %get3A_1296 = vector.shape_cast %get3A_1295 : vector<1x16xf32> to vector<16xf32>
          %add3A_1297 = arith.constant 7 : i32
          %add3A_1298 = arith.addi %mul3A_66, %add3A_1297 : i32
          %get3A_1299 = arith.index_cast %add3A_1298 : i32 to index
          %get3A_1300 = arith.constant 160 : index
          %get3A_1301 = tpu.vector_load %arg4[%get3A_1299, %get3A_1300] {strides = array<i32>} : memref<64x256xf32, #tpu.memory_space<vmem>>, vector<1x16xf32>,
          %get3A_1302 = vector.shape_cast %get3A_1301 : vector<1x16xf32> to vector<16xf32>
          %add3A_1303 = arith.constant 8 : i32
          %add3A_1304 = arith.addi %mul3A_66, %add3A_1303 : i32
          %get3A_1305 = arith.index_cast %add3A_1304 : i32 to index
          %get3A_1306 = arith.constant 160 : index
          %get3A_1307 = tpu.vector_load %arg4[%get3A_1305, %get3A_1306] {strides = array<i32>} : memref<64x256xf32, #tpu.memory_space<vmem>>, vector<1x16xf32>,
          %get3A_1308 = vector.shape_cast %get3A_1307 : vector<1x16xf32> to vector<16xf32>
          %add3A_1309 = arith.constant 9 : i32
          %add3A_1310 = arith.addi %mul3A_66, %add3A_1309 : i32
          %get3A_1311 = arith.index_cast %add3A_1310 : i32 to index
          %get3A_1312 = arith.constant 160 : index
          %get3A_1313 = tpu.vector_load %arg4[%get3A_1311, %get3A_1312] {strides = array<i32>} : memref<64x256xf32, #tpu.memory_space<vmem>>, vector<1x16xf32>,
          %get3A_1314 = vector.shape_cast %get3A_1313 : vector<1x16xf32> to vector<16xf32>
          %add3A_1315 = arith.constant 10 : i32
          %add3A_1316 = arith.addi %mul3A_66, %add3A_1315 : i32
          %get3A_1317 = arith.index_cast %add3A_1316 : i32 to index
          %get3A_1318 = arith.constant 160 : index
          %get3A_1319 = tpu.vector_load %arg4[%get3A_1317, %get3A_1318] {strides = array<i32>} : memref<64x256xf32, #tpu.memory_space<vmem>>, vector<1x16xf32>,
          %get3A_1320 = vector.shape_cast %get3A_1319 : vector<1x16xf32> to vector<16xf32>
          %add3A_1321 = arith.constant 11 : i32
          %add3A_1322 = arith.addi %mul3A_66, %add3A_1321 : i32
          %get3A_1323 = arith.index_cast %add3A_1322 : i32 to index
          %get3A_1324 = arith.constant 160 : index
          %get3A_1325 = tpu.vector_load %arg4[%get3A_1323, %get3A_1324] {strides = array<i32>} : memref<64x256xf32, #tpu.memory_space<vmem>>, vector<1x16xf32>,
          %get3A_1326 = vector.shape_cast %get3A_1325 : vector<1x16xf32> to vector<16xf32>
          %add3A_1327 = arith.constant 12 : i32
          %add3A_1328 = arith.addi %mul3A_66, %add3A_1327 : i32
          %get3A_1329 = arith.index_cast %add3A_1328 : i32 to index
          %get3A_1330 = arith.constant 160 : index
          %get3A_1331 = tpu.vector_load %arg4[%get3A_1329, %get3A_1330] {strides = array<i32>} : memref<64x256xf32, #tpu.memory_space<vmem>>, vector<1x16xf32>,
          %get3A_1332 = vector.shape_cast %get3A_1331 : vector<1x16xf32> to vector<16xf32>
          %add3A_1333 = arith.constant 13 : i32
          %add3A_1334 = arith.addi %mul3A_66, %add3A_1333 : i32
          %get3A_1335 = arith.index_cast %add3A_1334 : i32 to index
          %get3A_1336 = arith.constant 160 : index
          %get3A_1337 = tpu.vector_load %arg4[%get3A_1335, %get3A_1336] {strides = array<i32>} : memref<64x256xf32, #tpu.memory_space<vmem>>, vector<1x16xf32>,
          %get3A_1338 = vector.shape_cast %get3A_1337 : vector<1x16xf32> to vector<16xf32>
          %add3A_1339 = arith.constant 14 : i32
          %add3A_1340 = arith.addi %mul3A_66, %add3A_1339 : i32
          %get3A_1341 = arith.index_cast %add3A_1340 : i32 to index
          %get3A_1342 = arith.constant 160 : index
          %get3A_1343 = tpu.vector_load %arg4[%get3A_1341, %get3A_1342] {strides = array<i32>} : memref<64x256xf32, #tpu.memory_space<vmem>>, vector<1x16xf32>,
          %get3A_1344 = vector.shape_cast %get3A_1343 : vector<1x16xf32> to vector<16xf32>
          %add3A_1345 = arith.constant 15 : i32
          %add3A_1346 = arith.addi %mul3A_66, %add3A_1345 : i32
          %get3A_1347 = arith.index_cast %add3A_1346 : i32 to index
          %get3A_1348 = arith.constant 160 : index
          %get3A_1349 = tpu.vector_load %arg4[%get3A_1347, %get3A_1348] {strides = array<i32>} : memref<64x256xf32, #tpu.memory_space<vmem>>, vector<1x16xf32>,
          %get3A_1350 = vector.shape_cast %get3A_1349 : vector<1x16xf32> to vector<16xf32>
          %add3A_1351 = arith.addf %get3A_1260, %get3A_1266 : vector<16xf32>
          %add3A_1352 = arith.addf %get3A_1272, %get3A_1278 : vector<16xf32>
          %add3A_1353 = arith.addf %get3A_1284, %get3A_1290 : vector<16xf32>
          %add3A_1354 = arith.addf %get3A_1296, %get3A_1302 : vector<16xf32>
          %add3A_1355 = arith.addf %get3A_1308, %get3A_1314 : vector<16xf32>
          %add3A_1356 = arith.addf %get3A_1320, %get3A_1326 : vector<16xf32>
          %add3A_1357 = arith.addf %get3A_1332, %get3A_1338 : vector<16xf32>
          %add3A_1358 = arith.addf %get3A_1344, %get3A_1350 : vector<16xf32>
          %add3A_1359 = arith.addf %add3A_1351, %add3A_1352 : vector<16xf32>
          %add3A_1360 = arith.addf %add3A_1353, %add3A_1354 : vector<16xf32>
          %add3A_1361 = arith.addf %add3A_1355, %add3A_1356 : vector<16xf32>
          %add3A_1362 = arith.addf %add3A_1357, %add3A_1358 : vector<16xf32>
          %add3A_1363 = arith.addf %add3A_1359, %add3A_1360 : vector<16xf32>
          %add3A_1364 = arith.addf %add3A_1361, %add3A_1362 : vector<16xf32>
          %add3A_1365 = arith.addf %add3A_1363, %add3A_1364 : vector<16xf32>
          %mul3A_1366 = arith.constant 4 : i32
          %mul3A_1367 = arith.muli %mul3A_29, %mul3A_1366 : i32
          %add3A_1368 = arith.addi %mul3A_1367, %add3A_64 : i32
          %swap3A_1369 = arith.index_cast %add3A_1368 : i32 to index
          %swap3A_1370 = arith.constant 160 : index
          %swap3A_1371 = tpu.vector_load %arg6[%swap3A_1369, %swap3A_1370] {strides = array<i32>} : memref<128x256xf32, #tpu.memory_space<vmem>>, vector<1x16xf32>,
          %swap3A_1372 = vector.shape_cast %swap3A_1371 : vector<1x16xf32> to vector<16xf32>
          %swap3A_1373 = vector.shape_cast %add3A_1365 : vector<16xf32> to vector<1x16xf32>
          tpu.vector_store %arg6[%swap3A_1369, %swap3A_1370], %swap3A_1373 {strides = array<i32>} : memref<128x256xf32, #tpu.memory_space<vmem>>, vector<1x16xf32>,
          %add3A_1374 = arith.constant 0 : i32
          %add3A_1375 = arith.addi %mul3A_66, %add3A_1374 : i32
          %get3A_1376 = arith.index_cast %add3A_1375 : i32 to index
          %get3A_1377 = arith.constant 176 : index
          %get3A_1378 = tpu.vector_load %arg4[%get3A_1376, %get3A_1377] {strides = array<i32>} : memref<64x256xf32, #tpu.memory_space<vmem>>, vector<1x16xf32>,
          %get3A_1379 = vector.shape_cast %get3A_1378 : vector<1x16xf32> to vector<16xf32>
          %add3A_1380 = arith.constant 1 : i32
          %add3A_1381 = arith.addi %mul3A_66, %add3A_1380 : i32
          %get3A_1382 = arith.index_cast %add3A_1381 : i32 to index
          %get3A_1383 = arith.constant 176 : index
          %get3A_1384 = tpu.vector_load %arg4[%get3A_1382, %get3A_1383] {strides = array<i32>} : memref<64x256xf32, #tpu.memory_space<vmem>>, vector<1x16xf32>,
          %get3A_1385 = vector.shape_cast %get3A_1384 : vector<1x16xf32> to vector<16xf32>
          %add3A_1386 = arith.constant 2 : i32
          %add3A_1387 = arith.addi %mul3A_66, %add3A_1386 : i32
          %get3A_1388 = arith.index_cast %add3A_1387 : i32 to index
          %get3A_1389 = arith.constant 176 : index
          %get3A_1390 = tpu.vector_load %arg4[%get3A_1388, %get3A_1389] {strides = array<i32>} : memref<64x256xf32, #tpu.memory_space<vmem>>, vector<1x16xf32>,
          %get3A_1391 = vector.shape_cast %get3A_1390 : vector<1x16xf32> to vector<16xf32>
          %add3A_1392 = arith.constant 3 : i32
          %add3A_1393 = arith.addi %mul3A_66, %add3A_1392 : i32
          %get3A_1394 = arith.index_cast %add3A_1393 : i32 to index
          %get3A_1395 = arith.constant 176 : index
          %get3A_1396 = tpu.vector_load %arg4[%get3A_1394, %get3A_1395] {strides = array<i32>} : memref<64x256xf32, #tpu.memory_space<vmem>>, vector<1x16xf32>,
          %get3A_1397 = vector.shape_cast %get3A_1396 : vector<1x16xf32> to vector<16xf32>
          %add3A_1398 = arith.constant 4 : i32
          %add3A_1399 = arith.addi %mul3A_66, %add3A_1398 : i32
          %get3A_1400 = arith.index_cast %add3A_1399 : i32 to index
          %get3A_1401 = arith.constant 176 : index
          %get3A_1402 = tpu.vector_load %arg4[%get3A_1400, %get3A_1401] {strides = array<i32>} : memref<64x256xf32, #tpu.memory_space<vmem>>, vector<1x16xf32>,
          %get3A_1403 = vector.shape_cast %get3A_1402 : vector<1x16xf32> to vector<16xf32>
          %add3A_1404 = arith.constant 5 : i32
          %add3A_1405 = arith.addi %mul3A_66, %add3A_1404 : i32
          %get3A_1406 = arith.index_cast %add3A_1405 : i32 to index
          %get3A_1407 = arith.constant 176 : index
          %get3A_1408 = tpu.vector_load %arg4[%get3A_1406, %get3A_1407] {strides = array<i32>} : memref<64x256xf32, #tpu.memory_space<vmem>>, vector<1x16xf32>,
          %get3A_1409 = vector.shape_cast %get3A_1408 : vector<1x16xf32> to vector<16xf32>
          %add3A_1410 = arith.constant 6 : i32
          %add3A_1411 = arith.addi %mul3A_66, %add3A_1410 : i32
          %get3A_1412 = arith.index_cast %add3A_1411 : i32 to index
          %get3A_1413 = arith.constant 176 : index
          %get3A_1414 = tpu.vector_load %arg4[%get3A_1412, %get3A_1413] {strides = array<i32>} : memref<64x256xf32, #tpu.memory_space<vmem>>, vector<1x16xf32>,
          %get3A_1415 = vector.shape_cast %get3A_1414 : vector<1x16xf32> to vector<16xf32>
          %add3A_1416 = arith.constant 7 : i32
          %add3A_1417 = arith.addi %mul3A_66, %add3A_1416 : i32
          %get3A_1418 = arith.index_cast %add3A_1417 : i32 to index
          %get3A_1419 = arith.constant 176 : index
          %get3A_1420 = tpu.vector_load %arg4[%get3A_1418, %get3A_1419] {strides = array<i32>} : memref<64x256xf32, #tpu.memory_space<vmem>>, vector<1x16xf32>,
          %get3A_1421 = vector.shape_cast %get3A_1420 : vector<1x16xf32> to vector<16xf32>
          %add3A_1422 = arith.constant 8 : i32
          %add3A_1423 = arith.addi %mul3A_66, %add3A_1422 : i32
          %get3A_1424 = arith.index_cast %add3A_1423 : i32 to index
          %get3A_1425 = arith.constant 176 : index
          %get3A_1426 = tpu.vector_load %arg4[%get3A_1424, %get3A_1425] {strides = array<i32>} : memref<64x256xf32, #tpu.memory_space<vmem>>, vector<1x16xf32>,
          %get3A_1427 = vector.shape_cast %get3A_1426 : vector<1x16xf32> to vector<16xf32>
          %add3A_1428 = arith.constant 9 : i32
          %add3A_1429 = arith.addi %mul3A_66, %add3A_1428 : i32
          %get3A_1430 = arith.index_cast %add3A_1429 : i32 to index
          %get3A_1431 = arith.constant 176 : index
          %get3A_1432 = tpu.vector_load %arg4[%get3A_1430, %get3A_1431] {strides = array<i32>} : memref<64x256xf32, #tpu.memory_space<vmem>>, vector<1x16xf32>,
          %get3A_1433 = vector.shape_cast %get3A_1432 : vector<1x16xf32> to vector<16xf32>
          %add3A_1434 = arith.constant 10 : i32
          %add3A_1435 = arith.addi %mul3A_66, %add3A_1434 : i32
          %get3A_1436 = arith.index_cast %add3A_1435 : i32 to index
          %get3A_1437 = arith.constant 176 : index
          %get3A_1438 = tpu.vector_load %arg4[%get3A_1436, %get3A_1437] {strides = array<i32>} : memref<64x256xf32, #tpu.memory_space<vmem>>, vector<1x16xf32>,
          %get3A_1439 = vector.shape_cast %get3A_1438 : vector<1x16xf32> to vector<16xf32>
          %add3A_1440 = arith.constant 11 : i32
          %add3A_1441 = arith.addi %mul3A_66, %add3A_1440 : i32
          %get3A_1442 = arith.index_cast %add3A_1441 : i32 to index
          %get3A_1443 = arith.constant 176 : index
          %get3A_1444 = tpu.vector_load %arg4[%get3A_1442, %get3A_1443] {strides = array<i32>} : memref<64x256xf32, #tpu.memory_space<vmem>>, vector<1x16xf32>,
          %get3A_1445 = vector.shape_cast %get3A_1444 : vector<1x16xf32> to vector<16xf32>
          %add3A_1446 = arith.constant 12 : i32
          %add3A_1447 = arith.addi %mul3A_66, %add3A_1446 : i32
          %get3A_1448 = arith.index_cast %add3A_1447 : i32 to index
          %get3A_1449 = arith.constant 176 : index
          %get3A_1450 = tpu.vector_load %arg4[%get3A_1448, %get3A_1449] {strides = array<i32>} : memref<64x256xf32, #tpu.memory_space<vmem>>, vector<1x16xf32>,
          %get3A_1451 = vector.shape_cast %get3A_1450 : vector<1x16xf32> to vector<16xf32>
          %add3A_1452 = arith.constant 13 : i32
          %add3A_1453 = arith.addi %mul3A_66, %add3A_1452 : i32
          %get3A_1454 = arith.index_cast %add3A_1453 : i32 to index
          %get3A_1455 = arith.constant 176 : index
          %get3A_1456 = tpu.vector_load %arg4[%get3A_1454, %get3A_1455] {strides = array<i32>} : memref<64x256xf32, #tpu.memory_space<vmem>>, vector<1x16xf32>,
          %get3A_1457 = vector.shape_cast %get3A_1456 : vector<1x16xf32> to vector<16xf32>
          %add3A_1458 = arith.constant 14 : i32
          %add3A_1459 = arith.addi %mul3A_66, %add3A_1458 : i32
          %get3A_1460 = arith.index_cast %add3A_1459 : i32 to index
          %get3A_1461 = arith.constant 176 : index
          %get3A_1462 = tpu.vector_load %arg4[%get3A_1460, %get3A_1461] {strides = array<i32>} : memref<64x256xf32, #tpu.memory_space<vmem>>, vector<1x16xf32>,
          %get3A_1463 = vector.shape_cast %get3A_1462 : vector<1x16xf32> to vector<16xf32>
          %add3A_1464 = arith.constant 15 : i32
          %add3A_1465 = arith.addi %mul3A_66, %add3A_1464 : i32
          %get3A_1466 = arith.index_cast %add3A_1465 : i32 to index
          %get3A_1467 = arith.constant 176 : index
          %get3A_1468 = tpu.vector_load %arg4[%get3A_1466, %get3A_1467] {strides = array<i32>} : memref<64x256xf32, #tpu.memory_space<vmem>>, vector<1x16xf32>,
          %get3A_1469 = vector.shape_cast %get3A_1468 : vector<1x16xf32> to vector<16xf32>
          %add3A_1470 = arith.addf %get3A_1379, %get3A_1385 : vector<16xf32>
          %add3A_1471 = arith.addf %get3A_1391, %get3A_1397 : vector<16xf32>
          %add3A_1472 = arith.addf %get3A_1403, %get3A_1409 : vector<16xf32>
          %add3A_1473 = arith.addf %get3A_1415, %get3A_1421 : vector<16xf32>
          %add3A_1474 = arith.addf %get3A_1427, %get3A_1433 : vector<16xf32>
          %add3A_1475 = arith.addf %get3A_1439, %get3A_1445 : vector<16xf32>
          %add3A_1476 = arith.addf %get3A_1451, %get3A_1457 : vector<16xf32>
          %add3A_1477 = arith.addf %get3A_1463, %get3A_1469 : vector<16xf32>
          %add3A_1478 = arith.addf %add3A_1470, %add3A_1471 : vector<16xf32>
          %add3A_1479 = arith.addf %add3A_1472, %add3A_1473 : vector<16xf32>
          %add3A_1480 = arith.addf %add3A_1474, %add3A_1475 : vector<16xf32>
          %add3A_1481 = arith.addf %add3A_1476, %add3A_1477 : vector<16xf32>
          %add3A_1482 = arith.addf %add3A_1478, %add3A_1479 : vector<16xf32>
          %add3A_1483 = arith.addf %add3A_1480, %add3A_1481 : vector<16xf32>
          %add3A_1484 = arith.addf %add3A_1482, %add3A_1483 : vector<16xf32>
          %mul3A_1485 = arith.constant 4 : i32
          %mul3A_1486 = arith.muli %mul3A_29, %mul3A_1485 : i32
          %add3A_1487 = arith.addi %mul3A_1486, %add3A_64 : i32
          %swap3A_1488 = arith.index_cast %add3A_1487 : i32 to index
          %swap3A_1489 = arith.constant 176 : index
          %swap3A_1490 = tpu.vector_load %arg6[%swap3A_1488, %swap3A_1489] {strides = array<i32>} : memref<128x256xf32, #tpu.memory_space<vmem>>, vector<1x16xf32>,
          %swap3A_1491 = vector.shape_cast %swap3A_1490 : vector<1x16xf32> to vector<16xf32>
          %swap3A_1492 = vector.shape_cast %add3A_1484 : vector<16xf32> to vector<1x16xf32>
          tpu.vector_store %arg6[%swap3A_1488, %swap3A_1489], %swap3A_1492 {strides = array<i32>} : memref<128x256xf32, #tpu.memory_space<vmem>>, vector<1x16xf32>,
          %add3A_1493 = arith.constant 0 : i32
          %add3A_1494 = arith.addi %mul3A_66, %add3A_1493 : i32
          %get3A_1495 = arith.index_cast %add3A_1494 : i32 to index
          %get3A_1496 = arith.constant 192 : index
          %get3A_1497 = tpu.vector_load %arg4[%get3A_1495, %get3A_1496] {strides = array<i32>} : memref<64x256xf32, #tpu.memory_space<vmem>>, vector<1x16xf32>,
          %get3A_1498 = vector.shape_cast %get3A_1497 : vector<1x16xf32> to vector<16xf32>
          %add3A_1499 = arith.constant 1 : i32
          %add3A_1500 = arith.addi %mul3A_66, %add3A_1499 : i32
          %get3A_1501 = arith.index_cast %add3A_1500 : i32 to index
          %get3A_1502 = arith.constant 192 : index
          %get3A_1503 = tpu.vector_load %arg4[%get3A_1501, %get3A_1502] {strides = array<i32>} : memref<64x256xf32, #tpu.memory_space<vmem>>, vector<1x16xf32>,
          %get3A_1504 = vector.shape_cast %get3A_1503 : vector<1x16xf32> to vector<16xf32>
          %add3A_1505 = arith.constant 2 : i32
          %add3A_1506 = arith.addi %mul3A_66, %add3A_1505 : i32
          %get3A_1507 = arith.index_cast %add3A_1506 : i32 to index
          %get3A_1508 = arith.constant 192 : index
          %get3A_1509 = tpu.vector_load %arg4[%get3A_1507, %get3A_1508] {strides = array<i32>} : memref<64x256xf32, #tpu.memory_space<vmem>>, vector<1x16xf32>,
          %get3A_1510 = vector.shape_cast %get3A_1509 : vector<1x16xf32> to vector<16xf32>
          %add3A_1511 = arith.constant 3 : i32
          %add3A_1512 = arith.addi %mul3A_66, %add3A_1511 : i32
          %get3A_1513 = arith.index_cast %add3A_1512 : i32 to index
          %get3A_1514 = arith.constant 192 : index
          %get3A_1515 = tpu.vector_load %arg4[%get3A_1513, %get3A_1514] {strides = array<i32>} : memref<64x256xf32, #tpu.memory_space<vmem>>, vector<1x16xf32>,
          %get3A_1516 = vector.shape_cast %get3A_1515 : vector<1x16xf32> to vector<16xf32>
          %add3A_1517 = arith.constant 4 : i32
          %add3A_1518 = arith.addi %mul3A_66, %add3A_1517 : i32
          %get3A_1519 = arith.index_cast %add3A_1518 : i32 to index
          %get3A_1520 = arith.constant 192 : index
          %get3A_1521 = tpu.vector_load %arg4[%get3A_1519, %get3A_1520] {strides = array<i32>} : memref<64x256xf32, #tpu.memory_space<vmem>>, vector<1x16xf32>,
          %get3A_1522 = vector.shape_cast %get3A_1521 : vector<1x16xf32> to vector<16xf32>
          %add3A_1523 = arith.constant 5 : i32
          %add3A_1524 = arith.addi %mul3A_66, %add3A_1523 : i32
          %get3A_1525 = arith.index_cast %add3A_1524 : i32 to index
          %get3A_1526 = arith.constant 192 : index
          %get3A_1527 = tpu.vector_load %arg4[%get3A_1525, %get3A_1526] {strides = array<i32>} : memref<64x256xf32, #tpu.memory_space<vmem>>, vector<1x16xf32>,
          %get3A_1528 = vector.shape_cast %get3A_1527 : vector<1x16xf32> to vector<16xf32>
          %add3A_1529 = arith.constant 6 : i32
          %add3A_1530 = arith.addi %mul3A_66, %add3A_1529 : i32
          %get3A_1531 = arith.index_cast %add3A_1530 : i32 to index
          %get3A_1532 = arith.constant 192 : index
          %get3A_1533 = tpu.vector_load %arg4[%get3A_1531, %get3A_1532] {strides = array<i32>} : memref<64x256xf32, #tpu.memory_space<vmem>>, vector<1x16xf32>,
          %get3A_1534 = vector.shape_cast %get3A_1533 : vector<1x16xf32> to vector<16xf32>
          %add3A_1535 = arith.constant 7 : i32
          %add3A_1536 = arith.addi %mul3A_66, %add3A_1535 : i32
          %get3A_1537 = arith.index_cast %add3A_1536 : i32 to index
          %get3A_1538 = arith.constant 192 : index
          %get3A_1539 = tpu.vector_load %arg4[%get3A_1537, %get3A_1538] {strides = array<i32>} : memref<64x256xf32, #tpu.memory_space<vmem>>, vector<1x16xf32>,
          %get3A_1540 = vector.shape_cast %get3A_1539 : vector<1x16xf32> to vector<16xf32>
          %add3A_1541 = arith.constant 8 : i32
          %add3A_1542 = arith.addi %mul3A_66, %add3A_1541 : i32
          %get3A_1543 = arith.index_cast %add3A_1542 : i32 to index
          %get3A_1544 = arith.constant 192 : index
          %get3A_1545 = tpu.vector_load %arg4[%get3A_1543, %get3A_1544] {strides = array<i32>} : memref<64x256xf32, #tpu.memory_space<vmem>>, vector<1x16xf32>,
          %get3A_1546 = vector.shape_cast %get3A_1545 : vector<1x16xf32> to vector<16xf32>
          %add3A_1547 = arith.constant 9 : i32
          %add3A_1548 = arith.addi %mul3A_66, %add3A_1547 : i32
          %get3A_1549 = arith.index_cast %add3A_1548 : i32 to index
          %get3A_1550 = arith.constant 192 : index
          %get3A_1551 = tpu.vector_load %arg4[%get3A_1549, %get3A_1550] {strides = array<i32>} : memref<64x256xf32, #tpu.memory_space<vmem>>, vector<1x16xf32>,
          %get3A_1552 = vector.shape_cast %get3A_1551 : vector<1x16xf32> to vector<16xf32>
          %add3A_1553 = arith.constant 10 : i32
          %add3A_1554 = arith.addi %mul3A_66, %add3A_1553 : i32
          %get3A_1555 = arith.index_cast %add3A_1554 : i32 to index
          %get3A_1556 = arith.constant 192 : index
          %get3A_1557 = tpu.vector_load %arg4[%get3A_1555, %get3A_1556] {strides = array<i32>} : memref<64x256xf32, #tpu.memory_space<vmem>>, vector<1x16xf32>,
          %get3A_1558 = vector.shape_cast %get3A_1557 : vector<1x16xf32> to vector<16xf32>
          %add3A_1559 = arith.constant 11 : i32
          %add3A_1560 = arith.addi %mul3A_66, %add3A_1559 : i32
          %get3A_1561 = arith.index_cast %add3A_1560 : i32 to index
          %get3A_1562 = arith.constant 192 : index
          %get3A_1563 = tpu.vector_load %arg4[%get3A_1561, %get3A_1562] {strides = array<i32>} : memref<64x256xf32, #tpu.memory_space<vmem>>, vector<1x16xf32>,
          %get3A_1564 = vector.shape_cast %get3A_1563 : vector<1x16xf32> to vector<16xf32>
          %add3A_1565 = arith.constant 12 : i32
          %add3A_1566 = arith.addi %mul3A_66, %add3A_1565 : i32
          %get3A_1567 = arith.index_cast %add3A_1566 : i32 to index
          %get3A_1568 = arith.constant 192 : index
          %get3A_1569 = tpu.vector_load %arg4[%get3A_1567, %get3A_1568] {strides = array<i32>} : memref<64x256xf32, #tpu.memory_space<vmem>>, vector<1x16xf32>,
          %get3A_1570 = vector.shape_cast %get3A_1569 : vector<1x16xf32> to vector<16xf32>
          %add3A_1571 = arith.constant 13 : i32
          %add3A_1572 = arith.addi %mul3A_66, %add3A_1571 : i32
          %get3A_1573 = arith.index_cast %add3A_1572 : i32 to index
          %get3A_1574 = arith.constant 192 : index
          %get3A_1575 = tpu.vector_load %arg4[%get3A_1573, %get3A_1574] {strides = array<i32>} : memref<64x256xf32, #tpu.memory_space<vmem>>, vector<1x16xf32>,
          %get3A_1576 = vector.shape_cast %get3A_1575 : vector<1x16xf32> to vector<16xf32>
          %add3A_1577 = arith.constant 14 : i32
          %add3A_1578 = arith.addi %mul3A_66, %add3A_1577 : i32
          %get3A_1579 = arith.index_cast %add3A_1578 : i32 to index
          %get3A_1580 = arith.constant 192 : index
          %get3A_1581 = tpu.vector_load %arg4[%get3A_1579, %get3A_1580] {strides = array<i32>} : memref<64x256xf32, #tpu.memory_space<vmem>>, vector<1x16xf32>,
          %get3A_1582 = vector.shape_cast %get3A_1581 : vector<1x16xf32> to vector<16xf32>
          %add3A_1583 = arith.constant 15 : i32
          %add3A_1584 = arith.addi %mul3A_66, %add3A_1583 : i32
          %get3A_1585 = arith.index_cast %add3A_1584 : i32 to index
          %get3A_1586 = arith.constant 192 : index
          %get3A_1587 = tpu.vector_load %arg4[%get3A_1585, %get3A_1586] {strides = array<i32>} : memref<64x256xf32, #tpu.memory_space<vmem>>, vector<1x16xf32>,
          %get3A_1588 = vector.shape_cast %get3A_1587 : vector<1x16xf32> to vector<16xf32>
          %add3A_1589 = arith.addf %get3A_1498, %get3A_1504 : vector<16xf32>
          %add3A_1590 = arith.addf %get3A_1510, %get3A_1516 : vector<16xf32>
          %add3A_1591 = arith.addf %get3A_1522, %get3A_1528 : vector<16xf32>
          %add3A_1592 = arith.addf %get3A_1534, %get3A_1540 : vector<16xf32>
          %add3A_1593 = arith.addf %get3A_1546, %get3A_1552 : vector<16xf32>
          %add3A_1594 = arith.addf %get3A_1558, %get3A_1564 : vector<16xf32>
          %add3A_1595 = arith.addf %get3A_1570, %get3A_1576 : vector<16xf32>
          %add3A_1596 = arith.addf %get3A_1582, %get3A_1588 : vector<16xf32>
          %add3A_1597 = arith.addf %add3A_1589, %add3A_1590 : vector<16xf32>
          %add3A_1598 = arith.addf %add3A_1591, %add3A_1592 : vector<16xf32>
          %add3A_1599 = arith.addf %add3A_1593, %add3A_1594 : vector<16xf32>
          %add3A_1600 = arith.addf %add3A_1595, %add3A_1596 : vector<16xf32>
          %add3A_1601 = arith.addf %add3A_1597, %add3A_1598 : vector<16xf32>
          %add3A_1602 = arith.addf %add3A_1599, %add3A_1600 : vector<16xf32>
          %add3A_1603 = arith.addf %add3A_1601, %add3A_1602 : vector<16xf32>
          %mul3A_1604 = arith.constant 4 : i32
          %mul3A_1605 = arith.muli %mul3A_29, %mul3A_1604 : i32
          %add3A_1606 = arith.addi %mul3A_1605, %add3A_64 : i32
          %swap3A_1607 = arith.index_cast %add3A_1606 : i32 to index
          %swap3A_1608 = arith.constant 192 : index
          %swap3A_1609 = tpu.vector_load %arg6[%swap3A_1607, %swap3A_1608] {strides = array<i32>} : memref<128x256xf32, #tpu.memory_space<vmem>>, vector<1x16xf32>,
          %swap3A_1610 = vector.shape_cast %swap3A_1609 : vector<1x16xf32> to vector<16xf32>
          %swap3A_1611 = vector.shape_cast %add3A_1603 : vector<16xf32> to vector<1x16xf32>
          tpu.vector_store %arg6[%swap3A_1607, %swap3A_1608], %swap3A_1611 {strides = array<i32>} : memref<128x256xf32, #tpu.memory_space<vmem>>, vector<1x16xf32>,
          %add3A_1612 = arith.constant 0 : i32
          %add3A_1613 = arith.addi %mul3A_66, %add3A_1612 : i32
          %get3A_1614 = arith.index_cast %add3A_1613 : i32 to index
          %get3A_1615 = arith.constant 208 : index
          %get3A_1616 = tpu.vector_load %arg4[%get3A_1614, %get3A_1615] {strides = array<i32>} : memref<64x256xf32, #tpu.memory_space<vmem>>, vector<1x16xf32>,
          %get3A_1617 = vector.shape_cast %get3A_1616 : vector<1x16xf32> to vector<16xf32>
          %add3A_1618 = arith.constant 1 : i32
          %add3A_1619 = arith.addi %mul3A_66, %add3A_1618 : i32
          %get3A_1620 = arith.index_cast %add3A_1619 : i32 to index
          %get3A_1621 = arith.constant 208 : index
          %get3A_1622 = tpu.vector_load %arg4[%get3A_1620, %get3A_1621] {strides = array<i32>} : memref<64x256xf32, #tpu.memory_space<vmem>>, vector<1x16xf32>,
          %get3A_1623 = vector.shape_cast %get3A_1622 : vector<1x16xf32> to vector<16xf32>
          %add3A_1624 = arith.constant 2 : i32
          %add3A_1625 = arith.addi %mul3A_66, %add3A_1624 : i32
          %get3A_1626 = arith.index_cast %add3A_1625 : i32 to index
          %get3A_1627 = arith.constant 208 : index
          %get3A_1628 = tpu.vector_load %arg4[%get3A_1626, %get3A_1627] {strides = array<i32>} : memref<64x256xf32, #tpu.memory_space<vmem>>, vector<1x16xf32>,
          %get3A_1629 = vector.shape_cast %get3A_1628 : vector<1x16xf32> to vector<16xf32>
          %add3A_1630 = arith.constant 3 : i32
          %add3A_1631 = arith.addi %mul3A_66, %add3A_1630 : i32
          %get3A_1632 = arith.index_cast %add3A_1631 : i32 to index
          %get3A_1633 = arith.constant 208 : index
          %get3A_1634 = tpu.vector_load %arg4[%get3A_1632, %get3A_1633] {strides = array<i32>} : memref<64x256xf32, #tpu.memory_space<vmem>>, vector<1x16xf32>,
          %get3A_1635 = vector.shape_cast %get3A_1634 : vector<1x16xf32> to vector<16xf32>
          %add3A_1636 = arith.constant 4 : i32
          %add3A_1637 = arith.addi %mul3A_66, %add3A_1636 : i32
          %get3A_1638 = arith.index_cast %add3A_1637 : i32 to index
          %get3A_1639 = arith.constant 208 : index
          %get3A_1640 = tpu.vector_load %arg4[%get3A_1638, %get3A_1639] {strides = array<i32>} : memref<64x256xf32, #tpu.memory_space<vmem>>, vector<1x16xf32>,
          %get3A_1641 = vector.shape_cast %get3A_1640 : vector<1x16xf32> to vector<16xf32>
          %add3A_1642 = arith.constant 5 : i32
          %add3A_1643 = arith.addi %mul3A_66, %add3A_1642 : i32
          %get3A_1644 = arith.index_cast %add3A_1643 : i32 to index
          %get3A_1645 = arith.constant 208 : index
          %get3A_1646 = tpu.vector_load %arg4[%get3A_1644, %get3A_1645] {strides = array<i32>} : memref<64x256xf32, #tpu.memory_space<vmem>>, vector<1x16xf32>,
          %get3A_1647 = vector.shape_cast %get3A_1646 : vector<1x16xf32> to vector<16xf32>
          %add3A_1648 = arith.constant 6 : i32
          %add3A_1649 = arith.addi %mul3A_66, %add3A_1648 : i32
          %get3A_1650 = arith.index_cast %add3A_1649 : i32 to index
          %get3A_1651 = arith.constant 208 : index
          %get3A_1652 = tpu.vector_load %arg4[%get3A_1650, %get3A_1651] {strides = array<i32>} : memref<64x256xf32, #tpu.memory_space<vmem>>, vector<1x16xf32>,
          %get3A_1653 = vector.shape_cast %get3A_1652 : vector<1x16xf32> to vector<16xf32>
          %add3A_1654 = arith.constant 7 : i32
          %add3A_1655 = arith.addi %mul3A_66, %add3A_1654 : i32
          %get3A_1656 = arith.index_cast %add3A_1655 : i32 to index
          %get3A_1657 = arith.constant 208 : index
          %get3A_1658 = tpu.vector_load %arg4[%get3A_1656, %get3A_1657] {strides = array<i32>} : memref<64x256xf32, #tpu.memory_space<vmem>>, vector<1x16xf32>,
          %get3A_1659 = vector.shape_cast %get3A_1658 : vector<1x16xf32> to vector<16xf32>
          %add3A_1660 = arith.constant 8 : i32
          %add3A_1661 = arith.addi %mul3A_66, %add3A_1660 : i32
          %get3A_1662 = arith.index_cast %add3A_1661 : i32 to index
          %get3A_1663 = arith.constant 208 : index
          %get3A_1664 = tpu.vector_load %arg4[%get3A_1662, %get3A_1663] {strides = array<i32>} : memref<64x256xf32, #tpu.memory_space<vmem>>, vector<1x16xf32>,
          %get3A_1665 = vector.shape_cast %get3A_1664 : vector<1x16xf32> to vector<16xf32>
          %add3A_1666 = arith.constant 9 : i32
          %add3A_1667 = arith.addi %mul3A_66, %add3A_1666 : i32
          %get3A_1668 = arith.index_cast %add3A_1667 : i32 to index
          %get3A_1669 = arith.constant 208 : index
          %get3A_1670 = tpu.vector_load %arg4[%get3A_1668, %get3A_1669] {strides = array<i32>} : memref<64x256xf32, #tpu.memory_space<vmem>>, vector<1x16xf32>,
          %get3A_1671 = vector.shape_cast %get3A_1670 : vector<1x16xf32> to vector<16xf32>
          %add3A_1672 = arith.constant 10 : i32
          %add3A_1673 = arith.addi %mul3A_66, %add3A_1672 : i32
          %get3A_1674 = arith.index_cast %add3A_1673 : i32 to index
          %get3A_1675 = arith.constant 208 : index
          %get3A_1676 = tpu.vector_load %arg4[%get3A_1674, %get3A_1675] {strides = array<i32>} : memref<64x256xf32, #tpu.memory_space<vmem>>, vector<1x16xf32>,
          %get3A_1677 = vector.shape_cast %get3A_1676 : vector<1x16xf32> to vector<16xf32>
          %add3A_1678 = arith.constant 11 : i32
          %add3A_1679 = arith.addi %mul3A_66, %add3A_1678 : i32
          %get3A_1680 = arith.index_cast %add3A_1679 : i32 to index
          %get3A_1681 = arith.constant 208 : index
          %get3A_1682 = tpu.vector_load %arg4[%get3A_1680, %get3A_1681] {strides = array<i32>} : memref<64x256xf32, #tpu.memory_space<vmem>>, vector<1x16xf32>,
          %get3A_1683 = vector.shape_cast %get3A_1682 : vector<1x16xf32> to vector<16xf32>
          %add3A_1684 = arith.constant 12 : i32
          %add3A_1685 = arith.addi %mul3A_66, %add3A_1684 : i32
          %get3A_1686 = arith.index_cast %add3A_1685 : i32 to index
          %get3A_1687 = arith.constant 208 : index
          %get3A_1688 = tpu.vector_load %arg4[%get3A_1686, %get3A_1687] {strides = array<i32>} : memref<64x256xf32, #tpu.memory_space<vmem>>, vector<1x16xf32>,
          %get3A_1689 = vector.shape_cast %get3A_1688 : vector<1x16xf32> to vector<16xf32>
          %add3A_1690 = arith.constant 13 : i32
          %add3A_1691 = arith.addi %mul3A_66, %add3A_1690 : i32
          %get3A_1692 = arith.index_cast %add3A_1691 : i32 to index
          %get3A_1693 = arith.constant 208 : index
          %get3A_1694 = tpu.vector_load %arg4[%get3A_1692, %get3A_1693] {strides = array<i32>} : memref<64x256xf32, #tpu.memory_space<vmem>>, vector<1x16xf32>,
          %get3A_1695 = vector.shape_cast %get3A_1694 : vector<1x16xf32> to vector<16xf32>
          %add3A_1696 = arith.constant 14 : i32
          %add3A_1697 = arith.addi %mul3A_66, %add3A_1696 : i32
          %get3A_1698 = arith.index_cast %add3A_1697 : i32 to index
          %get3A_1699 = arith.constant 208 : index
          %get3A_1700 = tpu.vector_load %arg4[%get3A_1698, %get3A_1699] {strides = array<i32>} : memref<64x256xf32, #tpu.memory_space<vmem>>, vector<1x16xf32>,
          %get3A_1701 = vector.shape_cast %get3A_1700 : vector<1x16xf32> to vector<16xf32>
          %add3A_1702 = arith.constant 15 : i32
          %add3A_1703 = arith.addi %mul3A_66, %add3A_1702 : i32
          %get3A_1704 = arith.index_cast %add3A_1703 : i32 to index
          %get3A_1705 = arith.constant 208 : index
          %get3A_1706 = tpu.vector_load %arg4[%get3A_1704, %get3A_1705] {strides = array<i32>} : memref<64x256xf32, #tpu.memory_space<vmem>>, vector<1x16xf32>,
          %get3A_1707 = vector.shape_cast %get3A_1706 : vector<1x16xf32> to vector<16xf32>
          %add3A_1708 = arith.addf %get3A_1617, %get3A_1623 : vector<16xf32>
          %add3A_1709 = arith.addf %get3A_1629, %get3A_1635 : vector<16xf32>
          %add3A_1710 = arith.addf %get3A_1641, %get3A_1647 : vector<16xf32>
          %add3A_1711 = arith.addf %get3A_1653, %get3A_1659 : vector<16xf32>
          %add3A_1712 = arith.addf %get3A_1665, %get3A_1671 : vector<16xf32>
          %add3A_1713 = arith.addf %get3A_1677, %get3A_1683 : vector<16xf32>
          %add3A_1714 = arith.addf %get3A_1689, %get3A_1695 : vector<16xf32>
          %add3A_1715 = arith.addf %get3A_1701, %get3A_1707 : vector<16xf32>
          %add3A_1716 = arith.addf %add3A_1708, %add3A_1709 : vector<16xf32>
          %add3A_1717 = arith.addf %add3A_1710, %add3A_1711 : vector<16xf32>
          %add3A_1718 = arith.addf %add3A_1712, %add3A_1713 : vector<16xf32>
          %add3A_1719 = arith.addf %add3A_1714, %add3A_1715 : vector<16xf32>
          %add3A_1720 = arith.addf %add3A_1716, %add3A_1717 : vector<16xf32>
          %add3A_1721 = arith.addf %add3A_1718, %add3A_1719 : vector<16xf32>
          %add3A_1722 = arith.addf %add3A_1720, %add3A_1721 : vector<16xf32>
          %mul3A_1723 = arith.constant 4 : i32
          %mul3A_1724 = arith.muli %mul3A_29, %mul3A_1723 : i32
          %add3A_1725 = arith.addi %mul3A_1724, %add3A_64 : i32
          %swap3A_1726 = arith.index_cast %add3A_1725 : i32 to index
          %swap3A_1727 = arith.constant 208 : index
          %swap3A_1728 = tpu.vector_load %arg6[%swap3A_1726, %swap3A_1727] {strides = array<i32>} : memref<128x256xf32, #tpu.memory_space<vmem>>, vector<1x16xf32>,
          %swap3A_1729 = vector.shape_cast %swap3A_1728 : vector<1x16xf32> to vector<16xf32>
          %swap3A_1730 = vector.shape_cast %add3A_1722 : vector<16xf32> to vector<1x16xf32>
          tpu.vector_store %arg6[%swap3A_1726, %swap3A_1727], %swap3A_1730 {strides = array<i32>} : memref<128x256xf32, #tpu.memory_space<vmem>>, vector<1x16xf32>,
          %add3A_1731 = arith.constant 0 : i32
          %add3A_1732 = arith.addi %mul3A_66, %add3A_1731 : i32
          %get3A_1733 = arith.index_cast %add3A_1732 : i32 to index
          %get3A_1734 = arith.constant 224 : index
          %get3A_1735 = tpu.vector_load %arg4[%get3A_1733, %get3A_1734] {strides = array<i32>} : memref<64x256xf32, #tpu.memory_space<vmem>>, vector<1x16xf32>,
          %get3A_1736 = vector.shape_cast %get3A_1735 : vector<1x16xf32> to vector<16xf32>
          %add3A_1737 = arith.constant 1 : i32
          %add3A_1738 = arith.addi %mul3A_66, %add3A_1737 : i32
          %get3A_1739 = arith.index_cast %add3A_1738 : i32 to index
          %get3A_1740 = arith.constant 224 : index
          %get3A_1741 = tpu.vector_load %arg4[%get3A_1739, %get3A_1740] {strides = array<i32>} : memref<64x256xf32, #tpu.memory_space<vmem>>, vector<1x16xf32>,
          %get3A_1742 = vector.shape_cast %get3A_1741 : vector<1x16xf32> to vector<16xf32>
          %add3A_1743 = arith.constant 2 : i32
          %add3A_1744 = arith.addi %mul3A_66, %add3A_1743 : i32
          %get3A_1745 = arith.index_cast %add3A_1744 : i32 to index
          %get3A_1746 = arith.constant 224 : index
          %get3A_1747 = tpu.vector_load %arg4[%get3A_1745, %get3A_1746] {strides = array<i32>} : memref<64x256xf32, #tpu.memory_space<vmem>>, vector<1x16xf32>,
          %get3A_1748 = vector.shape_cast %get3A_1747 : vector<1x16xf32> to vector<16xf32>
          %add3A_1749 = arith.constant 3 : i32
          %add3A_1750 = arith.addi %mul3A_66, %add3A_1749 : i32
          %get3A_1751 = arith.index_cast %add3A_1750 : i32 to index
          %get3A_1752 = arith.constant 224 : index
          %get3A_1753 = tpu.vector_load %arg4[%get3A_1751, %get3A_1752] {strides = array<i32>} : memref<64x256xf32, #tpu.memory_space<vmem>>, vector<1x16xf32>,
          %get3A_1754 = vector.shape_cast %get3A_1753 : vector<1x16xf32> to vector<16xf32>
          %add3A_1755 = arith.constant 4 : i32
          %add3A_1756 = arith.addi %mul3A_66, %add3A_1755 : i32
          %get3A_1757 = arith.index_cast %add3A_1756 : i32 to index
          %get3A_1758 = arith.constant 224 : index
          %get3A_1759 = tpu.vector_load %arg4[%get3A_1757, %get3A_1758] {strides = array<i32>} : memref<64x256xf32, #tpu.memory_space<vmem>>, vector<1x16xf32>,
          %get3A_1760 = vector.shape_cast %get3A_1759 : vector<1x16xf32> to vector<16xf32>
          %add3A_1761 = arith.constant 5 : i32
          %add3A_1762 = arith.addi %mul3A_66, %add3A_1761 : i32
          %get3A_1763 = arith.index_cast %add3A_1762 : i32 to index
          %get3A_1764 = arith.constant 224 : index
          %get3A_1765 = tpu.vector_load %arg4[%get3A_1763, %get3A_1764] {strides = array<i32>} : memref<64x256xf32, #tpu.memory_space<vmem>>, vector<1x16xf32>,
          %get3A_1766 = vector.shape_cast %get3A_1765 : vector<1x16xf32> to vector<16xf32>
          %add3A_1767 = arith.constant 6 : i32
          %add3A_1768 = arith.addi %mul3A_66, %add3A_1767 : i32
          %get3A_1769 = arith.index_cast %add3A_1768 : i32 to index
          %get3A_1770 = arith.constant 224 : index
          %get3A_1771 = tpu.vector_load %arg4[%get3A_1769, %get3A_1770] {strides = array<i32>} : memref<64x256xf32, #tpu.memory_space<vmem>>, vector<1x16xf32>,
          %get3A_1772 = vector.shape_cast %get3A_1771 : vector<1x16xf32> to vector<16xf32>
          %add3A_1773 = arith.constant 7 : i32
          %add3A_1774 = arith.addi %mul3A_66, %add3A_1773 : i32
          %get3A_1775 = arith.index_cast %add3A_1774 : i32 to index
          %get3A_1776 = arith.constant 224 : index
          %get3A_1777 = tpu.vector_load %arg4[%get3A_1775, %get3A_1776] {strides = array<i32>} : memref<64x256xf32, #tpu.memory_space<vmem>>, vector<1x16xf32>,
          %get3A_1778 = vector.shape_cast %get3A_1777 : vector<1x16xf32> to vector<16xf32>
          %add3A_1779 = arith.constant 8 : i32
          %add3A_1780 = arith.addi %mul3A_66, %add3A_1779 : i32
          %get3A_1781 = arith.index_cast %add3A_1780 : i32 to index
          %get3A_1782 = arith.constant 224 : index
          %get3A_1783 = tpu.vector_load %arg4[%get3A_1781, %get3A_1782] {strides = array<i32>} : memref<64x256xf32, #tpu.memory_space<vmem>>, vector<1x16xf32>,
          %get3A_1784 = vector.shape_cast %get3A_1783 : vector<1x16xf32> to vector<16xf32>
          %add3A_1785 = arith.constant 9 : i32
          %add3A_1786 = arith.addi %mul3A_66, %add3A_1785 : i32
          %get3A_1787 = arith.index_cast %add3A_1786 : i32 to index
          %get3A_1788 = arith.constant 224 : index
          %get3A_1789 = tpu.vector_load %arg4[%get3A_1787, %get3A_1788] {strides = array<i32>} : memref<64x256xf32, #tpu.memory_space<vmem>>, vector<1x16xf32>,
          %get3A_1790 = vector.shape_cast %get3A_1789 : vector<1x16xf32> to vector<16xf32>
          %add3A_1791 = arith.constant 10 : i32
          %add3A_1792 = arith.addi %mul3A_66, %add3A_1791 : i32
          %get3A_1793 = arith.index_cast %add3A_1792 : i32 to index
          %get3A_1794 = arith.constant 224 : index
          %get3A_1795 = tpu.vector_load %arg4[%get3A_1793, %get3A_1794] {strides = array<i32>} : memref<64x256xf32, #tpu.memory_space<vmem>>, vector<1x16xf32>,
          %get3A_1796 = vector.shape_cast %get3A_1795 : vector<1x16xf32> to vector<16xf32>
          %add3A_1797 = arith.constant 11 : i32
          %add3A_1798 = arith.addi %mul3A_66, %add3A_1797 : i32
          %get3A_1799 = arith.index_cast %add3A_1798 : i32 to index
          %get3A_1800 = arith.constant 224 : index
          %get3A_1801 = tpu.vector_load %arg4[%get3A_1799, %get3A_1800] {strides = array<i32>} : memref<64x256xf32, #tpu.memory_space<vmem>>, vector<1x16xf32>,
          %get3A_1802 = vector.shape_cast %get3A_1801 : vector<1x16xf32> to vector<16xf32>
          %add3A_1803 = arith.constant 12 : i32
          %add3A_1804 = arith.addi %mul3A_66, %add3A_1803 : i32
          %get3A_1805 = arith.index_cast %add3A_1804 : i32 to index
          %get3A_1806 = arith.constant 224 : index
          %get3A_1807 = tpu.vector_load %arg4[%get3A_1805, %get3A_1806] {strides = array<i32>} : memref<64x256xf32, #tpu.memory_space<vmem>>, vector<1x16xf32>,
          %get3A_1808 = vector.shape_cast %get3A_1807 : vector<1x16xf32> to vector<16xf32>
          %add3A_1809 = arith.constant 13 : i32
          %add3A_1810 = arith.addi %mul3A_66, %add3A_1809 : i32
          %get3A_1811 = arith.index_cast %add3A_1810 : i32 to index
          %get3A_1812 = arith.constant 224 : index
          %get3A_1813 = tpu.vector_load %arg4[%get3A_1811, %get3A_1812] {strides = array<i32>} : memref<64x256xf32, #tpu.memory_space<vmem>>, vector<1x16xf32>,
          %get3A_1814 = vector.shape_cast %get3A_1813 : vector<1x16xf32> to vector<16xf32>
          %add3A_1815 = arith.constant 14 : i32
          %add3A_1816 = arith.addi %mul3A_66, %add3A_1815 : i32
          %get3A_1817 = arith.index_cast %add3A_1816 : i32 to index
          %get3A_1818 = arith.constant 224 : index
          %get3A_1819 = tpu.vector_load %arg4[%get3A_1817, %get3A_1818] {strides = array<i32>} : memref<64x256xf32, #tpu.memory_space<vmem>>, vector<1x16xf32>,
          %get3A_1820 = vector.shape_cast %get3A_1819 : vector<1x16xf32> to vector<16xf32>
          %add3A_1821 = arith.constant 15 : i32
          %add3A_1822 = arith.addi %mul3A_66, %add3A_1821 : i32
          %get3A_1823 = arith.index_cast %add3A_1822 : i32 to index
          %get3A_1824 = arith.constant 224 : index
          %get3A_1825 = tpu.vector_load %arg4[%get3A_1823, %get3A_1824] {strides = array<i32>} : memref<64x256xf32, #tpu.memory_space<vmem>>, vector<1x16xf32>,
          %get3A_1826 = vector.shape_cast %get3A_1825 : vector<1x16xf32> to vector<16xf32>
          %add3A_1827 = arith.addf %get3A_1736, %get3A_1742 : vector<16xf32>
          %add3A_1828 = arith.addf %get3A_1748, %get3A_1754 : vector<16xf32>
          %add3A_1829 = arith.addf %get3A_1760, %get3A_1766 : vector<16xf32>
          %add3A_1830 = arith.addf %get3A_1772, %get3A_1778 : vector<16xf32>
          %add3A_1831 = arith.addf %get3A_1784, %get3A_1790 : vector<16xf32>
          %add3A_1832 = arith.addf %get3A_1796, %get3A_1802 : vector<16xf32>
          %add3A_1833 = arith.addf %get3A_1808, %get3A_1814 : vector<16xf32>
          %add3A_1834 = arith.addf %get3A_1820, %get3A_1826 : vector<16xf32>
          %add3A_1835 = arith.addf %add3A_1827, %add3A_1828 : vector<16xf32>
          %add3A_1836 = arith.addf %add3A_1829, %add3A_1830 : vector<16xf32>
          %add3A_1837 = arith.addf %add3A_1831, %add3A_1832 : vector<16xf32>
          %add3A_1838 = arith.addf %add3A_1833, %add3A_1834 : vector<16xf32>
          %add3A_1839 = arith.addf %add3A_1835, %add3A_1836 : vector<16xf32>
          %add3A_1840 = arith.addf %add3A_1837, %add3A_1838 : vector<16xf32>
          %add3A_1841 = arith.addf %add3A_1839, %add3A_1840 : vector<16xf32>
          %mul3A_1842 = arith.constant 4 : i32
          %mul3A_1843 = arith.muli %mul3A_29, %mul3A_1842 : i32
          %add3A_1844 = arith.addi %mul3A_1843, %add3A_64 : i32
          %swap3A_1845 = arith.index_cast %add3A_1844 : i32 to index
          %swap3A_1846 = arith.constant 224 : index
          %swap3A_1847 = tpu.vector_load %arg6[%swap3A_1845, %swap3A_1846] {strides = array<i32>} : memref<128x256xf32, #tpu.memory_space<vmem>>, vector<1x16xf32>,
          %swap3A_1848 = vector.shape_cast %swap3A_1847 : vector<1x16xf32> to vector<16xf32>
          %swap3A_1849 = vector.shape_cast %add3A_1841 : vector<16xf32> to vector<1x16xf32>
          tpu.vector_store %arg6[%swap3A_1845, %swap3A_1846], %swap3A_1849 {strides = array<i32>} : memref<128x256xf32, #tpu.memory_space<vmem>>, vector<1x16xf32>,
          %add3A_1850 = arith.constant 0 : i32
          %add3A_1851 = arith.addi %mul3A_66, %add3A_1850 : i32
          %get3A_1852 = arith.index_cast %add3A_1851 : i32 to index
          %get3A_1853 = arith.constant 240 : index
          %get3A_1854 = tpu.vector_load %arg4[%get3A_1852, %get3A_1853] {strides = array<i32>} : memref<64x256xf32, #tpu.memory_space<vmem>>, vector<1x16xf32>,
          %get3A_1855 = vector.shape_cast %get3A_1854 : vector<1x16xf32> to vector<16xf32>
          %add3A_1856 = arith.constant 1 : i32
          %add3A_1857 = arith.addi %mul3A_66, %add3A_1856 : i32
          %get3A_1858 = arith.index_cast %add3A_1857 : i32 to index
          %get3A_1859 = arith.constant 240 : index
          %get3A_1860 = tpu.vector_load %arg4[%get3A_1858, %get3A_1859] {strides = array<i32>} : memref<64x256xf32, #tpu.memory_space<vmem>>, vector<1x16xf32>,
          %get3A_1861 = vector.shape_cast %get3A_1860 : vector<1x16xf32> to vector<16xf32>
          %add3A_1862 = arith.constant 2 : i32
          %add3A_1863 = arith.addi %mul3A_66, %add3A_1862 : i32
          %get3A_1864 = arith.index_cast %add3A_1863 : i32 to index
          %get3A_1865 = arith.constant 240 : index
          %get3A_1866 = tpu.vector_load %arg4[%get3A_1864, %get3A_1865] {strides = array<i32>} : memref<64x256xf32, #tpu.memory_space<vmem>>, vector<1x16xf32>,
          %get3A_1867 = vector.shape_cast %get3A_1866 : vector<1x16xf32> to vector<16xf32>
          %add3A_1868 = arith.constant 3 : i32
          %add3A_1869 = arith.addi %mul3A_66, %add3A_1868 : i32
          %get3A_1870 = arith.index_cast %add3A_1869 : i32 to index
          %get3A_1871 = arith.constant 240 : index
          %get3A_1872 = tpu.vector_load %arg4[%get3A_1870, %get3A_1871] {strides = array<i32>} : memref<64x256xf32, #tpu.memory_space<vmem>>, vector<1x16xf32>,
          %get3A_1873 = vector.shape_cast %get3A_1872 : vector<1x16xf32> to vector<16xf32>
          %add3A_1874 = arith.constant 4 : i32
          %add3A_1875 = arith.addi %mul3A_66, %add3A_1874 : i32
          %get3A_1876 = arith.index_cast %add3A_1875 : i32 to index
          %get3A_1877 = arith.constant 240 : index
          %get3A_1878 = tpu.vector_load %arg4[%get3A_1876, %get3A_1877] {strides = array<i32>} : memref<64x256xf32, #tpu.memory_space<vmem>>, vector<1x16xf32>,
          %get3A_1879 = vector.shape_cast %get3A_1878 : vector<1x16xf32> to vector<16xf32>
          %add3A_1880 = arith.constant 5 : i32
          %add3A_1881 = arith.addi %mul3A_66, %add3A_1880 : i32
          %get3A_1882 = arith.index_cast %add3A_1881 : i32 to index
          %get3A_1883 = arith.constant 240 : index
          %get3A_1884 = tpu.vector_load %arg4[%get3A_1882, %get3A_1883] {strides = array<i32>} : memref<64x256xf32, #tpu.memory_space<vmem>>, vector<1x16xf32>,
          %get3A_1885 = vector.shape_cast %get3A_1884 : vector<1x16xf32> to vector<16xf32>
          %add3A_1886 = arith.constant 6 : i32
          %add3A_1887 = arith.addi %mul3A_66, %add3A_1886 : i32
          %get3A_1888 = arith.index_cast %add3A_1887 : i32 to index
          %get3A_1889 = arith.constant 240 : index
          %get3A_1890 = tpu.vector_load %arg4[%get3A_1888, %get3A_1889] {strides = array<i32>} : memref<64x256xf32, #tpu.memory_space<vmem>>, vector<1x16xf32>,
          %get3A_1891 = vector.shape_cast %get3A_1890 : vector<1x16xf32> to vector<16xf32>
          %add3A_1892 = arith.constant 7 : i32
          %add3A_1893 = arith.addi %mul3A_66, %add3A_1892 : i32
          %get3A_1894 = arith.index_cast %add3A_1893 : i32 to index
          %get3A_1895 = arith.constant 240 : index
          %get3A_1896 = tpu.vector_load %arg4[%get3A_1894, %get3A_1895] {strides = array<i32>} : memref<64x256xf32, #tpu.memory_space<vmem>>, vector<1x16xf32>,
          %get3A_1897 = vector.shape_cast %get3A_1896 : vector<1x16xf32> to vector<16xf32>
          %add3A_1898 = arith.constant 8 : i32
          %add3A_1899 = arith.addi %mul3A_66, %add3A_1898 : i32
          %get3A_1900 = arith.index_cast %add3A_1899 : i32 to index
          %get3A_1901 = arith.constant 240 : index
          %get3A_1902 = tpu.vector_load %arg4[%get3A_1900, %get3A_1901] {strides = array<i32>} : memref<64x256xf32, #tpu.memory_space<vmem>>, vector<1x16xf32>,
          %get3A_1903 = vector.shape_cast %get3A_1902 : vector<1x16xf32> to vector<16xf32>
          %add3A_1904 = arith.constant 9 : i32
          %add3A_1905 = arith.addi %mul3A_66, %add3A_1904 : i32
          %get3A_1906 = arith.index_cast %add3A_1905 : i32 to index
          %get3A_1907 = arith.constant 240 : index
          %get3A_1908 = tpu.vector_load %arg4[%get3A_1906, %get3A_1907] {strides = array<i32>} : memref<64x256xf32, #tpu.memory_space<vmem>>, vector<1x16xf32>,
          %get3A_1909 = vector.shape_cast %get3A_1908 : vector<1x16xf32> to vector<16xf32>
          %add3A_1910 = arith.constant 10 : i32
          %add3A_1911 = arith.addi %mul3A_66, %add3A_1910 : i32
          %get3A_1912 = arith.index_cast %add3A_1911 : i32 to index
          %get3A_1913 = arith.constant 240 : index
          %get3A_1914 = tpu.vector_load %arg4[%get3A_1912, %get3A_1913] {strides = array<i32>} : memref<64x256xf32, #tpu.memory_space<vmem>>, vector<1x16xf32>,
          %get3A_1915 = vector.shape_cast %get3A_1914 : vector<1x16xf32> to vector<16xf32>
          %add3A_1916 = arith.constant 11 : i32
          %add3A_1917 = arith.addi %mul3A_66, %add3A_1916 : i32
          %get3A_1918 = arith.index_cast %add3A_1917 : i32 to index
          %get3A_1919 = arith.constant 240 : index
          %get3A_1920 = tpu.vector_load %arg4[%get3A_1918, %get3A_1919] {strides = array<i32>} : memref<64x256xf32, #tpu.memory_space<vmem>>, vector<1x16xf32>,
          %get3A_1921 = vector.shape_cast %get3A_1920 : vector<1x16xf32> to vector<16xf32>
          %add3A_1922 = arith.constant 12 : i32
          %add3A_1923 = arith.addi %mul3A_66, %add3A_1922 : i32
          %get3A_1924 = arith.index_cast %add3A_1923 : i32 to index
          %get3A_1925 = arith.constant 240 : index
          %get3A_1926 = tpu.vector_load %arg4[%get3A_1924, %get3A_1925] {strides = array<i32>} : memref<64x256xf32, #tpu.memory_space<vmem>>, vector<1x16xf32>,
          %get3A_1927 = vector.shape_cast %get3A_1926 : vector<1x16xf32> to vector<16xf32>
          %add3A_1928 = arith.constant 13 : i32
          %add3A_1929 = arith.addi %mul3A_66, %add3A_1928 : i32
          %get3A_1930 = arith.index_cast %add3A_1929 : i32 to index
          %get3A_1931 = arith.constant 240 : index
          %get3A_1932 = tpu.vector_load %arg4[%get3A_1930, %get3A_1931] {strides = array<i32>} : memref<64x256xf32, #tpu.memory_space<vmem>>, vector<1x16xf32>,
          %get3A_1933 = vector.shape_cast %get3A_1932 : vector<1x16xf32> to vector<16xf32>
          %add3A_1934 = arith.constant 14 : i32
          %add3A_1935 = arith.addi %mul3A_66, %add3A_1934 : i32
          %get3A_1936 = arith.index_cast %add3A_1935 : i32 to index
          %get3A_1937 = arith.constant 240 : index
          %get3A_1938 = tpu.vector_load %arg4[%get3A_1936, %get3A_1937] {strides = array<i32>} : memref<64x256xf32, #tpu.memory_space<vmem>>, vector<1x16xf32>,
          %get3A_1939 = vector.shape_cast %get3A_1938 : vector<1x16xf32> to vector<16xf32>
          %add3A_1940 = arith.constant 15 : i32
          %add3A_1941 = arith.addi %mul3A_66, %add3A_1940 : i32
          %get3A_1942 = arith.index_cast %add3A_1941 : i32 to index
          %get3A_1943 = arith.constant 240 : index
          %get3A_1944 = tpu.vector_load %arg4[%get3A_1942, %get3A_1943] {strides = array<i32>} : memref<64x256xf32, #tpu.memory_space<vmem>>, vector<1x16xf32>,
          %get3A_1945 = vector.shape_cast %get3A_1944 : vector<1x16xf32> to vector<16xf32>
          %add3A_1946 = arith.addf %get3A_1855, %get3A_1861 : vector<16xf32>
          %add3A_1947 = arith.addf %get3A_1867, %get3A_1873 : vector<16xf32>
          %add3A_1948 = arith.addf %get3A_1879, %get3A_1885 : vector<16xf32>
          %add3A_1949 = arith.addf %get3A_1891, %get3A_1897 : vector<16xf32>
          %add3A_1950 = arith.addf %get3A_1903, %get3A_1909 : vector<16xf32>
          %add3A_1951 = arith.addf %get3A_1915, %get3A_1921 : vector<16xf32>
          %add3A_1952 = arith.addf %get3A_1927, %get3A_1933 : vector<16xf32>
          %add3A_1953 = arith.addf %get3A_1939, %get3A_1945 : vector<16xf32>
          %add3A_1954 = arith.addf %add3A_1946, %add3A_1947 : vector<16xf32>
          %add3A_1955 = arith.addf %add3A_1948, %add3A_1949 : vector<16xf32>
          %add3A_1956 = arith.addf %add3A_1950, %add3A_1951 : vector<16xf32>
          %add3A_1957 = arith.addf %add3A_1952, %add3A_1953 : vector<16xf32>
          %add3A_1958 = arith.addf %add3A_1954, %add3A_1955 : vector<16xf32>
          %add3A_1959 = arith.addf %add3A_1956, %add3A_1957 : vector<16xf32>
          %add3A_1960 = arith.addf %add3A_1958, %add3A_1959 : vector<16xf32>
          %mul3A_1961 = arith.constant 4 : i32
          %mul3A_1962 = arith.muli %mul3A_29, %mul3A_1961 : i32
          %add3A_1963 = arith.addi %mul3A_1962, %add3A_64 : i32
          %swap3A_1964 = arith.index_cast %add3A_1963 : i32 to index
          %swap3A_1965 = arith.constant 240 : index
          %swap3A_1966 = tpu.vector_load %arg6[%swap3A_1964, %swap3A_1965] {strides = array<i32>} : memref<128x256xf32, #tpu.memory_space<vmem>>, vector<1x16xf32>,
          %swap3A_1967 = vector.shape_cast %swap3A_1966 : vector<1x16xf32> to vector<16xf32>
          %swap3A_1968 = vector.shape_cast %add3A_1960 : vector<16xf32> to vector<1x16xf32>
          tpu.vector_store %arg6[%swap3A_1964, %swap3A_1965], %swap3A_1968 {strides = array<i32>} : memref<128x256xf32, #tpu.memory_space<vmem>>, vector<1x16xf32>,
        }
        %scan3A_59 = arith.constant 4 : i32
      } else {
      }
      %add3A_40 = arith.constant 2 : i32
      %add3A_41 = arith.addi %mul3A_29, %add3A_40 : i32
      %lt3A_42 = arith.cmpi slt, %add3A_41, %select_n3A : i32
      %convert_element_type3A_43 = arith.extui %lt3A_42 : i1 to i32
      %cond3A_44 = arith.constant 0 : i32
      %cond3A_45 = arith.cmpi ne, %convert_element_type3A_43, %cond3A_44 : i32
      scf.if %cond3A_45 {
        %add3A_50 = arith.constant 2 : i32
        %add3A_51 = arith.addi %mul3A_29, %add3A_50 : i32
        %mul3A_52 = arith.constant 4 : i32
        %mul3A_53 = arith.muli %add3A_51, %mul3A_52 : i32
        %add3A_54 = arith.addi %mul3A_2, %mul3A_53 : i32
        %mul3A_55 = arith.constant 16 : i32
        %mul3A_56 = arith.muli %add3A_54, %mul3A_55 : i32
        %dma_start3A_57 = arith.constant 0 : i32
        %dma_start3A_58 = tpu.memref_slice %arg2[%mul3A_56, %dma_start3A_57] : memref<160000x256xf32, #tpu.memory_space<hbm>> -> memref<64x256xf32, #tpu.memory_space<hbm>>
        %dma_start3A_59 = arith.constant 0 : i32
        %dma_start3A_60 = tpu.memref_slice %arg2[%mul3A_56, %dma_start3A_59] : memref<160000x256xf32, #tpu.memory_space<hbm>> -> memref<64x256xf32, #tpu.memory_space<hbm>>
        tpu.enqueue_dma source(%dma_start3A_60 : memref<64x256xf32, #tpu.memory_space<hbm>>) target(%arg4 : memref<64x256xf32, #tpu.memory_space<vmem>>) target_semaphore(%arg7 : memref<!tpu.dma_semaphore, #tpu.memory_space<semaphore_mem>>)
      } else {
      }
      %lt3A_46 = arith.cmpi slt, %add3A_31, %select_n3A : i32
      %convert_element_type3A_47 = arith.extui %lt3A_46 : i1 to i32
      %cond3A_48 = arith.constant 0 : i32
      %cond3A_49 = arith.cmpi ne, %convert_element_type3A_47, %cond3A_48 : i32
      scf.if %cond3A_49 {
        %dma_wait3A = arith.constant 0 : i32
        %dma_wait3A_50 = arith.constant 0 : i32
        %dma_wait3A_51 = tpu.memref_slice %arg2[%dma_wait3A, %dma_wait3A_50] : memref<160000x256xf32, #tpu.memory_space<hbm>> -> memref<64x256xf32, #tpu.memory_space<hbm>>
        %dma_wait3A_52 = arith.constant 0 : i32
        %dma_wait3A_53 = arith.constant 0 : i32
        %dma_wait3A_54 = tpu.memref_slice %arg2[%dma_wait3A_52, %dma_wait3A_53] : memref<160000x256xf32, #tpu.memory_space<hbm>> -> memref<64x256xf32, #tpu.memory_space<hbm>>
        tpu.wait_dma2 semaphore(%arg8 : memref<!tpu.dma_semaphore, #tpu.memory_space<semaphore_mem>>) src(%dma_wait3A_54 : memref<64x256xf32, #tpu.memory_space<hbm>>) dst(%arg5 : memref<64x256xf32, #tpu.memory_space<vmem>>)
        %scan3A_55 = arith.constant 0 : i32
        %scan3A_56 = arith.constant 4 : i32
        %scan3A_57 = arith.addi %scan3A_55, %scan3A_56 : i32
        %scan3A_58 = arith.constant 1 : i32
        scf.for %scan3A_60 = %scan3A_55 to %scan3A_57 step %scan3A_58  : i32 {
          %mul3A_61 = arith.constant 1 : i32
          %mul3A_62 = arith.muli %scan3A_60, %mul3A_61 : i32
          %add3A_63 = arith.constant 0 : i32
          %add3A_64 = arith.addi %add3A_63, %mul3A_62 : i32
          %mul3A_65 = arith.constant 16 : i32
          %mul3A_66 = arith.muli %add3A_64, %mul3A_65 : i32
          %add3A_67 = arith.constant 0 : i32
          %add3A_68 = arith.addi %mul3A_66, %add3A_67 : i32
          %get3A = arith.index_cast %add3A_68 : i32 to index
          %get3A_69 = arith.constant 0 : index
          %get3A_70 = tpu.vector_load %arg5[%get3A, %get3A_69] {strides = array<i32>} : memref<64x256xf32, #tpu.memory_space<vmem>>, vector<1x16xf32>,
          %get3A_71 = vector.shape_cast %get3A_70 : vector<1x16xf32> to vector<16xf32>
          %add3A_72 = arith.constant 1 : i32
          %add3A_73 = arith.addi %mul3A_66, %add3A_72 : i32
          %get3A_74 = arith.index_cast %add3A_73 : i32 to index
          %get3A_75 = arith.constant 0 : index
          %get3A_76 = tpu.vector_load %arg5[%get3A_74, %get3A_75] {strides = array<i32>} : memref<64x256xf32, #tpu.memory_space<vmem>>, vector<1x16xf32>,
          %get3A_77 = vector.shape_cast %get3A_76 : vector<1x16xf32> to vector<16xf32>
          %add3A_78 = arith.constant 2 : i32
          %add3A_79 = arith.addi %mul3A_66, %add3A_78 : i32
          %get3A_80 = arith.index_cast %add3A_79 : i32 to index
          %get3A_81 = arith.constant 0 : index
          %get3A_82 = tpu.vector_load %arg5[%get3A_80, %get3A_81] {strides = array<i32>} : memref<64x256xf32, #tpu.memory_space<vmem>>, vector<1x16xf32>,
          %get3A_83 = vector.shape_cast %get3A_82 : vector<1x16xf32> to vector<16xf32>
          %add3A_84 = arith.constant 3 : i32
          %add3A_85 = arith.addi %mul3A_66, %add3A_84 : i32
          %get3A_86 = arith.index_cast %add3A_85 : i32 to index
          %get3A_87 = arith.constant 0 : index
          %get3A_88 = tpu.vector_load %arg5[%get3A_86, %get3A_87] {strides = array<i32>} : memref<64x256xf32, #tpu.memory_space<vmem>>, vector<1x16xf32>,
          %get3A_89 = vector.shape_cast %get3A_88 : vector<1x16xf32> to vector<16xf32>
          %add3A_90 = arith.constant 4 : i32
          %add3A_91 = arith.addi %mul3A_66, %add3A_90 : i32
          %get3A_92 = arith.index_cast %add3A_91 : i32 to index
          %get3A_93 = arith.constant 0 : index
          %get3A_94 = tpu.vector_load %arg5[%get3A_92, %get3A_93] {strides = array<i32>} : memref<64x256xf32, #tpu.memory_space<vmem>>, vector<1x16xf32>,
          %get3A_95 = vector.shape_cast %get3A_94 : vector<1x16xf32> to vector<16xf32>
          %add3A_96 = arith.constant 5 : i32
          %add3A_97 = arith.addi %mul3A_66, %add3A_96 : i32
          %get3A_98 = arith.index_cast %add3A_97 : i32 to index
          %get3A_99 = arith.constant 0 : index
          %get3A_100 = tpu.vector_load %arg5[%get3A_98, %get3A_99] {strides = array<i32>} : memref<64x256xf32, #tpu.memory_space<vmem>>, vector<1x16xf32>,
          %get3A_101 = vector.shape_cast %get3A_100 : vector<1x16xf32> to vector<16xf32>
          %add3A_102 = arith.constant 6 : i32
          %add3A_103 = arith.addi %mul3A_66, %add3A_102 : i32
          %get3A_104 = arith.index_cast %add3A_103 : i32 to index
          %get3A_105 = arith.constant 0 : index
          %get3A_106 = tpu.vector_load %arg5[%get3A_104, %get3A_105] {strides = array<i32>} : memref<64x256xf32, #tpu.memory_space<vmem>>, vector<1x16xf32>,
          %get3A_107 = vector.shape_cast %get3A_106 : vector<1x16xf32> to vector<16xf32>
          %add3A_108 = arith.constant 7 : i32
          %add3A_109 = arith.addi %mul3A_66, %add3A_108 : i32
          %get3A_110 = arith.index_cast %add3A_109 : i32 to index
          %get3A_111 = arith.constant 0 : index
          %get3A_112 = tpu.vector_load %arg5[%get3A_110, %get3A_111] {strides = array<i32>} : memref<64x256xf32, #tpu.memory_space<vmem>>, vector<1x16xf32>,
          %get3A_113 = vector.shape_cast %get3A_112 : vector<1x16xf32> to vector<16xf32>
          %add3A_114 = arith.constant 8 : i32
          %add3A_115 = arith.addi %mul3A_66, %add3A_114 : i32
          %get3A_116 = arith.index_cast %add3A_115 : i32 to index
          %get3A_117 = arith.constant 0 : index
          %get3A_118 = tpu.vector_load %arg5[%get3A_116, %get3A_117] {strides = array<i32>} : memref<64x256xf32, #tpu.memory_space<vmem>>, vector<1x16xf32>,
          %get3A_119 = vector.shape_cast %get3A_118 : vector<1x16xf32> to vector<16xf32>
          %add3A_120 = arith.constant 9 : i32
          %add3A_121 = arith.addi %mul3A_66, %add3A_120 : i32
          %get3A_122 = arith.index_cast %add3A_121 : i32 to index
          %get3A_123 = arith.constant 0 : index
          %get3A_124 = tpu.vector_load %arg5[%get3A_122, %get3A_123] {strides = array<i32>} : memref<64x256xf32, #tpu.memory_space<vmem>>, vector<1x16xf32>,
          %get3A_125 = vector.shape_cast %get3A_124 : vector<1x16xf32> to vector<16xf32>
          %add3A_126 = arith.constant 10 : i32
          %add3A_127 = arith.addi %mul3A_66, %add3A_126 : i32
          %get3A_128 = arith.index_cast %add3A_127 : i32 to index
          %get3A_129 = arith.constant 0 : index
          %get3A_130 = tpu.vector_load %arg5[%get3A_128, %get3A_129] {strides = array<i32>} : memref<64x256xf32, #tpu.memory_space<vmem>>, vector<1x16xf32>,
          %get3A_131 = vector.shape_cast %get3A_130 : vector<1x16xf32> to vector<16xf32>
          %add3A_132 = arith.constant 11 : i32
          %add3A_133 = arith.addi %mul3A_66, %add3A_132 : i32
          %get3A_134 = arith.index_cast %add3A_133 : i32 to index
          %get3A_135 = arith.constant 0 : index
          %get3A_136 = tpu.vector_load %arg5[%get3A_134, %get3A_135] {strides = array<i32>} : memref<64x256xf32, #tpu.memory_space<vmem>>, vector<1x16xf32>,
          %get3A_137 = vector.shape_cast %get3A_136 : vector<1x16xf32> to vector<16xf32>
          %add3A_138 = arith.constant 12 : i32
          %add3A_139 = arith.addi %mul3A_66, %add3A_138 : i32
          %get3A_140 = arith.index_cast %add3A_139 : i32 to index
          %get3A_141 = arith.constant 0 : index
          %get3A_142 = tpu.vector_load %arg5[%get3A_140, %get3A_141] {strides = array<i32>} : memref<64x256xf32, #tpu.memory_space<vmem>>, vector<1x16xf32>,
          %get3A_143 = vector.shape_cast %get3A_142 : vector<1x16xf32> to vector<16xf32>
          %add3A_144 = arith.constant 13 : i32
          %add3A_145 = arith.addi %mul3A_66, %add3A_144 : i32
          %get3A_146 = arith.index_cast %add3A_145 : i32 to index
          %get3A_147 = arith.constant 0 : index
          %get3A_148 = tpu.vector_load %arg5[%get3A_146, %get3A_147] {strides = array<i32>} : memref<64x256xf32, #tpu.memory_space<vmem>>, vector<1x16xf32>,
          %get3A_149 = vector.shape_cast %get3A_148 : vector<1x16xf32> to vector<16xf32>
          %add3A_150 = arith.constant 14 : i32
          %add3A_151 = arith.addi %mul3A_66, %add3A_150 : i32
          %get3A_152 = arith.index_cast %add3A_151 : i32 to index
          %get3A_153 = arith.constant 0 : index
          %get3A_154 = tpu.vector_load %arg5[%get3A_152, %get3A_153] {strides = array<i32>} : memref<64x256xf32, #tpu.memory_space<vmem>>, vector<1x16xf32>,
          %get3A_155 = vector.shape_cast %get3A_154 : vector<1x16xf32> to vector<16xf32>
          %add3A_156 = arith.constant 15 : i32
          %add3A_157 = arith.addi %mul3A_66, %add3A_156 : i32
          %get3A_158 = arith.index_cast %add3A_157 : i32 to index
          %get3A_159 = arith.constant 0 : index
          %get3A_160 = tpu.vector_load %arg5[%get3A_158, %get3A_159] {strides = array<i32>} : memref<64x256xf32, #tpu.memory_space<vmem>>, vector<1x16xf32>,
          %get3A_161 = vector.shape_cast %get3A_160 : vector<1x16xf32> to vector<16xf32>
          %add3A_162 = arith.addf %get3A_71, %get3A_77 : vector<16xf32>
          %add3A_163 = arith.addf %get3A_83, %get3A_89 : vector<16xf32>
          %add3A_164 = arith.addf %get3A_95, %get3A_101 : vector<16xf32>
          %add3A_165 = arith.addf %get3A_107, %get3A_113 : vector<16xf32>
          %add3A_166 = arith.addf %get3A_119, %get3A_125 : vector<16xf32>
          %add3A_167 = arith.addf %get3A_131, %get3A_137 : vector<16xf32>
          %add3A_168 = arith.addf %get3A_143, %get3A_149 : vector<16xf32>
          %add3A_169 = arith.addf %get3A_155, %get3A_161 : vector<16xf32>
          %add3A_170 = arith.addf %add3A_162, %add3A_163 : vector<16xf32>
          %add3A_171 = arith.addf %add3A_164, %add3A_165 : vector<16xf32>
          %add3A_172 = arith.addf %add3A_166, %add3A_167 : vector<16xf32>
          %add3A_173 = arith.addf %add3A_168, %add3A_169 : vector<16xf32>
          %add3A_174 = arith.addf %add3A_170, %add3A_171 : vector<16xf32>
          %add3A_175 = arith.addf %add3A_172, %add3A_173 : vector<16xf32>
          %add3A_176 = arith.addf %add3A_174, %add3A_175 : vector<16xf32>
          %mul3A_177 = arith.constant 4 : i32
          %mul3A_178 = arith.muli %add3A_31, %mul3A_177 : i32
          %add3A_179 = arith.addi %mul3A_178, %add3A_64 : i32
          %swap3A = arith.index_cast %add3A_179 : i32 to index
          %swap3A_180 = arith.constant 0 : index
          %swap3A_181 = tpu.vector_load %arg6[%swap3A, %swap3A_180] {strides = array<i32>} : memref<128x256xf32, #tpu.memory_space<vmem>>, vector<1x16xf32>,
          %swap3A_182 = vector.shape_cast %swap3A_181 : vector<1x16xf32> to vector<16xf32>
          %swap3A_183 = vector.shape_cast %add3A_176 : vector<16xf32> to vector<1x16xf32>
          tpu.vector_store %arg6[%swap3A, %swap3A_180], %swap3A_183 {strides = array<i32>} : memref<128x256xf32, #tpu.memory_space<vmem>>, vector<1x16xf32>,
          %add3A_184 = arith.constant 0 : i32
          %add3A_185 = arith.addi %mul3A_66, %add3A_184 : i32
          %get3A_186 = arith.index_cast %add3A_185 : i32 to index
          %get3A_187 = arith.constant 16 : index
          %get3A_188 = tpu.vector_load %arg5[%get3A_186, %get3A_187] {strides = array<i32>} : memref<64x256xf32, #tpu.memory_space<vmem>>, vector<1x16xf32>,
          %get3A_189 = vector.shape_cast %get3A_188 : vector<1x16xf32> to vector<16xf32>
          %add3A_190 = arith.constant 1 : i32
          %add3A_191 = arith.addi %mul3A_66, %add3A_190 : i32
          %get3A_192 = arith.index_cast %add3A_191 : i32 to index
          %get3A_193 = arith.constant 16 : index
          %get3A_194 = tpu.vector_load %arg5[%get3A_192, %get3A_193] {strides = array<i32>} : memref<64x256xf32, #tpu.memory_space<vmem>>, vector<1x16xf32>,
          %get3A_195 = vector.shape_cast %get3A_194 : vector<1x16xf32> to vector<16xf32>
          %add3A_196 = arith.constant 2 : i32
          %add3A_197 = arith.addi %mul3A_66, %add3A_196 : i32
          %get3A_198 = arith.index_cast %add3A_197 : i32 to index
          %get3A_199 = arith.constant 16 : index
          %get3A_200 = tpu.vector_load %arg5[%get3A_198, %get3A_199] {strides = array<i32>} : memref<64x256xf32, #tpu.memory_space<vmem>>, vector<1x16xf32>,
          %get3A_201 = vector.shape_cast %get3A_200 : vector<1x16xf32> to vector<16xf32>
          %add3A_202 = arith.constant 3 : i32
          %add3A_203 = arith.addi %mul3A_66, %add3A_202 : i32
          %get3A_204 = arith.index_cast %add3A_203 : i32 to index
          %get3A_205 = arith.constant 16 : index
          %get3A_206 = tpu.vector_load %arg5[%get3A_204, %get3A_205] {strides = array<i32>} : memref<64x256xf32, #tpu.memory_space<vmem>>, vector<1x16xf32>,
          %get3A_207 = vector.shape_cast %get3A_206 : vector<1x16xf32> to vector<16xf32>
          %add3A_208 = arith.constant 4 : i32
          %add3A_209 = arith.addi %mul3A_66, %add3A_208 : i32
          %get3A_210 = arith.index_cast %add3A_209 : i32 to index
          %get3A_211 = arith.constant 16 : index
          %get3A_212 = tpu.vector_load %arg5[%get3A_210, %get3A_211] {strides = array<i32>} : memref<64x256xf32, #tpu.memory_space<vmem>>, vector<1x16xf32>,
          %get3A_213 = vector.shape_cast %get3A_212 : vector<1x16xf32> to vector<16xf32>
          %add3A_214 = arith.constant 5 : i32
          %add3A_215 = arith.addi %mul3A_66, %add3A_214 : i32
          %get3A_216 = arith.index_cast %add3A_215 : i32 to index
          %get3A_217 = arith.constant 16 : index
          %get3A_218 = tpu.vector_load %arg5[%get3A_216, %get3A_217] {strides = array<i32>} : memref<64x256xf32, #tpu.memory_space<vmem>>, vector<1x16xf32>,
          %get3A_219 = vector.shape_cast %get3A_218 : vector<1x16xf32> to vector<16xf32>
          %add3A_220 = arith.constant 6 : i32
          %add3A_221 = arith.addi %mul3A_66, %add3A_220 : i32
          %get3A_222 = arith.index_cast %add3A_221 : i32 to index
          %get3A_223 = arith.constant 16 : index
          %get3A_224 = tpu.vector_load %arg5[%get3A_222, %get3A_223] {strides = array<i32>} : memref<64x256xf32, #tpu.memory_space<vmem>>, vector<1x16xf32>,
          %get3A_225 = vector.shape_cast %get3A_224 : vector<1x16xf32> to vector<16xf32>
          %add3A_226 = arith.constant 7 : i32
          %add3A_227 = arith.addi %mul3A_66, %add3A_226 : i32
          %get3A_228 = arith.index_cast %add3A_227 : i32 to index
          %get3A_229 = arith.constant 16 : index
          %get3A_230 = tpu.vector_load %arg5[%get3A_228, %get3A_229] {strides = array<i32>} : memref<64x256xf32, #tpu.memory_space<vmem>>, vector<1x16xf32>,
          %get3A_231 = vector.shape_cast %get3A_230 : vector<1x16xf32> to vector<16xf32>
          %add3A_232 = arith.constant 8 : i32
          %add3A_233 = arith.addi %mul3A_66, %add3A_232 : i32
          %get3A_234 = arith.index_cast %add3A_233 : i32 to index
          %get3A_235 = arith.constant 16 : index
          %get3A_236 = tpu.vector_load %arg5[%get3A_234, %get3A_235] {strides = array<i32>} : memref<64x256xf32, #tpu.memory_space<vmem>>, vector<1x16xf32>,
          %get3A_237 = vector.shape_cast %get3A_236 : vector<1x16xf32> to vector<16xf32>
          %add3A_238 = arith.constant 9 : i32
          %add3A_239 = arith.addi %mul3A_66, %add3A_238 : i32
          %get3A_240 = arith.index_cast %add3A_239 : i32 to index
          %get3A_241 = arith.constant 16 : index
          %get3A_242 = tpu.vector_load %arg5[%get3A_240, %get3A_241] {strides = array<i32>} : memref<64x256xf32, #tpu.memory_space<vmem>>, vector<1x16xf32>,
          %get3A_243 = vector.shape_cast %get3A_242 : vector<1x16xf32> to vector<16xf32>
          %add3A_244 = arith.constant 10 : i32
          %add3A_245 = arith.addi %mul3A_66, %add3A_244 : i32
          %get3A_246 = arith.index_cast %add3A_245 : i32 to index
          %get3A_247 = arith.constant 16 : index
          %get3A_248 = tpu.vector_load %arg5[%get3A_246, %get3A_247] {strides = array<i32>} : memref<64x256xf32, #tpu.memory_space<vmem>>, vector<1x16xf32>,
          %get3A_249 = vector.shape_cast %get3A_248 : vector<1x16xf32> to vector<16xf32>
          %add3A_250 = arith.constant 11 : i32
          %add3A_251 = arith.addi %mul3A_66, %add3A_250 : i32
          %get3A_252 = arith.index_cast %add3A_251 : i32 to index
          %get3A_253 = arith.constant 16 : index
          %get3A_254 = tpu.vector_load %arg5[%get3A_252, %get3A_253] {strides = array<i32>} : memref<64x256xf32, #tpu.memory_space<vmem>>, vector<1x16xf32>,
          %get3A_255 = vector.shape_cast %get3A_254 : vector<1x16xf32> to vector<16xf32>
          %add3A_256 = arith.constant 12 : i32
          %add3A_257 = arith.addi %mul3A_66, %add3A_256 : i32
          %get3A_258 = arith.index_cast %add3A_257 : i32 to index
          %get3A_259 = arith.constant 16 : index
          %get3A_260 = tpu.vector_load %arg5[%get3A_258, %get3A_259] {strides = array<i32>} : memref<64x256xf32, #tpu.memory_space<vmem>>, vector<1x16xf32>,
          %get3A_261 = vector.shape_cast %get3A_260 : vector<1x16xf32> to vector<16xf32>
          %add3A_262 = arith.constant 13 : i32
          %add3A_263 = arith.addi %mul3A_66, %add3A_262 : i32
          %get3A_264 = arith.index_cast %add3A_263 : i32 to index
          %get3A_265 = arith.constant 16 : index
          %get3A_266 = tpu.vector_load %arg5[%get3A_264, %get3A_265] {strides = array<i32>} : memref<64x256xf32, #tpu.memory_space<vmem>>, vector<1x16xf32>,
          %get3A_267 = vector.shape_cast %get3A_266 : vector<1x16xf32> to vector<16xf32>
          %add3A_268 = arith.constant 14 : i32
          %add3A_269 = arith.addi %mul3A_66, %add3A_268 : i32
          %get3A_270 = arith.index_cast %add3A_269 : i32 to index
          %get3A_271 = arith.constant 16 : index
          %get3A_272 = tpu.vector_load %arg5[%get3A_270, %get3A_271] {strides = array<i32>} : memref<64x256xf32, #tpu.memory_space<vmem>>, vector<1x16xf32>,
          %get3A_273 = vector.shape_cast %get3A_272 : vector<1x16xf32> to vector<16xf32>
          %add3A_274 = arith.constant 15 : i32
          %add3A_275 = arith.addi %mul3A_66, %add3A_274 : i32
          %get3A_276 = arith.index_cast %add3A_275 : i32 to index
          %get3A_277 = arith.constant 16 : index
          %get3A_278 = tpu.vector_load %arg5[%get3A_276, %get3A_277] {strides = array<i32>} : memref<64x256xf32, #tpu.memory_space<vmem>>, vector<1x16xf32>,
          %get3A_279 = vector.shape_cast %get3A_278 : vector<1x16xf32> to vector<16xf32>
          %add3A_280 = arith.addf %get3A_189, %get3A_195 : vector<16xf32>
          %add3A_281 = arith.addf %get3A_201, %get3A_207 : vector<16xf32>
          %add3A_282 = arith.addf %get3A_213, %get3A_219 : vector<16xf32>
          %add3A_283 = arith.addf %get3A_225, %get3A_231 : vector<16xf32>
          %add3A_284 = arith.addf %get3A_237, %get3A_243 : vector<16xf32>
          %add3A_285 = arith.addf %get3A_249, %get3A_255 : vector<16xf32>
          %add3A_286 = arith.addf %get3A_261, %get3A_267 : vector<16xf32>
          %add3A_287 = arith.addf %get3A_273, %get3A_279 : vector<16xf32>
          %add3A_288 = arith.addf %add3A_280, %add3A_281 : vector<16xf32>
          %add3A_289 = arith.addf %add3A_282, %add3A_283 : vector<16xf32>
          %add3A_290 = arith.addf %add3A_284, %add3A_285 : vector<16xf32>
          %add3A_291 = arith.addf %add3A_286, %add3A_287 : vector<16xf32>
          %add3A_292 = arith.addf %add3A_288, %add3A_289 : vector<16xf32>
          %add3A_293 = arith.addf %add3A_290, %add3A_291 : vector<16xf32>
          %add3A_294 = arith.addf %add3A_292, %add3A_293 : vector<16xf32>
          %mul3A_295 = arith.constant 4 : i32
          %mul3A_296 = arith.muli %add3A_31, %mul3A_295 : i32
          %add3A_297 = arith.addi %mul3A_296, %add3A_64 : i32
          %swap3A_298 = arith.index_cast %add3A_297 : i32 to index
          %swap3A_299 = arith.constant 16 : index
          %swap3A_300 = tpu.vector_load %arg6[%swap3A_298, %swap3A_299] {strides = array<i32>} : memref<128x256xf32, #tpu.memory_space<vmem>>, vector<1x16xf32>,
          %swap3A_301 = vector.shape_cast %swap3A_300 : vector<1x16xf32> to vector<16xf32>
          %swap3A_302 = vector.shape_cast %add3A_294 : vector<16xf32> to vector<1x16xf32>
          tpu.vector_store %arg6[%swap3A_298, %swap3A_299], %swap3A_302 {strides = array<i32>} : memref<128x256xf32, #tpu.memory_space<vmem>>, vector<1x16xf32>,
          %add3A_303 = arith.constant 0 : i32
          %add3A_304 = arith.addi %mul3A_66, %add3A_303 : i32
          %get3A_305 = arith.index_cast %add3A_304 : i32 to index
          %get3A_306 = arith.constant 32 : index
          %get3A_307 = tpu.vector_load %arg5[%get3A_305, %get3A_306] {strides = array<i32>} : memref<64x256xf32, #tpu.memory_space<vmem>>, vector<1x16xf32>,
          %get3A_308 = vector.shape_cast %get3A_307 : vector<1x16xf32> to vector<16xf32>
          %add3A_309 = arith.constant 1 : i32
          %add3A_310 = arith.addi %mul3A_66, %add3A_309 : i32
          %get3A_311 = arith.index_cast %add3A_310 : i32 to index
          %get3A_312 = arith.constant 32 : index
          %get3A_313 = tpu.vector_load %arg5[%get3A_311, %get3A_312] {strides = array<i32>} : memref<64x256xf32, #tpu.memory_space<vmem>>, vector<1x16xf32>,
          %get3A_314 = vector.shape_cast %get3A_313 : vector<1x16xf32> to vector<16xf32>
          %add3A_315 = arith.constant 2 : i32
          %add3A_316 = arith.addi %mul3A_66, %add3A_315 : i32
          %get3A_317 = arith.index_cast %add3A_316 : i32 to index
          %get3A_318 = arith.constant 32 : index
          %get3A_319 = tpu.vector_load %arg5[%get3A_317, %get3A_318] {strides = array<i32>} : memref<64x256xf32, #tpu.memory_space<vmem>>, vector<1x16xf32>,
          %get3A_320 = vector.shape_cast %get3A_319 : vector<1x16xf32> to vector<16xf32>
          %add3A_321 = arith.constant 3 : i32
          %add3A_322 = arith.addi %mul3A_66, %add3A_321 : i32
          %get3A_323 = arith.index_cast %add3A_322 : i32 to index
          %get3A_324 = arith.constant 32 : index
          %get3A_325 = tpu.vector_load %arg5[%get3A_323, %get3A_324] {strides = array<i32>} : memref<64x256xf32, #tpu.memory_space<vmem>>, vector<1x16xf32>,
          %get3A_326 = vector.shape_cast %get3A_325 : vector<1x16xf32> to vector<16xf32>
          %add3A_327 = arith.constant 4 : i32
          %add3A_328 = arith.addi %mul3A_66, %add3A_327 : i32
          %get3A_329 = arith.index_cast %add3A_328 : i32 to index
          %get3A_330 = arith.constant 32 : index
          %get3A_331 = tpu.vector_load %arg5[%get3A_329, %get3A_330] {strides = array<i32>} : memref<64x256xf32, #tpu.memory_space<vmem>>, vector<1x16xf32>,
          %get3A_332 = vector.shape_cast %get3A_331 : vector<1x16xf32> to vector<16xf32>
          %add3A_333 = arith.constant 5 : i32
          %add3A_334 = arith.addi %mul3A_66, %add3A_333 : i32
          %get3A_335 = arith.index_cast %add3A_334 : i32 to index
          %get3A_336 = arith.constant 32 : index
          %get3A_337 = tpu.vector_load %arg5[%get3A_335, %get3A_336] {strides = array<i32>} : memref<64x256xf32, #tpu.memory_space<vmem>>, vector<1x16xf32>,
          %get3A_338 = vector.shape_cast %get3A_337 : vector<1x16xf32> to vector<16xf32>
          %add3A_339 = arith.constant 6 : i32
          %add3A_340 = arith.addi %mul3A_66, %add3A_339 : i32
          %get3A_341 = arith.index_cast %add3A_340 : i32 to index
          %get3A_342 = arith.constant 32 : index
          %get3A_343 = tpu.vector_load %arg5[%get3A_341, %get3A_342] {strides = array<i32>} : memref<64x256xf32, #tpu.memory_space<vmem>>, vector<1x16xf32>,
          %get3A_344 = vector.shape_cast %get3A_343 : vector<1x16xf32> to vector<16xf32>
          %add3A_345 = arith.constant 7 : i32
          %add3A_346 = arith.addi %mul3A_66, %add3A_345 : i32
          %get3A_347 = arith.index_cast %add3A_346 : i32 to index
          %get3A_348 = arith.constant 32 : index
          %get3A_349 = tpu.vector_load %arg5[%get3A_347, %get3A_348] {strides = array<i32>} : memref<64x256xf32, #tpu.memory_space<vmem>>, vector<1x16xf32>,
          %get3A_350 = vector.shape_cast %get3A_349 : vector<1x16xf32> to vector<16xf32>
          %add3A_351 = arith.constant 8 : i32
          %add3A_352 = arith.addi %mul3A_66, %add3A_351 : i32
          %get3A_353 = arith.index_cast %add3A_352 : i32 to index
          %get3A_354 = arith.constant 32 : index
          %get3A_355 = tpu.vector_load %arg5[%get3A_353, %get3A_354] {strides = array<i32>} : memref<64x256xf32, #tpu.memory_space<vmem>>, vector<1x16xf32>,
          %get3A_356 = vector.shape_cast %get3A_355 : vector<1x16xf32> to vector<16xf32>
          %add3A_357 = arith.constant 9 : i32
          %add3A_358 = arith.addi %mul3A_66, %add3A_357 : i32
          %get3A_359 = arith.index_cast %add3A_358 : i32 to index
          %get3A_360 = arith.constant 32 : index
          %get3A_361 = tpu.vector_load %arg5[%get3A_359, %get3A_360] {strides = array<i32>} : memref<64x256xf32, #tpu.memory_space<vmem>>, vector<1x16xf32>,
          %get3A_362 = vector.shape_cast %get3A_361 : vector<1x16xf32> to vector<16xf32>
          %add3A_363 = arith.constant 10 : i32
          %add3A_364 = arith.addi %mul3A_66, %add3A_363 : i32
          %get3A_365 = arith.index_cast %add3A_364 : i32 to index
          %get3A_366 = arith.constant 32 : index
          %get3A_367 = tpu.vector_load %arg5[%get3A_365, %get3A_366] {strides = array<i32>} : memref<64x256xf32, #tpu.memory_space<vmem>>, vector<1x16xf32>,
          %get3A_368 = vector.shape_cast %get3A_367 : vector<1x16xf32> to vector<16xf32>
          %add3A_369 = arith.constant 11 : i32
          %add3A_370 = arith.addi %mul3A_66, %add3A_369 : i32
          %get3A_371 = arith.index_cast %add3A_370 : i32 to index
          %get3A_372 = arith.constant 32 : index
          %get3A_373 = tpu.vector_load %arg5[%get3A_371, %get3A_372] {strides = array<i32>} : memref<64x256xf32, #tpu.memory_space<vmem>>, vector<1x16xf32>,
          %get3A_374 = vector.shape_cast %get3A_373 : vector<1x16xf32> to vector<16xf32>
          %add3A_375 = arith.constant 12 : i32
          %add3A_376 = arith.addi %mul3A_66, %add3A_375 : i32
          %get3A_377 = arith.index_cast %add3A_376 : i32 to index
          %get3A_378 = arith.constant 32 : index
          %get3A_379 = tpu.vector_load %arg5[%get3A_377, %get3A_378] {strides = array<i32>} : memref<64x256xf32, #tpu.memory_space<vmem>>, vector<1x16xf32>,
          %get3A_380 = vector.shape_cast %get3A_379 : vector<1x16xf32> to vector<16xf32>
          %add3A_381 = arith.constant 13 : i32
          %add3A_382 = arith.addi %mul3A_66, %add3A_381 : i32
          %get3A_383 = arith.index_cast %add3A_382 : i32 to index
          %get3A_384 = arith.constant 32 : index
          %get3A_385 = tpu.vector_load %arg5[%get3A_383, %get3A_384] {strides = array<i32>} : memref<64x256xf32, #tpu.memory_space<vmem>>, vector<1x16xf32>,
          %get3A_386 = vector.shape_cast %get3A_385 : vector<1x16xf32> to vector<16xf32>
          %add3A_387 = arith.constant 14 : i32
          %add3A_388 = arith.addi %mul3A_66, %add3A_387 : i32
          %get3A_389 = arith.index_cast %add3A_388 : i32 to index
          %get3A_390 = arith.constant 32 : index
          %get3A_391 = tpu.vector_load %arg5[%get3A_389, %get3A_390] {strides = array<i32>} : memref<64x256xf32, #tpu.memory_space<vmem>>, vector<1x16xf32>,
          %get3A_392 = vector.shape_cast %get3A_391 : vector<1x16xf32> to vector<16xf32>
          %add3A_393 = arith.constant 15 : i32
          %add3A_394 = arith.addi %mul3A_66, %add3A_393 : i32
          %get3A_395 = arith.index_cast %add3A_394 : i32 to index
          %get3A_396 = arith.constant 32 : index
          %get3A_397 = tpu.vector_load %arg5[%get3A_395, %get3A_396] {strides = array<i32>} : memref<64x256xf32, #tpu.memory_space<vmem>>, vector<1x16xf32>,
          %get3A_398 = vector.shape_cast %get3A_397 : vector<1x16xf32> to vector<16xf32>
          %add3A_399 = arith.addf %get3A_308, %get3A_314 : vector<16xf32>
          %add3A_400 = arith.addf %get3A_320, %get3A_326 : vector<16xf32>
          %add3A_401 = arith.addf %get3A_332, %get3A_338 : vector<16xf32>
          %add3A_402 = arith.addf %get3A_344, %get3A_350 : vector<16xf32>
          %add3A_403 = arith.addf %get3A_356, %get3A_362 : vector<16xf32>
          %add3A_404 = arith.addf %get3A_368, %get3A_374 : vector<16xf32>
          %add3A_405 = arith.addf %get3A_380, %get3A_386 : vector<16xf32>
          %add3A_406 = arith.addf %get3A_392, %get3A_398 : vector<16xf32>
          %add3A_407 = arith.addf %add3A_399, %add3A_400 : vector<16xf32>
          %add3A_408 = arith.addf %add3A_401, %add3A_402 : vector<16xf32>
          %add3A_409 = arith.addf %add3A_403, %add3A_404 : vector<16xf32>
          %add3A_410 = arith.addf %add3A_405, %add3A_406 : vector<16xf32>
          %add3A_411 = arith.addf %add3A_407, %add3A_408 : vector<16xf32>
          %add3A_412 = arith.addf %add3A_409, %add3A_410 : vector<16xf32>
          %add3A_413 = arith.addf %add3A_411, %add3A_412 : vector<16xf32>
          %mul3A_414 = arith.constant 4 : i32
          %mul3A_415 = arith.muli %add3A_31, %mul3A_414 : i32
          %add3A_416 = arith.addi %mul3A_415, %add3A_64 : i32
          %swap3A_417 = arith.index_cast %add3A_416 : i32 to index
          %swap3A_418 = arith.constant 32 : index
          %swap3A_419 = tpu.vector_load %arg6[%swap3A_417, %swap3A_418] {strides = array<i32>} : memref<128x256xf32, #tpu.memory_space<vmem>>, vector<1x16xf32>,
          %swap3A_420 = vector.shape_cast %swap3A_419 : vector<1x16xf32> to vector<16xf32>
          %swap3A_421 = vector.shape_cast %add3A_413 : vector<16xf32> to vector<1x16xf32>
          tpu.vector_store %arg6[%swap3A_417, %swap3A_418], %swap3A_421 {strides = array<i32>} : memref<128x256xf32, #tpu.memory_space<vmem>>, vector<1x16xf32>,
          %add3A_422 = arith.constant 0 : i32
          %add3A_423 = arith.addi %mul3A_66, %add3A_422 : i32
          %get3A_424 = arith.index_cast %add3A_423 : i32 to index
          %get3A_425 = arith.constant 48 : index
          %get3A_426 = tpu.vector_load %arg5[%get3A_424, %get3A_425] {strides = array<i32>} : memref<64x256xf32, #tpu.memory_space<vmem>>, vector<1x16xf32>,
          %get3A_427 = vector.shape_cast %get3A_426 : vector<1x16xf32> to vector<16xf32>
          %add3A_428 = arith.constant 1 : i32
          %add3A_429 = arith.addi %mul3A_66, %add3A_428 : i32
          %get3A_430 = arith.index_cast %add3A_429 : i32 to index
          %get3A_431 = arith.constant 48 : index
          %get3A_432 = tpu.vector_load %arg5[%get3A_430, %get3A_431] {strides = array<i32>} : memref<64x256xf32, #tpu.memory_space<vmem>>, vector<1x16xf32>,
          %get3A_433 = vector.shape_cast %get3A_432 : vector<1x16xf32> to vector<16xf32>
          %add3A_434 = arith.constant 2 : i32
          %add3A_435 = arith.addi %mul3A_66, %add3A_434 : i32
          %get3A_436 = arith.index_cast %add3A_435 : i32 to index
          %get3A_437 = arith.constant 48 : index
          %get3A_438 = tpu.vector_load %arg5[%get3A_436, %get3A_437] {strides = array<i32>} : memref<64x256xf32, #tpu.memory_space<vmem>>, vector<1x16xf32>,
          %get3A_439 = vector.shape_cast %get3A_438 : vector<1x16xf32> to vector<16xf32>
          %add3A_440 = arith.constant 3 : i32
          %add3A_441 = arith.addi %mul3A_66, %add3A_440 : i32
          %get3A_442 = arith.index_cast %add3A_441 : i32 to index
          %get3A_443 = arith.constant 48 : index
          %get3A_444 = tpu.vector_load %arg5[%get3A_442, %get3A_443] {strides = array<i32>} : memref<64x256xf32, #tpu.memory_space<vmem>>, vector<1x16xf32>,
          %get3A_445 = vector.shape_cast %get3A_444 : vector<1x16xf32> to vector<16xf32>
          %add3A_446 = arith.constant 4 : i32
          %add3A_447 = arith.addi %mul3A_66, %add3A_446 : i32
          %get3A_448 = arith.index_cast %add3A_447 : i32 to index
          %get3A_449 = arith.constant 48 : index
          %get3A_450 = tpu.vector_load %arg5[%get3A_448, %get3A_449] {strides = array<i32>} : memref<64x256xf32, #tpu.memory_space<vmem>>, vector<1x16xf32>,
          %get3A_451 = vector.shape_cast %get3A_450 : vector<1x16xf32> to vector<16xf32>
          %add3A_452 = arith.constant 5 : i32
          %add3A_453 = arith.addi %mul3A_66, %add3A_452 : i32
          %get3A_454 = arith.index_cast %add3A_453 : i32 to index
          %get3A_455 = arith.constant 48 : index
          %get3A_456 = tpu.vector_load %arg5[%get3A_454, %get3A_455] {strides = array<i32>} : memref<64x256xf32, #tpu.memory_space<vmem>>, vector<1x16xf32>,
          %get3A_457 = vector.shape_cast %get3A_456 : vector<1x16xf32> to vector<16xf32>
          %add3A_458 = arith.constant 6 : i32
          %add3A_459 = arith.addi %mul3A_66, %add3A_458 : i32
          %get3A_460 = arith.index_cast %add3A_459 : i32 to index
          %get3A_461 = arith.constant 48 : index
          %get3A_462 = tpu.vector_load %arg5[%get3A_460, %get3A_461] {strides = array<i32>} : memref<64x256xf32, #tpu.memory_space<vmem>>, vector<1x16xf32>,
          %get3A_463 = vector.shape_cast %get3A_462 : vector<1x16xf32> to vector<16xf32>
          %add3A_464 = arith.constant 7 : i32
          %add3A_465 = arith.addi %mul3A_66, %add3A_464 : i32
          %get3A_466 = arith.index_cast %add3A_465 : i32 to index
          %get3A_467 = arith.constant 48 : index
          %get3A_468 = tpu.vector_load %arg5[%get3A_466, %get3A_467] {strides = array<i32>} : memref<64x256xf32, #tpu.memory_space<vmem>>, vector<1x16xf32>,
          %get3A_469 = vector.shape_cast %get3A_468 : vector<1x16xf32> to vector<16xf32>
          %add3A_470 = arith.constant 8 : i32
          %add3A_471 = arith.addi %mul3A_66, %add3A_470 : i32
          %get3A_472 = arith.index_cast %add3A_471 : i32 to index
          %get3A_473 = arith.constant 48 : index
          %get3A_474 = tpu.vector_load %arg5[%get3A_472, %get3A_473] {strides = array<i32>} : memref<64x256xf32, #tpu.memory_space<vmem>>, vector<1x16xf32>,
          %get3A_475 = vector.shape_cast %get3A_474 : vector<1x16xf32> to vector<16xf32>
          %add3A_476 = arith.constant 9 : i32
          %add3A_477 = arith.addi %mul3A_66, %add3A_476 : i32
          %get3A_478 = arith.index_cast %add3A_477 : i32 to index
          %get3A_479 = arith.constant 48 : index
          %get3A_480 = tpu.vector_load %arg5[%get3A_478, %get3A_479] {strides = array<i32>} : memref<64x256xf32, #tpu.memory_space<vmem>>, vector<1x16xf32>,
          %get3A_481 = vector.shape_cast %get3A_480 : vector<1x16xf32> to vector<16xf32>
          %add3A_482 = arith.constant 10 : i32
          %add3A_483 = arith.addi %mul3A_66, %add3A_482 : i32
          %get3A_484 = arith.index_cast %add3A_483 : i32 to index
          %get3A_485 = arith.constant 48 : index
          %get3A_486 = tpu.vector_load %arg5[%get3A_484, %get3A_485] {strides = array<i32>} : memref<64x256xf32, #tpu.memory_space<vmem>>, vector<1x16xf32>,
          %get3A_487 = vector.shape_cast %get3A_486 : vector<1x16xf32> to vector<16xf32>
          %add3A_488 = arith.constant 11 : i32
          %add3A_489 = arith.addi %mul3A_66, %add3A_488 : i32
          %get3A_490 = arith.index_cast %add3A_489 : i32 to index
          %get3A_491 = arith.constant 48 : index
          %get3A_492 = tpu.vector_load %arg5[%get3A_490, %get3A_491] {strides = array<i32>} : memref<64x256xf32, #tpu.memory_space<vmem>>, vector<1x16xf32>,
          %get3A_493 = vector.shape_cast %get3A_492 : vector<1x16xf32> to vector<16xf32>
          %add3A_494 = arith.constant 12 : i32
          %add3A_495 = arith.addi %mul3A_66, %add3A_494 : i32
          %get3A_496 = arith.index_cast %add3A_495 : i32 to index
          %get3A_497 = arith.constant 48 : index
          %get3A_498 = tpu.vector_load %arg5[%get3A_496, %get3A_497] {strides = array<i32>} : memref<64x256xf32, #tpu.memory_space<vmem>>, vector<1x16xf32>,
          %get3A_499 = vector.shape_cast %get3A_498 : vector<1x16xf32> to vector<16xf32>
          %add3A_500 = arith.constant 13 : i32
          %add3A_501 = arith.addi %mul3A_66, %add3A_500 : i32
          %get3A_502 = arith.index_cast %add3A_501 : i32 to index
          %get3A_503 = arith.constant 48 : index
          %get3A_504 = tpu.vector_load %arg5[%get3A_502, %get3A_503] {strides = array<i32>} : memref<64x256xf32, #tpu.memory_space<vmem>>, vector<1x16xf32>,
          %get3A_505 = vector.shape_cast %get3A_504 : vector<1x16xf32> to vector<16xf32>
          %add3A_506 = arith.constant 14 : i32
          %add3A_507 = arith.addi %mul3A_66, %add3A_506 : i32
          %get3A_508 = arith.index_cast %add3A_507 : i32 to index
          %get3A_509 = arith.constant 48 : index
          %get3A_510 = tpu.vector_load %arg5[%get3A_508, %get3A_509] {strides = array<i32>} : memref<64x256xf32, #tpu.memory_space<vmem>>, vector<1x16xf32>,
          %get3A_511 = vector.shape_cast %get3A_510 : vector<1x16xf32> to vector<16xf32>
          %add3A_512 = arith.constant 15 : i32
          %add3A_513 = arith.addi %mul3A_66, %add3A_512 : i32
          %get3A_514 = arith.index_cast %add3A_513 : i32 to index
          %get3A_515 = arith.constant 48 : index
          %get3A_516 = tpu.vector_load %arg5[%get3A_514, %get3A_515] {strides = array<i32>} : memref<64x256xf32, #tpu.memory_space<vmem>>, vector<1x16xf32>,
          %get3A_517 = vector.shape_cast %get3A_516 : vector<1x16xf32> to vector<16xf32>
          %add3A_518 = arith.addf %get3A_427, %get3A_433 : vector<16xf32>
          %add3A_519 = arith.addf %get3A_439, %get3A_445 : vector<16xf32>
          %add3A_520 = arith.addf %get3A_451, %get3A_457 : vector<16xf32>
          %add3A_521 = arith.addf %get3A_463, %get3A_469 : vector<16xf32>
          %add3A_522 = arith.addf %get3A_475, %get3A_481 : vector<16xf32>
          %add3A_523 = arith.addf %get3A_487, %get3A_493 : vector<16xf32>
          %add3A_524 = arith.addf %get3A_499, %get3A_505 : vector<16xf32>
          %add3A_525 = arith.addf %get3A_511, %get3A_517 : vector<16xf32>
          %add3A_526 = arith.addf %add3A_518, %add3A_519 : vector<16xf32>
          %add3A_527 = arith.addf %add3A_520, %add3A_521 : vector<16xf32>
          %add3A_528 = arith.addf %add3A_522, %add3A_523 : vector<16xf32>
          %add3A_529 = arith.addf %add3A_524, %add3A_525 : vector<16xf32>
          %add3A_530 = arith.addf %add3A_526, %add3A_527 : vector<16xf32>
          %add3A_531 = arith.addf %add3A_528, %add3A_529 : vector<16xf32>
          %add3A_532 = arith.addf %add3A_530, %add3A_531 : vector<16xf32>
          %mul3A_533 = arith.constant 4 : i32
          %mul3A_534 = arith.muli %add3A_31, %mul3A_533 : i32
          %add3A_535 = arith.addi %mul3A_534, %add3A_64 : i32
          %swap3A_536 = arith.index_cast %add3A_535 : i32 to index
          %swap3A_537 = arith.constant 48 : index
          %swap3A_538 = tpu.vector_load %arg6[%swap3A_536, %swap3A_537] {strides = array<i32>} : memref<128x256xf32, #tpu.memory_space<vmem>>, vector<1x16xf32>,
          %swap3A_539 = vector.shape_cast %swap3A_538 : vector<1x16xf32> to vector<16xf32>
          %swap3A_540 = vector.shape_cast %add3A_532 : vector<16xf32> to vector<1x16xf32>
          tpu.vector_store %arg6[%swap3A_536, %swap3A_537], %swap3A_540 {strides = array<i32>} : memref<128x256xf32, #tpu.memory_space<vmem>>, vector<1x16xf32>,
          %add3A_541 = arith.constant 0 : i32
          %add3A_542 = arith.addi %mul3A_66, %add3A_541 : i32
          %get3A_543 = arith.index_cast %add3A_542 : i32 to index
          %get3A_544 = arith.constant 64 : index
          %get3A_545 = tpu.vector_load %arg5[%get3A_543, %get3A_544] {strides = array<i32>} : memref<64x256xf32, #tpu.memory_space<vmem>>, vector<1x16xf32>,
          %get3A_546 = vector.shape_cast %get3A_545 : vector<1x16xf32> to vector<16xf32>
          %add3A_547 = arith.constant 1 : i32
          %add3A_548 = arith.addi %mul3A_66, %add3A_547 : i32
          %get3A_549 = arith.index_cast %add3A_548 : i32 to index
          %get3A_550 = arith.constant 64 : index
          %get3A_551 = tpu.vector_load %arg5[%get3A_549, %get3A_550] {strides = array<i32>} : memref<64x256xf32, #tpu.memory_space<vmem>>, vector<1x16xf32>,
          %get3A_552 = vector.shape_cast %get3A_551 : vector<1x16xf32> to vector<16xf32>
          %add3A_553 = arith.constant 2 : i32
          %add3A_554 = arith.addi %mul3A_66, %add3A_553 : i32
          %get3A_555 = arith.index_cast %add3A_554 : i32 to index
          %get3A_556 = arith.constant 64 : index
          %get3A_557 = tpu.vector_load %arg5[%get3A_555, %get3A_556] {strides = array<i32>} : memref<64x256xf32, #tpu.memory_space<vmem>>, vector<1x16xf32>,
          %get3A_558 = vector.shape_cast %get3A_557 : vector<1x16xf32> to vector<16xf32>
          %add3A_559 = arith.constant 3 : i32
          %add3A_560 = arith.addi %mul3A_66, %add3A_559 : i32
          %get3A_561 = arith.index_cast %add3A_560 : i32 to index
          %get3A_562 = arith.constant 64 : index
          %get3A_563 = tpu.vector_load %arg5[%get3A_561, %get3A_562] {strides = array<i32>} : memref<64x256xf32, #tpu.memory_space<vmem>>, vector<1x16xf32>,
          %get3A_564 = vector.shape_cast %get3A_563 : vector<1x16xf32> to vector<16xf32>
          %add3A_565 = arith.constant 4 : i32
          %add3A_566 = arith.addi %mul3A_66, %add3A_565 : i32
          %get3A_567 = arith.index_cast %add3A_566 : i32 to index
          %get3A_568 = arith.constant 64 : index
          %get3A_569 = tpu.vector_load %arg5[%get3A_567, %get3A_568] {strides = array<i32>} : memref<64x256xf32, #tpu.memory_space<vmem>>, vector<1x16xf32>,
          %get3A_570 = vector.shape_cast %get3A_569 : vector<1x16xf32> to vector<16xf32>
          %add3A_571 = arith.constant 5 : i32
          %add3A_572 = arith.addi %mul3A_66, %add3A_571 : i32
          %get3A_573 = arith.index_cast %add3A_572 : i32 to index
          %get3A_574 = arith.constant 64 : index
          %get3A_575 = tpu.vector_load %arg5[%get3A_573, %get3A_574] {strides = array<i32>} : memref<64x256xf32, #tpu.memory_space<vmem>>, vector<1x16xf32>,
          %get3A_576 = vector.shape_cast %get3A_575 : vector<1x16xf32> to vector<16xf32>
          %add3A_577 = arith.constant 6 : i32
          %add3A_578 = arith.addi %mul3A_66, %add3A_577 : i32
          %get3A_579 = arith.index_cast %add3A_578 : i32 to index
          %get3A_580 = arith.constant 64 : index
          %get3A_581 = tpu.vector_load %arg5[%get3A_579, %get3A_580] {strides = array<i32>} : memref<64x256xf32, #tpu.memory_space<vmem>>, vector<1x16xf32>,
          %get3A_582 = vector.shape_cast %get3A_581 : vector<1x16xf32> to vector<16xf32>
          %add3A_583 = arith.constant 7 : i32
          %add3A_584 = arith.addi %mul3A_66, %add3A_583 : i32
          %get3A_585 = arith.index_cast %add3A_584 : i32 to index
          %get3A_586 = arith.constant 64 : index
          %get3A_587 = tpu.vector_load %arg5[%get3A_585, %get3A_586] {strides = array<i32>} : memref<64x256xf32, #tpu.memory_space<vmem>>, vector<1x16xf32>,
          %get3A_588 = vector.shape_cast %get3A_587 : vector<1x16xf32> to vector<16xf32>
          %add3A_589 = arith.constant 8 : i32
          %add3A_590 = arith.addi %mul3A_66, %add3A_589 : i32
          %get3A_591 = arith.index_cast %add3A_590 : i32 to index
          %get3A_592 = arith.constant 64 : index
          %get3A_593 = tpu.vector_load %arg5[%get3A_591, %get3A_592] {strides = array<i32>} : memref<64x256xf32, #tpu.memory_space<vmem>>, vector<1x16xf32>,
          %get3A_594 = vector.shape_cast %get3A_593 : vector<1x16xf32> to vector<16xf32>
          %add3A_595 = arith.constant 9 : i32
          %add3A_596 = arith.addi %mul3A_66, %add3A_595 : i32
          %get3A_597 = arith.index_cast %add3A_596 : i32 to index
          %get3A_598 = arith.constant 64 : index
          %get3A_599 = tpu.vector_load %arg5[%get3A_597, %get3A_598] {strides = array<i32>} : memref<64x256xf32, #tpu.memory_space<vmem>>, vector<1x16xf32>,
          %get3A_600 = vector.shape_cast %get3A_599 : vector<1x16xf32> to vector<16xf32>
          %add3A_601 = arith.constant 10 : i32
          %add3A_602 = arith.addi %mul3A_66, %add3A_601 : i32
          %get3A_603 = arith.index_cast %add3A_602 : i32 to index
          %get3A_604 = arith.constant 64 : index
          %get3A_605 = tpu.vector_load %arg5[%get3A_603, %get3A_604] {strides = array<i32>} : memref<64x256xf32, #tpu.memory_space<vmem>>, vector<1x16xf32>,
          %get3A_606 = vector.shape_cast %get3A_605 : vector<1x16xf32> to vector<16xf32>
          %add3A_607 = arith.constant 11 : i32
          %add3A_608 = arith.addi %mul3A_66, %add3A_607 : i32
          %get3A_609 = arith.index_cast %add3A_608 : i32 to index
          %get3A_610 = arith.constant 64 : index
          %get3A_611 = tpu.vector_load %arg5[%get3A_609, %get3A_610] {strides = array<i32>} : memref<64x256xf32, #tpu.memory_space<vmem>>, vector<1x16xf32>,
          %get3A_612 = vector.shape_cast %get3A_611 : vector<1x16xf32> to vector<16xf32>
          %add3A_613 = arith.constant 12 : i32
          %add3A_614 = arith.addi %mul3A_66, %add3A_613 : i32
          %get3A_615 = arith.index_cast %add3A_614 : i32 to index
          %get3A_616 = arith.constant 64 : index
          %get3A_617 = tpu.vector_load %arg5[%get3A_615, %get3A_616] {strides = array<i32>} : memref<64x256xf32, #tpu.memory_space<vmem>>, vector<1x16xf32>,
          %get3A_618 = vector.shape_cast %get3A_617 : vector<1x16xf32> to vector<16xf32>
          %add3A_619 = arith.constant 13 : i32
          %add3A_620 = arith.addi %mul3A_66, %add3A_619 : i32
          %get3A_621 = arith.index_cast %add3A_620 : i32 to index
          %get3A_622 = arith.constant 64 : index
          %get3A_623 = tpu.vector_load %arg5[%get3A_621, %get3A_622] {strides = array<i32>} : memref<64x256xf32, #tpu.memory_space<vmem>>, vector<1x16xf32>,
          %get3A_624 = vector.shape_cast %get3A_623 : vector<1x16xf32> to vector<16xf32>
          %add3A_625 = arith.constant 14 : i32
          %add3A_626 = arith.addi %mul3A_66, %add3A_625 : i32
          %get3A_627 = arith.index_cast %add3A_626 : i32 to index
          %get3A_628 = arith.constant 64 : index
          %get3A_629 = tpu.vector_load %arg5[%get3A_627, %get3A_628] {strides = array<i32>} : memref<64x256xf32, #tpu.memory_space<vmem>>, vector<1x16xf32>,
          %get3A_630 = vector.shape_cast %get3A_629 : vector<1x16xf32> to vector<16xf32>
          %add3A_631 = arith.constant 15 : i32
          %add3A_632 = arith.addi %mul3A_66, %add3A_631 : i32
          %get3A_633 = arith.index_cast %add3A_632 : i32 to index
          %get3A_634 = arith.constant 64 : index
          %get3A_635 = tpu.vector_load %arg5[%get3A_633, %get3A_634] {strides = array<i32>} : memref<64x256xf32, #tpu.memory_space<vmem>>, vector<1x16xf32>,
          %get3A_636 = vector.shape_cast %get3A_635 : vector<1x16xf32> to vector<16xf32>
          %add3A_637 = arith.addf %get3A_546, %get3A_552 : vector<16xf32>
          %add3A_638 = arith.addf %get3A_558, %get3A_564 : vector<16xf32>
          %add3A_639 = arith.addf %get3A_570, %get3A_576 : vector<16xf32>
          %add3A_640 = arith.addf %get3A_582, %get3A_588 : vector<16xf32>
          %add3A_641 = arith.addf %get3A_594, %get3A_600 : vector<16xf32>
          %add3A_642 = arith.addf %get3A_606, %get3A_612 : vector<16xf32>
          %add3A_643 = arith.addf %get3A_618, %get3A_624 : vector<16xf32>
          %add3A_644 = arith.addf %get3A_630, %get3A_636 : vector<16xf32>
          %add3A_645 = arith.addf %add3A_637, %add3A_638 : vector<16xf32>
          %add3A_646 = arith.addf %add3A_639, %add3A_640 : vector<16xf32>
          %add3A_647 = arith.addf %add3A_641, %add3A_642 : vector<16xf32>
          %add3A_648 = arith.addf %add3A_643, %add3A_644 : vector<16xf32>
          %add3A_649 = arith.addf %add3A_645, %add3A_646 : vector<16xf32>
          %add3A_650 = arith.addf %add3A_647, %add3A_648 : vector<16xf32>
          %add3A_651 = arith.addf %add3A_649, %add3A_650 : vector<16xf32>
          %mul3A_652 = arith.constant 4 : i32
          %mul3A_653 = arith.muli %add3A_31, %mul3A_652 : i32
          %add3A_654 = arith.addi %mul3A_653, %add3A_64 : i32
          %swap3A_655 = arith.index_cast %add3A_654 : i32 to index
          %swap3A_656 = arith.constant 64 : index
          %swap3A_657 = tpu.vector_load %arg6[%swap3A_655, %swap3A_656] {strides = array<i32>} : memref<128x256xf32, #tpu.memory_space<vmem>>, vector<1x16xf32>,
          %swap3A_658 = vector.shape_cast %swap3A_657 : vector<1x16xf32> to vector<16xf32>
          %swap3A_659 = vector.shape_cast %add3A_651 : vector<16xf32> to vector<1x16xf32>
          tpu.vector_store %arg6[%swap3A_655, %swap3A_656], %swap3A_659 {strides = array<i32>} : memref<128x256xf32, #tpu.memory_space<vmem>>, vector<1x16xf32>,
          %add3A_660 = arith.constant 0 : i32
          %add3A_661 = arith.addi %mul3A_66, %add3A_660 : i32
          %get3A_662 = arith.index_cast %add3A_661 : i32 to index
          %get3A_663 = arith.constant 80 : index
          %get3A_664 = tpu.vector_load %arg5[%get3A_662, %get3A_663] {strides = array<i32>} : memref<64x256xf32, #tpu.memory_space<vmem>>, vector<1x16xf32>,
          %get3A_665 = vector.shape_cast %get3A_664 : vector<1x16xf32> to vector<16xf32>
          %add3A_666 = arith.constant 1 : i32
          %add3A_667 = arith.addi %mul3A_66, %add3A_666 : i32
          %get3A_668 = arith.index_cast %add3A_667 : i32 to index
          %get3A_669 = arith.constant 80 : index
          %get3A_670 = tpu.vector_load %arg5[%get3A_668, %get3A_669] {strides = array<i32>} : memref<64x256xf32, #tpu.memory_space<vmem>>, vector<1x16xf32>,
          %get3A_671 = vector.shape_cast %get3A_670 : vector<1x16xf32> to vector<16xf32>
          %add3A_672 = arith.constant 2 : i32
          %add3A_673 = arith.addi %mul3A_66, %add3A_672 : i32
          %get3A_674 = arith.index_cast %add3A_673 : i32 to index
          %get3A_675 = arith.constant 80 : index
          %get3A_676 = tpu.vector_load %arg5[%get3A_674, %get3A_675] {strides = array<i32>} : memref<64x256xf32, #tpu.memory_space<vmem>>, vector<1x16xf32>,
          %get3A_677 = vector.shape_cast %get3A_676 : vector<1x16xf32> to vector<16xf32>
          %add3A_678 = arith.constant 3 : i32
          %add3A_679 = arith.addi %mul3A_66, %add3A_678 : i32
          %get3A_680 = arith.index_cast %add3A_679 : i32 to index
          %get3A_681 = arith.constant 80 : index
          %get3A_682 = tpu.vector_load %arg5[%get3A_680, %get3A_681] {strides = array<i32>} : memref<64x256xf32, #tpu.memory_space<vmem>>, vector<1x16xf32>,
          %get3A_683 = vector.shape_cast %get3A_682 : vector<1x16xf32> to vector<16xf32>
          %add3A_684 = arith.constant 4 : i32
          %add3A_685 = arith.addi %mul3A_66, %add3A_684 : i32
          %get3A_686 = arith.index_cast %add3A_685 : i32 to index
          %get3A_687 = arith.constant 80 : index
          %get3A_688 = tpu.vector_load %arg5[%get3A_686, %get3A_687] {strides = array<i32>} : memref<64x256xf32, #tpu.memory_space<vmem>>, vector<1x16xf32>,
          %get3A_689 = vector.shape_cast %get3A_688 : vector<1x16xf32> to vector<16xf32>
          %add3A_690 = arith.constant 5 : i32
          %add3A_691 = arith.addi %mul3A_66, %add3A_690 : i32
          %get3A_692 = arith.index_cast %add3A_691 : i32 to index
          %get3A_693 = arith.constant 80 : index
          %get3A_694 = tpu.vector_load %arg5[%get3A_692, %get3A_693] {strides = array<i32>} : memref<64x256xf32, #tpu.memory_space<vmem>>, vector<1x16xf32>,
          %get3A_695 = vector.shape_cast %get3A_694 : vector<1x16xf32> to vector<16xf32>
          %add3A_696 = arith.constant 6 : i32
          %add3A_697 = arith.addi %mul3A_66, %add3A_696 : i32
          %get3A_698 = arith.index_cast %add3A_697 : i32 to index
          %get3A_699 = arith.constant 80 : index
          %get3A_700 = tpu.vector_load %arg5[%get3A_698, %get3A_699] {strides = array<i32>} : memref<64x256xf32, #tpu.memory_space<vmem>>, vector<1x16xf32>,
          %get3A_701 = vector.shape_cast %get3A_700 : vector<1x16xf32> to vector<16xf32>
          %add3A_702 = arith.constant 7 : i32
          %add3A_703 = arith.addi %mul3A_66, %add3A_702 : i32
          %get3A_704 = arith.index_cast %add3A_703 : i32 to index
          %get3A_705 = arith.constant 80 : index
          %get3A_706 = tpu.vector_load %arg5[%get3A_704, %get3A_705] {strides = array<i32>} : memref<64x256xf32, #tpu.memory_space<vmem>>, vector<1x16xf32>,
          %get3A_707 = vector.shape_cast %get3A_706 : vector<1x16xf32> to vector<16xf32>
          %add3A_708 = arith.constant 8 : i32
          %add3A_709 = arith.addi %mul3A_66, %add3A_708 : i32
          %get3A_710 = arith.index_cast %add3A_709 : i32 to index
          %get3A_711 = arith.constant 80 : index
          %get3A_712 = tpu.vector_load %arg5[%get3A_710, %get3A_711] {strides = array<i32>} : memref<64x256xf32, #tpu.memory_space<vmem>>, vector<1x16xf32>,
          %get3A_713 = vector.shape_cast %get3A_712 : vector<1x16xf32> to vector<16xf32>
          %add3A_714 = arith.constant 9 : i32
          %add3A_715 = arith.addi %mul3A_66, %add3A_714 : i32
          %get3A_716 = arith.index_cast %add3A_715 : i32 to index
          %get3A_717 = arith.constant 80 : index
          %get3A_718 = tpu.vector_load %arg5[%get3A_716, %get3A_717] {strides = array<i32>} : memref<64x256xf32, #tpu.memory_space<vmem>>, vector<1x16xf32>,
          %get3A_719 = vector.shape_cast %get3A_718 : vector<1x16xf32> to vector<16xf32>
          %add3A_720 = arith.constant 10 : i32
          %add3A_721 = arith.addi %mul3A_66, %add3A_720 : i32
          %get3A_722 = arith.index_cast %add3A_721 : i32 to index
          %get3A_723 = arith.constant 80 : index
          %get3A_724 = tpu.vector_load %arg5[%get3A_722, %get3A_723] {strides = array<i32>} : memref<64x256xf32, #tpu.memory_space<vmem>>, vector<1x16xf32>,
          %get3A_725 = vector.shape_cast %get3A_724 : vector<1x16xf32> to vector<16xf32>
          %add3A_726 = arith.constant 11 : i32
          %add3A_727 = arith.addi %mul3A_66, %add3A_726 : i32
          %get3A_728 = arith.index_cast %add3A_727 : i32 to index
          %get3A_729 = arith.constant 80 : index
          %get3A_730 = tpu.vector_load %arg5[%get3A_728, %get3A_729] {strides = array<i32>} : memref<64x256xf32, #tpu.memory_space<vmem>>, vector<1x16xf32>,
          %get3A_731 = vector.shape_cast %get3A_730 : vector<1x16xf32> to vector<16xf32>
          %add3A_732 = arith.constant 12 : i32
          %add3A_733 = arith.addi %mul3A_66, %add3A_732 : i32
          %get3A_734 = arith.index_cast %add3A_733 : i32 to index
          %get3A_735 = arith.constant 80 : index
          %get3A_736 = tpu.vector_load %arg5[%get3A_734, %get3A_735] {strides = array<i32>} : memref<64x256xf32, #tpu.memory_space<vmem>>, vector<1x16xf32>,
          %get3A_737 = vector.shape_cast %get3A_736 : vector<1x16xf32> to vector<16xf32>
          %add3A_738 = arith.constant 13 : i32
          %add3A_739 = arith.addi %mul3A_66, %add3A_738 : i32
          %get3A_740 = arith.index_cast %add3A_739 : i32 to index
          %get3A_741 = arith.constant 80 : index
          %get3A_742 = tpu.vector_load %arg5[%get3A_740, %get3A_741] {strides = array<i32>} : memref<64x256xf32, #tpu.memory_space<vmem>>, vector<1x16xf32>,
          %get3A_743 = vector.shape_cast %get3A_742 : vector<1x16xf32> to vector<16xf32>
          %add3A_744 = arith.constant 14 : i32
          %add3A_745 = arith.addi %mul3A_66, %add3A_744 : i32
          %get3A_746 = arith.index_cast %add3A_745 : i32 to index
          %get3A_747 = arith.constant 80 : index
          %get3A_748 = tpu.vector_load %arg5[%get3A_746, %get3A_747] {strides = array<i32>} : memref<64x256xf32, #tpu.memory_space<vmem>>, vector<1x16xf32>,
          %get3A_749 = vector.shape_cast %get3A_748 : vector<1x16xf32> to vector<16xf32>
          %add3A_750 = arith.constant 15 : i32
          %add3A_751 = arith.addi %mul3A_66, %add3A_750 : i32
          %get3A_752 = arith.index_cast %add3A_751 : i32 to index
          %get3A_753 = arith.constant 80 : index
          %get3A_754 = tpu.vector_load %arg5[%get3A_752, %get3A_753] {strides = array<i32>} : memref<64x256xf32, #tpu.memory_space<vmem>>, vector<1x16xf32>,
          %get3A_755 = vector.shape_cast %get3A_754 : vector<1x16xf32> to vector<16xf32>
          %add3A_756 = arith.addf %get3A_665, %get3A_671 : vector<16xf32>
          %add3A_757 = arith.addf %get3A_677, %get3A_683 : vector<16xf32>
          %add3A_758 = arith.addf %get3A_689, %get3A_695 : vector<16xf32>
          %add3A_759 = arith.addf %get3A_701, %get3A_707 : vector<16xf32>
          %add3A_760 = arith.addf %get3A_713, %get3A_719 : vector<16xf32>
          %add3A_761 = arith.addf %get3A_725, %get3A_731 : vector<16xf32>
          %add3A_762 = arith.addf %get3A_737, %get3A_743 : vector<16xf32>
          %add3A_763 = arith.addf %get3A_749, %get3A_755 : vector<16xf32>
          %add3A_764 = arith.addf %add3A_756, %add3A_757 : vector<16xf32>
          %add3A_765 = arith.addf %add3A_758, %add3A_759 : vector<16xf32>
          %add3A_766 = arith.addf %add3A_760, %add3A_761 : vector<16xf32>
          %add3A_767 = arith.addf %add3A_762, %add3A_763 : vector<16xf32>
          %add3A_768 = arith.addf %add3A_764, %add3A_765 : vector<16xf32>
          %add3A_769 = arith.addf %add3A_766, %add3A_767 : vector<16xf32>
          %add3A_770 = arith.addf %add3A_768, %add3A_769 : vector<16xf32>
          %mul3A_771 = arith.constant 4 : i32
          %mul3A_772 = arith.muli %add3A_31, %mul3A_771 : i32
          %add3A_773 = arith.addi %mul3A_772, %add3A_64 : i32
          %swap3A_774 = arith.index_cast %add3A_773 : i32 to index
          %swap3A_775 = arith.constant 80 : index
          %swap3A_776 = tpu.vector_load %arg6[%swap3A_774, %swap3A_775] {strides = array<i32>} : memref<128x256xf32, #tpu.memory_space<vmem>>, vector<1x16xf32>,
          %swap3A_777 = vector.shape_cast %swap3A_776 : vector<1x16xf32> to vector<16xf32>
          %swap3A_778 = vector.shape_cast %add3A_770 : vector<16xf32> to vector<1x16xf32>
          tpu.vector_store %arg6[%swap3A_774, %swap3A_775], %swap3A_778 {strides = array<i32>} : memref<128x256xf32, #tpu.memory_space<vmem>>, vector<1x16xf32>,
          %add3A_779 = arith.constant 0 : i32
          %add3A_780 = arith.addi %mul3A_66, %add3A_779 : i32
          %get3A_781 = arith.index_cast %add3A_780 : i32 to index
          %get3A_782 = arith.constant 96 : index
          %get3A_783 = tpu.vector_load %arg5[%get3A_781, %get3A_782] {strides = array<i32>} : memref<64x256xf32, #tpu.memory_space<vmem>>, vector<1x16xf32>,
          %get3A_784 = vector.shape_cast %get3A_783 : vector<1x16xf32> to vector<16xf32>
          %add3A_785 = arith.constant 1 : i32
          %add3A_786 = arith.addi %mul3A_66, %add3A_785 : i32
          %get3A_787 = arith.index_cast %add3A_786 : i32 to index
          %get3A_788 = arith.constant 96 : index
          %get3A_789 = tpu.vector_load %arg5[%get3A_787, %get3A_788] {strides = array<i32>} : memref<64x256xf32, #tpu.memory_space<vmem>>, vector<1x16xf32>,
          %get3A_790 = vector.shape_cast %get3A_789 : vector<1x16xf32> to vector<16xf32>
          %add3A_791 = arith.constant 2 : i32
          %add3A_792 = arith.addi %mul3A_66, %add3A_791 : i32
          %get3A_793 = arith.index_cast %add3A_792 : i32 to index
          %get3A_794 = arith.constant 96 : index
          %get3A_795 = tpu.vector_load %arg5[%get3A_793, %get3A_794] {strides = array<i32>} : memref<64x256xf32, #tpu.memory_space<vmem>>, vector<1x16xf32>,
          %get3A_796 = vector.shape_cast %get3A_795 : vector<1x16xf32> to vector<16xf32>
          %add3A_797 = arith.constant 3 : i32
          %add3A_798 = arith.addi %mul3A_66, %add3A_797 : i32
          %get3A_799 = arith.index_cast %add3A_798 : i32 to index
          %get3A_800 = arith.constant 96 : index
          %get3A_801 = tpu.vector_load %arg5[%get3A_799, %get3A_800] {strides = array<i32>} : memref<64x256xf32, #tpu.memory_space<vmem>>, vector<1x16xf32>,
          %get3A_802 = vector.shape_cast %get3A_801 : vector<1x16xf32> to vector<16xf32>
          %add3A_803 = arith.constant 4 : i32
          %add3A_804 = arith.addi %mul3A_66, %add3A_803 : i32
          %get3A_805 = arith.index_cast %add3A_804 : i32 to index
          %get3A_806 = arith.constant 96 : index
          %get3A_807 = tpu.vector_load %arg5[%get3A_805, %get3A_806] {strides = array<i32>} : memref<64x256xf32, #tpu.memory_space<vmem>>, vector<1x16xf32>,
          %get3A_808 = vector.shape_cast %get3A_807 : vector<1x16xf32> to vector<16xf32>
          %add3A_809 = arith.constant 5 : i32
          %add3A_810 = arith.addi %mul3A_66, %add3A_809 : i32
          %get3A_811 = arith.index_cast %add3A_810 : i32 to index
          %get3A_812 = arith.constant 96 : index
          %get3A_813 = tpu.vector_load %arg5[%get3A_811, %get3A_812] {strides = array<i32>} : memref<64x256xf32, #tpu.memory_space<vmem>>, vector<1x16xf32>,
          %get3A_814 = vector.shape_cast %get3A_813 : vector<1x16xf32> to vector<16xf32>
          %add3A_815 = arith.constant 6 : i32
          %add3A_816 = arith.addi %mul3A_66, %add3A_815 : i32
          %get3A_817 = arith.index_cast %add3A_816 : i32 to index
          %get3A_818 = arith.constant 96 : index
          %get3A_819 = tpu.vector_load %arg5[%get3A_817, %get3A_818] {strides = array<i32>} : memref<64x256xf32, #tpu.memory_space<vmem>>, vector<1x16xf32>,
          %get3A_820 = vector.shape_cast %get3A_819 : vector<1x16xf32> to vector<16xf32>
          %add3A_821 = arith.constant 7 : i32
          %add3A_822 = arith.addi %mul3A_66, %add3A_821 : i32
          %get3A_823 = arith.index_cast %add3A_822 : i32 to index
          %get3A_824 = arith.constant 96 : index
          %get3A_825 = tpu.vector_load %arg5[%get3A_823, %get3A_824] {strides = array<i32>} : memref<64x256xf32, #tpu.memory_space<vmem>>, vector<1x16xf32>,
          %get3A_826 = vector.shape_cast %get3A_825 : vector<1x16xf32> to vector<16xf32>
          %add3A_827 = arith.constant 8 : i32
          %add3A_828 = arith.addi %mul3A_66, %add3A_827 : i32
          %get3A_829 = arith.index_cast %add3A_828 : i32 to index
          %get3A_830 = arith.constant 96 : index
          %get3A_831 = tpu.vector_load %arg5[%get3A_829, %get3A_830] {strides = array<i32>} : memref<64x256xf32, #tpu.memory_space<vmem>>, vector<1x16xf32>,
          %get3A_832 = vector.shape_cast %get3A_831 : vector<1x16xf32> to vector<16xf32>
          %add3A_833 = arith.constant 9 : i32
          %add3A_834 = arith.addi %mul3A_66, %add3A_833 : i32
          %get3A_835 = arith.index_cast %add3A_834 : i32 to index
          %get3A_836 = arith.constant 96 : index
          %get3A_837 = tpu.vector_load %arg5[%get3A_835, %get3A_836] {strides = array<i32>} : memref<64x256xf32, #tpu.memory_space<vmem>>, vector<1x16xf32>,
          %get3A_838 = vector.shape_cast %get3A_837 : vector<1x16xf32> to vector<16xf32>
          %add3A_839 = arith.constant 10 : i32
          %add3A_840 = arith.addi %mul3A_66, %add3A_839 : i32
          %get3A_841 = arith.index_cast %add3A_840 : i32 to index
          %get3A_842 = arith.constant 96 : index
          %get3A_843 = tpu.vector_load %arg5[%get3A_841, %get3A_842] {strides = array<i32>} : memref<64x256xf32, #tpu.memory_space<vmem>>, vector<1x16xf32>,
          %get3A_844 = vector.shape_cast %get3A_843 : vector<1x16xf32> to vector<16xf32>
          %add3A_845 = arith.constant 11 : i32
          %add3A_846 = arith.addi %mul3A_66, %add3A_845 : i32
          %get3A_847 = arith.index_cast %add3A_846 : i32 to index
          %get3A_848 = arith.constant 96 : index
          %get3A_849 = tpu.vector_load %arg5[%get3A_847, %get3A_848] {strides = array<i32>} : memref<64x256xf32, #tpu.memory_space<vmem>>, vector<1x16xf32>,
          %get3A_850 = vector.shape_cast %get3A_849 : vector<1x16xf32> to vector<16xf32>
          %add3A_851 = arith.constant 12 : i32
          %add3A_852 = arith.addi %mul3A_66, %add3A_851 : i32
          %get3A_853 = arith.index_cast %add3A_852 : i32 to index
          %get3A_854 = arith.constant 96 : index
          %get3A_855 = tpu.vector_load %arg5[%get3A_853, %get3A_854] {strides = array<i32>} : memref<64x256xf32, #tpu.memory_space<vmem>>, vector<1x16xf32>,
          %get3A_856 = vector.shape_cast %get3A_855 : vector<1x16xf32> to vector<16xf32>
          %add3A_857 = arith.constant 13 : i32
          %add3A_858 = arith.addi %mul3A_66, %add3A_857 : i32
          %get3A_859 = arith.index_cast %add3A_858 : i32 to index
          %get3A_860 = arith.constant 96 : index
          %get3A_861 = tpu.vector_load %arg5[%get3A_859, %get3A_860] {strides = array<i32>} : memref<64x256xf32, #tpu.memory_space<vmem>>, vector<1x16xf32>,
          %get3A_862 = vector.shape_cast %get3A_861 : vector<1x16xf32> to vector<16xf32>
          %add3A_863 = arith.constant 14 : i32
          %add3A_864 = arith.addi %mul3A_66, %add3A_863 : i32
          %get3A_865 = arith.index_cast %add3A_864 : i32 to index
          %get3A_866 = arith.constant 96 : index
          %get3A_867 = tpu.vector_load %arg5[%get3A_865, %get3A_866] {strides = array<i32>} : memref<64x256xf32, #tpu.memory_space<vmem>>, vector<1x16xf32>,
          %get3A_868 = vector.shape_cast %get3A_867 : vector<1x16xf32> to vector<16xf32>
          %add3A_869 = arith.constant 15 : i32
          %add3A_870 = arith.addi %mul3A_66, %add3A_869 : i32
          %get3A_871 = arith.index_cast %add3A_870 : i32 to index
          %get3A_872 = arith.constant 96 : index
          %get3A_873 = tpu.vector_load %arg5[%get3A_871, %get3A_872] {strides = array<i32>} : memref<64x256xf32, #tpu.memory_space<vmem>>, vector<1x16xf32>,
          %get3A_874 = vector.shape_cast %get3A_873 : vector<1x16xf32> to vector<16xf32>
          %add3A_875 = arith.addf %get3A_784, %get3A_790 : vector<16xf32>
          %add3A_876 = arith.addf %get3A_796, %get3A_802 : vector<16xf32>
          %add3A_877 = arith.addf %get3A_808, %get3A_814 : vector<16xf32>
          %add3A_878 = arith.addf %get3A_820, %get3A_826 : vector<16xf32>
          %add3A_879 = arith.addf %get3A_832, %get3A_838 : vector<16xf32>
          %add3A_880 = arith.addf %get3A_844, %get3A_850 : vector<16xf32>
          %add3A_881 = arith.addf %get3A_856, %get3A_862 : vector<16xf32>
          %add3A_882 = arith.addf %get3A_868, %get3A_874 : vector<16xf32>
          %add3A_883 = arith.addf %add3A_875, %add3A_876 : vector<16xf32>
          %add3A_884 = arith.addf %add3A_877, %add3A_878 : vector<16xf32>
          %add3A_885 = arith.addf %add3A_879, %add3A_880 : vector<16xf32>
          %add3A_886 = arith.addf %add3A_881, %add3A_882 : vector<16xf32>
          %add3A_887 = arith.addf %add3A_883, %add3A_884 : vector<16xf32>
          %add3A_888 = arith.addf %add3A_885, %add3A_886 : vector<16xf32>
          %add3A_889 = arith.addf %add3A_887, %add3A_888 : vector<16xf32>
          %mul3A_890 = arith.constant 4 : i32
          %mul3A_891 = arith.muli %add3A_31, %mul3A_890 : i32
          %add3A_892 = arith.addi %mul3A_891, %add3A_64 : i32
          %swap3A_893 = arith.index_cast %add3A_892 : i32 to index
          %swap3A_894 = arith.constant 96 : index
          %swap3A_895 = tpu.vector_load %arg6[%swap3A_893, %swap3A_894] {strides = array<i32>} : memref<128x256xf32, #tpu.memory_space<vmem>>, vector<1x16xf32>,
          %swap3A_896 = vector.shape_cast %swap3A_895 : vector<1x16xf32> to vector<16xf32>
          %swap3A_897 = vector.shape_cast %add3A_889 : vector<16xf32> to vector<1x16xf32>
          tpu.vector_store %arg6[%swap3A_893, %swap3A_894], %swap3A_897 {strides = array<i32>} : memref<128x256xf32, #tpu.memory_space<vmem>>, vector<1x16xf32>,
          %add3A_898 = arith.constant 0 : i32
          %add3A_899 = arith.addi %mul3A_66, %add3A_898 : i32
          %get3A_900 = arith.index_cast %add3A_899 : i32 to index
          %get3A_901 = arith.constant 112 : index
          %get3A_902 = tpu.vector_load %arg5[%get3A_900, %get3A_901] {strides = array<i32>} : memref<64x256xf32, #tpu.memory_space<vmem>>, vector<1x16xf32>,
          %get3A_903 = vector.shape_cast %get3A_902 : vector<1x16xf32> to vector<16xf32>
          %add3A_904 = arith.constant 1 : i32
          %add3A_905 = arith.addi %mul3A_66, %add3A_904 : i32
          %get3A_906 = arith.index_cast %add3A_905 : i32 to index
          %get3A_907 = arith.constant 112 : index
          %get3A_908 = tpu.vector_load %arg5[%get3A_906, %get3A_907] {strides = array<i32>} : memref<64x256xf32, #tpu.memory_space<vmem>>, vector<1x16xf32>,
          %get3A_909 = vector.shape_cast %get3A_908 : vector<1x16xf32> to vector<16xf32>
          %add3A_910 = arith.constant 2 : i32
          %add3A_911 = arith.addi %mul3A_66, %add3A_910 : i32
          %get3A_912 = arith.index_cast %add3A_911 : i32 to index
          %get3A_913 = arith.constant 112 : index
          %get3A_914 = tpu.vector_load %arg5[%get3A_912, %get3A_913] {strides = array<i32>} : memref<64x256xf32, #tpu.memory_space<vmem>>, vector<1x16xf32>,
          %get3A_915 = vector.shape_cast %get3A_914 : vector<1x16xf32> to vector<16xf32>
          %add3A_916 = arith.constant 3 : i32
          %add3A_917 = arith.addi %mul3A_66, %add3A_916 : i32
          %get3A_918 = arith.index_cast %add3A_917 : i32 to index
          %get3A_919 = arith.constant 112 : index
          %get3A_920 = tpu.vector_load %arg5[%get3A_918, %get3A_919] {strides = array<i32>} : memref<64x256xf32, #tpu.memory_space<vmem>>, vector<1x16xf32>,
          %get3A_921 = vector.shape_cast %get3A_920 : vector<1x16xf32> to vector<16xf32>
          %add3A_922 = arith.constant 4 : i32
          %add3A_923 = arith.addi %mul3A_66, %add3A_922 : i32
          %get3A_924 = arith.index_cast %add3A_923 : i32 to index
          %get3A_925 = arith.constant 112 : index
          %get3A_926 = tpu.vector_load %arg5[%get3A_924, %get3A_925] {strides = array<i32>} : memref<64x256xf32, #tpu.memory_space<vmem>>, vector<1x16xf32>,
          %get3A_927 = vector.shape_cast %get3A_926 : vector<1x16xf32> to vector<16xf32>
          %add3A_928 = arith.constant 5 : i32
          %add3A_929 = arith.addi %mul3A_66, %add3A_928 : i32
          %get3A_930 = arith.index_cast %add3A_929 : i32 to index
          %get3A_931 = arith.constant 112 : index
          %get3A_932 = tpu.vector_load %arg5[%get3A_930, %get3A_931] {strides = array<i32>} : memref<64x256xf32, #tpu.memory_space<vmem>>, vector<1x16xf32>,
          %get3A_933 = vector.shape_cast %get3A_932 : vector<1x16xf32> to vector<16xf32>
          %add3A_934 = arith.constant 6 : i32
          %add3A_935 = arith.addi %mul3A_66, %add3A_934 : i32
          %get3A_936 = arith.index_cast %add3A_935 : i32 to index
          %get3A_937 = arith.constant 112 : index
          %get3A_938 = tpu.vector_load %arg5[%get3A_936, %get3A_937] {strides = array<i32>} : memref<64x256xf32, #tpu.memory_space<vmem>>, vector<1x16xf32>,
          %get3A_939 = vector.shape_cast %get3A_938 : vector<1x16xf32> to vector<16xf32>
          %add3A_940 = arith.constant 7 : i32
          %add3A_941 = arith.addi %mul3A_66, %add3A_940 : i32
          %get3A_942 = arith.index_cast %add3A_941 : i32 to index
          %get3A_943 = arith.constant 112 : index
          %get3A_944 = tpu.vector_load %arg5[%get3A_942, %get3A_943] {strides = array<i32>} : memref<64x256xf32, #tpu.memory_space<vmem>>, vector<1x16xf32>,
          %get3A_945 = vector.shape_cast %get3A_944 : vector<1x16xf32> to vector<16xf32>
          %add3A_946 = arith.constant 8 : i32
          %add3A_947 = arith.addi %mul3A_66, %add3A_946 : i32
          %get3A_948 = arith.index_cast %add3A_947 : i32 to index
          %get3A_949 = arith.constant 112 : index
          %get3A_950 = tpu.vector_load %arg5[%get3A_948, %get3A_949] {strides = array<i32>} : memref<64x256xf32, #tpu.memory_space<vmem>>, vector<1x16xf32>,
          %get3A_951 = vector.shape_cast %get3A_950 : vector<1x16xf32> to vector<16xf32>
          %add3A_952 = arith.constant 9 : i32
          %add3A_953 = arith.addi %mul3A_66, %add3A_952 : i32
          %get3A_954 = arith.index_cast %add3A_953 : i32 to index
          %get3A_955 = arith.constant 112 : index
          %get3A_956 = tpu.vector_load %arg5[%get3A_954, %get3A_955] {strides = array<i32>} : memref<64x256xf32, #tpu.memory_space<vmem>>, vector<1x16xf32>,
          %get3A_957 = vector.shape_cast %get3A_956 : vector<1x16xf32> to vector<16xf32>
          %add3A_958 = arith.constant 10 : i32
          %add3A_959 = arith.addi %mul3A_66, %add3A_958 : i32
          %get3A_960 = arith.index_cast %add3A_959 : i32 to index
          %get3A_961 = arith.constant 112 : index
          %get3A_962 = tpu.vector_load %arg5[%get3A_960, %get3A_961] {strides = array<i32>} : memref<64x256xf32, #tpu.memory_space<vmem>>, vector<1x16xf32>,
          %get3A_963 = vector.shape_cast %get3A_962 : vector<1x16xf32> to vector<16xf32>
          %add3A_964 = arith.constant 11 : i32
          %add3A_965 = arith.addi %mul3A_66, %add3A_964 : i32
          %get3A_966 = arith.index_cast %add3A_965 : i32 to index
          %get3A_967 = arith.constant 112 : index
          %get3A_968 = tpu.vector_load %arg5[%get3A_966, %get3A_967] {strides = array<i32>} : memref<64x256xf32, #tpu.memory_space<vmem>>, vector<1x16xf32>,
          %get3A_969 = vector.shape_cast %get3A_968 : vector<1x16xf32> to vector<16xf32>
          %add3A_970 = arith.constant 12 : i32
          %add3A_971 = arith.addi %mul3A_66, %add3A_970 : i32
          %get3A_972 = arith.index_cast %add3A_971 : i32 to index
          %get3A_973 = arith.constant 112 : index
          %get3A_974 = tpu.vector_load %arg5[%get3A_972, %get3A_973] {strides = array<i32>} : memref<64x256xf32, #tpu.memory_space<vmem>>, vector<1x16xf32>,
          %get3A_975 = vector.shape_cast %get3A_974 : vector<1x16xf32> to vector<16xf32>
          %add3A_976 = arith.constant 13 : i32
          %add3A_977 = arith.addi %mul3A_66, %add3A_976 : i32
          %get3A_978 = arith.index_cast %add3A_977 : i32 to index
          %get3A_979 = arith.constant 112 : index
          %get3A_980 = tpu.vector_load %arg5[%get3A_978, %get3A_979] {strides = array<i32>} : memref<64x256xf32, #tpu.memory_space<vmem>>, vector<1x16xf32>,
          %get3A_981 = vector.shape_cast %get3A_980 : vector<1x16xf32> to vector<16xf32>
          %add3A_982 = arith.constant 14 : i32
          %add3A_983 = arith.addi %mul3A_66, %add3A_982 : i32
          %get3A_984 = arith.index_cast %add3A_983 : i32 to index
          %get3A_985 = arith.constant 112 : index
          %get3A_986 = tpu.vector_load %arg5[%get3A_984, %get3A_985] {strides = array<i32>} : memref<64x256xf32, #tpu.memory_space<vmem>>, vector<1x16xf32>,
          %get3A_987 = vector.shape_cast %get3A_986 : vector<1x16xf32> to vector<16xf32>
          %add3A_988 = arith.constant 15 : i32
          %add3A_989 = arith.addi %mul3A_66, %add3A_988 : i32
          %get3A_990 = arith.index_cast %add3A_989 : i32 to index
          %get3A_991 = arith.constant 112 : index
          %get3A_992 = tpu.vector_load %arg5[%get3A_990, %get3A_991] {strides = array<i32>} : memref<64x256xf32, #tpu.memory_space<vmem>>, vector<1x16xf32>,
          %get3A_993 = vector.shape_cast %get3A_992 : vector<1x16xf32> to vector<16xf32>
          %add3A_994 = arith.addf %get3A_903, %get3A_909 : vector<16xf32>
          %add3A_995 = arith.addf %get3A_915, %get3A_921 : vector<16xf32>
          %add3A_996 = arith.addf %get3A_927, %get3A_933 : vector<16xf32>
          %add3A_997 = arith.addf %get3A_939, %get3A_945 : vector<16xf32>
          %add3A_998 = arith.addf %get3A_951, %get3A_957 : vector<16xf32>
          %add3A_999 = arith.addf %get3A_963, %get3A_969 : vector<16xf32>
          %add3A_1000 = arith.addf %get3A_975, %get3A_981 : vector<16xf32>
          %add3A_1001 = arith.addf %get3A_987, %get3A_993 : vector<16xf32>
          %add3A_1002 = arith.addf %add3A_994, %add3A_995 : vector<16xf32>
          %add3A_1003 = arith.addf %add3A_996, %add3A_997 : vector<16xf32>
          %add3A_1004 = arith.addf %add3A_998, %add3A_999 : vector<16xf32>
          %add3A_1005 = arith.addf %add3A_1000, %add3A_1001 : vector<16xf32>
          %add3A_1006 = arith.addf %add3A_1002, %add3A_1003 : vector<16xf32>
          %add3A_1007 = arith.addf %add3A_1004, %add3A_1005 : vector<16xf32>
          %add3A_1008 = arith.addf %add3A_1006, %add3A_1007 : vector<16xf32>
          %mul3A_1009 = arith.constant 4 : i32
          %mul3A_1010 = arith.muli %add3A_31, %mul3A_1009 : i32
          %add3A_1011 = arith.addi %mul3A_1010, %add3A_64 : i32
          %swap3A_1012 = arith.index_cast %add3A_1011 : i32 to index
          %swap3A_1013 = arith.constant 112 : index
          %swap3A_1014 = tpu.vector_load %arg6[%swap3A_1012, %swap3A_1013] {strides = array<i32>} : memref<128x256xf32, #tpu.memory_space<vmem>>, vector<1x16xf32>,
          %swap3A_1015 = vector.shape_cast %swap3A_1014 : vector<1x16xf32> to vector<16xf32>
          %swap3A_1016 = vector.shape_cast %add3A_1008 : vector<16xf32> to vector<1x16xf32>
          tpu.vector_store %arg6[%swap3A_1012, %swap3A_1013], %swap3A_1016 {strides = array<i32>} : memref<128x256xf32, #tpu.memory_space<vmem>>, vector<1x16xf32>,
          %add3A_1017 = arith.constant 0 : i32
          %add3A_1018 = arith.addi %mul3A_66, %add3A_1017 : i32
          %get3A_1019 = arith.index_cast %add3A_1018 : i32 to index
          %get3A_1020 = arith.constant 128 : index
          %get3A_1021 = tpu.vector_load %arg5[%get3A_1019, %get3A_1020] {strides = array<i32>} : memref<64x256xf32, #tpu.memory_space<vmem>>, vector<1x16xf32>,
          %get3A_1022 = vector.shape_cast %get3A_1021 : vector<1x16xf32> to vector<16xf32>
          %add3A_1023 = arith.constant 1 : i32
          %add3A_1024 = arith.addi %mul3A_66, %add3A_1023 : i32
          %get3A_1025 = arith.index_cast %add3A_1024 : i32 to index
          %get3A_1026 = arith.constant 128 : index
          %get3A_1027 = tpu.vector_load %arg5[%get3A_1025, %get3A_1026] {strides = array<i32>} : memref<64x256xf32, #tpu.memory_space<vmem>>, vector<1x16xf32>,
          %get3A_1028 = vector.shape_cast %get3A_1027 : vector<1x16xf32> to vector<16xf32>
          %add3A_1029 = arith.constant 2 : i32
          %add3A_1030 = arith.addi %mul3A_66, %add3A_1029 : i32
          %get3A_1031 = arith.index_cast %add3A_1030 : i32 to index
          %get3A_1032 = arith.constant 128 : index
          %get3A_1033 = tpu.vector_load %arg5[%get3A_1031, %get3A_1032] {strides = array<i32>} : memref<64x256xf32, #tpu.memory_space<vmem>>, vector<1x16xf32>,
          %get3A_1034 = vector.shape_cast %get3A_1033 : vector<1x16xf32> to vector<16xf32>
          %add3A_1035 = arith.constant 3 : i32
          %add3A_1036 = arith.addi %mul3A_66, %add3A_1035 : i32
          %get3A_1037 = arith.index_cast %add3A_1036 : i32 to index
          %get3A_1038 = arith.constant 128 : index
          %get3A_1039 = tpu.vector_load %arg5[%get3A_1037, %get3A_1038] {strides = array<i32>} : memref<64x256xf32, #tpu.memory_space<vmem>>, vector<1x16xf32>,
          %get3A_1040 = vector.shape_cast %get3A_1039 : vector<1x16xf32> to vector<16xf32>
          %add3A_1041 = arith.constant 4 : i32
          %add3A_1042 = arith.addi %mul3A_66, %add3A_1041 : i32
          %get3A_1043 = arith.index_cast %add3A_1042 : i32 to index
          %get3A_1044 = arith.constant 128 : index
          %get3A_1045 = tpu.vector_load %arg5[%get3A_1043, %get3A_1044] {strides = array<i32>} : memref<64x256xf32, #tpu.memory_space<vmem>>, vector<1x16xf32>,
          %get3A_1046 = vector.shape_cast %get3A_1045 : vector<1x16xf32> to vector<16xf32>
          %add3A_1047 = arith.constant 5 : i32
          %add3A_1048 = arith.addi %mul3A_66, %add3A_1047 : i32
          %get3A_1049 = arith.index_cast %add3A_1048 : i32 to index
          %get3A_1050 = arith.constant 128 : index
          %get3A_1051 = tpu.vector_load %arg5[%get3A_1049, %get3A_1050] {strides = array<i32>} : memref<64x256xf32, #tpu.memory_space<vmem>>, vector<1x16xf32>,
          %get3A_1052 = vector.shape_cast %get3A_1051 : vector<1x16xf32> to vector<16xf32>
          %add3A_1053 = arith.constant 6 : i32
          %add3A_1054 = arith.addi %mul3A_66, %add3A_1053 : i32
          %get3A_1055 = arith.index_cast %add3A_1054 : i32 to index
          %get3A_1056 = arith.constant 128 : index
          %get3A_1057 = tpu.vector_load %arg5[%get3A_1055, %get3A_1056] {strides = array<i32>} : memref<64x256xf32, #tpu.memory_space<vmem>>, vector<1x16xf32>,
          %get3A_1058 = vector.shape_cast %get3A_1057 : vector<1x16xf32> to vector<16xf32>
          %add3A_1059 = arith.constant 7 : i32
          %add3A_1060 = arith.addi %mul3A_66, %add3A_1059 : i32
          %get3A_1061 = arith.index_cast %add3A_1060 : i32 to index
          %get3A_1062 = arith.constant 128 : index
          %get3A_1063 = tpu.vector_load %arg5[%get3A_1061, %get3A_1062] {strides = array<i32>} : memref<64x256xf32, #tpu.memory_space<vmem>>, vector<1x16xf32>,
          %get3A_1064 = vector.shape_cast %get3A_1063 : vector<1x16xf32> to vector<16xf32>
          %add3A_1065 = arith.constant 8 : i32
          %add3A_1066 = arith.addi %mul3A_66, %add3A_1065 : i32
          %get3A_1067 = arith.index_cast %add3A_1066 : i32 to index
          %get3A_1068 = arith.constant 128 : index
          %get3A_1069 = tpu.vector_load %arg5[%get3A_1067, %get3A_1068] {strides = array<i32>} : memref<64x256xf32, #tpu.memory_space<vmem>>, vector<1x16xf32>,
          %get3A_1070 = vector.shape_cast %get3A_1069 : vector<1x16xf32> to vector<16xf32>
          %add3A_1071 = arith.constant 9 : i32
          %add3A_1072 = arith.addi %mul3A_66, %add3A_1071 : i32
          %get3A_1073 = arith.index_cast %add3A_1072 : i32 to index
          %get3A_1074 = arith.constant 128 : index
          %get3A_1075 = tpu.vector_load %arg5[%get3A_1073, %get3A_1074] {strides = array<i32>} : memref<64x256xf32, #tpu.memory_space<vmem>>, vector<1x16xf32>,
          %get3A_1076 = vector.shape_cast %get3A_1075 : vector<1x16xf32> to vector<16xf32>
          %add3A_1077 = arith.constant 10 : i32
          %add3A_1078 = arith.addi %mul3A_66, %add3A_1077 : i32
          %get3A_1079 = arith.index_cast %add3A_1078 : i32 to index
          %get3A_1080 = arith.constant 128 : index
          %get3A_1081 = tpu.vector_load %arg5[%get3A_1079, %get3A_1080] {strides = array<i32>} : memref<64x256xf32, #tpu.memory_space<vmem>>, vector<1x16xf32>,
          %get3A_1082 = vector.shape_cast %get3A_1081 : vector<1x16xf32> to vector<16xf32>
          %add3A_1083 = arith.constant 11 : i32
          %add3A_1084 = arith.addi %mul3A_66, %add3A_1083 : i32
          %get3A_1085 = arith.index_cast %add3A_1084 : i32 to index
          %get3A_1086 = arith.constant 128 : index
          %get3A_1087 = tpu.vector_load %arg5[%get3A_1085, %get3A_1086] {strides = array<i32>} : memref<64x256xf32, #tpu.memory_space<vmem>>, vector<1x16xf32>,
          %get3A_1088 = vector.shape_cast %get3A_1087 : vector<1x16xf32> to vector<16xf32>
          %add3A_1089 = arith.constant 12 : i32
          %add3A_1090 = arith.addi %mul3A_66, %add3A_1089 : i32
          %get3A_1091 = arith.index_cast %add3A_1090 : i32 to index
          %get3A_1092 = arith.constant 128 : index
          %get3A_1093 = tpu.vector_load %arg5[%get3A_1091, %get3A_1092] {strides = array<i32>} : memref<64x256xf32, #tpu.memory_space<vmem>>, vector<1x16xf32>,
          %get3A_1094 = vector.shape_cast %get3A_1093 : vector<1x16xf32> to vector<16xf32>
          %add3A_1095 = arith.constant 13 : i32
          %add3A_1096 = arith.addi %mul3A_66, %add3A_1095 : i32
          %get3A_1097 = arith.index_cast %add3A_1096 : i32 to index
          %get3A_1098 = arith.constant 128 : index
          %get3A_1099 = tpu.vector_load %arg5[%get3A_1097, %get3A_1098] {strides = array<i32>} : memref<64x256xf32, #tpu.memory_space<vmem>>, vector<1x16xf32>,
          %get3A_1100 = vector.shape_cast %get3A_1099 : vector<1x16xf32> to vector<16xf32>
          %add3A_1101 = arith.constant 14 : i32
          %add3A_1102 = arith.addi %mul3A_66, %add3A_1101 : i32
          %get3A_1103 = arith.index_cast %add3A_1102 : i32 to index
          %get3A_1104 = arith.constant 128 : index
          %get3A_1105 = tpu.vector_load %arg5[%get3A_1103, %get3A_1104] {strides = array<i32>} : memref<64x256xf32, #tpu.memory_space<vmem>>, vector<1x16xf32>,
          %get3A_1106 = vector.shape_cast %get3A_1105 : vector<1x16xf32> to vector<16xf32>
          %add3A_1107 = arith.constant 15 : i32
          %add3A_1108 = arith.addi %mul3A_66, %add3A_1107 : i32
          %get3A_1109 = arith.index_cast %add3A_1108 : i32 to index
          %get3A_1110 = arith.constant 128 : index
          %get3A_1111 = tpu.vector_load %arg5[%get3A_1109, %get3A_1110] {strides = array<i32>} : memref<64x256xf32, #tpu.memory_space<vmem>>, vector<1x16xf32>,
          %get3A_1112 = vector.shape_cast %get3A_1111 : vector<1x16xf32> to vector<16xf32>
          %add3A_1113 = arith.addf %get3A_1022, %get3A_1028 : vector<16xf32>
          %add3A_1114 = arith.addf %get3A_1034, %get3A_1040 : vector<16xf32>
          %add3A_1115 = arith.addf %get3A_1046, %get3A_1052 : vector<16xf32>
          %add3A_1116 = arith.addf %get3A_1058, %get3A_1064 : vector<16xf32>
          %add3A_1117 = arith.addf %get3A_1070, %get3A_1076 : vector<16xf32>
          %add3A_1118 = arith.addf %get3A_1082, %get3A_1088 : vector<16xf32>
          %add3A_1119 = arith.addf %get3A_1094, %get3A_1100 : vector<16xf32>
          %add3A_1120 = arith.addf %get3A_1106, %get3A_1112 : vector<16xf32>
          %add3A_1121 = arith.addf %add3A_1113, %add3A_1114 : vector<16xf32>
          %add3A_1122 = arith.addf %add3A_1115, %add3A_1116 : vector<16xf32>
          %add3A_1123 = arith.addf %add3A_1117, %add3A_1118 : vector<16xf32>
          %add3A_1124 = arith.addf %add3A_1119, %add3A_1120 : vector<16xf32>
          %add3A_1125 = arith.addf %add3A_1121, %add3A_1122 : vector<16xf32>
          %add3A_1126 = arith.addf %add3A_1123, %add3A_1124 : vector<16xf32>
          %add3A_1127 = arith.addf %add3A_1125, %add3A_1126 : vector<16xf32>
          %mul3A_1128 = arith.constant 4 : i32
          %mul3A_1129 = arith.muli %add3A_31, %mul3A_1128 : i32
          %add3A_1130 = arith.addi %mul3A_1129, %add3A_64 : i32
          %swap3A_1131 = arith.index_cast %add3A_1130 : i32 to index
          %swap3A_1132 = arith.constant 128 : index
          %swap3A_1133 = tpu.vector_load %arg6[%swap3A_1131, %swap3A_1132] {strides = array<i32>} : memref<128x256xf32, #tpu.memory_space<vmem>>, vector<1x16xf32>,
          %swap3A_1134 = vector.shape_cast %swap3A_1133 : vector<1x16xf32> to vector<16xf32>
          %swap3A_1135 = vector.shape_cast %add3A_1127 : vector<16xf32> to vector<1x16xf32>
          tpu.vector_store %arg6[%swap3A_1131, %swap3A_1132], %swap3A_1135 {strides = array<i32>} : memref<128x256xf32, #tpu.memory_space<vmem>>, vector<1x16xf32>,
          %add3A_1136 = arith.constant 0 : i32
          %add3A_1137 = arith.addi %mul3A_66, %add3A_1136 : i32
          %get3A_1138 = arith.index_cast %add3A_1137 : i32 to index
          %get3A_1139 = arith.constant 144 : index
          %get3A_1140 = tpu.vector_load %arg5[%get3A_1138, %get3A_1139] {strides = array<i32>} : memref<64x256xf32, #tpu.memory_space<vmem>>, vector<1x16xf32>,
          %get3A_1141 = vector.shape_cast %get3A_1140 : vector<1x16xf32> to vector<16xf32>
          %add3A_1142 = arith.constant 1 : i32
          %add3A_1143 = arith.addi %mul3A_66, %add3A_1142 : i32
          %get3A_1144 = arith.index_cast %add3A_1143 : i32 to index
          %get3A_1145 = arith.constant 144 : index
          %get3A_1146 = tpu.vector_load %arg5[%get3A_1144, %get3A_1145] {strides = array<i32>} : memref<64x256xf32, #tpu.memory_space<vmem>>, vector<1x16xf32>,
          %get3A_1147 = vector.shape_cast %get3A_1146 : vector<1x16xf32> to vector<16xf32>
          %add3A_1148 = arith.constant 2 : i32
          %add3A_1149 = arith.addi %mul3A_66, %add3A_1148 : i32
          %get3A_1150 = arith.index_cast %add3A_1149 : i32 to index
          %get3A_1151 = arith.constant 144 : index
          %get3A_1152 = tpu.vector_load %arg5[%get3A_1150, %get3A_1151] {strides = array<i32>} : memref<64x256xf32, #tpu.memory_space<vmem>>, vector<1x16xf32>,
          %get3A_1153 = vector.shape_cast %get3A_1152 : vector<1x16xf32> to vector<16xf32>
          %add3A_1154 = arith.constant 3 : i32
          %add3A_1155 = arith.addi %mul3A_66, %add3A_1154 : i32
          %get3A_1156 = arith.index_cast %add3A_1155 : i32 to index
          %get3A_1157 = arith.constant 144 : index
          %get3A_1158 = tpu.vector_load %arg5[%get3A_1156, %get3A_1157] {strides = array<i32>} : memref<64x256xf32, #tpu.memory_space<vmem>>, vector<1x16xf32>,
          %get3A_1159 = vector.shape_cast %get3A_1158 : vector<1x16xf32> to vector<16xf32>
          %add3A_1160 = arith.constant 4 : i32
          %add3A_1161 = arith.addi %mul3A_66, %add3A_1160 : i32
          %get3A_1162 = arith.index_cast %add3A_1161 : i32 to index
          %get3A_1163 = arith.constant 144 : index
          %get3A_1164 = tpu.vector_load %arg5[%get3A_1162, %get3A_1163] {strides = array<i32>} : memref<64x256xf32, #tpu.memory_space<vmem>>, vector<1x16xf32>,
          %get3A_1165 = vector.shape_cast %get3A_1164 : vector<1x16xf32> to vector<16xf32>
          %add3A_1166 = arith.constant 5 : i32
          %add3A_1167 = arith.addi %mul3A_66, %add3A_1166 : i32
          %get3A_1168 = arith.index_cast %add3A_1167 : i32 to index
          %get3A_1169 = arith.constant 144 : index
          %get3A_1170 = tpu.vector_load %arg5[%get3A_1168, %get3A_1169] {strides = array<i32>} : memref<64x256xf32, #tpu.memory_space<vmem>>, vector<1x16xf32>,
          %get3A_1171 = vector.shape_cast %get3A_1170 : vector<1x16xf32> to vector<16xf32>
          %add3A_1172 = arith.constant 6 : i32
          %add3A_1173 = arith.addi %mul3A_66, %add3A_1172 : i32
          %get3A_1174 = arith.index_cast %add3A_1173 : i32 to index
          %get3A_1175 = arith.constant 144 : index
          %get3A_1176 = tpu.vector_load %arg5[%get3A_1174, %get3A_1175] {strides = array<i32>} : memref<64x256xf32, #tpu.memory_space<vmem>>, vector<1x16xf32>,
          %get3A_1177 = vector.shape_cast %get3A_1176 : vector<1x16xf32> to vector<16xf32>
          %add3A_1178 = arith.constant 7 : i32
          %add3A_1179 = arith.addi %mul3A_66, %add3A_1178 : i32
          %get3A_1180 = arith.index_cast %add3A_1179 : i32 to index
          %get3A_1181 = arith.constant 144 : index
          %get3A_1182 = tpu.vector_load %arg5[%get3A_1180, %get3A_1181] {strides = array<i32>} : memref<64x256xf32, #tpu.memory_space<vmem>>, vector<1x16xf32>,
          %get3A_1183 = vector.shape_cast %get3A_1182 : vector<1x16xf32> to vector<16xf32>
          %add3A_1184 = arith.constant 8 : i32
          %add3A_1185 = arith.addi %mul3A_66, %add3A_1184 : i32
          %get3A_1186 = arith.index_cast %add3A_1185 : i32 to index
          %get3A_1187 = arith.constant 144 : index
          %get3A_1188 = tpu.vector_load %arg5[%get3A_1186, %get3A_1187] {strides = array<i32>} : memref<64x256xf32, #tpu.memory_space<vmem>>, vector<1x16xf32>,
          %get3A_1189 = vector.shape_cast %get3A_1188 : vector<1x16xf32> to vector<16xf32>
          %add3A_1190 = arith.constant 9 : i32
          %add3A_1191 = arith.addi %mul3A_66, %add3A_1190 : i32
          %get3A_1192 = arith.index_cast %add3A_1191 : i32 to index
          %get3A_1193 = arith.constant 144 : index
          %get3A_1194 = tpu.vector_load %arg5[%get3A_1192, %get3A_1193] {strides = array<i32>} : memref<64x256xf32, #tpu.memory_space<vmem>>, vector<1x16xf32>,
          %get3A_1195 = vector.shape_cast %get3A_1194 : vector<1x16xf32> to vector<16xf32>
          %add3A_1196 = arith.constant 10 : i32
          %add3A_1197 = arith.addi %mul3A_66, %add3A_1196 : i32
          %get3A_1198 = arith.index_cast %add3A_1197 : i32 to index
          %get3A_1199 = arith.constant 144 : index
          %get3A_1200 = tpu.vector_load %arg5[%get3A_1198, %get3A_1199] {strides = array<i32>} : memref<64x256xf32, #tpu.memory_space<vmem>>, vector<1x16xf32>,
          %get3A_1201 = vector.shape_cast %get3A_1200 : vector<1x16xf32> to vector<16xf32>
          %add3A_1202 = arith.constant 11 : i32
          %add3A_1203 = arith.addi %mul3A_66, %add3A_1202 : i32
          %get3A_1204 = arith.index_cast %add3A_1203 : i32 to index
          %get3A_1205 = arith.constant 144 : index
          %get3A_1206 = tpu.vector_load %arg5[%get3A_1204, %get3A_1205] {strides = array<i32>} : memref<64x256xf32, #tpu.memory_space<vmem>>, vector<1x16xf32>,
          %get3A_1207 = vector.shape_cast %get3A_1206 : vector<1x16xf32> to vector<16xf32>
          %add3A_1208 = arith.constant 12 : i32
          %add3A_1209 = arith.addi %mul3A_66, %add3A_1208 : i32
          %get3A_1210 = arith.index_cast %add3A_1209 : i32 to index
          %get3A_1211 = arith.constant 144 : index
          %get3A_1212 = tpu.vector_load %arg5[%get3A_1210, %get3A_1211] {strides = array<i32>} : memref<64x256xf32, #tpu.memory_space<vmem>>, vector<1x16xf32>,
          %get3A_1213 = vector.shape_cast %get3A_1212 : vector<1x16xf32> to vector<16xf32>
          %add3A_1214 = arith.constant 13 : i32
          %add3A_1215 = arith.addi %mul3A_66, %add3A_1214 : i32
          %get3A_1216 = arith.index_cast %add3A_1215 : i32 to index
          %get3A_1217 = arith.constant 144 : index
          %get3A_1218 = tpu.vector_load %arg5[%get3A_1216, %get3A_1217] {strides = array<i32>} : memref<64x256xf32, #tpu.memory_space<vmem>>, vector<1x16xf32>,
          %get3A_1219 = vector.shape_cast %get3A_1218 : vector<1x16xf32> to vector<16xf32>
          %add3A_1220 = arith.constant 14 : i32
          %add3A_1221 = arith.addi %mul3A_66, %add3A_1220 : i32
          %get3A_1222 = arith.index_cast %add3A_1221 : i32 to index
          %get3A_1223 = arith.constant 144 : index
          %get3A_1224 = tpu.vector_load %arg5[%get3A_1222, %get3A_1223] {strides = array<i32>} : memref<64x256xf32, #tpu.memory_space<vmem>>, vector<1x16xf32>,
          %get3A_1225 = vector.shape_cast %get3A_1224 : vector<1x16xf32> to vector<16xf32>
          %add3A_1226 = arith.constant 15 : i32
          %add3A_1227 = arith.addi %mul3A_66, %add3A_1226 : i32
          %get3A_1228 = arith.index_cast %add3A_1227 : i32 to index
          %get3A_1229 = arith.constant 144 : index
          %get3A_1230 = tpu.vector_load %arg5[%get3A_1228, %get3A_1229] {strides = array<i32>} : memref<64x256xf32, #tpu.memory_space<vmem>>, vector<1x16xf32>,
          %get3A_1231 = vector.shape_cast %get3A_1230 : vector<1x16xf32> to vector<16xf32>
          %add3A_1232 = arith.addf %get3A_1141, %get3A_1147 : vector<16xf32>
          %add3A_1233 = arith.addf %get3A_1153, %get3A_1159 : vector<16xf32>
          %add3A_1234 = arith.addf %get3A_1165, %get3A_1171 : vector<16xf32>
          %add3A_1235 = arith.addf %get3A_1177, %get3A_1183 : vector<16xf32>
          %add3A_1236 = arith.addf %get3A_1189, %get3A_1195 : vector<16xf32>
          %add3A_1237 = arith.addf %get3A_1201, %get3A_1207 : vector<16xf32>
          %add3A_1238 = arith.addf %get3A_1213, %get3A_1219 : vector<16xf32>
          %add3A_1239 = arith.addf %get3A_1225, %get3A_1231 : vector<16xf32>
          %add3A_1240 = arith.addf %add3A_1232, %add3A_1233 : vector<16xf32>
          %add3A_1241 = arith.addf %add3A_1234, %add3A_1235 : vector<16xf32>
          %add3A_1242 = arith.addf %add3A_1236, %add3A_1237 : vector<16xf32>
          %add3A_1243 = arith.addf %add3A_1238, %add3A_1239 : vector<16xf32>
          %add3A_1244 = arith.addf %add3A_1240, %add3A_1241 : vector<16xf32>
          %add3A_1245 = arith.addf %add3A_1242, %add3A_1243 : vector<16xf32>
          %add3A_1246 = arith.addf %add3A_1244, %add3A_1245 : vector<16xf32>
          %mul3A_1247 = arith.constant 4 : i32
          %mul3A_1248 = arith.muli %add3A_31, %mul3A_1247 : i32
          %add3A_1249 = arith.addi %mul3A_1248, %add3A_64 : i32
          %swap3A_1250 = arith.index_cast %add3A_1249 : i32 to index
          %swap3A_1251 = arith.constant 144 : index
          %swap3A_1252 = tpu.vector_load %arg6[%swap3A_1250, %swap3A_1251] {strides = array<i32>} : memref<128x256xf32, #tpu.memory_space<vmem>>, vector<1x16xf32>,
          %swap3A_1253 = vector.shape_cast %swap3A_1252 : vector<1x16xf32> to vector<16xf32>
          %swap3A_1254 = vector.shape_cast %add3A_1246 : vector<16xf32> to vector<1x16xf32>
          tpu.vector_store %arg6[%swap3A_1250, %swap3A_1251], %swap3A_1254 {strides = array<i32>} : memref<128x256xf32, #tpu.memory_space<vmem>>, vector<1x16xf32>,
          %add3A_1255 = arith.constant 0 : i32
          %add3A_1256 = arith.addi %mul3A_66, %add3A_1255 : i32
          %get3A_1257 = arith.index_cast %add3A_1256 : i32 to index
          %get3A_1258 = arith.constant 160 : index
          %get3A_1259 = tpu.vector_load %arg5[%get3A_1257, %get3A_1258] {strides = array<i32>} : memref<64x256xf32, #tpu.memory_space<vmem>>, vector<1x16xf32>,
          %get3A_1260 = vector.shape_cast %get3A_1259 : vector<1x16xf32> to vector<16xf32>
          %add3A_1261 = arith.constant 1 : i32
          %add3A_1262 = arith.addi %mul3A_66, %add3A_1261 : i32
          %get3A_1263 = arith.index_cast %add3A_1262 : i32 to index
          %get3A_1264 = arith.constant 160 : index
          %get3A_1265 = tpu.vector_load %arg5[%get3A_1263, %get3A_1264] {strides = array<i32>} : memref<64x256xf32, #tpu.memory_space<vmem>>, vector<1x16xf32>,
          %get3A_1266 = vector.shape_cast %get3A_1265 : vector<1x16xf32> to vector<16xf32>
          %add3A_1267 = arith.constant 2 : i32
          %add3A_1268 = arith.addi %mul3A_66, %add3A_1267 : i32
          %get3A_1269 = arith.index_cast %add3A_1268 : i32 to index
          %get3A_1270 = arith.constant 160 : index
          %get3A_1271 = tpu.vector_load %arg5[%get3A_1269, %get3A_1270] {strides = array<i32>} : memref<64x256xf32, #tpu.memory_space<vmem>>, vector<1x16xf32>,
          %get3A_1272 = vector.shape_cast %get3A_1271 : vector<1x16xf32> to vector<16xf32>
          %add3A_1273 = arith.constant 3 : i32
          %add3A_1274 = arith.addi %mul3A_66, %add3A_1273 : i32
          %get3A_1275 = arith.index_cast %add3A_1274 : i32 to index
          %get3A_1276 = arith.constant 160 : index
          %get3A_1277 = tpu.vector_load %arg5[%get3A_1275, %get3A_1276] {strides = array<i32>} : memref<64x256xf32, #tpu.memory_space<vmem>>, vector<1x16xf32>,
          %get3A_1278 = vector.shape_cast %get3A_1277 : vector<1x16xf32> to vector<16xf32>
          %add3A_1279 = arith.constant 4 : i32
          %add3A_1280 = arith.addi %mul3A_66, %add3A_1279 : i32
          %get3A_1281 = arith.index_cast %add3A_1280 : i32 to index
          %get3A_1282 = arith.constant 160 : index
          %get3A_1283 = tpu.vector_load %arg5[%get3A_1281, %get3A_1282] {strides = array<i32>} : memref<64x256xf32, #tpu.memory_space<vmem>>, vector<1x16xf32>,
          %get3A_1284 = vector.shape_cast %get3A_1283 : vector<1x16xf32> to vector<16xf32>
          %add3A_1285 = arith.constant 5 : i32
          %add3A_1286 = arith.addi %mul3A_66, %add3A_1285 : i32
          %get3A_1287 = arith.index_cast %add3A_1286 : i32 to index
          %get3A_1288 = arith.constant 160 : index
          %get3A_1289 = tpu.vector_load %arg5[%get3A_1287, %get3A_1288] {strides = array<i32>} : memref<64x256xf32, #tpu.memory_space<vmem>>, vector<1x16xf32>,
          %get3A_1290 = vector.shape_cast %get3A_1289 : vector<1x16xf32> to vector<16xf32>
          %add3A_1291 = arith.constant 6 : i32
          %add3A_1292 = arith.addi %mul3A_66, %add3A_1291 : i32
          %get3A_1293 = arith.index_cast %add3A_1292 : i32 to index
          %get3A_1294 = arith.constant 160 : index
          %get3A_1295 = tpu.vector_load %arg5[%get3A_1293, %get3A_1294] {strides = array<i32>} : memref<64x256xf32, #tpu.memory_space<vmem>>, vector<1x16xf32>,
          %get3A_1296 = vector.shape_cast %get3A_1295 : vector<1x16xf32> to vector<16xf32>
          %add3A_1297 = arith.constant 7 : i32
          %add3A_1298 = arith.addi %mul3A_66, %add3A_1297 : i32
          %get3A_1299 = arith.index_cast %add3A_1298 : i32 to index
          %get3A_1300 = arith.constant 160 : index
          %get3A_1301 = tpu.vector_load %arg5[%get3A_1299, %get3A_1300] {strides = array<i32>} : memref<64x256xf32, #tpu.memory_space<vmem>>, vector<1x16xf32>,
          %get3A_1302 = vector.shape_cast %get3A_1301 : vector<1x16xf32> to vector<16xf32>
          %add3A_1303 = arith.constant 8 : i32
          %add3A_1304 = arith.addi %mul3A_66, %add3A_1303 : i32
          %get3A_1305 = arith.index_cast %add3A_1304 : i32 to index
          %get3A_1306 = arith.constant 160 : index
          %get3A_1307 = tpu.vector_load %arg5[%get3A_1305, %get3A_1306] {strides = array<i32>} : memref<64x256xf32, #tpu.memory_space<vmem>>, vector<1x16xf32>,
          %get3A_1308 = vector.shape_cast %get3A_1307 : vector<1x16xf32> to vector<16xf32>
          %add3A_1309 = arith.constant 9 : i32
          %add3A_1310 = arith.addi %mul3A_66, %add3A_1309 : i32
          %get3A_1311 = arith.index_cast %add3A_1310 : i32 to index
          %get3A_1312 = arith.constant 160 : index
          %get3A_1313 = tpu.vector_load %arg5[%get3A_1311, %get3A_1312] {strides = array<i32>} : memref<64x256xf32, #tpu.memory_space<vmem>>, vector<1x16xf32>,
          %get3A_1314 = vector.shape_cast %get3A_1313 : vector<1x16xf32> to vector<16xf32>
          %add3A_1315 = arith.constant 10 : i32
          %add3A_1316 = arith.addi %mul3A_66, %add3A_1315 : i32
          %get3A_1317 = arith.index_cast %add3A_1316 : i32 to index
          %get3A_1318 = arith.constant 160 : index
          %get3A_1319 = tpu.vector_load %arg5[%get3A_1317, %get3A_1318] {strides = array<i32>} : memref<64x256xf32, #tpu.memory_space<vmem>>, vector<1x16xf32>,
          %get3A_1320 = vector.shape_cast %get3A_1319 : vector<1x16xf32> to vector<16xf32>
          %add3A_1321 = arith.constant 11 : i32
          %add3A_1322 = arith.addi %mul3A_66, %add3A_1321 : i32
          %get3A_1323 = arith.index_cast %add3A_1322 : i32 to index
          %get3A_1324 = arith.constant 160 : index
          %get3A_1325 = tpu.vector_load %arg5[%get3A_1323, %get3A_1324] {strides = array<i32>} : memref<64x256xf32, #tpu.memory_space<vmem>>, vector<1x16xf32>,
          %get3A_1326 = vector.shape_cast %get3A_1325 : vector<1x16xf32> to vector<16xf32>
          %add3A_1327 = arith.constant 12 : i32
          %add3A_1328 = arith.addi %mul3A_66, %add3A_1327 : i32
          %get3A_1329 = arith.index_cast %add3A_1328 : i32 to index
          %get3A_1330 = arith.constant 160 : index
          %get3A_1331 = tpu.vector_load %arg5[%get3A_1329, %get3A_1330] {strides = array<i32>} : memref<64x256xf32, #tpu.memory_space<vmem>>, vector<1x16xf32>,
          %get3A_1332 = vector.shape_cast %get3A_1331 : vector<1x16xf32> to vector<16xf32>
          %add3A_1333 = arith.constant 13 : i32
          %add3A_1334 = arith.addi %mul3A_66, %add3A_1333 : i32
          %get3A_1335 = arith.index_cast %add3A_1334 : i32 to index
          %get3A_1336 = arith.constant 160 : index
          %get3A_1337 = tpu.vector_load %arg5[%get3A_1335, %get3A_1336] {strides = array<i32>} : memref<64x256xf32, #tpu.memory_space<vmem>>, vector<1x16xf32>,
          %get3A_1338 = vector.shape_cast %get3A_1337 : vector<1x16xf32> to vector<16xf32>
          %add3A_1339 = arith.constant 14 : i32
          %add3A_1340 = arith.addi %mul3A_66, %add3A_1339 : i32
          %get3A_1341 = arith.index_cast %add3A_1340 : i32 to index
          %get3A_1342 = arith.constant 160 : index
          %get3A_1343 = tpu.vector_load %arg5[%get3A_1341, %get3A_1342] {strides = array<i32>} : memref<64x256xf32, #tpu.memory_space<vmem>>, vector<1x16xf32>,
          %get3A_1344 = vector.shape_cast %get3A_1343 : vector<1x16xf32> to vector<16xf32>
          %add3A_1345 = arith.constant 15 : i32
          %add3A_1346 = arith.addi %mul3A_66, %add3A_1345 : i32
          %get3A_1347 = arith.index_cast %add3A_1346 : i32 to index
          %get3A_1348 = arith.constant 160 : index
          %get3A_1349 = tpu.vector_load %arg5[%get3A_1347, %get3A_1348] {strides = array<i32>} : memref<64x256xf32, #tpu.memory_space<vmem>>, vector<1x16xf32>,
          %get3A_1350 = vector.shape_cast %get3A_1349 : vector<1x16xf32> to vector<16xf32>
          %add3A_1351 = arith.addf %get3A_1260, %get3A_1266 : vector<16xf32>
          %add3A_1352 = arith.addf %get3A_1272, %get3A_1278 : vector<16xf32>
          %add3A_1353 = arith.addf %get3A_1284, %get3A_1290 : vector<16xf32>
          %add3A_1354 = arith.addf %get3A_1296, %get3A_1302 : vector<16xf32>
          %add3A_1355 = arith.addf %get3A_1308, %get3A_1314 : vector<16xf32>
          %add3A_1356 = arith.addf %get3A_1320, %get3A_1326 : vector<16xf32>
          %add3A_1357 = arith.addf %get3A_1332, %get3A_1338 : vector<16xf32>
          %add3A_1358 = arith.addf %get3A_1344, %get3A_1350 : vector<16xf32>
          %add3A_1359 = arith.addf %add3A_1351, %add3A_1352 : vector<16xf32>
          %add3A_1360 = arith.addf %add3A_1353, %add3A_1354 : vector<16xf32>
          %add3A_1361 = arith.addf %add3A_1355, %add3A_1356 : vector<16xf32>
          %add3A_1362 = arith.addf %add3A_1357, %add3A_1358 : vector<16xf32>
          %add3A_1363 = arith.addf %add3A_1359, %add3A_1360 : vector<16xf32>
          %add3A_1364 = arith.addf %add3A_1361, %add3A_1362 : vector<16xf32>
          %add3A_1365 = arith.addf %add3A_1363, %add3A_1364 : vector<16xf32>
          %mul3A_1366 = arith.constant 4 : i32
          %mul3A_1367 = arith.muli %add3A_31, %mul3A_1366 : i32
          %add3A_1368 = arith.addi %mul3A_1367, %add3A_64 : i32
          %swap3A_1369 = arith.index_cast %add3A_1368 : i32 to index
          %swap3A_1370 = arith.constant 160 : index
          %swap3A_1371 = tpu.vector_load %arg6[%swap3A_1369, %swap3A_1370] {strides = array<i32>} : memref<128x256xf32, #tpu.memory_space<vmem>>, vector<1x16xf32>,
          %swap3A_1372 = vector.shape_cast %swap3A_1371 : vector<1x16xf32> to vector<16xf32>
          %swap3A_1373 = vector.shape_cast %add3A_1365 : vector<16xf32> to vector<1x16xf32>
          tpu.vector_store %arg6[%swap3A_1369, %swap3A_1370], %swap3A_1373 {strides = array<i32>} : memref<128x256xf32, #tpu.memory_space<vmem>>, vector<1x16xf32>,
          %add3A_1374 = arith.constant 0 : i32
          %add3A_1375 = arith.addi %mul3A_66, %add3A_1374 : i32
          %get3A_1376 = arith.index_cast %add3A_1375 : i32 to index
          %get3A_1377 = arith.constant 176 : index
          %get3A_1378 = tpu.vector_load %arg5[%get3A_1376, %get3A_1377] {strides = array<i32>} : memref<64x256xf32, #tpu.memory_space<vmem>>, vector<1x16xf32>,
          %get3A_1379 = vector.shape_cast %get3A_1378 : vector<1x16xf32> to vector<16xf32>
          %add3A_1380 = arith.constant 1 : i32
          %add3A_1381 = arith.addi %mul3A_66, %add3A_1380 : i32
          %get3A_1382 = arith.index_cast %add3A_1381 : i32 to index
          %get3A_1383 = arith.constant 176 : index
          %get3A_1384 = tpu.vector_load %arg5[%get3A_1382, %get3A_1383] {strides = array<i32>} : memref<64x256xf32, #tpu.memory_space<vmem>>, vector<1x16xf32>,
          %get3A_1385 = vector.shape_cast %get3A_1384 : vector<1x16xf32> to vector<16xf32>
          %add3A_1386 = arith.constant 2 : i32
          %add3A_1387 = arith.addi %mul3A_66, %add3A_1386 : i32
          %get3A_1388 = arith.index_cast %add3A_1387 : i32 to index
          %get3A_1389 = arith.constant 176 : index
          %get3A_1390 = tpu.vector_load %arg5[%get3A_1388, %get3A_1389] {strides = array<i32>} : memref<64x256xf32, #tpu.memory_space<vmem>>, vector<1x16xf32>,
          %get3A_1391 = vector.shape_cast %get3A_1390 : vector<1x16xf32> to vector<16xf32>
          %add3A_1392 = arith.constant 3 : i32
          %add3A_1393 = arith.addi %mul3A_66, %add3A_1392 : i32
          %get3A_1394 = arith.index_cast %add3A_1393 : i32 to index
          %get3A_1395 = arith.constant 176 : index
          %get3A_1396 = tpu.vector_load %arg5[%get3A_1394, %get3A_1395] {strides = array<i32>} : memref<64x256xf32, #tpu.memory_space<vmem>>, vector<1x16xf32>,
          %get3A_1397 = vector.shape_cast %get3A_1396 : vector<1x16xf32> to vector<16xf32>
          %add3A_1398 = arith.constant 4 : i32
          %add3A_1399 = arith.addi %mul3A_66, %add3A_1398 : i32
          %get3A_1400 = arith.index_cast %add3A_1399 : i32 to index
          %get3A_1401 = arith.constant 176 : index
          %get3A_1402 = tpu.vector_load %arg5[%get3A_1400, %get3A_1401] {strides = array<i32>} : memref<64x256xf32, #tpu.memory_space<vmem>>, vector<1x16xf32>,
          %get3A_1403 = vector.shape_cast %get3A_1402 : vector<1x16xf32> to vector<16xf32>
          %add3A_1404 = arith.constant 5 : i32
          %add3A_1405 = arith.addi %mul3A_66, %add3A_1404 : i32
          %get3A_1406 = arith.index_cast %add3A_1405 : i32 to index
          %get3A_1407 = arith.constant 176 : index
          %get3A_1408 = tpu.vector_load %arg5[%get3A_1406, %get3A_1407] {strides = array<i32>} : memref<64x256xf32, #tpu.memory_space<vmem>>, vector<1x16xf32>,
          %get3A_1409 = vector.shape_cast %get3A_1408 : vector<1x16xf32> to vector<16xf32>
          %add3A_1410 = arith.constant 6 : i32
          %add3A_1411 = arith.addi %mul3A_66, %add3A_1410 : i32
          %get3A_1412 = arith.index_cast %add3A_1411 : i32 to index
          %get3A_1413 = arith.constant 176 : index
          %get3A_1414 = tpu.vector_load %arg5[%get3A_1412, %get3A_1413] {strides = array<i32>} : memref<64x256xf32, #tpu.memory_space<vmem>>, vector<1x16xf32>,
          %get3A_1415 = vector.shape_cast %get3A_1414 : vector<1x16xf32> to vector<16xf32>
          %add3A_1416 = arith.constant 7 : i32
          %add3A_1417 = arith.addi %mul3A_66, %add3A_1416 : i32
          %get3A_1418 = arith.index_cast %add3A_1417 : i32 to index
          %get3A_1419 = arith.constant 176 : index
          %get3A_1420 = tpu.vector_load %arg5[%get3A_1418, %get3A_1419] {strides = array<i32>} : memref<64x256xf32, #tpu.memory_space<vmem>>, vector<1x16xf32>,
          %get3A_1421 = vector.shape_cast %get3A_1420 : vector<1x16xf32> to vector<16xf32>
          %add3A_1422 = arith.constant 8 : i32
          %add3A_1423 = arith.addi %mul3A_66, %add3A_1422 : i32
          %get3A_1424 = arith.index_cast %add3A_1423 : i32 to index
          %get3A_1425 = arith.constant 176 : index
          %get3A_1426 = tpu.vector_load %arg5[%get3A_1424, %get3A_1425] {strides = array<i32>} : memref<64x256xf32, #tpu.memory_space<vmem>>, vector<1x16xf32>,
          %get3A_1427 = vector.shape_cast %get3A_1426 : vector<1x16xf32> to vector<16xf32>
          %add3A_1428 = arith.constant 9 : i32
          %add3A_1429 = arith.addi %mul3A_66, %add3A_1428 : i32
          %get3A_1430 = arith.index_cast %add3A_1429 : i32 to index
          %get3A_1431 = arith.constant 176 : index
          %get3A_1432 = tpu.vector_load %arg5[%get3A_1430, %get3A_1431] {strides = array<i32>} : memref<64x256xf32, #tpu.memory_space<vmem>>, vector<1x16xf32>,
          %get3A_1433 = vector.shape_cast %get3A_1432 : vector<1x16xf32> to vector<16xf32>
          %add3A_1434 = arith.constant 10 : i32
          %add3A_1435 = arith.addi %mul3A_66, %add3A_1434 : i32
          %get3A_1436 = arith.index_cast %add3A_1435 : i32 to index
          %get3A_1437 = arith.constant 176 : index
          %get3A_1438 = tpu.vector_load %arg5[%get3A_1436, %get3A_1437] {strides = array<i32>} : memref<64x256xf32, #tpu.memory_space<vmem>>, vector<1x16xf32>,
          %get3A_1439 = vector.shape_cast %get3A_1438 : vector<1x16xf32> to vector<16xf32>
          %add3A_1440 = arith.constant 11 : i32
          %add3A_1441 = arith.addi %mul3A_66, %add3A_1440 : i32
          %get3A_1442 = arith.index_cast %add3A_1441 : i32 to index
          %get3A_1443 = arith.constant 176 : index
          %get3A_1444 = tpu.vector_load %arg5[%get3A_1442, %get3A_1443] {strides = array<i32>} : memref<64x256xf32, #tpu.memory_space<vmem>>, vector<1x16xf32>,
          %get3A_1445 = vector.shape_cast %get3A_1444 : vector<1x16xf32> to vector<16xf32>
          %add3A_1446 = arith.constant 12 : i32
          %add3A_1447 = arith.addi %mul3A_66, %add3A_1446 : i32
          %get3A_1448 = arith.index_cast %add3A_1447 : i32 to index
          %get3A_1449 = arith.constant 176 : index
          %get3A_1450 = tpu.vector_load %arg5[%get3A_1448, %get3A_1449] {strides = array<i32>} : memref<64x256xf32, #tpu.memory_space<vmem>>, vector<1x16xf32>,
          %get3A_1451 = vector.shape_cast %get3A_1450 : vector<1x16xf32> to vector<16xf32>
          %add3A_1452 = arith.constant 13 : i32
          %add3A_1453 = arith.addi %mul3A_66, %add3A_1452 : i32
          %get3A_1454 = arith.index_cast %add3A_1453 : i32 to index
          %get3A_1455 = arith.constant 176 : index
          %get3A_1456 = tpu.vector_load %arg5[%get3A_1454, %get3A_1455] {strides = array<i32>} : memref<64x256xf32, #tpu.memory_space<vmem>>, vector<1x16xf32>,
          %get3A_1457 = vector.shape_cast %get3A_1456 : vector<1x16xf32> to vector<16xf32>
          %add3A_1458 = arith.constant 14 : i32
          %add3A_1459 = arith.addi %mul3A_66, %add3A_1458 : i32
          %get3A_1460 = arith.index_cast %add3A_1459 : i32 to index
          %get3A_1461 = arith.constant 176 : index
          %get3A_1462 = tpu.vector_load %arg5[%get3A_1460, %get3A_1461] {strides = array<i32>} : memref<64x256xf32, #tpu.memory_space<vmem>>, vector<1x16xf32>,
          %get3A_1463 = vector.shape_cast %get3A_1462 : vector<1x16xf32> to vector<16xf32>
          %add3A_1464 = arith.constant 15 : i32
          %add3A_1465 = arith.addi %mul3A_66, %add3A_1464 : i32
          %get3A_1466 = arith.index_cast %add3A_1465 : i32 to index
          %get3A_1467 = arith.constant 176 : index
          %get3A_1468 = tpu.vector_load %arg5[%get3A_1466, %get3A_1467] {strides = array<i32>} : memref<64x256xf32, #tpu.memory_space<vmem>>, vector<1x16xf32>,
          %get3A_1469 = vector.shape_cast %get3A_1468 : vector<1x16xf32> to vector<16xf32>
          %add3A_1470 = arith.addf %get3A_1379, %get3A_1385 : vector<16xf32>
          %add3A_1471 = arith.addf %get3A_1391, %get3A_1397 : vector<16xf32>
          %add3A_1472 = arith.addf %get3A_1403, %get3A_1409 : vector<16xf32>
          %add3A_1473 = arith.addf %get3A_1415, %get3A_1421 : vector<16xf32>
          %add3A_1474 = arith.addf %get3A_1427, %get3A_1433 : vector<16xf32>
          %add3A_1475 = arith.addf %get3A_1439, %get3A_1445 : vector<16xf32>
          %add3A_1476 = arith.addf %get3A_1451, %get3A_1457 : vector<16xf32>
          %add3A_1477 = arith.addf %get3A_1463, %get3A_1469 : vector<16xf32>
          %add3A_1478 = arith.addf %add3A_1470, %add3A_1471 : vector<16xf32>
          %add3A_1479 = arith.addf %add3A_1472, %add3A_1473 : vector<16xf32>
          %add3A_1480 = arith.addf %add3A_1474, %add3A_1475 : vector<16xf32>
          %add3A_1481 = arith.addf %add3A_1476, %add3A_1477 : vector<16xf32>
          %add3A_1482 = arith.addf %add3A_1478, %add3A_1479 : vector<16xf32>
          %add3A_1483 = arith.addf %add3A_1480, %add3A_1481 : vector<16xf32>
          %add3A_1484 = arith.addf %add3A_1482, %add3A_1483 : vector<16xf32>
          %mul3A_1485 = arith.constant 4 : i32
          %mul3A_1486 = arith.muli %add3A_31, %mul3A_1485 : i32
          %add3A_1487 = arith.addi %mul3A_1486, %add3A_64 : i32
          %swap3A_1488 = arith.index_cast %add3A_1487 : i32 to index
          %swap3A_1489 = arith.constant 176 : index
          %swap3A_1490 = tpu.vector_load %arg6[%swap3A_1488, %swap3A_1489] {strides = array<i32>} : memref<128x256xf32, #tpu.memory_space<vmem>>, vector<1x16xf32>,
          %swap3A_1491 = vector.shape_cast %swap3A_1490 : vector<1x16xf32> to vector<16xf32>
          %swap3A_1492 = vector.shape_cast %add3A_1484 : vector<16xf32> to vector<1x16xf32>
          tpu.vector_store %arg6[%swap3A_1488, %swap3A_1489], %swap3A_1492 {strides = array<i32>} : memref<128x256xf32, #tpu.memory_space<vmem>>, vector<1x16xf32>,
          %add3A_1493 = arith.constant 0 : i32
          %add3A_1494 = arith.addi %mul3A_66, %add3A_1493 : i32
          %get3A_1495 = arith.index_cast %add3A_1494 : i32 to index
          %get3A_1496 = arith.constant 192 : index
          %get3A_1497 = tpu.vector_load %arg5[%get3A_1495, %get3A_1496] {strides = array<i32>} : memref<64x256xf32, #tpu.memory_space<vmem>>, vector<1x16xf32>,
          %get3A_1498 = vector.shape_cast %get3A_1497 : vector<1x16xf32> to vector<16xf32>
          %add3A_1499 = arith.constant 1 : i32
          %add3A_1500 = arith.addi %mul3A_66, %add3A_1499 : i32
          %get3A_1501 = arith.index_cast %add3A_1500 : i32 to index
          %get3A_1502 = arith.constant 192 : index
          %get3A_1503 = tpu.vector_load %arg5[%get3A_1501, %get3A_1502] {strides = array<i32>} : memref<64x256xf32, #tpu.memory_space<vmem>>, vector<1x16xf32>,
          %get3A_1504 = vector.shape_cast %get3A_1503 : vector<1x16xf32> to vector<16xf32>
          %add3A_1505 = arith.constant 2 : i32
          %add3A_1506 = arith.addi %mul3A_66, %add3A_1505 : i32
          %get3A_1507 = arith.index_cast %add3A_1506 : i32 to index
          %get3A_1508 = arith.constant 192 : index
          %get3A_1509 = tpu.vector_load %arg5[%get3A_1507, %get3A_1508] {strides = array<i32>} : memref<64x256xf32, #tpu.memory_space<vmem>>, vector<1x16xf32>,
          %get3A_1510 = vector.shape_cast %get3A_1509 : vector<1x16xf32> to vector<16xf32>
          %add3A_1511 = arith.constant 3 : i32
          %add3A_1512 = arith.addi %mul3A_66, %add3A_1511 : i32
          %get3A_1513 = arith.index_cast %add3A_1512 : i32 to index
          %get3A_1514 = arith.constant 192 : index
          %get3A_1515 = tpu.vector_load %arg5[%get3A_1513, %get3A_1514] {strides = array<i32>} : memref<64x256xf32, #tpu.memory_space<vmem>>, vector<1x16xf32>,
          %get3A_1516 = vector.shape_cast %get3A_1515 : vector<1x16xf32> to vector<16xf32>
          %add3A_1517 = arith.constant 4 : i32
          %add3A_1518 = arith.addi %mul3A_66, %add3A_1517 : i32
          %get3A_1519 = arith.index_cast %add3A_1518 : i32 to index
          %get3A_1520 = arith.constant 192 : index
          %get3A_1521 = tpu.vector_load %arg5[%get3A_1519, %get3A_1520] {strides = array<i32>} : memref<64x256xf32, #tpu.memory_space<vmem>>, vector<1x16xf32>,
          %get3A_1522 = vector.shape_cast %get3A_1521 : vector<1x16xf32> to vector<16xf32>
          %add3A_1523 = arith.constant 5 : i32
          %add3A_1524 = arith.addi %mul3A_66, %add3A_1523 : i32
          %get3A_1525 = arith.index_cast %add3A_1524 : i32 to index
          %get3A_1526 = arith.constant 192 : index
          %get3A_1527 = tpu.vector_load %arg5[%get3A_1525, %get3A_1526] {strides = array<i32>} : memref<64x256xf32, #tpu.memory_space<vmem>>, vector<1x16xf32>,
          %get3A_1528 = vector.shape_cast %get3A_1527 : vector<1x16xf32> to vector<16xf32>
          %add3A_1529 = arith.constant 6 : i32
          %add3A_1530 = arith.addi %mul3A_66, %add3A_1529 : i32
          %get3A_1531 = arith.index_cast %add3A_1530 : i32 to index
          %get3A_1532 = arith.constant 192 : index
          %get3A_1533 = tpu.vector_load %arg5[%get3A_1531, %get3A_1532] {strides = array<i32>} : memref<64x256xf32, #tpu.memory_space<vmem>>, vector<1x16xf32>,
          %get3A_1534 = vector.shape_cast %get3A_1533 : vector<1x16xf32> to vector<16xf32>
          %add3A_1535 = arith.constant 7 : i32
          %add3A_1536 = arith.addi %mul3A_66, %add3A_1535 : i32
          %get3A_1537 = arith.index_cast %add3A_1536 : i32 to index
          %get3A_1538 = arith.constant 192 : index
          %get3A_1539 = tpu.vector_load %arg5[%get3A_1537, %get3A_1538] {strides = array<i32>} : memref<64x256xf32, #tpu.memory_space<vmem>>, vector<1x16xf32>,
          %get3A_1540 = vector.shape_cast %get3A_1539 : vector<1x16xf32> to vector<16xf32>
          %add3A_1541 = arith.constant 8 : i32
          %add3A_1542 = arith.addi %mul3A_66, %add3A_1541 : i32
          %get3A_1543 = arith.index_cast %add3A_1542 : i32 to index
          %get3A_1544 = arith.constant 192 : index
          %get3A_1545 = tpu.vector_load %arg5[%get3A_1543, %get3A_1544] {strides = array<i32>} : memref<64x256xf32, #tpu.memory_space<vmem>>, vector<1x16xf32>,
          %get3A_1546 = vector.shape_cast %get3A_1545 : vector<1x16xf32> to vector<16xf32>
          %add3A_1547 = arith.constant 9 : i32
          %add3A_1548 = arith.addi %mul3A_66, %add3A_1547 : i32
          %get3A_1549 = arith.index_cast %add3A_1548 : i32 to index
          %get3A_1550 = arith.constant 192 : index
          %get3A_1551 = tpu.vector_load %arg5[%get3A_1549, %get3A_1550] {strides = array<i32>} : memref<64x256xf32, #tpu.memory_space<vmem>>, vector<1x16xf32>,
          %get3A_1552 = vector.shape_cast %get3A_1551 : vector<1x16xf32> to vector<16xf32>
          %add3A_1553 = arith.constant 10 : i32
          %add3A_1554 = arith.addi %mul3A_66, %add3A_1553 : i32
          %get3A_1555 = arith.index_cast %add3A_1554 : i32 to index
          %get3A_1556 = arith.constant 192 : index
          %get3A_1557 = tpu.vector_load %arg5[%get3A_1555, %get3A_1556] {strides = array<i32>} : memref<64x256xf32, #tpu.memory_space<vmem>>, vector<1x16xf32>,
          %get3A_1558 = vector.shape_cast %get3A_1557 : vector<1x16xf32> to vector<16xf32>
          %add3A_1559 = arith.constant 11 : i32
          %add3A_1560 = arith.addi %mul3A_66, %add3A_1559 : i32
          %get3A_1561 = arith.index_cast %add3A_1560 : i32 to index
          %get3A_1562 = arith.constant 192 : index
          %get3A_1563 = tpu.vector_load %arg5[%get3A_1561, %get3A_1562] {strides = array<i32>} : memref<64x256xf32, #tpu.memory_space<vmem>>, vector<1x16xf32>,
          %get3A_1564 = vector.shape_cast %get3A_1563 : vector<1x16xf32> to vector<16xf32>
          %add3A_1565 = arith.constant 12 : i32
          %add3A_1566 = arith.addi %mul3A_66, %add3A_1565 : i32
          %get3A_1567 = arith.index_cast %add3A_1566 : i32 to index
          %get3A_1568 = arith.constant 192 : index
          %get3A_1569 = tpu.vector_load %arg5[%get3A_1567, %get3A_1568] {strides = array<i32>} : memref<64x256xf32, #tpu.memory_space<vmem>>, vector<1x16xf32>,
          %get3A_1570 = vector.shape_cast %get3A_1569 : vector<1x16xf32> to vector<16xf32>
          %add3A_1571 = arith.constant 13 : i32
          %add3A_1572 = arith.addi %mul3A_66, %add3A_1571 : i32
          %get3A_1573 = arith.index_cast %add3A_1572 : i32 to index
          %get3A_1574 = arith.constant 192 : index
          %get3A_1575 = tpu.vector_load %arg5[%get3A_1573, %get3A_1574] {strides = array<i32>} : memref<64x256xf32, #tpu.memory_space<vmem>>, vector<1x16xf32>,
          %get3A_1576 = vector.shape_cast %get3A_1575 : vector<1x16xf32> to vector<16xf32>
          %add3A_1577 = arith.constant 14 : i32
          %add3A_1578 = arith.addi %mul3A_66, %add3A_1577 : i32
          %get3A_1579 = arith.index_cast %add3A_1578 : i32 to index
          %get3A_1580 = arith.constant 192 : index
          %get3A_1581 = tpu.vector_load %arg5[%get3A_1579, %get3A_1580] {strides = array<i32>} : memref<64x256xf32, #tpu.memory_space<vmem>>, vector<1x16xf32>,
          %get3A_1582 = vector.shape_cast %get3A_1581 : vector<1x16xf32> to vector<16xf32>
          %add3A_1583 = arith.constant 15 : i32
          %add3A_1584 = arith.addi %mul3A_66, %add3A_1583 : i32
          %get3A_1585 = arith.index_cast %add3A_1584 : i32 to index
          %get3A_1586 = arith.constant 192 : index
          %get3A_1587 = tpu.vector_load %arg5[%get3A_1585, %get3A_1586] {strides = array<i32>} : memref<64x256xf32, #tpu.memory_space<vmem>>, vector<1x16xf32>,
          %get3A_1588 = vector.shape_cast %get3A_1587 : vector<1x16xf32> to vector<16xf32>
          %add3A_1589 = arith.addf %get3A_1498, %get3A_1504 : vector<16xf32>
          %add3A_1590 = arith.addf %get3A_1510, %get3A_1516 : vector<16xf32>
          %add3A_1591 = arith.addf %get3A_1522, %get3A_1528 : vector<16xf32>
          %add3A_1592 = arith.addf %get3A_1534, %get3A_1540 : vector<16xf32>
          %add3A_1593 = arith.addf %get3A_1546, %get3A_1552 : vector<16xf32>
          %add3A_1594 = arith.addf %get3A_1558, %get3A_1564 : vector<16xf32>
          %add3A_1595 = arith.addf %get3A_1570, %get3A_1576 : vector<16xf32>
          %add3A_1596 = arith.addf %get3A_1582, %get3A_1588 : vector<16xf32>
          %add3A_1597 = arith.addf %add3A_1589, %add3A_1590 : vector<16xf32>
          %add3A_1598 = arith.addf %add3A_1591, %add3A_1592 : vector<16xf32>
          %add3A_1599 = arith.addf %add3A_1593, %add3A_1594 : vector<16xf32>
          %add3A_1600 = arith.addf %add3A_1595, %add3A_1596 : vector<16xf32>
          %add3A_1601 = arith.addf %add3A_1597, %add3A_1598 : vector<16xf32>
          %add3A_1602 = arith.addf %add3A_1599, %add3A_1600 : vector<16xf32>
          %add3A_1603 = arith.addf %add3A_1601, %add3A_1602 : vector<16xf32>
          %mul3A_1604 = arith.constant 4 : i32
          %mul3A_1605 = arith.muli %add3A_31, %mul3A_1604 : i32
          %add3A_1606 = arith.addi %mul3A_1605, %add3A_64 : i32
          %swap3A_1607 = arith.index_cast %add3A_1606 : i32 to index
          %swap3A_1608 = arith.constant 192 : index
          %swap3A_1609 = tpu.vector_load %arg6[%swap3A_1607, %swap3A_1608] {strides = array<i32>} : memref<128x256xf32, #tpu.memory_space<vmem>>, vector<1x16xf32>,
          %swap3A_1610 = vector.shape_cast %swap3A_1609 : vector<1x16xf32> to vector<16xf32>
          %swap3A_1611 = vector.shape_cast %add3A_1603 : vector<16xf32> to vector<1x16xf32>
          tpu.vector_store %arg6[%swap3A_1607, %swap3A_1608], %swap3A_1611 {strides = array<i32>} : memref<128x256xf32, #tpu.memory_space<vmem>>, vector<1x16xf32>,
          %add3A_1612 = arith.constant 0 : i32
          %add3A_1613 = arith.addi %mul3A_66, %add3A_1612 : i32
          %get3A_1614 = arith.index_cast %add3A_1613 : i32 to index
          %get3A_1615 = arith.constant 208 : index
          %get3A_1616 = tpu.vector_load %arg5[%get3A_1614, %get3A_1615] {strides = array<i32>} : memref<64x256xf32, #tpu.memory_space<vmem>>, vector<1x16xf32>,
          %get3A_1617 = vector.shape_cast %get3A_1616 : vector<1x16xf32> to vector<16xf32>
          %add3A_1618 = arith.constant 1 : i32
          %add3A_1619 = arith.addi %mul3A_66, %add3A_1618 : i32
          %get3A_1620 = arith.index_cast %add3A_1619 : i32 to index
          %get3A_1621 = arith.constant 208 : index
          %get3A_1622 = tpu.vector_load %arg5[%get3A_1620, %get3A_1621] {strides = array<i32>} : memref<64x256xf32, #tpu.memory_space<vmem>>, vector<1x16xf32>,
          %get3A_1623 = vector.shape_cast %get3A_1622 : vector<1x16xf32> to vector<16xf32>
          %add3A_1624 = arith.constant 2 : i32
          %add3A_1625 = arith.addi %mul3A_66, %add3A_1624 : i32
          %get3A_1626 = arith.index_cast %add3A_1625 : i32 to index
          %get3A_1627 = arith.constant 208 : index
          %get3A_1628 = tpu.vector_load %arg5[%get3A_1626, %get3A_1627] {strides = array<i32>} : memref<64x256xf32, #tpu.memory_space<vmem>>, vector<1x16xf32>,
          %get3A_1629 = vector.shape_cast %get3A_1628 : vector<1x16xf32> to vector<16xf32>
          %add3A_1630 = arith.constant 3 : i32
          %add3A_1631 = arith.addi %mul3A_66, %add3A_1630 : i32
          %get3A_1632 = arith.index_cast %add3A_1631 : i32 to index
          %get3A_1633 = arith.constant 208 : index
          %get3A_1634 = tpu.vector_load %arg5[%get3A_1632, %get3A_1633] {strides = array<i32>} : memref<64x256xf32, #tpu.memory_space<vmem>>, vector<1x16xf32>,
          %get3A_1635 = vector.shape_cast %get3A_1634 : vector<1x16xf32> to vector<16xf32>
          %add3A_1636 = arith.constant 4 : i32
          %add3A_1637 = arith.addi %mul3A_66, %add3A_1636 : i32
          %get3A_1638 = arith.index_cast %add3A_1637 : i32 to index
          %get3A_1639 = arith.constant 208 : index
          %get3A_1640 = tpu.vector_load %arg5[%get3A_1638, %get3A_1639] {strides = array<i32>} : memref<64x256xf32, #tpu.memory_space<vmem>>, vector<1x16xf32>,
          %get3A_1641 = vector.shape_cast %get3A_1640 : vector<1x16xf32> to vector<16xf32>
          %add3A_1642 = arith.constant 5 : i32
          %add3A_1643 = arith.addi %mul3A_66, %add3A_1642 : i32
          %get3A_1644 = arith.index_cast %add3A_1643 : i32 to index
          %get3A_1645 = arith.constant 208 : index
          %get3A_1646 = tpu.vector_load %arg5[%get3A_1644, %get3A_1645] {strides = array<i32>} : memref<64x256xf32, #tpu.memory_space<vmem>>, vector<1x16xf32>,
          %get3A_1647 = vector.shape_cast %get3A_1646 : vector<1x16xf32> to vector<16xf32>
          %add3A_1648 = arith.constant 6 : i32
          %add3A_1649 = arith.addi %mul3A_66, %add3A_1648 : i32
          %get3A_1650 = arith.index_cast %add3A_1649 : i32 to index
          %get3A_1651 = arith.constant 208 : index
          %get3A_1652 = tpu.vector_load %arg5[%get3A_1650, %get3A_1651] {strides = array<i32>} : memref<64x256xf32, #tpu.memory_space<vmem>>, vector<1x16xf32>,
          %get3A_1653 = vector.shape_cast %get3A_1652 : vector<1x16xf32> to vector<16xf32>
          %add3A_1654 = arith.constant 7 : i32
          %add3A_1655 = arith.addi %mul3A_66, %add3A_1654 : i32
          %get3A_1656 = arith.index_cast %add3A_1655 : i32 to index
          %get3A_1657 = arith.constant 208 : index
          %get3A_1658 = tpu.vector_load %arg5[%get3A_1656, %get3A_1657] {strides = array<i32>} : memref<64x256xf32, #tpu.memory_space<vmem>>, vector<1x16xf32>,
          %get3A_1659 = vector.shape_cast %get3A_1658 : vector<1x16xf32> to vector<16xf32>
          %add3A_1660 = arith.constant 8 : i32
          %add3A_1661 = arith.addi %mul3A_66, %add3A_1660 : i32
          %get3A_1662 = arith.index_cast %add3A_1661 : i32 to index
          %get3A_1663 = arith.constant 208 : index
          %get3A_1664 = tpu.vector_load %arg5[%get3A_1662, %get3A_1663] {strides = array<i32>} : memref<64x256xf32, #tpu.memory_space<vmem>>, vector<1x16xf32>,
          %get3A_1665 = vector.shape_cast %get3A_1664 : vector<1x16xf32> to vector<16xf32>
          %add3A_1666 = arith.constant 9 : i32
          %add3A_1667 = arith.addi %mul3A_66, %add3A_1666 : i32
          %get3A_1668 = arith.index_cast %add3A_1667 : i32 to index
          %get3A_1669 = arith.constant 208 : index
          %get3A_1670 = tpu.vector_load %arg5[%get3A_1668, %get3A_1669] {strides = array<i32>} : memref<64x256xf32, #tpu.memory_space<vmem>>, vector<1x16xf32>,
          %get3A_1671 = vector.shape_cast %get3A_1670 : vector<1x16xf32> to vector<16xf32>
          %add3A_1672 = arith.constant 10 : i32
          %add3A_1673 = arith.addi %mul3A_66, %add3A_1672 : i32
          %get3A_1674 = arith.index_cast %add3A_1673 : i32 to index
          %get3A_1675 = arith.constant 208 : index
          %get3A_1676 = tpu.vector_load %arg5[%get3A_1674, %get3A_1675] {strides = array<i32>} : memref<64x256xf32, #tpu.memory_space<vmem>>, vector<1x16xf32>,
          %get3A_1677 = vector.shape_cast %get3A_1676 : vector<1x16xf32> to vector<16xf32>
          %add3A_1678 = arith.constant 11 : i32
          %add3A_1679 = arith.addi %mul3A_66, %add3A_1678 : i32
          %get3A_1680 = arith.index_cast %add3A_1679 : i32 to index
          %get3A_1681 = arith.constant 208 : index
          %get3A_1682 = tpu.vector_load %arg5[%get3A_1680, %get3A_1681] {strides = array<i32>} : memref<64x256xf32, #tpu.memory_space<vmem>>, vector<1x16xf32>,
          %get3A_1683 = vector.shape_cast %get3A_1682 : vector<1x16xf32> to vector<16xf32>
          %add3A_1684 = arith.constant 12 : i32
          %add3A_1685 = arith.addi %mul3A_66, %add3A_1684 : i32
          %get3A_1686 = arith.index_cast %add3A_1685 : i32 to index
          %get3A_1687 = arith.constant 208 : index
          %get3A_1688 = tpu.vector_load %arg5[%get3A_1686, %get3A_1687] {strides = array<i32>} : memref<64x256xf32, #tpu.memory_space<vmem>>, vector<1x16xf32>,
          %get3A_1689 = vector.shape_cast %get3A_1688 : vector<1x16xf32> to vector<16xf32>
          %add3A_1690 = arith.constant 13 : i32
          %add3A_1691 = arith.addi %mul3A_66, %add3A_1690 : i32
          %get3A_1692 = arith.index_cast %add3A_1691 : i32 to index
          %get3A_1693 = arith.constant 208 : index
          %get3A_1694 = tpu.vector_load %arg5[%get3A_1692, %get3A_1693] {strides = array<i32>} : memref<64x256xf32, #tpu.memory_space<vmem>>, vector<1x16xf32>,
          %get3A_1695 = vector.shape_cast %get3A_1694 : vector<1x16xf32> to vector<16xf32>
          %add3A_1696 = arith.constant 14 : i32
          %add3A_1697 = arith.addi %mul3A_66, %add3A_1696 : i32
          %get3A_1698 = arith.index_cast %add3A_1697 : i32 to index
          %get3A_1699 = arith.constant 208 : index
          %get3A_1700 = tpu.vector_load %arg5[%get3A_1698, %get3A_1699] {strides = array<i32>} : memref<64x256xf32, #tpu.memory_space<vmem>>, vector<1x16xf32>,
          %get3A_1701 = vector.shape_cast %get3A_1700 : vector<1x16xf32> to vector<16xf32>
          %add3A_1702 = arith.constant 15 : i32
          %add3A_1703 = arith.addi %mul3A_66, %add3A_1702 : i32
          %get3A_1704 = arith.index_cast %add3A_1703 : i32 to index
          %get3A_1705 = arith.constant 208 : index
          %get3A_1706 = tpu.vector_load %arg5[%get3A_1704, %get3A_1705] {strides = array<i32>} : memref<64x256xf32, #tpu.memory_space<vmem>>, vector<1x16xf32>,
          %get3A_1707 = vector.shape_cast %get3A_1706 : vector<1x16xf32> to vector<16xf32>
          %add3A_1708 = arith.addf %get3A_1617, %get3A_1623 : vector<16xf32>
          %add3A_1709 = arith.addf %get3A_1629, %get3A_1635 : vector<16xf32>
          %add3A_1710 = arith.addf %get3A_1641, %get3A_1647 : vector<16xf32>
          %add3A_1711 = arith.addf %get3A_1653, %get3A_1659 : vector<16xf32>
          %add3A_1712 = arith.addf %get3A_1665, %get3A_1671 : vector<16xf32>
          %add3A_1713 = arith.addf %get3A_1677, %get3A_1683 : vector<16xf32>
          %add3A_1714 = arith.addf %get3A_1689, %get3A_1695 : vector<16xf32>
          %add3A_1715 = arith.addf %get3A_1701, %get3A_1707 : vector<16xf32>
          %add3A_1716 = arith.addf %add3A_1708, %add3A_1709 : vector<16xf32>
          %add3A_1717 = arith.addf %add3A_1710, %add3A_1711 : vector<16xf32>
          %add3A_1718 = arith.addf %add3A_1712, %add3A_1713 : vector<16xf32>
          %add3A_1719 = arith.addf %add3A_1714, %add3A_1715 : vector<16xf32>
          %add3A_1720 = arith.addf %add3A_1716, %add3A_1717 : vector<16xf32>
          %add3A_1721 = arith.addf %add3A_1718, %add3A_1719 : vector<16xf32>
          %add3A_1722 = arith.addf %add3A_1720, %add3A_1721 : vector<16xf32>
          %mul3A_1723 = arith.constant 4 : i32
          %mul3A_1724 = arith.muli %add3A_31, %mul3A_1723 : i32
          %add3A_1725 = arith.addi %mul3A_1724, %add3A_64 : i32
          %swap3A_1726 = arith.index_cast %add3A_1725 : i32 to index
          %swap3A_1727 = arith.constant 208 : index
          %swap3A_1728 = tpu.vector_load %arg6[%swap3A_1726, %swap3A_1727] {strides = array<i32>} : memref<128x256xf32, #tpu.memory_space<vmem>>, vector<1x16xf32>,
          %swap3A_1729 = vector.shape_cast %swap3A_1728 : vector<1x16xf32> to vector<16xf32>
          %swap3A_1730 = vector.shape_cast %add3A_1722 : vector<16xf32> to vector<1x16xf32>
          tpu.vector_store %arg6[%swap3A_1726, %swap3A_1727], %swap3A_1730 {strides = array<i32>} : memref<128x256xf32, #tpu.memory_space<vmem>>, vector<1x16xf32>,
          %add3A_1731 = arith.constant 0 : i32
          %add3A_1732 = arith.addi %mul3A_66, %add3A_1731 : i32
          %get3A_1733 = arith.index_cast %add3A_1732 : i32 to index
          %get3A_1734 = arith.constant 224 : index
          %get3A_1735 = tpu.vector_load %arg5[%get3A_1733, %get3A_1734] {strides = array<i32>} : memref<64x256xf32, #tpu.memory_space<vmem>>, vector<1x16xf32>,
          %get3A_1736 = vector.shape_cast %get3A_1735 : vector<1x16xf32> to vector<16xf32>
          %add3A_1737 = arith.constant 1 : i32
          %add3A_1738 = arith.addi %mul3A_66, %add3A_1737 : i32
          %get3A_1739 = arith.index_cast %add3A_1738 : i32 to index
          %get3A_1740 = arith.constant 224 : index
          %get3A_1741 = tpu.vector_load %arg5[%get3A_1739, %get3A_1740] {strides = array<i32>} : memref<64x256xf32, #tpu.memory_space<vmem>>, vector<1x16xf32>,
          %get3A_1742 = vector.shape_cast %get3A_1741 : vector<1x16xf32> to vector<16xf32>
          %add3A_1743 = arith.constant 2 : i32
          %add3A_1744 = arith.addi %mul3A_66, %add3A_1743 : i32
          %get3A_1745 = arith.index_cast %add3A_1744 : i32 to index
          %get3A_1746 = arith.constant 224 : index
          %get3A_1747 = tpu.vector_load %arg5[%get3A_1745, %get3A_1746] {strides = array<i32>} : memref<64x256xf32, #tpu.memory_space<vmem>>, vector<1x16xf32>,
          %get3A_1748 = vector.shape_cast %get3A_1747 : vector<1x16xf32> to vector<16xf32>
          %add3A_1749 = arith.constant 3 : i32
          %add3A_1750 = arith.addi %mul3A_66, %add3A_1749 : i32
          %get3A_1751 = arith.index_cast %add3A_1750 : i32 to index
          %get3A_1752 = arith.constant 224 : index
          %get3A_1753 = tpu.vector_load %arg5[%get3A_1751, %get3A_1752] {strides = array<i32>} : memref<64x256xf32, #tpu.memory_space<vmem>>, vector<1x16xf32>,
          %get3A_1754 = vector.shape_cast %get3A_1753 : vector<1x16xf32> to vector<16xf32>
          %add3A_1755 = arith.constant 4 : i32
          %add3A_1756 = arith.addi %mul3A_66, %add3A_1755 : i32
          %get3A_1757 = arith.index_cast %add3A_1756 : i32 to index
          %get3A_1758 = arith.constant 224 : index
          %get3A_1759 = tpu.vector_load %arg5[%get3A_1757, %get3A_1758] {strides = array<i32>} : memref<64x256xf32, #tpu.memory_space<vmem>>, vector<1x16xf32>,
          %get3A_1760 = vector.shape_cast %get3A_1759 : vector<1x16xf32> to vector<16xf32>
          %add3A_1761 = arith.constant 5 : i32
          %add3A_1762 = arith.addi %mul3A_66, %add3A_1761 : i32
          %get3A_1763 = arith.index_cast %add3A_1762 : i32 to index
          %get3A_1764 = arith.constant 224 : index
          %get3A_1765 = tpu.vector_load %arg5[%get3A_1763, %get3A_1764] {strides = array<i32>} : memref<64x256xf32, #tpu.memory_space<vmem>>, vector<1x16xf32>,
          %get3A_1766 = vector.shape_cast %get3A_1765 : vector<1x16xf32> to vector<16xf32>
          %add3A_1767 = arith.constant 6 : i32
          %add3A_1768 = arith.addi %mul3A_66, %add3A_1767 : i32
          %get3A_1769 = arith.index_cast %add3A_1768 : i32 to index
          %get3A_1770 = arith.constant 224 : index
          %get3A_1771 = tpu.vector_load %arg5[%get3A_1769, %get3A_1770] {strides = array<i32>} : memref<64x256xf32, #tpu.memory_space<vmem>>, vector<1x16xf32>,
          %get3A_1772 = vector.shape_cast %get3A_1771 : vector<1x16xf32> to vector<16xf32>
          %add3A_1773 = arith.constant 7 : i32
          %add3A_1774 = arith.addi %mul3A_66, %add3A_1773 : i32
          %get3A_1775 = arith.index_cast %add3A_1774 : i32 to index
          %get3A_1776 = arith.constant 224 : index
          %get3A_1777 = tpu.vector_load %arg5[%get3A_1775, %get3A_1776] {strides = array<i32>} : memref<64x256xf32, #tpu.memory_space<vmem>>, vector<1x16xf32>,
          %get3A_1778 = vector.shape_cast %get3A_1777 : vector<1x16xf32> to vector<16xf32>
          %add3A_1779 = arith.constant 8 : i32
          %add3A_1780 = arith.addi %mul3A_66, %add3A_1779 : i32
          %get3A_1781 = arith.index_cast %add3A_1780 : i32 to index
          %get3A_1782 = arith.constant 224 : index
          %get3A_1783 = tpu.vector_load %arg5[%get3A_1781, %get3A_1782] {strides = array<i32>} : memref<64x256xf32, #tpu.memory_space<vmem>>, vector<1x16xf32>,
          %get3A_1784 = vector.shape_cast %get3A_1783 : vector<1x16xf32> to vector<16xf32>
          %add3A_1785 = arith.constant 9 : i32
          %add3A_1786 = arith.addi %mul3A_66, %add3A_1785 : i32
          %get3A_1787 = arith.index_cast %add3A_1786 : i32 to index
          %get3A_1788 = arith.constant 224 : index
          %get3A_1789 = tpu.vector_load %arg5[%get3A_1787, %get3A_1788] {strides = array<i32>} : memref<64x256xf32, #tpu.memory_space<vmem>>, vector<1x16xf32>,
          %get3A_1790 = vector.shape_cast %get3A_1789 : vector<1x16xf32> to vector<16xf32>
          %add3A_1791 = arith.constant 10 : i32
          %add3A_1792 = arith.addi %mul3A_66, %add3A_1791 : i32
          %get3A_1793 = arith.index_cast %add3A_1792 : i32 to index
          %get3A_1794 = arith.constant 224 : index
          %get3A_1795 = tpu.vector_load %arg5[%get3A_1793, %get3A_1794] {strides = array<i32>} : memref<64x256xf32, #tpu.memory_space<vmem>>, vector<1x16xf32>,
          %get3A_1796 = vector.shape_cast %get3A_1795 : vector<1x16xf32> to vector<16xf32>
          %add3A_1797 = arith.constant 11 : i32
          %add3A_1798 = arith.addi %mul3A_66, %add3A_1797 : i32
          %get3A_1799 = arith.index_cast %add3A_1798 : i32 to index
          %get3A_1800 = arith.constant 224 : index
          %get3A_1801 = tpu.vector_load %arg5[%get3A_1799, %get3A_1800] {strides = array<i32>} : memref<64x256xf32, #tpu.memory_space<vmem>>, vector<1x16xf32>,
          %get3A_1802 = vector.shape_cast %get3A_1801 : vector<1x16xf32> to vector<16xf32>
          %add3A_1803 = arith.constant 12 : i32
          %add3A_1804 = arith.addi %mul3A_66, %add3A_1803 : i32
          %get3A_1805 = arith.index_cast %add3A_1804 : i32 to index
          %get3A_1806 = arith.constant 224 : index
          %get3A_1807 = tpu.vector_load %arg5[%get3A_1805, %get3A_1806] {strides = array<i32>} : memref<64x256xf32, #tpu.memory_space<vmem>>, vector<1x16xf32>,
          %get3A_1808 = vector.shape_cast %get3A_1807 : vector<1x16xf32> to vector<16xf32>
          %add3A_1809 = arith.constant 13 : i32
          %add3A_1810 = arith.addi %mul3A_66, %add3A_1809 : i32
          %get3A_1811 = arith.index_cast %add3A_1810 : i32 to index
          %get3A_1812 = arith.constant 224 : index
          %get3A_1813 = tpu.vector_load %arg5[%get3A_1811, %get3A_1812] {strides = array<i32>} : memref<64x256xf32, #tpu.memory_space<vmem>>, vector<1x16xf32>,
          %get3A_1814 = vector.shape_cast %get3A_1813 : vector<1x16xf32> to vector<16xf32>
          %add3A_1815 = arith.constant 14 : i32
          %add3A_1816 = arith.addi %mul3A_66, %add3A_1815 : i32
          %get3A_1817 = arith.index_cast %add3A_1816 : i32 to index
          %get3A_1818 = arith.constant 224 : index
          %get3A_1819 = tpu.vector_load %arg5[%get3A_1817, %get3A_1818] {strides = array<i32>} : memref<64x256xf32, #tpu.memory_space<vmem>>, vector<1x16xf32>,
          %get3A_1820 = vector.shape_cast %get3A_1819 : vector<1x16xf32> to vector<16xf32>
          %add3A_1821 = arith.constant 15 : i32
          %add3A_1822 = arith.addi %mul3A_66, %add3A_1821 : i32
          %get3A_1823 = arith.index_cast %add3A_1822 : i32 to index
          %get3A_1824 = arith.constant 224 : index
          %get3A_1825 = tpu.vector_load %arg5[%get3A_1823, %get3A_1824] {strides = array<i32>} : memref<64x256xf32, #tpu.memory_space<vmem>>, vector<1x16xf32>,
          %get3A_1826 = vector.shape_cast %get3A_1825 : vector<1x16xf32> to vector<16xf32>
          %add3A_1827 = arith.addf %get3A_1736, %get3A_1742 : vector<16xf32>
          %add3A_1828 = arith.addf %get3A_1748, %get3A_1754 : vector<16xf32>
          %add3A_1829 = arith.addf %get3A_1760, %get3A_1766 : vector<16xf32>
          %add3A_1830 = arith.addf %get3A_1772, %get3A_1778 : vector<16xf32>
          %add3A_1831 = arith.addf %get3A_1784, %get3A_1790 : vector<16xf32>
          %add3A_1832 = arith.addf %get3A_1796, %get3A_1802 : vector<16xf32>
          %add3A_1833 = arith.addf %get3A_1808, %get3A_1814 : vector<16xf32>
          %add3A_1834 = arith.addf %get3A_1820, %get3A_1826 : vector<16xf32>
          %add3A_1835 = arith.addf %add3A_1827, %add3A_1828 : vector<16xf32>
          %add3A_1836 = arith.addf %add3A_1829, %add3A_1830 : vector<16xf32>
          %add3A_1837 = arith.addf %add3A_1831, %add3A_1832 : vector<16xf32>
          %add3A_1838 = arith.addf %add3A_1833, %add3A_1834 : vector<16xf32>
          %add3A_1839 = arith.addf %add3A_1835, %add3A_1836 : vector<16xf32>
          %add3A_1840 = arith.addf %add3A_1837, %add3A_1838 : vector<16xf32>
          %add3A_1841 = arith.addf %add3A_1839, %add3A_1840 : vector<16xf32>
          %mul3A_1842 = arith.constant 4 : i32
          %mul3A_1843 = arith.muli %add3A_31, %mul3A_1842 : i32
          %add3A_1844 = arith.addi %mul3A_1843, %add3A_64 : i32
          %swap3A_1845 = arith.index_cast %add3A_1844 : i32 to index
          %swap3A_1846 = arith.constant 224 : index
          %swap3A_1847 = tpu.vector_load %arg6[%swap3A_1845, %swap3A_1846] {strides = array<i32>} : memref<128x256xf32, #tpu.memory_space<vmem>>, vector<1x16xf32>,
          %swap3A_1848 = vector.shape_cast %swap3A_1847 : vector<1x16xf32> to vector<16xf32>
          %swap3A_1849 = vector.shape_cast %add3A_1841 : vector<16xf32> to vector<1x16xf32>
          tpu.vector_store %arg6[%swap3A_1845, %swap3A_1846], %swap3A_1849 {strides = array<i32>} : memref<128x256xf32, #tpu.memory_space<vmem>>, vector<1x16xf32>,
          %add3A_1850 = arith.constant 0 : i32
          %add3A_1851 = arith.addi %mul3A_66, %add3A_1850 : i32
          %get3A_1852 = arith.index_cast %add3A_1851 : i32 to index
          %get3A_1853 = arith.constant 240 : index
          %get3A_1854 = tpu.vector_load %arg5[%get3A_1852, %get3A_1853] {strides = array<i32>} : memref<64x256xf32, #tpu.memory_space<vmem>>, vector<1x16xf32>,
          %get3A_1855 = vector.shape_cast %get3A_1854 : vector<1x16xf32> to vector<16xf32>
          %add3A_1856 = arith.constant 1 : i32
          %add3A_1857 = arith.addi %mul3A_66, %add3A_1856 : i32
          %get3A_1858 = arith.index_cast %add3A_1857 : i32 to index
          %get3A_1859 = arith.constant 240 : index
          %get3A_1860 = tpu.vector_load %arg5[%get3A_1858, %get3A_1859] {strides = array<i32>} : memref<64x256xf32, #tpu.memory_space<vmem>>, vector<1x16xf32>,
          %get3A_1861 = vector.shape_cast %get3A_1860 : vector<1x16xf32> to vector<16xf32>
          %add3A_1862 = arith.constant 2 : i32
          %add3A_1863 = arith.addi %mul3A_66, %add3A_1862 : i32
          %get3A_1864 = arith.index_cast %add3A_1863 : i32 to index
          %get3A_1865 = arith.constant 240 : index
          %get3A_1866 = tpu.vector_load %arg5[%get3A_1864, %get3A_1865] {strides = array<i32>} : memref<64x256xf32, #tpu.memory_space<vmem>>, vector<1x16xf32>,
          %get3A_1867 = vector.shape_cast %get3A_1866 : vector<1x16xf32> to vector<16xf32>
          %add3A_1868 = arith.constant 3 : i32
          %add3A_1869 = arith.addi %mul3A_66, %add3A_1868 : i32
          %get3A_1870 = arith.index_cast %add3A_1869 : i32 to index
          %get3A_1871 = arith.constant 240 : index
          %get3A_1872 = tpu.vector_load %arg5[%get3A_1870, %get3A_1871] {strides = array<i32>} : memref<64x256xf32, #tpu.memory_space<vmem>>, vector<1x16xf32>,
          %get3A_1873 = vector.shape_cast %get3A_1872 : vector<1x16xf32> to vector<16xf32>
          %add3A_1874 = arith.constant 4 : i32
          %add3A_1875 = arith.addi %mul3A_66, %add3A_1874 : i32
          %get3A_1876 = arith.index_cast %add3A_1875 : i32 to index
          %get3A_1877 = arith.constant 240 : index
          %get3A_1878 = tpu.vector_load %arg5[%get3A_1876, %get3A_1877] {strides = array<i32>} : memref<64x256xf32, #tpu.memory_space<vmem>>, vector<1x16xf32>,
          %get3A_1879 = vector.shape_cast %get3A_1878 : vector<1x16xf32> to vector<16xf32>
          %add3A_1880 = arith.constant 5 : i32
          %add3A_1881 = arith.addi %mul3A_66, %add3A_1880 : i32
          %get3A_1882 = arith.index_cast %add3A_1881 : i32 to index
          %get3A_1883 = arith.constant 240 : index
          %get3A_1884 = tpu.vector_load %arg5[%get3A_1882, %get3A_1883] {strides = array<i32>} : memref<64x256xf32, #tpu.memory_space<vmem>>, vector<1x16xf32>,
          %get3A_1885 = vector.shape_cast %get3A_1884 : vector<1x16xf32> to vector<16xf32>
          %add3A_1886 = arith.constant 6 : i32
          %add3A_1887 = arith.addi %mul3A_66, %add3A_1886 : i32
          %get3A_1888 = arith.index_cast %add3A_1887 : i32 to index
          %get3A_1889 = arith.constant 240 : index
          %get3A_1890 = tpu.vector_load %arg5[%get3A_1888, %get3A_1889] {strides = array<i32>} : memref<64x256xf32, #tpu.memory_space<vmem>>, vector<1x16xf32>,
          %get3A_1891 = vector.shape_cast %get3A_1890 : vector<1x16xf32> to vector<16xf32>
          %add3A_1892 = arith.constant 7 : i32
          %add3A_1893 = arith.addi %mul3A_66, %add3A_1892 : i32
          %get3A_1894 = arith.index_cast %add3A_1893 : i32 to index
          %get3A_1895 = arith.constant 240 : index
          %get3A_1896 = tpu.vector_load %arg5[%get3A_1894, %get3A_1895] {strides = array<i32>} : memref<64x256xf32, #tpu.memory_space<vmem>>, vector<1x16xf32>,
          %get3A_1897 = vector.shape_cast %get3A_1896 : vector<1x16xf32> to vector<16xf32>
          %add3A_1898 = arith.constant 8 : i32
          %add3A_1899 = arith.addi %mul3A_66, %add3A_1898 : i32
          %get3A_1900 = arith.index_cast %add3A_1899 : i32 to index
          %get3A_1901 = arith.constant 240 : index
          %get3A_1902 = tpu.vector_load %arg5[%get3A_1900, %get3A_1901] {strides = array<i32>} : memref<64x256xf32, #tpu.memory_space<vmem>>, vector<1x16xf32>,
          %get3A_1903 = vector.shape_cast %get3A_1902 : vector<1x16xf32> to vector<16xf32>
          %add3A_1904 = arith.constant 9 : i32
          %add3A_1905 = arith.addi %mul3A_66, %add3A_1904 : i32
          %get3A_1906 = arith.index_cast %add3A_1905 : i32 to index
          %get3A_1907 = arith.constant 240 : index
          %get3A_1908 = tpu.vector_load %arg5[%get3A_1906, %get3A_1907] {strides = array<i32>} : memref<64x256xf32, #tpu.memory_space<vmem>>, vector<1x16xf32>,
          %get3A_1909 = vector.shape_cast %get3A_1908 : vector<1x16xf32> to vector<16xf32>
          %add3A_1910 = arith.constant 10 : i32
          %add3A_1911 = arith.addi %mul3A_66, %add3A_1910 : i32
          %get3A_1912 = arith.index_cast %add3A_1911 : i32 to index
          %get3A_1913 = arith.constant 240 : index
          %get3A_1914 = tpu.vector_load %arg5[%get3A_1912, %get3A_1913] {strides = array<i32>} : memref<64x256xf32, #tpu.memory_space<vmem>>, vector<1x16xf32>,
          %get3A_1915 = vector.shape_cast %get3A_1914 : vector<1x16xf32> to vector<16xf32>
          %add3A_1916 = arith.constant 11 : i32
          %add3A_1917 = arith.addi %mul3A_66, %add3A_1916 : i32
          %get3A_1918 = arith.index_cast %add3A_1917 : i32 to index
          %get3A_1919 = arith.constant 240 : index
          %get3A_1920 = tpu.vector_load %arg5[%get3A_1918, %get3A_1919] {strides = array<i32>} : memref<64x256xf32, #tpu.memory_space<vmem>>, vector<1x16xf32>,
          %get3A_1921 = vector.shape_cast %get3A_1920 : vector<1x16xf32> to vector<16xf32>
          %add3A_1922 = arith.constant 12 : i32
          %add3A_1923 = arith.addi %mul3A_66, %add3A_1922 : i32
          %get3A_1924 = arith.index_cast %add3A_1923 : i32 to index
          %get3A_1925 = arith.constant 240 : index
          %get3A_1926 = tpu.vector_load %arg5[%get3A_1924, %get3A_1925] {strides = array<i32>} : memref<64x256xf32, #tpu.memory_space<vmem>>, vector<1x16xf32>,
          %get3A_1927 = vector.shape_cast %get3A_1926 : vector<1x16xf32> to vector<16xf32>
          %add3A_1928 = arith.constant 13 : i32
          %add3A_1929 = arith.addi %mul3A_66, %add3A_1928 : i32
          %get3A_1930 = arith.index_cast %add3A_1929 : i32 to index
          %get3A_1931 = arith.constant 240 : index
          %get3A_1932 = tpu.vector_load %arg5[%get3A_1930, %get3A_1931] {strides = array<i32>} : memref<64x256xf32, #tpu.memory_space<vmem>>, vector<1x16xf32>,
          %get3A_1933 = vector.shape_cast %get3A_1932 : vector<1x16xf32> to vector<16xf32>
          %add3A_1934 = arith.constant 14 : i32
          %add3A_1935 = arith.addi %mul3A_66, %add3A_1934 : i32
          %get3A_1936 = arith.index_cast %add3A_1935 : i32 to index
          %get3A_1937 = arith.constant 240 : index
          %get3A_1938 = tpu.vector_load %arg5[%get3A_1936, %get3A_1937] {strides = array<i32>} : memref<64x256xf32, #tpu.memory_space<vmem>>, vector<1x16xf32>,
          %get3A_1939 = vector.shape_cast %get3A_1938 : vector<1x16xf32> to vector<16xf32>
          %add3A_1940 = arith.constant 15 : i32
          %add3A_1941 = arith.addi %mul3A_66, %add3A_1940 : i32
          %get3A_1942 = arith.index_cast %add3A_1941 : i32 to index
          %get3A_1943 = arith.constant 240 : index
          %get3A_1944 = tpu.vector_load %arg5[%get3A_1942, %get3A_1943] {strides = array<i32>} : memref<64x256xf32, #tpu.memory_space<vmem>>, vector<1x16xf32>,
          %get3A_1945 = vector.shape_cast %get3A_1944 : vector<1x16xf32> to vector<16xf32>
          %add3A_1946 = arith.addf %get3A_1855, %get3A_1861 : vector<16xf32>
          %add3A_1947 = arith.addf %get3A_1867, %get3A_1873 : vector<16xf32>
          %add3A_1948 = arith.addf %get3A_1879, %get3A_1885 : vector<16xf32>
          %add3A_1949 = arith.addf %get3A_1891, %get3A_1897 : vector<16xf32>
          %add3A_1950 = arith.addf %get3A_1903, %get3A_1909 : vector<16xf32>
          %add3A_1951 = arith.addf %get3A_1915, %get3A_1921 : vector<16xf32>
          %add3A_1952 = arith.addf %get3A_1927, %get3A_1933 : vector<16xf32>
          %add3A_1953 = arith.addf %get3A_1939, %get3A_1945 : vector<16xf32>
          %add3A_1954 = arith.addf %add3A_1946, %add3A_1947 : vector<16xf32>
          %add3A_1955 = arith.addf %add3A_1948, %add3A_1949 : vector<16xf32>
          %add3A_1956 = arith.addf %add3A_1950, %add3A_1951 : vector<16xf32>
          %add3A_1957 = arith.addf %add3A_1952, %add3A_1953 : vector<16xf32>
          %add3A_1958 = arith.addf %add3A_1954, %add3A_1955 : vector<16xf32>
          %add3A_1959 = arith.addf %add3A_1956, %add3A_1957 : vector<16xf32>
          %add3A_1960 = arith.addf %add3A_1958, %add3A_1959 : vector<16xf32>
          %mul3A_1961 = arith.constant 4 : i32
          %mul3A_1962 = arith.muli %add3A_31, %mul3A_1961 : i32
          %add3A_1963 = arith.addi %mul3A_1962, %add3A_64 : i32
          %swap3A_1964 = arith.index_cast %add3A_1963 : i32 to index
          %swap3A_1965 = arith.constant 240 : index
          %swap3A_1966 = tpu.vector_load %arg6[%swap3A_1964, %swap3A_1965] {strides = array<i32>} : memref<128x256xf32, #tpu.memory_space<vmem>>, vector<1x16xf32>,
          %swap3A_1967 = vector.shape_cast %swap3A_1966 : vector<1x16xf32> to vector<16xf32>
          %swap3A_1968 = vector.shape_cast %add3A_1960 : vector<16xf32> to vector<1x16xf32>
          tpu.vector_store %arg6[%swap3A_1964, %swap3A_1965], %swap3A_1968 {strides = array<i32>} : memref<128x256xf32, #tpu.memory_space<vmem>>, vector<1x16xf32>,
        }
        %scan3A_59 = arith.constant 4 : i32
      } else {
      }
    }
    %scan3A_15 = arith.constant 16 : i32
    %lt3A = arith.constant 31 : i32
    %lt3A_16 = arith.cmpi slt, %add3A, %lt3A : i32
    %convert_element_type3A = arith.extui %lt3A_16 : i1 to i32
    %cond3A = arith.constant 0 : i32
    %cond3A_17 = arith.cmpi ne, %convert_element_type3A, %cond3A : i32
    scf.if %cond3A_17 {
      "tpu.region"() ({
        %run_scoped3A = tpu.sem_alloc : memref<!tpu.dma_semaphore, #tpu.memory_space<semaphore_mem>>
        %dma_start3A_23 = arith.constant 0 : i32
        %dma_start3A_24 = arith.constant 0 : i32
        %dma_start3A_25 = tpu.memref_slice %arg6[%dma_start3A_23, %dma_start3A_24] : memref<128x256xf32, #tpu.memory_space<vmem>> -> memref<128x256xf32, #tpu.memory_space<vmem>>
        %dma_start3A_26 = arith.constant 0 : i32
        %dma_start3A_27 = tpu.memref_slice %arg3[%mul3A_2, %dma_start3A_26] : memref<4000x256xf32, #tpu.memory_space<hbm>> -> memref<128x256xf32, #tpu.memory_space<hbm>>
        %dma_start3A_28 = arith.constant 0 : i32
        %dma_start3A_29 = tpu.memref_slice %arg3[%mul3A_2, %dma_start3A_28] : memref<4000x256xf32, #tpu.memory_space<hbm>> -> memref<128x256xf32, #tpu.memory_space<hbm>>
        %dma_start3A_30 = arith.constant 0 : i32
        %dma_start3A_31 = arith.constant 0 : i32
        %dma_start3A_32 = tpu.memref_slice %arg6[%dma_start3A_30, %dma_start3A_31] : memref<128x256xf32, #tpu.memory_space<vmem>> -> memref<128x256xf32, #tpu.memory_space<vmem>>
        tpu.enqueue_dma source(%dma_start3A_32 : memref<128x256xf32, #tpu.memory_space<vmem>>) target(%dma_start3A_29 : memref<128x256xf32, #tpu.memory_space<hbm>>) target_semaphore(%run_scoped3A : memref<!tpu.dma_semaphore, #tpu.memory_space<semaphore_mem>>)
        %dma_wait3A = arith.constant 0 : i32
        %dma_wait3A_33 = arith.constant 0 : i32
        %dma_wait3A_34 = tpu.memref_slice %arg6[%dma_wait3A, %dma_wait3A_33] : memref<128x256xf32, #tpu.memory_space<vmem>> -> memref<128x256xf32, #tpu.memory_space<vmem>>
        %dma_wait3A_35 = arith.constant 0 : i32
        %dma_wait3A_36 = tpu.memref_slice %arg3[%mul3A_2, %dma_wait3A_35] : memref<4000x256xf32, #tpu.memory_space<hbm>> -> memref<128x256xf32, #tpu.memory_space<hbm>>
        %dma_wait3A_37 = arith.constant 0 : i32
        %dma_wait3A_38 = tpu.memref_slice %arg3[%mul3A_2, %dma_wait3A_37] : memref<4000x256xf32, #tpu.memory_space<hbm>> -> memref<128x256xf32, #tpu.memory_space<hbm>>
        %dma_wait3A_39 = arith.constant 0 : i32
        %dma_wait3A_40 = arith.constant 0 : i32
        %dma_wait3A_41 = tpu.memref_slice %arg6[%dma_wait3A_39, %dma_wait3A_40] : memref<128x256xf32, #tpu.memory_space<vmem>> -> memref<128x256xf32, #tpu.memory_space<vmem>>
        tpu.wait_dma2 semaphore(%run_scoped3A : memref<!tpu.dma_semaphore, #tpu.memory_space<semaphore_mem>>) src(%dma_wait3A_41 : memref<128x256xf32, #tpu.memory_space<vmem>>) dst(%dma_wait3A_38 : memref<128x256xf32, #tpu.memory_space<hbm>>)
        tpu.yield
      }) : () -> ()
    } else {
    }
    %eq3A_18 = arith.constant 31 : i32
    %eq3A_19 = arith.cmpi eq, %add3A, %eq3A_18 : i32
    %convert_element_type3A_20 = arith.extui %eq3A_19 : i1 to i32
    %cond3A_21 = arith.constant 0 : i32
    %cond3A_22 = arith.cmpi ne, %convert_element_type3A_20, %cond3A_21 : i32
    scf.if %cond3A_22 {
      "tpu.region"() ({
        %run_scoped3A = tpu.sem_alloc : memref<!tpu.dma_semaphore, #tpu.memory_space<semaphore_mem>>
        %dma_start3A_23 = arith.constant 0 : i32
        %dma_start3A_24 = arith.constant 0 : i32
        %dma_start3A_25 = tpu.memref_slice %arg6[%dma_start3A_23, %dma_start3A_24] : memref<128x256xf32, #tpu.memory_space<vmem>> -> memref<32x256xf32, #tpu.memory_space<vmem>>
        %dma_start3A_26 = arith.constant 0 : i32
        %dma_start3A_27 = tpu.memref_slice %arg3[%mul3A_2, %dma_start3A_26] : memref<4000x256xf32, #tpu.memory_space<hbm>> -> memref<32x256xf32, #tpu.memory_space<hbm>>
        %dma_start3A_28 = arith.constant 0 : i32
        %dma_start3A_29 = tpu.memref_slice %arg3[%mul3A_2, %dma_start3A_28] : memref<4000x256xf32, #tpu.memory_space<hbm>> -> memref<32x256xf32, #tpu.memory_space<hbm>>
        %dma_start3A_30 = arith.constant 0 : i32
        %dma_start3A_31 = arith.constant 0 : i32
        %dma_start3A_32 = tpu.memref_slice %arg6[%dma_start3A_30, %dma_start3A_31] : memref<128x256xf32, #tpu.memory_space<vmem>> -> memref<32x256xf32, #tpu.memory_space<vmem>>
        tpu.enqueue_dma source(%dma_start3A_32 : memref<32x256xf32, #tpu.memory_space<vmem>>) target(%dma_start3A_29 : memref<32x256xf32, #tpu.memory_space<hbm>>) target_semaphore(%run_scoped3A : memref<!tpu.dma_semaphore, #tpu.memory_space<semaphore_mem>>)
        %dma_wait3A = arith.constant 0 : i32
        %dma_wait3A_33 = arith.constant 0 : i32
        %dma_wait3A_34 = tpu.memref_slice %arg6[%dma_wait3A, %dma_wait3A_33] : memref<128x256xf32, #tpu.memory_space<vmem>> -> memref<32x256xf32, #tpu.memory_space<vmem>>
        %dma_wait3A_35 = arith.constant 0 : i32
        %dma_wait3A_36 = tpu.memref_slice %arg3[%mul3A_2, %dma_wait3A_35] : memref<4000x256xf32, #tpu.memory_space<hbm>> -> memref<32x256xf32, #tpu.memory_space<hbm>>
        %dma_wait3A_37 = arith.constant 0 : i32
        %dma_wait3A_38 = tpu.memref_slice %arg3[%mul3A_2, %dma_wait3A_37] : memref<4000x256xf32, #tpu.memory_space<hbm>> -> memref<32x256xf32, #tpu.memory_space<hbm>>
        %dma_wait3A_39 = arith.constant 0 : i32
        %dma_wait3A_40 = arith.constant 0 : i32
        %dma_wait3A_41 = tpu.memref_slice %arg6[%dma_wait3A_39, %dma_wait3A_40] : memref<128x256xf32, #tpu.memory_space<vmem>> -> memref<32x256xf32, #tpu.memory_space<vmem>>
        tpu.wait_dma2 semaphore(%run_scoped3A : memref<!tpu.dma_semaphore, #tpu.memory_space<semaphore_mem>>) src(%dma_wait3A_41 : memref<32x256xf32, #tpu.memory_space<vmem>>) dst(%dma_wait3A_38 : memref<32x256xf32, #tpu.memory_space<hbm>>)
        tpu.yield
      }) : () -> ()
    } else {
    }
    return
  }
}

module attributes {stable_mosaic.version = 14 : i64} {
  func.func @_tc2_body(%arg0: i32, %arg1: memref<1000x256xf32, #tpu.memory_space<vmem>>, %arg2: memref<1000x256xf32, #tpu.memory_space<vmem>>, %arg3: memref<1000x256xf32, #tpu.memory_space<vmem>>, %arg4: memref<2x256xf32, #tpu.memory_space<vmem>>, %arg5: memref<256x256xf32, #tpu.memory_space<vmem>>, %arg6: memref<256x256xf32, #tpu.memory_space<vmem>>, %arg7: memref<1x256xf32, #tpu.memory_space<vmem>>, %arg8: memref<1x256xf32, #tpu.memory_space<vmem>>, %arg9: memref<1x256xf32, #tpu.memory_space<vmem>>, %arg10: memref<1000x256xf32, #tpu.memory_space<vmem>>, %arg11: memref<4000x256xf32, #tpu.memory_space<vmem>>, %arg12: memref<2x256xf32, #tpu.memory_space<vmem>>) attributes {dimension_semantics = [#tpu.dimension_semantics<arbitrary>], iteration_bounds = array<i64: 14>, scalar_prefetch = 0 : i64, scratch_operands = 2 : i64, tpu.core_type = #tpu.core_type<tc>, window_params = [{transform_indices = @transform_0, window_bounds = array<i64: 1000, 256>}, {transform_indices = @transform_1, window_bounds = array<i64: 1000, 256>}, {transform_indices = @transform_2, window_bounds = array<i64: 1000, 256>}, {pipeline_mode = #tpu.pipeline_mode<synchronous>, transform_indices = @transform_3, window_bounds = array<i64: 2, 256>}, {pipeline_mode = #tpu.pipeline_mode<synchronous>, transform_indices = @transform_4, window_bounds = array<i64: 256, 256>}, {pipeline_mode = #tpu.pipeline_mode<synchronous>, transform_indices = @transform_5, window_bounds = array<i64: 256, 256>}, {pipeline_mode = #tpu.pipeline_mode<synchronous>, transform_indices = @transform_6, window_bounds = array<i64: 1, 256>}, {pipeline_mode = #tpu.pipeline_mode<synchronous>, transform_indices = @transform_7, window_bounds = array<i64: 1, 256>}, {pipeline_mode = #tpu.pipeline_mode<synchronous>, transform_indices = @transform_8, window_bounds = array<i64: 1, 256>}, {transform_indices = @transform_9, window_bounds = array<i64: 1000, 256>}]} {
    %eq3A = arith.constant 0 : i32
    %eq3A_0 = arith.cmpi eq, %arg0, %eq3A : i32
    %convert_element_type3A = arith.extui %eq3A_0 : i1 to i32
    %cond3A = arith.constant 0 : i32
    %cond3A_1 = arith.cmpi ne, %convert_element_type3A, %cond3A : i32
    scf.if %cond3A_1 {
      %get3A = arith.constant 0 : index
      %get3A_10 = arith.constant 0 : index
      %get3A_11 = vector.load %arg4[%get3A, %get3A_10] : memref<2x256xf32, #tpu.memory_space<vmem>>, vector<2x256xf32>
      %swap3A = arith.constant 0 : index
      %swap3A_12 = arith.constant 0 : index
      %swap3A_13 = vector.load %arg12[%swap3A, %swap3A_12] : memref<2x256xf32, #tpu.memory_space<vmem>>, vector<2x256xf32>
      tpu.vector_store %arg12[%swap3A, %swap3A_12], %get3A_11 {strides = array<i32>} : memref<2x256xf32, #tpu.memory_space<vmem>>, vector<2x256xf32>,
    } else {
    }
    %lt3A = arith.constant 4 : i32
    %lt3A_2 = arith.cmpi slt, %arg0, %lt3A : i32
    %convert_element_type3A_3 = arith.extui %lt3A_2 : i1 to i32
    %cond3A_4 = arith.constant 0 : i32
    %cond3A_5 = arith.cmpi ne, %convert_element_type3A_3, %cond3A_4 : i32
    scf.if %cond3A_5 {
      %get3A = arith.constant 0 : index
      %get3A_10 = arith.constant 0 : index
      %get3A_11 = vector.load %arg1[%get3A, %get3A_10] : memref<1000x256xf32, #tpu.memory_space<vmem>>, vector<1000x256xf32>
      %get3A_12 = arith.constant 0 : index
      %get3A_13 = arith.constant 0 : index
      %get3A_14 = vector.load %arg5[%get3A_12, %get3A_13] : memref<256x256xf32, #tpu.memory_space<vmem>>, vector<256x256xf32>
      %dot_general3A = arith.constant dense<0.000000e+00> : vector<1000x256xf32>
      %dot_general3A_15 = tpu.matmul %get3A_11, %get3A_14, %dot_general3A {dimension_numbers = #tpu.dot_dimension_numbers<[1], [0], [0], [1], [0, 0, 1, 1], [], []>, transpose_lhs_hint = false} : vector<1000x256xf32>, vector<256x256xf32>, vector<1000x256xf32> -> vector<1000x256xf32>
      %get3A_16 = arith.constant 0 : index
      %get3A_17 = arith.constant 0 : index
      %get3A_18 = vector.load %arg2[%get3A_16, %get3A_17] : memref<1000x256xf32, #tpu.memory_space<vmem>>, vector<1000x256xf32>
      %get3A_19 = arith.constant 0 : index
      %get3A_20 = arith.constant 0 : index
      %get3A_21 = vector.load %arg6[%get3A_19, %get3A_20] : memref<256x256xf32, #tpu.memory_space<vmem>>, vector<256x256xf32>
      %dot_general3A_22 = arith.constant dense<0.000000e+00> : vector<1000x256xf32>
      %dot_general3A_23 = tpu.matmul %get3A_18, %get3A_21, %dot_general3A_22 {dimension_numbers = #tpu.dot_dimension_numbers<[1], [0], [0], [1], [0, 0, 1, 1], [], []>, transpose_lhs_hint = false} : vector<1000x256xf32>, vector<256x256xf32>, vector<1000x256xf32> -> vector<1000x256xf32>
      %add3A = arith.addf %dot_general3A_15, %dot_general3A_23 : vector<1000x256xf32>
      %get3A_24 = arith.constant 0 : index
      %get3A_25 = arith.constant 0 : index
      %get3A_26 = vector.load %arg7[%get3A_24, %get3A_25] : memref<1x256xf32, #tpu.memory_space<vmem>>, vector<1x256xf32>
      %add3A_27 = vector.broadcast %get3A_26 : vector<1x256xf32> to vector<1000x256xf32>
      %add3A_28 = arith.addf %add3A, %add3A_27 : vector<1000x256xf32>
      %mul3A = arith.constant 1000 : i32
      %mul3A_29 = arith.muli %arg0, %mul3A : i32
      %swap3A = arith.index_cast %mul3A_29 : i32 to index
      %swap3A_30 = arith.constant 0 : index
      %swap3A_31 = vector.load %arg11[%swap3A, %swap3A_30] : memref<4000x256xf32, #tpu.memory_space<vmem>>, vector<1000x256xf32>
      tpu.vector_store %arg11[%swap3A, %swap3A_30], %add3A_28 {strides = array<i32>} : memref<4000x256xf32, #tpu.memory_space<vmem>>, vector<1000x256xf32>,
      %get3A_32 = arith.constant 0 : index
      %get3A_33 = arith.constant 0 : index
      %get3A_34 = vector.load %arg12[%get3A_32, %get3A_33] : memref<2x256xf32, #tpu.memory_space<vmem>>, vector<1x256xf32>
      %reduce_sum3A = arith.constant dense<0.000000e+00> : vector<256xf32>
      %reduce_sum3A_35 = vector.multi_reduction <add>, %add3A_28, %reduce_sum3A [0] : vector<1000x256xf32> to vector<256xf32>
      %broadcast_in_dim3A = vector.shape_cast %reduce_sum3A_35 : vector<256xf32> to vector<1x256xf32>
      %add3A_36 = arith.addf %get3A_34, %broadcast_in_dim3A : vector<1x256xf32>
      %swap3A_37 = arith.constant 0 : index
      %swap3A_38 = arith.constant 0 : index
      %swap3A_39 = vector.load %arg12[%swap3A_37, %swap3A_38] : memref<2x256xf32, #tpu.memory_space<vmem>>, vector<1x256xf32>
      tpu.vector_store %arg12[%swap3A_37, %swap3A_38], %add3A_36 {strides = array<i32>} : memref<2x256xf32, #tpu.memory_space<vmem>>, vector<1x256xf32>,
      %get3A_40 = arith.constant 1 : index
      %get3A_41 = arith.constant 0 : index
      %get3A_42 = vector.load %arg12[%get3A_40, %get3A_41] : memref<2x256xf32, #tpu.memory_space<vmem>>, vector<1x256xf32>
      %mul3A_43 = arith.mulf %add3A_28, %add3A_28 : vector<1000x256xf32>
      %reduce_sum3A_44 = arith.constant dense<0.000000e+00> : vector<256xf32>
      %reduce_sum3A_45 = vector.multi_reduction <add>, %mul3A_43, %reduce_sum3A_44 [0] : vector<1000x256xf32> to vector<256xf32>
      %broadcast_in_dim3A_46 = vector.shape_cast %reduce_sum3A_45 : vector<256xf32> to vector<1x256xf32>
      %add3A_47 = arith.addf %get3A_42, %broadcast_in_dim3A_46 : vector<1x256xf32>
      %swap3A_48 = arith.constant 1 : index
      %swap3A_49 = arith.constant 0 : index
      %swap3A_50 = vector.load %arg12[%swap3A_48, %swap3A_49] : memref<2x256xf32, #tpu.memory_space<vmem>>, vector<1x256xf32>
      tpu.vector_store %arg12[%swap3A_48, %swap3A_49], %add3A_47 {strides = array<i32>} : memref<2x256xf32, #tpu.memory_space<vmem>>, vector<1x256xf32>,
    } else {
    }
    %ge3A = arith.constant 4 : i32
    %ge3A_6 = arith.cmpi sge, %arg0, %ge3A : i32
    %convert_element_type3A_7 = arith.extui %ge3A_6 : i1 to i32
    %cond3A_8 = arith.constant 0 : i32
    %cond3A_9 = arith.cmpi ne, %convert_element_type3A_7, %cond3A_8 : i32
    scf.if %cond3A_9 {
      %sub3A = arith.constant 4 : i32
      %sub3A_10 = arith.subi %arg0, %sub3A : i32
      %get3A = arith.constant 0 : index
      %get3A_11 = arith.constant 0 : index
      %get3A_12 = vector.load %arg12[%get3A, %get3A_11] : memref<2x256xf32, #tpu.memory_space<vmem>>, vector<1x256xf32>
      %div3A = arith.constant 1.000000e+04 : f32
      %div3A_13 = vector.broadcast %div3A : f32 to vector<1x256xf32>
      %div3A_14 = arith.divf %get3A_12, %div3A_13 : vector<1x256xf32>
      %get3A_15 = arith.constant 1 : index
      %get3A_16 = arith.constant 0 : index
      %get3A_17 = vector.load %arg12[%get3A_15, %get3A_16] : memref<2x256xf32, #tpu.memory_space<vmem>>, vector<1x256xf32>
      %div3A_18 = arith.constant 1.000000e+04 : f32
      %div3A_19 = vector.broadcast %div3A_18 : f32 to vector<1x256xf32>
      %div3A_20 = arith.divf %get3A_17, %div3A_19 : vector<1x256xf32>
      %mul3A = arith.mulf %div3A_14, %div3A_14 : vector<1x256xf32>
      %sub3A_21 = arith.subf %div3A_20, %mul3A : vector<1x256xf32>
      %get3A_22 = arith.constant 0 : index
      %get3A_23 = arith.constant 0 : index
      %get3A_24 = vector.load %arg8[%get3A_22, %get3A_23] : memref<1x256xf32, #tpu.memory_space<vmem>>, vector<1x256xf32>
      %add3A = arith.constant 9.99999974E-6 : f32
      %add3A_25 = vector.broadcast %add3A : f32 to vector<1x256xf32>
      %add3A_26 = arith.addf %sub3A_21, %add3A_25 : vector<1x256xf32>
      %rsqrt3A = math.rsqrt %add3A_26 : vector<1x256xf32>
      %mul3A_27 = arith.mulf %get3A_24, %rsqrt3A : vector<1x256xf32>
      %get3A_28 = arith.constant 0 : index
      %get3A_29 = arith.constant 0 : index
      %get3A_30 = vector.load %arg9[%get3A_28, %get3A_29] : memref<1x256xf32, #tpu.memory_space<vmem>>, vector<1x256xf32>
      %mul3A_31 = arith.mulf %div3A_14, %mul3A_27 : vector<1x256xf32>
      %sub3A_32 = arith.subf %get3A_30, %mul3A_31 : vector<1x256xf32>
      %lt3A_33 = arith.constant 4 : i32
      %lt3A_34 = arith.cmpi slt, %sub3A_10, %lt3A_33 : i32
      %convert_element_type3A_35 = arith.extui %lt3A_34 : i1 to i32
      %cond3A_36 = arith.constant 0 : i32
      %cond3A_37 = arith.cmpi ne, %convert_element_type3A_35, %cond3A_36 : i32
      scf.if %cond3A_37 {
        %mul3A_43 = arith.constant 1000 : i32
        %mul3A_44 = arith.muli %sub3A_10, %mul3A_43 : i32
        %get3A_45 = arith.index_cast %mul3A_44 : i32 to index
        %get3A_46 = arith.constant 0 : index
        %get3A_47 = vector.load %arg11[%get3A_45, %get3A_46] : memref<4000x256xf32, #tpu.memory_space<vmem>>, vector<1000x256xf32>
        %mul3A_48 = vector.broadcast %mul3A_27 : vector<1x256xf32> to vector<1000x256xf32>
        %mul3A_49 = arith.mulf %get3A_47, %mul3A_48 : vector<1000x256xf32>
        %add3A_50 = vector.broadcast %sub3A_32 : vector<1x256xf32> to vector<1000x256xf32>
        %add3A_51 = arith.addf %mul3A_49, %add3A_50 : vector<1000x256xf32>
        %max3A = arith.constant 0.000000e+00 : f32
        %max3A_52 = vector.broadcast %max3A : f32 to vector<1000x256xf32>
        %max3A_53 = arith.maximumf %add3A_51, %max3A_52 : vector<1000x256xf32>
        %swap3A = arith.constant 0 : index
        %swap3A_54 = arith.constant 0 : index
        %swap3A_55 = vector.load %arg10[%swap3A, %swap3A_54] : memref<1000x256xf32, #tpu.memory_space<vmem>>, vector<1000x256xf32>
        tpu.vector_store %arg10[%swap3A, %swap3A_54], %max3A_53 {strides = array<i32>} : memref<1000x256xf32, #tpu.memory_space<vmem>>, vector<1000x256xf32>,
      } else {
      }
      %ge3A_38 = arith.constant 4 : i32
      %ge3A_39 = arith.cmpi sge, %sub3A_10, %ge3A_38 : i32
      %convert_element_type3A_40 = arith.extui %ge3A_39 : i1 to i32
      %cond3A_41 = arith.constant 0 : i32
      %cond3A_42 = arith.cmpi ne, %convert_element_type3A_40, %cond3A_41 : i32
      scf.if %cond3A_42 {
        %get3A_43 = arith.constant 0 : index
        %get3A_44 = arith.constant 0 : index
        %get3A_45 = vector.load %arg3[%get3A_43, %get3A_44] : memref<1000x256xf32, #tpu.memory_space<vmem>>, vector<1000x256xf32>
        %mul3A_46 = vector.broadcast %mul3A_27 : vector<1x256xf32> to vector<1000x256xf32>
        %mul3A_47 = arith.mulf %get3A_45, %mul3A_46 : vector<1000x256xf32>
        %add3A_48 = vector.broadcast %sub3A_32 : vector<1x256xf32> to vector<1000x256xf32>
        %add3A_49 = arith.addf %mul3A_47, %add3A_48 : vector<1000x256xf32>
        %max3A = arith.constant 0.000000e+00 : f32
        %max3A_50 = vector.broadcast %max3A : f32 to vector<1000x256xf32>
        %max3A_51 = arith.maximumf %add3A_49, %max3A_50 : vector<1000x256xf32>
        %swap3A = arith.constant 0 : index
        %swap3A_52 = arith.constant 0 : index
        %swap3A_53 = vector.load %arg10[%swap3A, %swap3A_52] : memref<1000x256xf32, #tpu.memory_space<vmem>>, vector<1000x256xf32>
        tpu.vector_store %arg10[%swap3A, %swap3A_52], %max3A_51 {strides = array<i32>} : memref<1000x256xf32, #tpu.memory_space<vmem>>, vector<1000x256xf32>,
      } else {
      }
    } else {
    }
    return
  }
  func.func @transform_0(%arg0: i32) -> (i32, i32) {
    %min3A = arith.constant 3 : i32
    %min3A_0 = arith.minsi %arg0, %min3A : i32
    %c0_i32 = arith.constant 0 : i32
    %c0_i32_1 = arith.constant 0 : i32
    return %min3A_0, %c0_i32 : i32, i32
  }
  func.func @transform_1(%arg0: i32) -> (i32, i32) {
    %min3A = arith.constant 3 : i32
    %min3A_0 = arith.minsi %arg0, %min3A : i32
    %c0_i32 = arith.constant 0 : i32
    %c0_i32_1 = arith.constant 0 : i32
    return %min3A_0, %c0_i32 : i32, i32
  }
  func.func @transform_2(%arg0: i32) -> (i32, i32) {
    %sub3A = arith.constant 8 : i32
    %sub3A_0 = arith.subi %arg0, %sub3A : i32
    %jit3A = arith.constant 0 : i32
    %jit3A_1 = arith.constant 5 : i32
    %max3A = arith.maxsi %jit3A, %sub3A_0 : i32
    %min3A = arith.minsi %jit3A_1, %max3A : i32
    %c0_i32 = arith.constant 0 : i32
    %c0_i32_2 = arith.constant 0 : i32
    return %min3A, %c0_i32 : i32, i32
  }
  func.func @transform_3(%arg0: i32) -> (i32, i32) {
    %c0_i32 = arith.constant 0 : i32
    %c0_i32_0 = arith.constant 0 : i32
    %c0_i32_1 = arith.constant 0 : i32
    return %c0_i32, %c0_i32_0 : i32, i32
  }
  func.func @transform_4(%arg0: i32) -> (i32, i32) {
    %c0_i32 = arith.constant 0 : i32
    %c0_i32_0 = arith.constant 0 : i32
    %c0_i32_1 = arith.constant 0 : i32
    return %c0_i32, %c0_i32_0 : i32, i32
  }
  func.func @transform_5(%arg0: i32) -> (i32, i32) {
    %c0_i32 = arith.constant 0 : i32
    %c0_i32_0 = arith.constant 0 : i32
    %c0_i32_1 = arith.constant 0 : i32
    return %c0_i32, %c0_i32_0 : i32, i32
  }
  func.func @transform_6(%arg0: i32) -> (i32, i32) {
    %c0_i32 = arith.constant 0 : i32
    %c0_i32_0 = arith.constant 0 : i32
    %c0_i32_1 = arith.constant 0 : i32
    return %c0_i32, %c0_i32_0 : i32, i32
  }
  func.func @transform_7(%arg0: i32) -> (i32, i32) {
    %c0_i32 = arith.constant 0 : i32
    %c0_i32_0 = arith.constant 0 : i32
    %c0_i32_1 = arith.constant 0 : i32
    return %c0_i32, %c0_i32_0 : i32, i32
  }
  func.func @transform_8(%arg0: i32) -> (i32, i32) {
    %c0_i32 = arith.constant 0 : i32
    %c0_i32_0 = arith.constant 0 : i32
    %c0_i32_1 = arith.constant 0 : i32
    return %c0_i32, %c0_i32_0 : i32, i32
  }
  func.func @transform_9(%arg0: i32) -> (i32, i32) {
    %sub3A = arith.constant 4 : i32
    %sub3A_0 = arith.subi %arg0, %sub3A : i32
    %max3A = arith.constant 0 : i32
    %max3A_1 = arith.maxsi %sub3A_0, %max3A : i32
    %c0_i32 = arith.constant 0 : i32
    %c0_i32_2 = arith.constant 0 : i32
    return %max3A_1, %c0_i32 : i32, i32
  }
}

module attributes {stable_mosaic.version = 14 : i64} {
  func.func @_tc1_body(%arg0: i32, %arg1: memref<1000x256xf32, #tpu.memory_space<vmem>>, %arg2: memref<1000x16x256xf32, #tpu.memory_space<vmem>>, %arg3: memref<256x256xf32, #tpu.memory_space<vmem>>, %arg4: memref<256x256xf32, #tpu.memory_space<vmem>>, %arg5: memref<1x256xf32, #tpu.memory_space<vmem>>, %arg6: memref<1000x256xf32, #tpu.memory_space<vmem>>, %arg7: memref<2x256xf32, #tpu.memory_space<vmem>>, %arg8: memref<2x256xf32, #tpu.memory_space<vmem>>) attributes {dimension_semantics = [#tpu.dimension_semantics<arbitrary>], iteration_bounds = array<i64: 6>, scalar_prefetch = 0 : i64, scratch_operands = 1 : i64, tpu.core_type = #tpu.core_type<tc>, window_params = [{transform_indices = @transform_0, window_bounds = array<i64: 1000, 256>}, {transform_indices = @transform_1, window_bounds = array<i64: 1000, 16, 256>}, {pipeline_mode = #tpu.pipeline_mode<synchronous>, transform_indices = @transform_2, window_bounds = array<i64: 256, 256>}, {pipeline_mode = #tpu.pipeline_mode<synchronous>, transform_indices = @transform_3, window_bounds = array<i64: 256, 256>}, {pipeline_mode = #tpu.pipeline_mode<synchronous>, transform_indices = @transform_4, window_bounds = array<i64: 1, 256>}, {transform_indices = @transform_5, window_bounds = array<i64: 1000, 256>}, {pipeline_mode = #tpu.pipeline_mode<synchronous>, transform_indices = @transform_6, window_bounds = array<i64: 2, 256>}]} {
    %eq3A = arith.constant 0 : i32
    %eq3A_0 = arith.cmpi eq, %arg0, %eq3A : i32
    %convert_element_type3A = arith.extui %eq3A_0 : i1 to i32
    %cond3A = arith.constant 0 : i32
    %cond3A_1 = arith.cmpi ne, %convert_element_type3A, %cond3A : i32
    scf.if %cond3A_1 {
      %broadcast_in_dim3A_51 = arith.constant 0.000000e+00 : f32
      %broadcast_in_dim3A_52 = vector.broadcast %broadcast_in_dim3A_51 : f32 to vector<2x256xf32>
      %swap3A_53 = arith.constant 0 : index
      %swap3A_54 = arith.constant 0 : index
      %swap3A_55 = vector.load %arg8[%swap3A_53, %swap3A_54] : memref<2x256xf32, #tpu.memory_space<vmem>>, vector<2x256xf32>
      tpu.vector_store %arg8[%swap3A_53, %swap3A_54], %broadcast_in_dim3A_52 {strides = array<i32>} : memref<2x256xf32, #tpu.memory_space<vmem>>, vector<2x256xf32>,
    } else {
    }
    %get3A = arith.constant 0 : index
    %get3A_2 = arith.constant 0 : index
    %get3A_3 = arith.constant 0 : index
    %get3A_4 = vector.load %arg2[%get3A, %get3A_2, %get3A_3] : memref<1000x16x256xf32, #tpu.memory_space<vmem>>, vector<1000x16x256xf32>
    %reduce_sum3A = arith.constant dense<0.000000e+00> : vector<1000x256xf32>
    %reduce_sum3A_5 = vector.multi_reduction <add>, %get3A_4, %reduce_sum3A [1] : vector<1000x16x256xf32> to vector<1000x256xf32>
    %div3A = arith.constant 1.600000e+01 : f32
    %div3A_6 = vector.broadcast %div3A : f32 to vector<1000x256xf32>
    %div3A_7 = arith.divf %reduce_sum3A_5, %div3A_6 : vector<1000x256xf32>
    %get3A_8 = arith.constant 0 : index
    %get3A_9 = arith.constant 0 : index
    %get3A_10 = vector.load %arg1[%get3A_8, %get3A_9] : memref<1000x256xf32, #tpu.memory_space<vmem>>, vector<1000x256xf32>
    %get3A_11 = arith.constant 0 : index
    %get3A_12 = arith.constant 0 : index
    %get3A_13 = vector.load %arg3[%get3A_11, %get3A_12] : memref<256x256xf32, #tpu.memory_space<vmem>>, vector<256x256xf32>
    %dot_general3A = arith.constant dense<0.000000e+00> : vector<1000x256xf32>
    %dot_general3A_14 = tpu.matmul %get3A_10, %get3A_13, %dot_general3A {dimension_numbers = #tpu.dot_dimension_numbers<[1], [0], [0], [1], [0, 0, 1, 1], [], []>, transpose_lhs_hint = false} : vector<1000x256xf32>, vector<256x256xf32>, vector<1000x256xf32> -> vector<1000x256xf32>
    %get3A_15 = arith.constant 0 : index
    %get3A_16 = arith.constant 0 : index
    %get3A_17 = vector.load %arg4[%get3A_15, %get3A_16] : memref<256x256xf32, #tpu.memory_space<vmem>>, vector<256x256xf32>
    %dot_general3A_18 = arith.constant dense<0.000000e+00> : vector<1000x256xf32>
    %dot_general3A_19 = tpu.matmul %div3A_7, %get3A_17, %dot_general3A_18 {dimension_numbers = #tpu.dot_dimension_numbers<[1], [0], [0], [1], [0, 0, 1, 1], [], []>, transpose_lhs_hint = false} : vector<1000x256xf32>, vector<256x256xf32>, vector<1000x256xf32> -> vector<1000x256xf32>
    %add3A = arith.addf %dot_general3A_14, %dot_general3A_19 : vector<1000x256xf32>
    %get3A_20 = arith.constant 0 : index
    %get3A_21 = arith.constant 0 : index
    %get3A_22 = vector.load %arg5[%get3A_20, %get3A_21] : memref<1x256xf32, #tpu.memory_space<vmem>>, vector<1x256xf32>
    %add3A_23 = vector.broadcast %get3A_22 : vector<1x256xf32> to vector<1000x256xf32>
    %add3A_24 = arith.addf %add3A, %add3A_23 : vector<1000x256xf32>
    %swap3A = arith.constant 0 : index
    %swap3A_25 = arith.constant 0 : index
    %swap3A_26 = vector.load %arg6[%swap3A, %swap3A_25] : memref<1000x256xf32, #tpu.memory_space<vmem>>, vector<1000x256xf32>
    tpu.vector_store %arg6[%swap3A, %swap3A_25], %add3A_24 {strides = array<i32>} : memref<1000x256xf32, #tpu.memory_space<vmem>>, vector<1000x256xf32>,
    %get3A_27 = arith.constant 0 : index
    %get3A_28 = arith.constant 0 : index
    %get3A_29 = vector.load %arg8[%get3A_27, %get3A_28] : memref<2x256xf32, #tpu.memory_space<vmem>>, vector<1x256xf32>
    %reduce_sum3A_30 = arith.constant dense<0.000000e+00> : vector<256xf32>
    %reduce_sum3A_31 = vector.multi_reduction <add>, %add3A_24, %reduce_sum3A_30 [0] : vector<1000x256xf32> to vector<256xf32>
    %broadcast_in_dim3A = vector.shape_cast %reduce_sum3A_31 : vector<256xf32> to vector<1x256xf32>
    %add3A_32 = arith.addf %get3A_29, %broadcast_in_dim3A : vector<1x256xf32>
    %swap3A_33 = arith.constant 0 : index
    %swap3A_34 = arith.constant 0 : index
    %swap3A_35 = vector.load %arg8[%swap3A_33, %swap3A_34] : memref<2x256xf32, #tpu.memory_space<vmem>>, vector<1x256xf32>
    tpu.vector_store %arg8[%swap3A_33, %swap3A_34], %add3A_32 {strides = array<i32>} : memref<2x256xf32, #tpu.memory_space<vmem>>, vector<1x256xf32>,
    %get3A_36 = arith.constant 1 : index
    %get3A_37 = arith.constant 0 : index
    %get3A_38 = vector.load %arg8[%get3A_36, %get3A_37] : memref<2x256xf32, #tpu.memory_space<vmem>>, vector<1x256xf32>
    %mul3A = arith.mulf %add3A_24, %add3A_24 : vector<1000x256xf32>
    %reduce_sum3A_39 = arith.constant dense<0.000000e+00> : vector<256xf32>
    %reduce_sum3A_40 = vector.multi_reduction <add>, %mul3A, %reduce_sum3A_39 [0] : vector<1000x256xf32> to vector<256xf32>
    %broadcast_in_dim3A_41 = vector.shape_cast %reduce_sum3A_40 : vector<256xf32> to vector<1x256xf32>
    %add3A_42 = arith.addf %get3A_38, %broadcast_in_dim3A_41 : vector<1x256xf32>
    %swap3A_43 = arith.constant 1 : index
    %swap3A_44 = arith.constant 0 : index
    %swap3A_45 = vector.load %arg8[%swap3A_43, %swap3A_44] : memref<2x256xf32, #tpu.memory_space<vmem>>, vector<1x256xf32>
    tpu.vector_store %arg8[%swap3A_43, %swap3A_44], %add3A_42 {strides = array<i32>} : memref<2x256xf32, #tpu.memory_space<vmem>>, vector<1x256xf32>,
    %eq3A_46 = arith.constant 5 : i32
    %eq3A_47 = arith.cmpi eq, %arg0, %eq3A_46 : i32
    %convert_element_type3A_48 = arith.extui %eq3A_47 : i1 to i32
    %cond3A_49 = arith.constant 0 : i32
    %cond3A_50 = arith.cmpi ne, %convert_element_type3A_48, %cond3A_49 : i32
    scf.if %cond3A_50 {
      %get3A_51 = arith.constant 0 : index
      %get3A_52 = arith.constant 0 : index
      %get3A_53 = vector.load %arg8[%get3A_51, %get3A_52] : memref<2x256xf32, #tpu.memory_space<vmem>>, vector<2x256xf32>
      %swap3A_54 = arith.constant 0 : index
      %swap3A_55 = arith.constant 0 : index
      %swap3A_56 = vector.load %arg7[%swap3A_54, %swap3A_55] : memref<2x256xf32, #tpu.memory_space<vmem>>, vector<2x256xf32>
      tpu.vector_store %arg7[%swap3A_54, %swap3A_55], %get3A_53 {strides = array<i32>} : memref<2x256xf32, #tpu.memory_space<vmem>>, vector<2x256xf32>,
    } else {
    }
    return
  }
  func.func @transform_0(%arg0: i32) -> (i32, i32) {
    %add3A = arith.constant 4 : i32
    %add3A_0 = arith.addi %add3A, %arg0 : i32
    %c0_i32 = arith.constant 0 : i32
    %c0_i32_1 = arith.constant 0 : i32
    return %add3A_0, %c0_i32 : i32, i32
  }
  func.func @transform_1(%arg0: i32) -> (i32, i32, i32) {
    %add3A = arith.constant 4 : i32
    %add3A_0 = arith.addi %add3A, %arg0 : i32
    %c0_i32 = arith.constant 0 : i32
    %c0_i32_1 = arith.constant 0 : i32
    %c0_i32_2 = arith.constant 0 : i32
    return %add3A_0, %c0_i32, %c0_i32_1 : i32, i32, i32
  }
  func.func @transform_2(%arg0: i32) -> (i32, i32) {
    %c0_i32 = arith.constant 0 : i32
    %c0_i32_0 = arith.constant 0 : i32
    %c0_i32_1 = arith.constant 0 : i32
    return %c0_i32, %c0_i32_0 : i32, i32
  }
  func.func @transform_3(%arg0: i32) -> (i32, i32) {
    %c0_i32 = arith.constant 0 : i32
    %c0_i32_0 = arith.constant 0 : i32
    %c0_i32_1 = arith.constant 0 : i32
    return %c0_i32, %c0_i32_0 : i32, i32
  }
  func.func @transform_4(%arg0: i32) -> (i32, i32) {
    %c0_i32 = arith.constant 0 : i32
    %c0_i32_0 = arith.constant 0 : i32
    %c0_i32_1 = arith.constant 0 : i32
    return %c0_i32, %c0_i32_0 : i32, i32
  }
  func.func @transform_5(%arg0: i32) -> (i32, i32) {
    %c0_i32 = arith.constant 0 : i32
    %c0_i32_0 = arith.constant 0 : i32
    return %arg0, %c0_i32 : i32, i32
  }
  func.func @transform_6(%arg0: i32) -> (i32, i32) {
    %c0_i32 = arith.constant 0 : i32
    %c0_i32_0 = arith.constant 0 : i32
    %c0_i32_1 = arith.constant 0 : i32
    return %c0_i32, %c0_i32_0 : i32, i32
  }
}

</mosaic_0001>

<sc_bundles>
// kernel: kernel.5.cloned.1.call-start
scs
__scs_entry_jumppad:
0x0: {  	(pc) =	sbr.rel $0x88, $3  }
0x1: {  	(tag) =	ssettag $0x0;
	lr =	simm.s32 $0x1  }
0x2: {  	[smem:$0x3F9B] =	sst lr;
	_ =	strace $0xD0000000  }
0x3: {  	_ = 	snop  }
0x4: {  	_ = 	snop  }
0x5: {  	_ = 	snop  }
0x6: {  	_ = 	snop  }
0x7: {  	_ = 	snop  }
__scs_overlays_trampoline_lowered:
0x8: {  	[smem:$0x3FAA] =	sst s0  }
0x9: {  	[smem:$0x3FAB] =	sst s1  }
0xa: {  	[smem:$0x3FAC] =	sst s2  }
0xb: {  	[smem:$0x3FAD] =	sst s3  }
0xc: {  	[smem:$0x3FAE] =	sst s4  }
0xd: {  	[smem:$0x3FAF] =	sst s5  }
0xe: {  	[smem:$0x3FB0] =	sst s6  }
0xf: {  	[smem:$0x3FB1] =	sst s7  }
0x10: {  	[smem:$0x3FB2] =	sst s8  }
0x11: {  	[smem:$0x3FB3] =	sst s9;
	s0 =	simm.s32 @!p0 $0x0  }
0x12: {  	s1 =	sld [smem:$0x3F99];
	s0 =	simm.s32 @p0 $0x1  }
0x13: {  	[smem:$0x3FB4] =	sst s0;
	s0 =	simm.s32 @!p1 $0x0  }
0x14: {  	s2 =	sld [smem:$0x3F98];
	s0 =	simm.s32 @p1 $0x1  }
0x15: {  	[smem:$0x3FB5] =	sst s0;
	s0 =	simm.s32 @!p2 $0x0  }
0x16: {  	s3 =	sld [smem:$0x3FDB];
	s0 =	simm.s32 @p2 $0x1  }
0x17: {  	s4 =	simm.s32 $0x1BF5;
	[smem:$0x3FB7] =	sst s0  }
0x18: {  	s0 =	sld [smem:$0x3F9A];
	_ =	swait.ge [sflag:s4], $0x0  }
0x19: {  	s7 =	sld [smem:$0x3F9B]  }
0x1a: {  	s8 =	sadd.s32 $0xFFFFE003, lr  }
0x1b: {  	s9 =	sadd.s32 $0xFFFFFEF7, lr;
	s5 =	simm.s32 $0xFFFFFFFF;
	p2 =	slt.u32 s8, $0xFFFFF086  }
0x1c: {  	p1 =	slt.u32 s9, $0xF7A;
	s5 =	simm.s32 @!p2 $0x0  }
0x1d: {  	s5 =	simm.s32 @p1 $0x1;
	p0 =	seq.s32 s7, s2  }
0x1e: {  	s7 =	smul.u32 @!p0 $0xF7A, s2;
	p2 =	seq.s32 @!p0 s5, $0x0  }
0x1f: {  	s9 =	smul.u32 $0xF7A, s1;
	s8 =	simm.s32 @!p0 $0x1BF5;
	p2 =	por !p2, p0  }
0x20: {  	[sflag:s8] =	ssyncset.s32 @!p0 $0xFFFFF086;
	s6 =	sadd.s32 @!p0 s3, s7;
	s7 =	simm.s32 @!p0 $0x108  }
0x21: {  	s3 =	sadd.s32 s3, s9;
	s6 =	sadd.s32 @!p0 $0x88, s6;
	s7 =	simm.s32 @p2 $0x1082  }
0x22: {  	[simem:s7], [sflag:s8] =	dma.local @!p0 [hbm:s6], $0xF7A  }
0x23: {  	s9 =	sor.u32 $0xD0000000, s2;
	s6 =	simm.s32 $0x108;
	_ =	swait.ge @!p0 [sflag:s8], $0x0  }
0x24: {  	s3 =	sadd.s32 $0x88, s3;
	s6 =	simm.s32 @!p1 $0x1082;
	[sflag:s4] =	ssyncset.s32 $0xFFFFF086  }
0x25: {  	[simem:s6], [sflag:s4] =	dma.local [hbm:s3], $0xF7A  }
0x26: {  	[smem:$0x3F9B] =	sst s1;
	(tag) =	ssettag s2;
	_ =	strace s9  }
0x27: {  	s1 =	sld [smem:$0x3FAB]  }
0x28: {  	s2 =	sld [smem:$0x3FAC]  }
0x29: {  	s4 =	sld [smem:$0x3FAE]  }
0x2a: {  	p0 =	seq.s32 s5, $0x0;
	s5 =	sld [smem:$0x3FAF]  }
0x2b: {  	s6 =	sld [smem:$0x3FB0]  }
0x2c: {  	s7 =	sld [smem:$0x3FB1]  }
0x2d: {  	s3 =	simm.s32 $0x108;
	s8 =	sld [smem:$0x3FB2]  }
0x2e: {  	s3 =	simm.s32 @!p0 $0x1082;
	s9 =	sld [smem:$0x3FB3]  }
0x2f: {  	lr =	sadd.s32 s0, s3;
	s0 =	sld [smem:$0x3FAA]  }
0x30: {  	s3 =	sld [smem:$0x3FAD]  }
0x31: {  	[smem:$0x3FB6] =	sst s10  }
0x32: {  	s10 =	sld [smem:$0x3FB4];
	_ =	sdelay $0x3  }
0x33: {  	p0 =	seq.s32 s10, $0x1;
	s10 =	sld [smem:$0x3FB6];
	_ =	sdelay $0x3  }
0x34: {  	[smem:$0x3FB6] =	sst s10  }
0x35: {  	s10 =	sld [smem:$0x3FB5];
	_ =	sdelay $0x3  }
0x36: {  	p1 =	seq.s32 s10, $0x1;
	s10 =	sld [smem:$0x3FB6];
	_ =	sdelay $0x3  }
0x37: {  	[smem:$0x3FB6] =	sst s10  }
0x38: {  	s10 =	sld [smem:$0x3FB7]  }
0x39: {  	_ = 	snop;
	(pc) =	sbr.ind lr, $3  }
0x3a: {  	_ = 	snop  }
0x3b: {  	_ = 	snop  }
0x3c: {  	p2 =	seq.s32 s10, $0x1;
	s10 =	sld [smem:$0x3FB6]  }
0x3d: {  	_ =	shalt  }
0x3e: {  	_ =	shalt  }
0x3f: {  	_ =	shalt  }
0x40: {  	_ =	shalt  }
0x41: {  	_ =	shalt  }
0x42: {  	_ =	shalt  }
0x43: {  	_ =	shalt  }
0x44: {  	_ =	shalt  }
0x45: {  	_ =	shalt  }
0x46: {  	_ =	shalt  }
0x47: {  	_ =	shalt  }
0x48: {  	_ =	shalt  }
0x49: {  	_ =	shalt  }
0x4a: {  	_ =	shalt  }
0x4b: {  	_ =	shalt  }
0x4c: {  	_ =	shalt  }
0x4d: {  	_ =	shalt  }
0x4e: {  	_ =	shalt  }
0x4f: {  	_ =	shalt  }
0x50: {  	_ =	shalt  }
0x51: {  	_ =	shalt  }
0x52: {  	_ =	shalt  }
0x53: {  	_ =	shalt  }
0x54: {  	_ =	shalt  }
0x55: {  	_ =	shalt  }
0x56: {  	_ =	shalt  }
0x57: {  	_ =	shalt  }
0x58: {  	_ =	shalt  }
0x59: {  	_ =	shalt  }
0x5a: {  	_ =	shalt  }
0x5b: {  	_ =	shalt  }
0x5c: {  	_ =	shalt  }
0x5d: {  	_ =	shalt  }
0x5e: {  	_ =	shalt  }
0x5f: {  	_ =	shalt  }
0x60: {  	_ =	shalt  }
0x61: {  	_ =	shalt  }
0x62: {  	_ =	shalt  }
0x63: {  	_ =	shalt  }
0x64: {  	_ =	shalt  }
0x65: {  	_ =	shalt  }
0x66: {  	_ =	shalt  }
0x67: {  	_ =	shalt  }
0x68: {  	_ =	shalt  }
0x69: {  	_ =	shalt  }
0x6a: {  	_ =	shalt  }
0x6b: {  	_ =	shalt  }
0x6c: {  	_ =	shalt  }
0x6d: {  	_ =	shalt  }
0x6e: {  	_ =	shalt  }
0x6f: {  	_ =	shalt  }
0x70: {  	_ =	shalt  }
0x71: {  	_ =	shalt  }
0x72: {  	_ =	shalt  }
0x73: {  	_ =	shalt  }
0x74: {  	_ =	shalt  }
0x75: {  	_ =	shalt  }
0x76: {  	_ =	shalt  }
0x77: {  	_ =	shalt  }
0x78: {  	_ =	shalt  }
0x79: {  	_ =	shalt  }
0x7a: {  	_ =	shalt  }
0x7b: {  	_ =	shalt  }
0x7c: {  	_ =	shalt  }
0x7d: {  	_ =	shalt  }
0x7e: {  	_ =	shalt  }
0x7f: {  	_ =	shalt  }
0x80: {  	_ =	shalt  }
0x81: {  	_ =	shalt  }
0x82: {  	_ =	shalt  }
0x83: {  	_ =	shalt  }
0x84: {  	_ =	shalt  }
0x85: {  	_ =	shalt  }
0x86: {  	_ =	shalt  }
0x87: {  	_ =	shalt  }
.Lfunc_end0:
.L_simem_size_0:
called_computation_lowered:
.L_overlay_start_0:
0x88: {  	s2 =	sld [smem:$0x3FD9]  }
0x89: {  	s3 =	sld [smem:$0x3FFE];
	_ =	sdelay $0x1  }
0x8a: {  	s1 =	srdreg.scid  }
0x8b: {  	s0 =	sand.u32 $0x1, s1  }
0x8c: {  	s18 =	sshll.u32 s0, $0xA;
	s2 =	sadd.s32 s3, s2  }
0x8d: {  	s2 =	sadd.s32 s2, s18  }
0x8e: {  	[smem:$0x3FC2] =	sst s2  }
0x8f: {  	_ = 	snop  }
0x90: {  	s2 =	sld [smem:$0x3FC8]  }
0x91: {  	s19 =	sld [smem:$0x3FD0];
	(tm) =	ssettm $0x1  }
0x92: {  	s4 =	sld [smem:$0x3FFB];
	_ =	sdelay $0x3  }
0x93: {  	_ =	strace s4  }
0x94: {  	s4 =	sld [smem:$0x3FFC];
	_ =	sdelay $0x3  }
0x95: {  	_ =	strace s4  }
0x96: {  	s4 =	sld [smem:$0x3FFD];
	_ =	sdelay $0x3  }
0x97: {  	_ =	strace s4  }
0x98: {  	_ =	strace $0x8FFFFFFF  }
0x99: {  	s20 =	sld [smem:$0x3FDB];
	_ =	sdelay $0x1  }
0x9a: {  	s5 =	simm.s32 $_scs_section_size  }
0x9b: {  	s6 =	simm.s32 $_size__tile_overlayer_lowered;
	s7 =	simm.s32 $_tile_overlayer_lowered  }
0x9c: {  	s23 =	simm.s32 $0x1BFF;
	s22 =	sshll.u32 s7, $0x1;
	s4 =	sadd.s32 s5, s20  }
0x9d: {  	s8 =	simm.s32 $0x0;
	s21 =	sshll.u32 s6, $0x1;
	s6 =	sadd.s32 s22, s4  }
0x9e: {  	[timem:s8], [sflag:s23] =	dma.local [hbm:s6], s21  }
0x9f: {  	_ =	swait.ge [sflag:s23], s21  }
0xa0: {  	s5 =	ssub.s32 $0x0, s21;
	[sflag:s23] =	ssyncset.done $0x0  }
0xa1: {  	[sflag:s23] =	ssyncadd.s32 s5;
	_ =	sdelay $0x1  }
0xa2: {  	s24 =	simm.s32 $0x1B8B  }
0xa3: {  	_ =	swait.ge [sflag:s24], $0x1  }
0xa4: {  	[sflag:s24] =	ssyncset.done $0x0  }
0xa5: {  	s25 =	simm.s32 $0x1B8E;
	[sflag:s24] =	ssyncadd.s32 $0xFFFFFFFF  }
0xa6: {  	s26 =	simm.s32 $execute0_lowered;
	[smem:$0x3FD2] =	sst s25  }
0xa7: {  	s5 =	sshll.u32 s26, $0x1;
	_ =	strace $0x80000046;
	[dreg:$0x1] =	wrdreg $0xFFFFFFFF  }
0xa8: {  	s28 =	simm.s32 $_size_execute0_lowered;
	s4 =	sadd.s32 s4, s5;
	[dreg:$0x0] =	wrdreg $0x0  }
0xa9: {  	s5 =	sshll.u32 s28, $0x1;
	[dreg:$0x2] =	wrdreg s4  }
0xaa: {  	[dreg:$0x3] =	wrdreg s5  }
0xab: {  	[dreg:$0x4] =	wrdreg $0xC0  }
0xac: {  	_ =	task [dreg:s8], $0x5FFFF  }
0xad: {  	[dreg:$0x1] =	wrdreg $0xFFFFFFFF  }
0xae: {  	[dreg:$0x0] =	wrdreg $0x60  }
0xaf: {  	[dreg:$0x2] =	wrdreg s2  }
0xb0: {  	[dreg:$0x3] =	wrdreg s19  }
0xb1: {  	[dreg:$0x4] =	wrdreg $0x9  }
0xb2: {  	_ =	task.clear_ibuf [dreg:s8], $0x5FFFF;
	_ =	strace $0x90000046  }
0xb3: {  	s29 =	simm.s32 $0x9;
	_ =	strace $0x80000048  }
0xb4: {  	_ =	swait.ge [sflag:s29], $0x1  }
0xb5: {  	[sflag:s29] =	ssyncadd.s32 $0xFFFFFFFF  }
0xb6: {  	_ =	strace $0x90000048  }
0xb7: {  	_ =	sfence  }
0xb8: {  	s30 =	sld [smem:$0x0];
	_ =	sdelay $0x2  }
0xb9: {  	s31 =	sshll.u32 s1, $0xD;
	s1 =	sshrl.u32 s1, $0x2  }
0xba: {  	s3 =	sand.u32 $0x4000, s31;
	s1 =	sadd.s32 s1, s30  }
0xbb: {  	s0 =	sor.u32 s3, s0;
	s1 =	sshll.u32 s1, $0x11  }
0xbc: {  	s0 =	sor.u32 s1, s0  }
0xbd: {  	s0 =	sadd.s32 $0x8F2B, s0  }
0xbe: {  	[sflag:s0] =	ssyncadd.remote.s32 $0x1  }
0xbf: {  	_ =	sfence.sel $0xFFFF  }
0xc0: {  	[dreg:$0x0] =	wrdreg $0xFFFFFFFF;
	(pc) =	sbr.abs _section_cstart, $3  }
0xc1: {  	[dreg:$0x1] =	wrdreg $0xFFFFFFFF  }
0xc2: {  	_ =	task.clear_ibuf [dreg:s8], $0x2FFFF;
	_ =	strace $0x9FFFFFFF  }
0xc3: {  	(tm) =	ssettm $0x7FFFFFFF  }
tec
execute0_lowered:
.L_overlay_start_1:
0x0: {  	(tag) =	ssettag $0x1  }
0x1: {  	s4 =	rddreg [dreg:$0x0]  }
0x2: {  	s6 =	rddreg [dreg:$0x1];
	s1 =	srdreg.scid  }
0x3: {  	s0 =	rddreg [dreg:$0x2];
	s2 =	simm.s32 $0x0;
	s9 =	simm.s32 $0x2  }
0x4: {  	s10 =	simm.s32 $0x0;
	s3 =	sand.u32 $0x1, s1;
	s1 =	stileid.u32  }
0x5: {  	[smem:$0x7FF] =	sst s2;
	s5 =	ssub.s32 $0x2, s3;
	s8 =	sshll.u32 s1, $0x1  }
.Ltmp0:
0x6: {  	_ =	strace $0x80000047;
	s7 =	sshrl.u32 s5, $0x1;
	(pc) =	sbr.rel .LBB2_1-.Ltmp0, $4  }
0x7: {  	s31 =	sor.u32 s3, s8;
	s3 =	simm.s32 $0x8;
	s7 =	ssub.s32 s5, s7  }
0x8: {  	s8 =	sshll.u32 s31, $0x10;
	p0 =	seq.s32 s31, $0x1F;
	s5 =	sshll.u32 s31, $0xC  }
0x9: {  	s3 =	simm.s32 @!p0 $0x20;
	s4 =	sadd.s32 s4, s8;
	s5 =	sadd.s32 s6, s5  }
0xa: {  	s6 =	sadd.s32 $0x1F000, s6;
	s7 =	smax.u32 s7, $0x1;
	s8 =	simm.s32 $0x1  }
.LBB2_9:
0xb: {  	s11 =	simm.s32 @p0 $0x0;
	s12 =	simm.s32 @p0 $0x8000  }
0xc: {  	[hbm4b:s6+s11] =	stream.linear.scatter @p0 [tilespmem:s12], [sflag:$0x3], $0x2000, $0x38;
	[tilespmem:$0x10000] =	vst v63  }
0xd: {  	s11 =	simm.s32 @p0 $0x3  }
0xe: {  	_ =	swait.ge @p0 [sflag:s11], $0x2000  }
0xf: {  	s10 =	sadd.s32 $0x1, s10;
	s12 =	simm.s32 @!p0 $0x8000;
	[sflag:s11] =	ssyncset.done @p0 $0x0  }
0x10: {  	p1 =	sne.s32 s10, s7;
	[sflag:s11] =	ssyncadd.s32 @p0 $0xFFFFE000;
	s11 =	simm.s32 @!p0 $0x0  }
0x11: {  	[hbm4b:s5+s11] =	stream.linear.scatter @!p0 [tilespmem:s12], [sflag:$0x3], $0x8000, $0x38;
	[tilespmem:$0x10000] =	vst v63  }
.Ltmp1:
0x12: {  	_ = 	snop;
	(pc) =	sbr.rel @!p1 .LBB2_10-.Ltmp1, $4  }
0x13: {  	s11 =	simm.s32 @!p0 $0x3  }
0x14: {  	_ =	swait.ge @!p0 [sflag:s11], $0x8000  }
0x15: {  	[sflag:s11] =	ssyncset.done @!p0 $0x0  }
0x16: {  	[sflag:s11] =	ssyncadd.s32 @!p0 $0xFFFF8000  }
.LBB2_1:
.Ltmp2:
0x17: {  	(pc) =	sbr.rel .LBB2_2-.Ltmp2, $3  }
0x18: {  	_ =	sdelay $0x1  }
0x19: {  	[tilespmem:s2], [sflag:$0x1] =	stream.linear.gather [hbm4b:s4+s2], $0x4000, $0x38;
	[tilespmem:$0x10000] =	vst v63  }
0x1a: {  	s11 =	simm.s32 $0x0  }
.LBB2_8:
0x1b: {  	s11 =	sadd.s32 $0x1, s11  }
0x1c: {  	p1 =	sne.s32 s11, $0x10  }
.Ltmp3:
0x1d: {  	_ = 	snop;
	(pc) =	sbr.rel @!p1 .LBB2_9-.Ltmp3, $1  }
0x1e: {  	_ =	sdelay $0x3  }
.LBB2_2:
0x1f: {  	s13 =	sshll.u32 s11, $0x1  }
0x20: {  	s12 =	sshllo.u32 s11, $0x1;
	p2 =	sge.u32 s13, s3  }
.Ltmp4:
0x21: {  	p1 =	sge.u32 s12, s3;
	(pc) =	sbr.rel @p2 .LBB2_5-.Ltmp4, $4  }
0x22: {  	s31 =	sshll.u32 s11, $0xB;
	s12 =	sshll.u32 @!p1 s12, $0xB  }
0x23: {  	s14 =	simm.s32 @!p1 $0x0;
	s15 =	simm.s32 @!p1 $0x4000;
	s12 =	sadd.s32 @!p1 s12, s4  }
0x24: {  	[tilespmem:s15], [sflag:$0x2] =	stream.linear.gather @!p1 [hbm4b:s12+s14], $0x4000, $0x38;
	[tilespmem:$0x10000] =	vst v63  }
0x25: {  	s12 =	sand.u32 $0x3FFFF800, s31  }
0x26: {  	_ =	swait.ge [sflag:s8], $0x4000  }
0x27: {  	s15 =	sadd.s32 $0x8000, s12;
	[sflag:s8] =	ssyncset.done $0x0  }
0x28: {  	s14 =	simm.s32 $0x0;
	v0 =	vmov s15;
	[sflag:s8] =	ssyncadd.s32 $0xFFFFC000  }
.LBB2_4:
0x29: {  	s15 =	sshll.u32 s14, $0xC  }
0x2a: {  	s15 =	sand.u32 $0x3FFFF000, s15  }
0x2b: {  	v1 =	vld [tilespmem:s15+$0x0]  }
0x2c: {  	v2 =	vld [tilespmem:s15+$0x80]  }
0x2d: {  	v3 =	vld [tilespmem:s15+$0x100]  }
0x2e: {  	v4 =	vld [tilespmem:s15+$0x180]  }
0x2f: {  	v5 =	vld [tilespmem:s15+$0x200]  }
0x30: {  	v6 =	vld [tilespmem:s15+$0x280]  }
0x31: {  	v7 =	vld [tilespmem:s15+$0x300]  }
0x32: {  	v8 =	vld [tilespmem:s15+$0x380]  }
0x33: {  	v9 =	vld [tilespmem:s15+$0x800]  }
0x34: {  	v10 =	vld [tilespmem:s15+$0x880]  }
0x35: {  	v11 =	vld [tilespmem:s15+$0x900]  }
0x36: {  	v12 =	vld [tilespmem:s15+$0x980]  }
0x37: {  	v13 =	vld [tilespmem:s15+$0xA00]  }
0x38: {  	v14 =	vld [tilespmem:s15+$0xA80]  }
0x39: {  	v15 =	vld [tilespmem:s15+$0xB00]  }
0x3a: {  	v16 =	vld [tilespmem:s15+$0xB80];
	_ =	sdelay $0x1  }
0x3b: {  	v1 =	vadd.f32 v2, v1;
	v2 =	vadd.f32 v4, v3  }
0x3c: {  	v3 =	vadd.f32 v6, v5;
	v38 =	vadd.f32 v8, v7  }
0x3d: {  	v39 =	vadd.f32 v10, v9;
	v40 =	vadd.f32 v12, v11  }
0x3e: {  	v41 =	vadd.f32 v14, v13;
	v42 =	vadd.f32 v16, v15  }
0x3f: {  	v1 =	vadd.f32 v2, v1;
	v2 =	vadd.f32 v38, v3  }
0x40: {  	v3 =	vadd.f32 v40, v39;
	v43 =	vadd.f32 v42, v41;
	_ =	sdelay $0x1  }
0x41: {  	v1 =	vadd.f32 v2, v1;
	v2 =	vadd.f32 v43, v3;
	_ =	sdelay $0x1  }
0x42: {  	s16 =	sshll.u32 s14, $0x7;
	v1 =	vadd.f32 v2, v1  }
0x43: {  	s16 =	sand.u32 $0x3FFFFF80, s16  }
0x44: {  	[tilespmem:v0+s16+$0x0 ss:$0x1] =	vst.idx.msk $0xffff, v1  }
0x45: {  	v1 =	vld [tilespmem:s15+$0x10]  }
0x46: {  	v2 =	vld [tilespmem:s15+$0x90]  }
0x47: {  	v3 =	vld [tilespmem:s15+$0x110]  }
0x48: {  	v44 =	vld [tilespmem:s15+$0x190]  }
0x49: {  	v45 =	vld [tilespmem:s15+$0x210]  }
0x4a: {  	v46 =	vld [tilespmem:s15+$0x290]  }
0x4b: {  	v47 =	vld [tilespmem:s15+$0x310]  }
0x4c: {  	v48 =	vld [tilespmem:s15+$0x390]  }
0x4d: {  	v49 =	vld [tilespmem:s15+$0x810]  }
0x4e: {  	v50 =	vld [tilespmem:s15+$0x890]  }
0x4f: {  	v51 =	vld [tilespmem:s15+$0x910]  }
0x50: {  	v52 =	vld [tilespmem:s15+$0x990]  }
0x51: {  	v53 =	vld [tilespmem:s15+$0xA10]  }
0x52: {  	v54 =	vld [tilespmem:s15+$0xA90]  }
0x53: {  	v55 =	vld [tilespmem:s15+$0xB10]  }
0x54: {  	v56 =	vld [tilespmem:s15+$0xB90];
	_ =	sdelay $0x1  }
0x55: {  	v1 =	vadd.f32 v2, v1;
	v2 =	vadd.f32 v44, v3  }
0x56: {  	v3 =	vadd.f32 v46, v45;
	v57 =	vadd.f32 v48, v47  }
0x57: {  	v58 =	vadd.f32 v50, v49;
	v59 =	vadd.f32 v52, v51  }
0x58: {  	v60 =	vadd.f32 v54, v53;
	v61 =	vadd.f32 v56, v55  }
0x59: {  	v1 =	vadd.f32 v2, v1;
	v2 =	vadd.f32 v57, v3  }
0x5a: {  	v3 =	vadd.f32 v59, v58;
	v62 =	vadd.f32 v61, v60;
	_ =	sdelay $0x1  }
0x5b: {  	v1 =	vadd.f32 v2, v1;
	v2 =	vadd.f32 v62, v3;
	_ =	sdelay $0x1  }
0x5c: {  	v1 =	vadd.f32 v2, v1;
	_ =	sdelay $0x1  }
0x5d: {  	[tilespmem:v0+s16+$0x10 ss:$0x1] =	vst.idx.msk $0xffff, v1  }
0x5e: {  	v1 =	vld [tilespmem:s15+$0x20]  }
0x5f: {  	v2 =	vld [tilespmem:s15+$0xA0]  }
0x60: {  	v3 =	vld [tilespmem:s15+$0x120]  }
0x61: {  	v63 =	vld [tilespmem:s15+$0x1A0]  }
0x62: {  	v20 =	vld [tilespmem:s15+$0x220]  }
0x63: {  	v21 =	vld [tilespmem:s15+$0x2A0]  }
0x64: {  	v22 =	vld [tilespmem:s15+$0x320]  }
0x65: {  	v23 =	vld [tilespmem:s15+$0x3A0]  }
0x66: {  	v24 =	vld [tilespmem:s15+$0x820]  }
0x67: {  	v25 =	vld [tilespmem:s15+$0x8A0]  }
0x68: {  	v26 =	vld [tilespmem:s15+$0x920]  }
0x69: {  	v27 =	vld [tilespmem:s15+$0x9A0]  }
0x6a: {  	v28 =	vld [tilespmem:s15+$0xA20]  }
0x6b: {  	v29 =	vld [tilespmem:s15+$0xAA0]  }
0x6c: {  	v30 =	vld [tilespmem:s15+$0xB20]  }
0x6d: {  	v31 =	vld [tilespmem:s15+$0xBA0];
	_ =	sdelay $0x1  }
0x6e: {  	v1 =	vadd.f32 v2, v1;
	v2 =	vadd.f32 v63, v3  }
0x6f: {  	v3 =	vadd.f32 v21, v20;
	v32 =	vadd.f32 v23, v22  }
0x70: {  	v33 =	vadd.f32 v25, v24;
	v34 =	vadd.f32 v27, v26  }
0x71: {  	v35 =	vadd.f32 v29, v28;
	v36 =	vadd.f32 v31, v30  }
0x72: {  	v1 =	vadd.f32 v2, v1;
	v2 =	vadd.f32 v32, v3  }
0x73: {  	v3 =	vadd.f32 v34, v33;
	v37 =	vadd.f32 v36, v35;
	_ =	sdelay $0x1  }
0x74: {  	v1 =	vadd.f32 v2, v1;
	v2 =	vadd.f32 v37, v3;
	_ =	sdelay $0x1  }
0x75: {  	v1 =	vadd.f32 v2, v1;
	_ =	sdelay $0x1  }
0x76: {  	[tilespmem:v0+s16+$0x20 ss:$0x1] =	vst.idx.msk $0xffff, v1  }
0x77: {  	v1 =	vld [tilespmem:s15+$0x30]  }
0x78: {  	v2 =	vld [tilespmem:s15+$0xB0]  }
0x79: {  	v3 =	vld [tilespmem:s15+$0x130]  }
0x7a: {  	v38 =	vld [tilespmem:s15+$0x1B0]  }
0x7b: {  	v39 =	vld [tilespmem:s15+$0x230]  }
0x7c: {  	v40 =	vld [tilespmem:s15+$0x2B0]  }
0x7d: {  	v41 =	vld [tilespmem:s15+$0x330]  }
0x7e: {  	v42 =	vld [tilespmem:s15+$0x3B0]  }
0x7f: {  	v43 =	vld [tilespmem:s15+$0x830]  }
0x80: {  	v44 =	vld [tilespmem:s15+$0x8B0]  }
0x81: {  	v45 =	vld [tilespmem:s15+$0x930]  }
0x82: {  	v46 =	vld [tilespmem:s15+$0x9B0]  }
0x83: {  	v47 =	vld [tilespmem:s15+$0xA30]  }
0x84: {  	v48 =	vld [tilespmem:s15+$0xAB0]  }
0x85: {  	v49 =	vld [tilespmem:s15+$0xB30]  }
0x86: {  	v50 =	vld [tilespmem:s15+$0xBB0];
	_ =	sdelay $0x1  }
0x87: {  	v1 =	vadd.f32 v2, v1;
	v2 =	vadd.f32 v38, v3  }
0x88: {  	v3 =	vadd.f32 v40, v39;
	v51 =	vadd.f32 v42, v41  }
0x89: {  	v52 =	vadd.f32 v44, v43;
	v53 =	vadd.f32 v46, v45  }
0x8a: {  	v54 =	vadd.f32 v48, v47;
	v55 =	vadd.f32 v50, v49  }
0x8b: {  	v1 =	vadd.f32 v2, v1;
	v2 =	vadd.f32 v51, v3  }
0x8c: {  	v3 =	vadd.f32 v53, v52;
	v56 =	vadd.f32 v55, v54;
	_ =	sdelay $0x1  }
0x8d: {  	v1 =	vadd.f32 v2, v1;
	v2 =	vadd.f32 v56, v3;
	_ =	sdelay $0x1  }
0x8e: {  	v1 =	vadd.f32 v2, v1;
	_ =	sdelay $0x1  }
0x8f: {  	[tilespmem:v0+s16+$0x30 ss:$0x1] =	vst.idx.msk $0xffff, v1  }
0x90: {  	v1 =	vld [tilespmem:s15+$0x40]  }
0x91: {  	v2 =	vld [tilespmem:s15+$0xC0]  }
0x92: {  	v3 =	vld [tilespmem:s15+$0x140]  }
0x93: {  	v57 =	vld [tilespmem:s15+$0x1C0]  }
0x94: {  	v58 =	vld [tilespmem:s15+$0x240]  }
0x95: {  	v59 =	vld [tilespmem:s15+$0x2C0]  }
0x96: {  	v60 =	vld [tilespmem:s15+$0x340]  }
0x97: {  	v61 =	vld [tilespmem:s15+$0x3C0]  }
0x98: {  	v62 =	vld [tilespmem:s15+$0x840]  }
0x99: {  	v63 =	vld [tilespmem:s15+$0x8C0]  }
0x9a: {  	v20 =	vld [tilespmem:s15+$0x940]  }
0x9b: {  	v21 =	vld [tilespmem:s15+$0x9C0]  }
0x9c: {  	v22 =	vld [tilespmem:s15+$0xA40]  }
0x9d: {  	v23 =	vld [tilespmem:s15+$0xAC0]  }
0x9e: {  	v24 =	vld [tilespmem:s15+$0xB40]  }
0x9f: {  	v25 =	vld [tilespmem:s15+$0xBC0];
	_ =	sdelay $0x1  }
0xa0: {  	v1 =	vadd.f32 v2, v1;
	v2 =	vadd.f32 v57, v3  }
0xa1: {  	v3 =	vadd.f32 v59, v58;
	v26 =	vadd.f32 v61, v60  }
0xa2: {  	v27 =	vadd.f32 v63, v62;
	v28 =	vadd.f32 v21, v20  }
0xa3: {  	v29 =	vadd.f32 v23, v22;
	v30 =	vadd.f32 v25, v24  }
0xa4: {  	v1 =	vadd.f32 v2, v1;
	v2 =	vadd.f32 v26, v3  }
0xa5: {  	v3 =	vadd.f32 v28, v27;
	v31 =	vadd.f32 v30, v29;
	_ =	sdelay $0x1  }
0xa6: {  	v1 =	vadd.f32 v2, v1;
	v2 =	vadd.f32 v31, v3;
	_ =	sdelay $0x1  }
0xa7: {  	v1 =	vadd.f32 v2, v1;
	_ =	sdelay $0x1  }
0xa8: {  	[tilespmem:v0+s16+$0x40 ss:$0x1] =	vst.idx.msk $0xffff, v1  }
0xa9: {  	v1 =	vld [tilespmem:s15+$0x50]  }
0xaa: {  	v2 =	vld [tilespmem:s15+$0xD0]  }
0xab: {  	v3 =	vld [tilespmem:s15+$0x150]  }
0xac: {  	v32 =	vld [tilespmem:s15+$0x1D0]  }
0xad: {  	v33 =	vld [tilespmem:s15+$0x250]  }
0xae: {  	v34 =	vld [tilespmem:s15+$0x2D0]  }
0xaf: {  	v35 =	vld [tilespmem:s15+$0x350]  }
0xb0: {  	v36 =	vld [tilespmem:s15+$0x3D0]  }
0xb1: {  	v37 =	vld [tilespmem:s15+$0x850]  }
0xb2: {  	v38 =	vld [tilespmem:s15+$0x8D0]  }
0xb3: {  	v39 =	vld [tilespmem:s15+$0x950]  }
0xb4: {  	v40 =	vld [tilespmem:s15+$0x9D0]  }
0xb5: {  	v41 =	vld [tilespmem:s15+$0xA50]  }
0xb6: {  	v42 =	vld [tilespmem:s15+$0xAD0]  }
0xb7: {  	v43 =	vld [tilespmem:s15+$0xB50]  }
0xb8: {  	v44 =	vld [tilespmem:s15+$0xBD0];
	_ =	sdelay $0x1  }
0xb9: {  	v1 =	vadd.f32 v2, v1;
	v2 =	vadd.f32 v32, v3  }
0xba: {  	v3 =	vadd.f32 v34, v33;
	v45 =	vadd.f32 v36, v35  }
0xbb: {  	v46 =	vadd.f32 v38, v37;
	v47 =	vadd.f32 v40, v39  }
0xbc: {  	v48 =	vadd.f32 v42, v41;
	v49 =	vadd.f32 v44, v43  }
0xbd: {  	v1 =	vadd.f32 v2, v1;
	v2 =	vadd.f32 v45, v3  }
0xbe: {  	v3 =	vadd.f32 v47, v46;
	v50 =	vadd.f32 v49, v48;
	_ =	sdelay $0x1  }
0xbf: {  	v1 =	vadd.f32 v2, v1;
	v2 =	vadd.f32 v50, v3;
	_ =	sdelay $0x1  }
0xc0: {  	v1 =	vadd.f32 v2, v1;
	_ =	sdelay $0x1  }
0xc1: {  	[tilespmem:v0+s16+$0x50 ss:$0x1] =	vst.idx.msk $0xffff, v1  }
0xc2: {  	v1 =	vld [tilespmem:s15+$0x60]  }
0xc3: {  	v2 =	vld [tilespmem:s15+$0xE0]  }
0xc4: {  	v3 =	vld [tilespmem:s15+$0x160]  }
0xc5: {  	v51 =	vld [tilespmem:s15+$0x1E0]  }
0xc6: {  	v52 =	vld [tilespmem:s15+$0x260]  }
0xc7: {  	v53 =	vld [tilespmem:s15+$0x2E0]  }
0xc8: {  	v54 =	vld [tilespmem:s15+$0x360]  }
0xc9: {  	v55 =	vld [tilespmem:s15+$0x3E0]  }
0xca: {  	v56 =	vld [tilespmem:s15+$0x860]  }
0xcb: {  	v57 =	vld [tilespmem:s15+$0x8E0]  }
0xcc: {  	v58 =	vld [tilespmem:s15+$0x960]  }
0xcd: {  	v59 =	vld [tilespmem:s15+$0x9E0]  }
0xce: {  	v60 =	vld [tilespmem:s15+$0xA60]  }
0xcf: {  	v61 =	vld [tilespmem:s15+$0xAE0]  }
0xd0: {  	v62 =	vld [tilespmem:s15+$0xB60]  }
0xd1: {  	v63 =	vld [tilespmem:s15+$0xBE0];
	_ =	sdelay $0x1  }
0xd2: {  	v1 =	vadd.f32 v2, v1;
	v2 =	vadd.f32 v51, v3  }
0xd3: {  	v3 =	vadd.f32 v53, v52;
	v19 =	vadd.f32 v55, v54  }
0xd4: {  	v20 =	vadd.f32 v57, v56;
	v21 =	vadd.f32 v59, v58  }
0xd5: {  	v22 =	vadd.f32 v61, v60;
	v23 =	vadd.f32 v63, v62  }
0xd6: {  	v1 =	vadd.f32 v2, v1;
	v2 =	vadd.f32 v19, v3  }
0xd7: {  	v3 =	vadd.f32 v21, v20;
	v24 =	vadd.f32 v23, v22;
	_ =	sdelay $0x1  }
0xd8: {  	v1 =	vadd.f32 v2, v1;
	v2 =	vadd.f32 v24, v3;
	_ =	sdelay $0x1  }
0xd9: {  	v1 =	vadd.f32 v2, v1;
	_ =	sdelay $0x1  }
0xda: {  	[tilespmem:v0+s16+$0x60 ss:$0x1] =	vst.idx.msk $0xffff, v1  }
0xdb: {  	v1 =	vld [tilespmem:s15+$0x70]  }
0xdc: {  	v2 =	vld [tilespmem:s15+$0xF0]  }
0xdd: {  	v3 =	vld [tilespmem:s15+$0x170]  }
0xde: {  	v25 =	vld [tilespmem:s15+$0x1F0]  }
0xdf: {  	v26 =	vld [tilespmem:s15+$0x270]  }
0xe0: {  	v27 =	vld [tilespmem:s15+$0x2F0]  }
0xe1: {  	v28 =	vld [tilespmem:s15+$0x370]  }
0xe2: {  	v29 =	vld [tilespmem:s15+$0x3F0]  }
0xe3: {  	v30 =	vld [tilespmem:s15+$0x870]  }
0xe4: {  	v31 =	vld [tilespmem:s15+$0x8F0]  }
0xe5: {  	v32 =	vld [tilespmem:s15+$0x970]  }
0xe6: {  	v33 =	vld [tilespmem:s15+$0x9F0]  }
0xe7: {  	v34 =	vld [tilespmem:s15+$0xA70]  }
0xe8: {  	v35 =	vld [tilespmem:s15+$0xAF0]  }
0xe9: {  	v36 =	vld [tilespmem:s15+$0xB70]  }
0xea: {  	v37 =	vld [tilespmem:s15+$0xBF0];
	_ =	sdelay $0x1  }
0xeb: {  	v1 =	vadd.f32 v2, v1;
	v2 =	vadd.f32 v25, v3  }
0xec: {  	v3 =	vadd.f32 v27, v26;
	v38 =	vadd.f32 v29, v28  }
0xed: {  	v39 =	vadd.f32 v31, v30;
	v40 =	vadd.f32 v33, v32  }
0xee: {  	v41 =	vadd.f32 v35, v34;
	v42 =	vadd.f32 v37, v36  }
0xef: {  	v1 =	vadd.f32 v2, v1;
	v2 =	vadd.f32 v38, v3  }
0xf0: {  	v3 =	vadd.f32 v40, v39;
	v43 =	vadd.f32 v42, v41;
	_ =	sdelay $0x1  }
0xf1: {  	v1 =	vadd.f32 v2, v1;
	v2 =	vadd.f32 v43, v3;
	_ =	sdelay $0x1  }
0xf2: {  	v1 =	vadd.f32 v2, v1;
	_ =	sdelay $0x1  }
0xf3: {  	[tilespmem:v0+s16+$0x70 ss:$0x1] =	vst.idx.msk $0xffff, v1  }
0xf4: {  	v1 =	vld [tilespmem:s15+$0x400]  }
0xf5: {  	v2 =	vld [tilespmem:s15+$0x480]  }
0xf6: {  	v3 =	vld [tilespmem:s15+$0x500]  }
0xf7: {  	v44 =	vld [tilespmem:s15+$0x580]  }
0xf8: {  	v45 =	vld [tilespmem:s15+$0x600]  }
0xf9: {  	v46 =	vld [tilespmem:s15+$0x680]  }
0xfa: {  	v47 =	vld [tilespmem:s15+$0x700]  }
0xfb: {  	v48 =	vld [tilespmem:s15+$0x780]  }
0xfc: {  	v49 =	vld [tilespmem:s15+$0xC00]  }
0xfd: {  	v50 =	vld [tilespmem:s15+$0xC80]  }
0xfe: {  	v51 =	vld [tilespmem:s15+$0xD00]  }
0xff: {  	v52 =	vld [tilespmem:s15+$0xD80]  }
0x100: {  	v53 =	vld [tilespmem:s15+$0xE00]  }
0x101: {  	v54 =	vld [tilespmem:s15+$0xE80]  }
0x102: {  	v55 =	vld [tilespmem:s15+$0xF00]  }
0x103: {  	v56 =	vld [tilespmem:s15+$0xF80];
	_ =	sdelay $0x1  }
0x104: {  	v1 =	vadd.f32 v2, v1;
	v2 =	vadd.f32 v44, v3  }
0x105: {  	v3 =	vadd.f32 v46, v45;
	v57 =	vadd.f32 v48, v47  }
0x106: {  	v58 =	vadd.f32 v50, v49;
	v59 =	vadd.f32 v52, v51  }
0x107: {  	v60 =	vadd.f32 v54, v53;
	v61 =	vadd.f32 v56, v55  }
0x108: {  	v1 =	vadd.f32 v2, v1;
	v2 =	vadd.f32 v57, v3  }
0x109: {  	v3 =	vadd.f32 v59, v58;
	v62 =	vadd.f32 v61, v60;
	_ =	sdelay $0x1  }
0x10a: {  	v1 =	vadd.f32 v2, v1;
	v2 =	vadd.f32 v62, v3;
	_ =	sdelay $0x1  }
0x10b: {  	v1 =	vadd.f32 v2, v1;
	_ =	sdelay $0x1  }
0x10c: {  	[tilespmem:v0+s16+$0x400 ss:$0x1] =	vst.idx.msk $0xffff, v1  }
0x10d: {  	v1 =	vld [tilespmem:s15+$0x410]  }
0x10e: {  	v2 =	vld [tilespmem:s15+$0x490]  }
0x10f: {  	v3 =	vld [tilespmem:s15+$0x510]  }
0x110: {  	v63 =	vld [tilespmem:s15+$0x590]  }
0x111: {  	v20 =	vld [tilespmem:s15+$0x610]  }
0x112: {  	v21 =	vld [tilespmem:s15+$0x690]  }
0x113: {  	v22 =	vld [tilespmem:s15+$0x710]  }
0x114: {  	v23 =	vld [tilespmem:s15+$0x790]  }
0x115: {  	v24 =	vld [tilespmem:s15+$0xC10]  }
0x116: {  	v25 =	vld [tilespmem:s15+$0xC90]  }
0x117: {  	v26 =	vld [tilespmem:s15+$0xD10]  }
0x118: {  	v27 =	vld [tilespmem:s15+$0xD90]  }
0x119: {  	v28 =	vld [tilespmem:s15+$0xE10]  }
0x11a: {  	v29 =	vld [tilespmem:s15+$0xE90]  }
0x11b: {  	v30 =	vld [tilespmem:s15+$0xF10]  }
0x11c: {  	v31 =	vld [tilespmem:s15+$0xF90];
	_ =	sdelay $0x1  }
0x11d: {  	v1 =	vadd.f32 v2, v1;
	v2 =	vadd.f32 v63, v3  }
0x11e: {  	v3 =	vadd.f32 v21, v20;
	v32 =	vadd.f32 v23, v22  }
0x11f: {  	v33 =	vadd.f32 v25, v24;
	v34 =	vadd.f32 v27, v26  }
0x120: {  	v35 =	vadd.f32 v29, v28;
	v36 =	vadd.f32 v31, v30  }
0x121: {  	v1 =	vadd.f32 v2, v1;
	v2 =	vadd.f32 v32, v3  }
0x122: {  	v3 =	vadd.f32 v34, v33;
	v37 =	vadd.f32 v36, v35;
	_ =	sdelay $0x1  }
0x123: {  	v1 =	vadd.f32 v2, v1;
	v2 =	vadd.f32 v37, v3;
	_ =	sdelay $0x1  }
0x124: {  	v1 =	vadd.f32 v2, v1;
	_ =	sdelay $0x1  }
0x125: {  	[tilespmem:v0+s16+$0x410 ss:$0x1] =	vst.idx.msk $0xffff, v1  }
0x126: {  	v1 =	vld [tilespmem:s15+$0x420]  }
0x127: {  	v2 =	vld [tilespmem:s15+$0x4A0]  }
0x128: {  	v3 =	vld [tilespmem:s15+$0x520]  }
0x129: {  	v38 =	vld [tilespmem:s15+$0x5A0]  }
0x12a: {  	v39 =	vld [tilespmem:s15+$0x620]  }
0x12b: {  	v40 =	vld [tilespmem:s15+$0x6A0]  }
0x12c: {  	v41 =	vld [tilespmem:s15+$0x720]  }
0x12d: {  	v42 =	vld [tilespmem:s15+$0x7A0]  }
0x12e: {  	v43 =	vld [tilespmem:s15+$0xC20]  }
0x12f: {  	v44 =	vld [tilespmem:s15+$0xCA0]  }
0x130: {  	v45 =	vld [tilespmem:s15+$0xD20]  }
0x131: {  	v46 =	vld [tilespmem:s15+$0xDA0]  }
0x132: {  	v47 =	vld [tilespmem:s15+$0xE20]  }
0x133: {  	v48 =	vld [tilespmem:s15+$0xEA0]  }
0x134: {  	v49 =	vld [tilespmem:s15+$0xF20]  }
0x135: {  	v50 =	vld [tilespmem:s15+$0xFA0];
	_ =	sdelay $0x1  }
0x136: {  	v1 =	vadd.f32 v2, v1;
	v2 =	vadd.f32 v38, v3  }
0x137: {  	v3 =	vadd.f32 v40, v39;
	v51 =	vadd.f32 v42, v41  }
0x138: {  	v52 =	vadd.f32 v44, v43;
	v53 =	vadd.f32 v46, v45  }
0x139: {  	v54 =	vadd.f32 v48, v47;
	v55 =	vadd.f32 v50, v49  }
0x13a: {  	v1 =	vadd.f32 v2, v1;
	v2 =	vadd.f32 v51, v3  }
0x13b: {  	v3 =	vadd.f32 v53, v52;
	v56 =	vadd.f32 v55, v54;
	_ =	sdelay $0x1  }
0x13c: {  	v1 =	vadd.f32 v2, v1;
	v2 =	vadd.f32 v56, v3;
	_ =	sdelay $0x1  }
0x13d: {  	v1 =	vadd.f32 v2, v1;
	_ =	sdelay $0x1  }
0x13e: {  	[tilespmem:v0+s16+$0x420 ss:$0x1] =	vst.idx.msk $0xffff, v1  }
0x13f: {  	v1 =	vld [tilespmem:s15+$0x430]  }
0x140: {  	v2 =	vld [tilespmem:s15+$0x4B0]  }
0x141: {  	v3 =	vld [tilespmem:s15+$0x530]  }
0x142: {  	v57 =	vld [tilespmem:s15+$0x5B0]  }
0x143: {  	v58 =	vld [tilespmem:s15+$0x630]  }
0x144: {  	v59 =	vld [tilespmem:s15+$0x6B0]  }
0x145: {  	v60 =	vld [tilespmem:s15+$0x730]  }
0x146: {  	v61 =	vld [tilespmem:s15+$0x7B0]  }
0x147: {  	v62 =	vld [tilespmem:s15+$0xC30]  }
0x148: {  	v63 =	vld [tilespmem:s15+$0xCB0]  }
0x149: {  	v20 =	vld [tilespmem:s15+$0xD30]  }
0x14a: {  	v21 =	vld [tilespmem:s15+$0xDB0]  }
0x14b: {  	v22 =	vld [tilespmem:s15+$0xE30]  }
0x14c: {  	v23 =	vld [tilespmem:s15+$0xEB0]  }
0x14d: {  	v24 =	vld [tilespmem:s15+$0xF30]  }
0x14e: {  	v25 =	vld [tilespmem:s15+$0xFB0];
	_ =	sdelay $0x1  }
0x14f: {  	v1 =	vadd.f32 v2, v1;
	v2 =	vadd.f32 v57, v3  }
0x150: {  	v3 =	vadd.f32 v59, v58;
	v26 =	vadd.f32 v61, v60  }
0x151: {  	v27 =	vadd.f32 v63, v62;
	v28 =	vadd.f32 v21, v20  }
0x152: {  	v29 =	vadd.f32 v23, v22;
	v30 =	vadd.f32 v25, v24  }
0x153: {  	v1 =	vadd.f32 v2, v1;
	v2 =	vadd.f32 v26, v3  }
0x154: {  	v3 =	vadd.f32 v28, v27;
	v31 =	vadd.f32 v30, v29;
	_ =	sdelay $0x1  }
0x155: {  	v1 =	vadd.f32 v2, v1;
	v2 =	vadd.f32 v31, v3;
	_ =	sdelay $0x1  }
0x156: {  	v1 =	vadd.f32 v2, v1;
	_ =	sdelay $0x1  }
0x157: {  	[tilespmem:v0+s16+$0x430 ss:$0x1] =	vst.idx.msk $0xffff, v1  }
0x158: {  	v1 =	vld [tilespmem:s15+$0x440]  }
0x159: {  	v2 =	vld [tilespmem:s15+$0x4C0]  }
0x15a: {  	v3 =	vld [tilespmem:s15+$0x540]  }
0x15b: {  	v32 =	vld [tilespmem:s15+$0x5C0]  }
0x15c: {  	v33 =	vld [tilespmem:s15+$0x640]  }
0x15d: {  	v34 =	vld [tilespmem:s15+$0x6C0]  }
0x15e: {  	v35 =	vld [tilespmem:s15+$0x740]  }
0x15f: {  	v36 =	vld [tilespmem:s15+$0x7C0]  }
0x160: {  	v37 =	vld [tilespmem:s15+$0xC40]  }
0x161: {  	v38 =	vld [tilespmem:s15+$0xCC0]  }
0x162: {  	v39 =	vld [tilespmem:s15+$0xD40]  }
0x163: {  	v40 =	vld [tilespmem:s15+$0xDC0]  }
0x164: {  	v41 =	vld [tilespmem:s15+$0xE40]  }
0x165: {  	v42 =	vld [tilespmem:s15+$0xEC0]  }
0x166: {  	v43 =	vld [tilespmem:s15+$0xF40]  }
0x167: {  	v44 =	vld [tilespmem:s15+$0xFC0];
	_ =	sdelay $0x1  }
0x168: {  	v1 =	vadd.f32 v2, v1;
	v2 =	vadd.f32 v32, v3  }
0x169: {  	v3 =	vadd.f32 v34, v33;
	v45 =	vadd.f32 v36, v35  }
0x16a: {  	v46 =	vadd.f32 v38, v37;
	v47 =	vadd.f32 v40, v39  }
0x16b: {  	v48 =	vadd.f32 v42, v41;
	v49 =	vadd.f32 v44, v43  }
0x16c: {  	v1 =	vadd.f32 v2, v1;
	v2 =	vadd.f32 v45, v3  }
0x16d: {  	v3 =	vadd.f32 v47, v46;
	v50 =	vadd.f32 v49, v48;
	_ =	sdelay $0x1  }
0x16e: {  	v1 =	vadd.f32 v2, v1;
	v2 =	vadd.f32 v50, v3;
	_ =	sdelay $0x1  }
0x16f: {  	v1 =	vadd.f32 v2, v1;
	_ =	sdelay $0x1  }
0x170: {  	[tilespmem:v0+s16+$0x440 ss:$0x1] =	vst.idx.msk $0xffff, v1  }
0x171: {  	v1 =	vld [tilespmem:s15+$0x450]  }
0x172: {  	v2 =	vld [tilespmem:s15+$0x4D0]  }
0x173: {  	v3 =	vld [tilespmem:s15+$0x550]  }
0x174: {  	v51 =	vld [tilespmem:s15+$0x5D0]  }
0x175: {  	v52 =	vld [tilespmem:s15+$0x650]  }
0x176: {  	v53 =	vld [tilespmem:s15+$0x6D0]  }
0x177: {  	v54 =	vld [tilespmem:s15+$0x750]  }
0x178: {  	v55 =	vld [tilespmem:s15+$0x7D0]  }
0x179: {  	v56 =	vld [tilespmem:s15+$0xC50]  }
0x17a: {  	v57 =	vld [tilespmem:s15+$0xCD0]  }
0x17b: {  	v58 =	vld [tilespmem:s15+$0xD50]  }
0x17c: {  	v59 =	vld [tilespmem:s15+$0xDD0]  }
0x17d: {  	v60 =	vld [tilespmem:s15+$0xE50]  }
0x17e: {  	v61 =	vld [tilespmem:s15+$0xED0]  }
0x17f: {  	v62 =	vld [tilespmem:s15+$0xF50]  }
0x180: {  	v63 =	vld [tilespmem:s15+$0xFD0];
	_ =	sdelay $0x1  }
0x181: {  	v1 =	vadd.f32 v2, v1;
	v2 =	vadd.f32 v51, v3  }
0x182: {  	v3 =	vadd.f32 v53, v52;
	v20 =	vadd.f32 v55, v54  }
0x183: {  	v21 =	vadd.f32 v57, v56;
	v22 =	vadd.f32 v59, v58  }
0x184: {  	v23 =	vadd.f32 v61, v60;
	v24 =	vadd.f32 v63, v62  }
0x185: {  	v1 =	vadd.f32 v2, v1;
	v2 =	vadd.f32 v20, v3  }
0x186: {  	v3 =	vadd.f32 v22, v21;
	v25 =	vadd.f32 v24, v23;
	_ =	sdelay $0x1  }
0x187: {  	v1 =	vadd.f32 v2, v1;
	v2 =	vadd.f32 v25, v3;
	_ =	sdelay $0x1  }
0x188: {  	v1 =	vadd.f32 v2, v1;
	_ =	sdelay $0x1  }
0x189: {  	[tilespmem:v0+s16+$0x450 ss:$0x1] =	vst.idx.msk $0xffff, v1  }
0x18a: {  	v1 =	vld [tilespmem:s15+$0x460]  }
0x18b: {  	v2 =	vld [tilespmem:s15+$0x4E0]  }
0x18c: {  	v3 =	vld [tilespmem:s15+$0x560]  }
0x18d: {  	v26 =	vld [tilespmem:s15+$0x5E0]  }
0x18e: {  	v27 =	vld [tilespmem:s15+$0x660]  }
0x18f: {  	v28 =	vld [tilespmem:s15+$0x6E0]  }
0x190: {  	v29 =	vld [tilespmem:s15+$0x760]  }
0x191: {  	v30 =	vld [tilespmem:s15+$0x7E0]  }
0x192: {  	v31 =	vld [tilespmem:s15+$0xC60]  }
0x193: {  	v32 =	vld [tilespmem:s15+$0xCE0]  }
0x194: {  	v33 =	vld [tilespmem:s15+$0xD60]  }
0x195: {  	v34 =	vld [tilespmem:s15+$0xDE0]  }
0x196: {  	v35 =	vld [tilespmem:s15+$0xE60]  }
0x197: {  	v36 =	vld [tilespmem:s15+$0xEE0]  }
0x198: {  	v37 =	vld [tilespmem:s15+$0xF60]  }
0x199: {  	v38 =	vld [tilespmem:s15+$0xFE0];
	_ =	sdelay $0x1  }
0x19a: {  	v1 =	vadd.f32 v2, v1;
	v2 =	vadd.f32 v26, v3  }
0x19b: {  	v3 =	vadd.f32 v28, v27;
	v39 =	vadd.f32 v30, v29  }
0x19c: {  	v40 =	vadd.f32 v32, v31;
	v41 =	vadd.f32 v34, v33  }
0x19d: {  	v42 =	vadd.f32 v36, v35;
	v43 =	vadd.f32 v38, v37  }
0x19e: {  	v1 =	vadd.f32 v2, v1;
	v2 =	vadd.f32 v39, v3  }
0x19f: {  	v3 =	vadd.f32 v41, v40;
	v44 =	vadd.f32 v43, v42;
	_ =	sdelay $0x1  }
0x1a0: {  	v1 =	vadd.f32 v2, v1;
	v2 =	vadd.f32 v44, v3;
	_ =	sdelay $0x1  }
0x1a1: {  	v1 =	vadd.f32 v2, v1;
	_ =	sdelay $0x1  }
0x1a2: {  	[tilespmem:v0+s16+$0x460 ss:$0x1] =	vst.idx.msk $0xffff, v1  }
0x1a3: {  	v1 =	vld [tilespmem:s15+$0x470]  }
0x1a4: {  	v2 =	vld [tilespmem:s15+$0x4F0]  }
0x1a5: {  	v3 =	vld [tilespmem:s15+$0x570]  }
0x1a6: {  	v45 =	vld [tilespmem:s15+$0x5F0]  }
0x1a7: {  	v46 =	vld [tilespmem:s15+$0x670]  }
0x1a8: {  	v47 =	vld [tilespmem:s15+$0x6F0]  }
0x1a9: {  	v48 =	vld [tilespmem:s15+$0x770]  }
0x1aa: {  	v49 =	vld [tilespmem:s15+$0x7F0]  }
0x1ab: {  	v50 =	vld [tilespmem:s15+$0xC70]  }
0x1ac: {  	v51 =	vld [tilespmem:s15+$0xCF0]  }
0x1ad: {  	v52 =	vld [tilespmem:s15+$0xD70]  }
0x1ae: {  	v53 =	vld [tilespmem:s15+$0xDF0]  }
0x1af: {  	v54 =	vld [tilespmem:s15+$0xE70]  }
0x1b0: {  	v55 =	vld [tilespmem:s15+$0xEF0]  }
0x1b1: {  	v56 =	vld [tilespmem:s15+$0xF70]  }
0x1b2: {  	v57 =	vld [tilespmem:s15+$0xFF0];
	_ =	sdelay $0x1  }
0x1b3: {  	v1 =	vadd.f32 v2, v1;
	v2 =	vadd.f32 v45, v3  }
0x1b4: {  	v3 =	vadd.f32 v47, v46;
	v58 =	vadd.f32 v49, v48  }
0x1b5: {  	v59 =	vadd.f32 v51, v50;
	v60 =	vadd.f32 v53, v52  }
0x1b6: {  	v61 =	vadd.f32 v55, v54;
	v62 =	vadd.f32 v57, v56  }
0x1b7: {  	v1 =	vadd.f32 v2, v1;
	v2 =	vadd.f32 v58, v3  }
0x1b8: {  	v3 =	vadd.f32 v60, v59;
	v63 =	vadd.f32 v62, v61  }
0x1b9: {  	p2 =	sne.s32 s14, $0x3  }
.Ltmp5:
0x1ba: {  	v1 =	vadd.f32 v2, v1;
	v2 =	vadd.f32 v63, v3;
	(pc) =	sbr.rel @p2 .LBB2_4-.Ltmp5, $3  }
0x1bb: {  	_ = 	snop  }
0x1bc: {  	v1 =	vadd.f32 v2, v1;
	_ =	sdelay $0x1  }
0x1bd: {  	s14 =	sadd.s32 $0x1, s14;
	[tilespmem:v0+s16+$0x470 ss:$0x1] =	vst.idx.msk $0xffff, v1  }
.LBB2_5:
.Ltmp6:
0x1be: {  	s13 =	sadd.s32 $0x2, s13;
	(pc) =	sbr.rel @p1 .LBB2_8-.Ltmp6, $4  }
0x1bf: {  	p2 =	sge.u32 s13, s3  }
0x1c0: {  	s13 =	sshll.u32 @!p2 s13, $0xB  }
0x1c1: {  	s14 =	simm.s32 @!p2 $0x0;
	s13 =	sadd.s32 @!p2 s13, s4  }
0x1c2: {  	[tilespmem:s14], [sflag:$0x1] =	stream.linear.gather @!p2 [hbm4b:s13+s14], $0x4000, $0x38;
	[tilespmem:$0x10000] =	vst v63  }
0x1c3: {  	_ =	swait.ge [sflag:s9], $0x4000  }
0x1c4: {  	s13 =	sadd.s32 $0x8000, s12;
	[sflag:s9] =	ssyncset.done $0x0  }
0x1c5: {  	s12 =	simm.s32 $0x0;
	v0 =	vmov s13;
	[sflag:s9] =	ssyncadd.s32 $0xFFFFC000  }
.LBB2_7:
0x1c6: {  	s13 =	sshll.u32 s12, $0xC  }
0x1c7: {  	s13 =	sand.u32 $0x3FFFF000, s13  }
0x1c8: {  	v1 =	vld [tilespmem:s13+$0x4000]  }
0x1c9: {  	v2 =	vld [tilespmem:s13+$0x4080]  }
0x1ca: {  	v3 =	vld [tilespmem:s13+$0x4100]  }
0x1cb: {  	v4 =	vld [tilespmem:s13+$0x4180]  }
0x1cc: {  	v5 =	vld [tilespmem:s13+$0x4200]  }
0x1cd: {  	v6 =	vld [tilespmem:s13+$0x4280]  }
0x1ce: {  	v7 =	vld [tilespmem:s13+$0x4300]  }
0x1cf: {  	v8 =	vld [tilespmem:s13+$0x4380]  }
0x1d0: {  	v9 =	vld [tilespmem:s13+$0x4800]  }
0x1d1: {  	v10 =	vld [tilespmem:s13+$0x4880]  }
0x1d2: {  	v11 =	vld [tilespmem:s13+$0x4900]  }
0x1d3: {  	v12 =	vld [tilespmem:s13+$0x4980]  }
0x1d4: {  	v13 =	vld [tilespmem:s13+$0x4A00]  }
0x1d5: {  	v14 =	vld [tilespmem:s13+$0x4A80]  }
0x1d6: {  	v15 =	vld [tilespmem:s13+$0x4B00]  }
0x1d7: {  	v16 =	vld [tilespmem:s13+$0x4B80];
	_ =	sdelay $0x1  }
0x1d8: {  	v1 =	vadd.f32 v2, v1;
	v2 =	vadd.f32 v4, v3  }
0x1d9: {  	v3 =	vadd.f32 v6, v5;
	v38 =	vadd.f32 v8, v7  }
0x1da: {  	v39 =	vadd.f32 v10, v9;
	v40 =	vadd.f32 v12, v11  }
0x1db: {  	v41 =	vadd.f32 v14, v13;
	v42 =	vadd.f32 v16, v15  }
0x1dc: {  	v1 =	vadd.f32 v2, v1;
	v2 =	vadd.f32 v38, v3  }
0x1dd: {  	v3 =	vadd.f32 v40, v39;
	v43 =	vadd.f32 v42, v41;
	_ =	sdelay $0x1  }
0x1de: {  	v1 =	vadd.f32 v2, v1;
	v2 =	vadd.f32 v43, v3;
	_ =	sdelay $0x1  }
0x1df: {  	s14 =	sshll.u32 s12, $0x7;
	v1 =	vadd.f32 v2, v1  }
0x1e0: {  	s14 =	sand.u32 $0x3FFFFF80, s14  }
0x1e1: {  	[tilespmem:v0+s14+$0x200 ss:$0x1] =	vst.idx.msk $0xffff, v1  }
0x1e2: {  	v1 =	vld [tilespmem:s13+$0x4010]  }
0x1e3: {  	v2 =	vld [tilespmem:s13+$0x4090]  }
0x1e4: {  	v3 =	vld [tilespmem:s13+$0x4110]  }
0x1e5: {  	v44 =	vld [tilespmem:s13+$0x4190]  }
0x1e6: {  	v45 =	vld [tilespmem:s13+$0x4210]  }
0x1e7: {  	v46 =	vld [tilespmem:s13+$0x4290]  }
0x1e8: {  	v47 =	vld [tilespmem:s13+$0x4310]  }
0x1e9: {  	v48 =	vld [tilespmem:s13+$0x4390]  }
0x1ea: {  	v49 =	vld [tilespmem:s13+$0x4810]  }
0x1eb: {  	v50 =	vld [tilespmem:s13+$0x4890]  }
0x1ec: {  	v51 =	vld [tilespmem:s13+$0x4910]  }
0x1ed: {  	v52 =	vld [tilespmem:s13+$0x4990]  }
0x1ee: {  	v53 =	vld [tilespmem:s13+$0x4A10]  }
0x1ef: {  	v54 =	vld [tilespmem:s13+$0x4A90]  }
0x1f0: {  	v55 =	vld [tilespmem:s13+$0x4B10]  }
0x1f1: {  	v56 =	vld [tilespmem:s13+$0x4B90];
	_ =	sdelay $0x1  }
0x1f2: {  	v1 =	vadd.f32 v2, v1;
	v2 =	vadd.f32 v44, v3  }
0x1f3: {  	v3 =	vadd.f32 v46, v45;
	v57 =	vadd.f32 v48, v47  }
0x1f4: {  	v58 =	vadd.f32 v50, v49;
	v59 =	vadd.f32 v52, v51  }
0x1f5: {  	v60 =	vadd.f32 v54, v53;
	v61 =	vadd.f32 v56, v55  }
0x1f6: {  	v1 =	vadd.f32 v2, v1;
	v2 =	vadd.f32 v57, v3  }
0x1f7: {  	v3 =	vadd.f32 v59, v58;
	v62 =	vadd.f32 v61, v60;
	_ =	sdelay $0x1  }
0x1f8: {  	v1 =	vadd.f32 v2, v1;
	v2 =	vadd.f32 v62, v3;
	_ =	sdelay $0x1  }
0x1f9: {  	v1 =	vadd.f32 v2, v1;
	_ =	sdelay $0x1  }
0x1fa: {  	[tilespmem:v0+s14+$0x210 ss:$0x1] =	vst.idx.msk $0xffff, v1  }
0x1fb: {  	v1 =	vld [tilespmem:s13+$0x4020]  }
0x1fc: {  	v2 =	vld [tilespmem:s13+$0x40A0]  }
0x1fd: {  	v3 =	vld [tilespmem:s13+$0x4120]  }
0x1fe: {  	v63 =	vld [tilespmem:s13+$0x41A0]  }
0x1ff: {  	v20 =	vld [tilespmem:s13+$0x4220]  }
0x200: {  	v21 =	vld [tilespmem:s13+$0x42A0]  }
0x201: {  	v22 =	vld [tilespmem:s13+$0x4320]  }
0x202: {  	v23 =	vld [tilespmem:s13+$0x43A0]  }
0x203: {  	v24 =	vld [tilespmem:s13+$0x4820]  }
0x204: {  	v25 =	vld [tilespmem:s13+$0x48A0]  }
0x205: {  	v26 =	vld [tilespmem:s13+$0x4920]  }
0x206: {  	v27 =	vld [tilespmem:s13+$0x49A0]  }
0x207: {  	v28 =	vld [tilespmem:s13+$0x4A20]  }
0x208: {  	v29 =	vld [tilespmem:s13+$0x4AA0]  }
0x209: {  	v30 =	vld [tilespmem:s13+$0x4B20]  }
0x20a: {  	v31 =	vld [tilespmem:s13+$0x4BA0];
	_ =	sdelay $0x1  }
0x20b: {  	v1 =	vadd.f32 v2, v1;
	v2 =	vadd.f32 v63, v3  }
0x20c: {  	v3 =	vadd.f32 v21, v20;
	v32 =	vadd.f32 v23, v22  }
0x20d: {  	v33 =	vadd.f32 v25, v24;
	v34 =	vadd.f32 v27, v26  }
0x20e: {  	v35 =	vadd.f32 v29, v28;
	v36 =	vadd.f32 v31, v30  }
0x20f: {  	v1 =	vadd.f32 v2, v1;
	v2 =	vadd.f32 v32, v3  }
0x210: {  	v3 =	vadd.f32 v34, v33;
	v37 =	vadd.f32 v36, v35;
	_ =	sdelay $0x1  }
0x211: {  	v1 =	vadd.f32 v2, v1;
	v2 =	vadd.f32 v37, v3;
	_ =	sdelay $0x1  }
0x212: {  	v1 =	vadd.f32 v2, v1;
	_ =	sdelay $0x1  }
0x213: {  	[tilespmem:v0+s14+$0x220 ss:$0x1] =	vst.idx.msk $0xffff, v1  }
0x214: {  	v1 =	vld [tilespmem:s13+$0x4030]  }
0x215: {  	v2 =	vld [tilespmem:s13+$0x40B0]  }
0x216: {  	v3 =	vld [tilespmem:s13+$0x4130]  }
0x217: {  	v38 =	vld [tilespmem:s13+$0x41B0]  }
0x218: {  	v39 =	vld [tilespmem:s13+$0x4230]  }
0x219: {  	v40 =	vld [tilespmem:s13+$0x42B0]  }
0x21a: {  	v41 =	vld [tilespmem:s13+$0x4330]  }
0x21b: {  	v42 =	vld [tilespmem:s13+$0x43B0]  }
0x21c: {  	v43 =	vld [tilespmem:s13+$0x4830]  }
0x21d: {  	v44 =	vld [tilespmem:s13+$0x48B0]  }
0x21e: {  	v45 =	vld [tilespmem:s13+$0x4930]  }
0x21f: {  	v46 =	vld [tilespmem:s13+$0x49B0]  }
0x220: {  	v47 =	vld [tilespmem:s13+$0x4A30]  }
0x221: {  	v48 =	vld [tilespmem:s13+$0x4AB0]  }
0x222: {  	v49 =	vld [tilespmem:s13+$0x4B30]  }
0x223: {  	v50 =	vld [tilespmem:s13+$0x4BB0];
	_ =	sdelay $0x1  }
0x224: {  	v1 =	vadd.f32 v2, v1;
	v2 =	vadd.f32 v38, v3  }
0x225: {  	v3 =	vadd.f32 v40, v39;
	v51 =	vadd.f32 v42, v41  }
0x226: {  	v52 =	vadd.f32 v44, v43;
	v53 =	vadd.f32 v46, v45  }
0x227: {  	v54 =	vadd.f32 v48, v47;
	v55 =	vadd.f32 v50, v49  }
0x228: {  	v1 =	vadd.f32 v2, v1;
	v2 =	vadd.f32 v51, v3  }
0x229: {  	v3 =	vadd.f32 v53, v52;
	v56 =	vadd.f32 v55, v54;
	_ =	sdelay $0x1  }
0x22a: {  	v1 =	vadd.f32 v2, v1;
	v2 =	vadd.f32 v56, v3;
	_ =	sdelay $0x1  }
0x22b: {  	v1 =	vadd.f32 v2, v1;
	_ =	sdelay $0x1  }
0x22c: {  	[tilespmem:v0+s14+$0x230 ss:$0x1] =	vst.idx.msk $0xffff, v1  }
0x22d: {  	v1 =	vld [tilespmem:s13+$0x4040]  }
0x22e: {  	v2 =	vld [tilespmem:s13+$0x40C0]  }
0x22f: {  	v3 =	vld [tilespmem:s13+$0x4140]  }
0x230: {  	v57 =	vld [tilespmem:s13+$0x41C0]  }
0x231: {  	v58 =	vld [tilespmem:s13+$0x4240]  }
0x232: {  	v59 =	vld [tilespmem:s13+$0x42C0]  }
0x233: {  	v60 =	vld [tilespmem:s13+$0x4340]  }
0x234: {  	v61 =	vld [tilespmem:s13+$0x43C0]  }
0x235: {  	v62 =	vld [tilespmem:s13+$0x4840]  }
0x236: {  	v63 =	vld [tilespmem:s13+$0x48C0]  }
0x237: {  	v20 =	vld [tilespmem:s13+$0x4940]  }
0x238: {  	v21 =	vld [tilespmem:s13+$0x49C0]  }
0x239: {  	v22 =	vld [tilespmem:s13+$0x4A40]  }
0x23a: {  	v23 =	vld [tilespmem:s13+$0x4AC0]  }
0x23b: {  	v24 =	vld [tilespmem:s13+$0x4B40]  }
0x23c: {  	v25 =	vld [tilespmem:s13+$0x4BC0];
	_ =	sdelay $0x1  }
0x23d: {  	v1 =	vadd.f32 v2, v1;
	v2 =	vadd.f32 v57, v3  }
0x23e: {  	v3 =	vadd.f32 v59, v58;
	v26 =	vadd.f32 v61, v60  }
0x23f: {  	v27 =	vadd.f32 v63, v62;
	v28 =	vadd.f32 v21, v20  }
0x240: {  	v29 =	vadd.f32 v23, v22;
	v30 =	vadd.f32 v25, v24  }
0x241: {  	v1 =	vadd.f32 v2, v1;
	v2 =	vadd.f32 v26, v3  }
0x242: {  	v3 =	vadd.f32 v28, v27;
	v31 =	vadd.f32 v30, v29;
	_ =	sdelay $0x1  }
0x243: {  	v1 =	vadd.f32 v2, v1;
	v2 =	vadd.f32 v31, v3;
	_ =	sdelay $0x1  }
0x244: {  	v1 =	vadd.f32 v2, v1;
	_ =	sdelay $0x1  }
0x245: {  	[tilespmem:v0+s14+$0x240 ss:$0x1] =	vst.idx.msk $0xffff, v1  }
0x246: {  	v1 =	vld [tilespmem:s13+$0x4050]  }
0x247: {  	v2 =	vld [tilespmem:s13+$0x40D0]  }
0x248: {  	v3 =	vld [tilespmem:s13+$0x4150]  }
0x249: {  	v32 =	vld [tilespmem:s13+$0x41D0]  }
0x24a: {  	v33 =	vld [tilespmem:s13+$0x4250]  }
0x24b: {  	v34 =	vld [tilespmem:s13+$0x42D0]  }
0x24c: {  	v35 =	vld [tilespmem:s13+$0x4350]  }
0x24d: {  	v36 =	vld [tilespmem:s13+$0x43D0]  }
0x24e: {  	v37 =	vld [tilespmem:s13+$0x4850]  }
0x24f: {  	v38 =	vld [tilespmem:s13+$0x48D0]  }
0x250: {  	v39 =	vld [tilespmem:s13+$0x4950]  }
0x251: {  	v40 =	vld [tilespmem:s13+$0x49D0]  }
0x252: {  	v41 =	vld [tilespmem:s13+$0x4A50]  }
0x253: {  	v42 =	vld [tilespmem:s13+$0x4AD0]  }
0x254: {  	v43 =	vld [tilespmem:s13+$0x4B50]  }
0x255: {  	v44 =	vld [tilespmem:s13+$0x4BD0];
	_ =	sdelay $0x1  }
0x256: {  	v1 =	vadd.f32 v2, v1;
	v2 =	vadd.f32 v32, v3  }
0x257: {  	v3 =	vadd.f32 v34, v33;
	v45 =	vadd.f32 v36, v35  }
0x258: {  	v46 =	vadd.f32 v38, v37;
	v47 =	vadd.f32 v40, v39  }
0x259: {  	v48 =	vadd.f32 v42, v41;
	v49 =	vadd.f32 v44, v43  }
0x25a: {  	v1 =	vadd.f32 v2, v1;
	v2 =	vadd.f32 v45, v3  }
0x25b: {  	v3 =	vadd.f32 v47, v46;
	v50 =	vadd.f32 v49, v48;
	_ =	sdelay $0x1  }
0x25c: {  	v1 =	vadd.f32 v2, v1;
	v2 =	vadd.f32 v50, v3;
	_ =	sdelay $0x1  }
0x25d: {  	v1 =	vadd.f32 v2, v1;
	_ =	sdelay $0x1  }
0x25e: {  	[tilespmem:v0+s14+$0x250 ss:$0x1] =	vst.idx.msk $0xffff, v1  }
0x25f: {  	v1 =	vld [tilespmem:s13+$0x4060]  }
0x260: {  	v2 =	vld [tilespmem:s13+$0x40E0]  }
0x261: {  	v3 =	vld [tilespmem:s13+$0x4160]  }
0x262: {  	v51 =	vld [tilespmem:s13+$0x41E0]  }
0x263: {  	v52 =	vld [tilespmem:s13+$0x4260]  }
0x264: {  	v53 =	vld [tilespmem:s13+$0x42E0]  }
0x265: {  	v54 =	vld [tilespmem:s13+$0x4360]  }
0x266: {  	v55 =	vld [tilespmem:s13+$0x43E0]  }
0x267: {  	v56 =	vld [tilespmem:s13+$0x4860]  }
0x268: {  	v57 =	vld [tilespmem:s13+$0x48E0]  }
0x269: {  	v58 =	vld [tilespmem:s13+$0x4960]  }
0x26a: {  	v59 =	vld [tilespmem:s13+$0x49E0]  }
0x26b: {  	v60 =	vld [tilespmem:s13+$0x4A60]  }
0x26c: {  	v61 =	vld [tilespmem:s13+$0x4AE0]  }
0x26d: {  	v62 =	vld [tilespmem:s13+$0x4B60]  }
0x26e: {  	v63 =	vld [tilespmem:s13+$0x4BE0];
	_ =	sdelay $0x1  }
0x26f: {  	v1 =	vadd.f32 v2, v1;
	v2 =	vadd.f32 v51, v3  }
0x270: {  	v3 =	vadd.f32 v53, v52;
	v19 =	vadd.f32 v55, v54  }
0x271: {  	v20 =	vadd.f32 v57, v56;
	v21 =	vadd.f32 v59, v58  }
0x272: {  	v22 =	vadd.f32 v61, v60;
	v23 =	vadd.f32 v63, v62  }
0x273: {  	v1 =	vadd.f32 v2, v1;
	v2 =	vadd.f32 v19, v3  }
0x274: {  	v3 =	vadd.f32 v21, v20;
	v24 =	vadd.f32 v23, v22;
	_ =	sdelay $0x1  }
0x275: {  	v1 =	vadd.f32 v2, v1;
	v2 =	vadd.f32 v24, v3;
	_ =	sdelay $0x1  }
0x276: {  	v1 =	vadd.f32 v2, v1;
	_ =	sdelay $0x1  }
0x277: {  	[tilespmem:v0+s14+$0x260 ss:$0x1] =	vst.idx.msk $0xffff, v1  }
0x278: {  	v1 =	vld [tilespmem:s13+$0x4070]  }
0x279: {  	v2 =	vld [tilespmem:s13+$0x40F0]  }
0x27a: {  	v3 =	vld [tilespmem:s13+$0x4170]  }
0x27b: {  	v25 =	vld [tilespmem:s13+$0x41F0]  }
0x27c: {  	v26 =	vld [tilespmem:s13+$0x4270]  }
0x27d: {  	v27 =	vld [tilespmem:s13+$0x42F0]  }
0x27e: {  	v28 =	vld [tilespmem:s13+$0x4370]  }
0x27f: {  	v29 =	vld [tilespmem:s13+$0x43F0]  }
0x280: {  	v30 =	vld [tilespmem:s13+$0x4870]  }
0x281: {  	v31 =	vld [tilespmem:s13+$0x48F0]  }
0x282: {  	v32 =	vld [tilespmem:s13+$0x4970]  }
0x283: {  	v33 =	vld [tilespmem:s13+$0x49F0]  }
0x284: {  	v34 =	vld [tilespmem:s13+$0x4A70]  }
0x285: {  	v35 =	vld [tilespmem:s13+$0x4AF0]  }
0x286: {  	v36 =	vld [tilespmem:s13+$0x4B70]  }
0x287: {  	v37 =	vld [tilespmem:s13+$0x4BF0];
	_ =	sdelay $0x1  }
0x288: {  	v1 =	vadd.f32 v2, v1;
	v2 =	vadd.f32 v25, v3  }
0x289: {  	v3 =	vadd.f32 v27, v26;
	v38 =	vadd.f32 v29, v28  }
0x28a: {  	v39 =	vadd.f32 v31, v30;
	v40 =	vadd.f32 v33, v32  }
0x28b: {  	v41 =	vadd.f32 v35, v34;
	v42 =	vadd.f32 v37, v36  }
0x28c: {  	v1 =	vadd.f32 v2, v1;
	v2 =	vadd.f32 v38, v3  }
0x28d: {  	v3 =	vadd.f32 v40, v39;
	v43 =	vadd.f32 v42, v41;
	_ =	sdelay $0x1  }
0x28e: {  	v1 =	vadd.f32 v2, v1;
	v2 =	vadd.f32 v43, v3;
	_ =	sdelay $0x1  }
0x28f: {  	v1 =	vadd.f32 v2, v1;
	_ =	sdelay $0x1  }
0x290: {  	[tilespmem:v0+s14+$0x270 ss:$0x1] =	vst.idx.msk $0xffff, v1  }
0x291: {  	v1 =	vld [tilespmem:s13+$0x4400]  }
0x292: {  	v2 =	vld [tilespmem:s13+$0x4480]  }
0x293: {  	v3 =	vld [tilespmem:s13+$0x4500]  }
0x294: {  	v44 =	vld [tilespmem:s13+$0x4580]  }
0x295: {  	v45 =	vld [tilespmem:s13+$0x4600]  }
0x296: {  	v46 =	vld [tilespmem:s13+$0x4680]  }
0x297: {  	v47 =	vld [tilespmem:s13+$0x4700]  }
0x298: {  	v48 =	vld [tilespmem:s13+$0x4780]  }
0x299: {  	v49 =	vld [tilespmem:s13+$0x4C00]  }
0x29a: {  	v50 =	vld [tilespmem:s13+$0x4C80]  }
0x29b: {  	v51 =	vld [tilespmem:s13+$0x4D00]  }
0x29c: {  	v52 =	vld [tilespmem:s13+$0x4D80]  }
0x29d: {  	v53 =	vld [tilespmem:s13+$0x4E00]  }
0x29e: {  	v54 =	vld [tilespmem:s13+$0x4E80]  }
0x29f: {  	v55 =	vld [tilespmem:s13+$0x4F00]  }
0x2a0: {  	v56 =	vld [tilespmem:s13+$0x4F80];
	_ =	sdelay $0x1  }
0x2a1: {  	v1 =	vadd.f32 v2, v1;
	v2 =	vadd.f32 v44, v3  }
0x2a2: {  	v3 =	vadd.f32 v46, v45;
	v57 =	vadd.f32 v48, v47  }
0x2a3: {  	v58 =	vadd.f32 v50, v49;
	v59 =	vadd.f32 v52, v51  }
0x2a4: {  	v60 =	vadd.f32 v54, v53;
	v61 =	vadd.f32 v56, v55  }
0x2a5: {  	v1 =	vadd.f32 v2, v1;
	v2 =	vadd.f32 v57, v3  }
0x2a6: {  	v3 =	vadd.f32 v59, v58;
	v62 =	vadd.f32 v61, v60;
	_ =	sdelay $0x1  }
0x2a7: {  	v1 =	vadd.f32 v2, v1;
	v2 =	vadd.f32 v62, v3;
	_ =	sdelay $0x1  }
0x2a8: {  	v1 =	vadd.f32 v2, v1;
	_ =	sdelay $0x1  }
0x2a9: {  	[tilespmem:v0+s14+$0x600 ss:$0x1] =	vst.idx.msk $0xffff, v1  }
0x2aa: {  	v1 =	vld [tilespmem:s13+$0x4410]  }
0x2ab: {  	v2 =	vld [tilespmem:s13+$0x4490]  }
0x2ac: {  	v3 =	vld [tilespmem:s13+$0x4510]  }
0x2ad: {  	v63 =	vld [tilespmem:s13+$0x4590]  }
0x2ae: {  	v20 =	vld [tilespmem:s13+$0x4610]  }
0x2af: {  	v21 =	vld [tilespmem:s13+$0x4690]  }
0x2b0: {  	v22 =	vld [tilespmem:s13+$0x4710]  }
0x2b1: {  	v23 =	vld [tilespmem:s13+$0x4790]  }
0x2b2: {  	v24 =	vld [tilespmem:s13+$0x4C10]  }
0x2b3: {  	v25 =	vld [tilespmem:s13+$0x4C90]  }
0x2b4: {  	v26 =	vld [tilespmem:s13+$0x4D10]  }
0x2b5: {  	v27 =	vld [tilespmem:s13+$0x4D90]  }
0x2b6: {  	v28 =	vld [tilespmem:s13+$0x4E10]  }
0x2b7: {  	v29 =	vld [tilespmem:s13+$0x4E90]  }
0x2b8: {  	v30 =	vld [tilespmem:s13+$0x4F10]  }
0x2b9: {  	v31 =	vld [tilespmem:s13+$0x4F90];
	_ =	sdelay $0x1  }
0x2ba: {  	v1 =	vadd.f32 v2, v1;
	v2 =	vadd.f32 v63, v3  }
0x2bb: {  	v3 =	vadd.f32 v21, v20;
	v32 =	vadd.f32 v23, v22  }
0x2bc: {  	v33 =	vadd.f32 v25, v24;
	v34 =	vadd.f32 v27, v26  }
0x2bd: {  	v35 =	vadd.f32 v29, v28;
	v36 =	vadd.f32 v31, v30  }
0x2be: {  	v1 =	vadd.f32 v2, v1;
	v2 =	vadd.f32 v32, v3  }
0x2bf: {  	v3 =	vadd.f32 v34, v33;
	v37 =	vadd.f32 v36, v35;
	_ =	sdelay $0x1  }
0x2c0: {  	v1 =	vadd.f32 v2, v1;
	v2 =	vadd.f32 v37, v3;
	_ =	sdelay $0x1  }
0x2c1: {  	v1 =	vadd.f32 v2, v1;
	_ =	sdelay $0x1  }
0x2c2: {  	[tilespmem:v0+s14+$0x610 ss:$0x1] =	vst.idx.msk $0xffff, v1  }
0x2c3: {  	v1 =	vld [tilespmem:s13+$0x4420]  }
0x2c4: {  	v2 =	vld [tilespmem:s13+$0x44A0]  }
0x2c5: {  	v3 =	vld [tilespmem:s13+$0x4520]  }
0x2c6: {  	v38 =	vld [tilespmem:s13+$0x45A0]  }
0x2c7: {  	v39 =	vld [tilespmem:s13+$0x4620]  }
0x2c8: {  	v40 =	vld [tilespmem:s13+$0x46A0]  }
0x2c9: {  	v41 =	vld [tilespmem:s13+$0x4720]  }
0x2ca: {  	v42 =	vld [tilespmem:s13+$0x47A0]  }
0x2cb: {  	v43 =	vld [tilespmem:s13+$0x4C20]  }
0x2cc: {  	v44 =	vld [tilespmem:s13+$0x4CA0]  }
0x2cd: {  	v45 =	vld [tilespmem:s13+$0x4D20]  }
0x2ce: {  	v46 =	vld [tilespmem:s13+$0x4DA0]  }
0x2cf: {  	v47 =	vld [tilespmem:s13+$0x4E20]  }
0x2d0: {  	v48 =	vld [tilespmem:s13+$0x4EA0]  }
0x2d1: {  	v49 =	vld [tilespmem:s13+$0x4F20]  }
0x2d2: {  	v50 =	vld [tilespmem:s13+$0x4FA0];
	_ =	sdelay $0x1  }
0x2d3: {  	v1 =	vadd.f32 v2, v1;
	v2 =	vadd.f32 v38, v3  }
0x2d4: {  	v3 =	vadd.f32 v40, v39;
	v51 =	vadd.f32 v42, v41  }
0x2d5: {  	v52 =	vadd.f32 v44, v43;
	v53 =	vadd.f32 v46, v45  }
0x2d6: {  	v54 =	vadd.f32 v48, v47;
	v55 =	vadd.f32 v50, v49  }
0x2d7: {  	v1 =	vadd.f32 v2, v1;
	v2 =	vadd.f32 v51, v3  }
0x2d8: {  	v3 =	vadd.f32 v53, v52;
	v56 =	vadd.f32 v55, v54;
	_ =	sdelay $0x1  }
0x2d9: {  	v1 =	vadd.f32 v2, v1;
	v2 =	vadd.f32 v56, v3;
	_ =	sdelay $0x1  }
0x2da: {  	v1 =	vadd.f32 v2, v1;
	_ =	sdelay $0x1  }
0x2db: {  	[tilespmem:v0+s14+$0x620 ss:$0x1] =	vst.idx.msk $0xffff, v1  }
0x2dc: {  	v1 =	vld [tilespmem:s13+$0x4430]  }
0x2dd: {  	v2 =	vld [tilespmem:s13+$0x44B0]  }
0x2de: {  	v3 =	vld [tilespmem:s13+$0x4530]  }
0x2df: {  	v57 =	vld [tilespmem:s13+$0x45B0]  }
0x2e0: {  	v58 =	vld [tilespmem:s13+$0x4630]  }
0x2e1: {  	v59 =	vld [tilespmem:s13+$0x46B0]  }
0x2e2: {  	v60 =	vld [tilespmem:s13+$0x4730]  }
0x2e3: {  	v61 =	vld [tilespmem:s13+$0x47B0]  }
0x2e4: {  	v62 =	vld [tilespmem:s13+$0x4C30]  }
0x2e5: {  	v63 =	vld [tilespmem:s13+$0x4CB0]  }
0x2e6: {  	v20 =	vld [tilespmem:s13+$0x4D30]  }
0x2e7: {  	v21 =	vld [tilespmem:s13+$0x4DB0]  }
0x2e8: {  	v22 =	vld [tilespmem:s13+$0x4E30]  }
0x2e9: {  	v23 =	vld [tilespmem:s13+$0x4EB0]  }
0x2ea: {  	v24 =	vld [tilespmem:s13+$0x4F30]  }
0x2eb: {  	v25 =	vld [tilespmem:s13+$0x4FB0];
	_ =	sdelay $0x1  }
0x2ec: {  	v1 =	vadd.f32 v2, v1;
	v2 =	vadd.f32 v57, v3  }
0x2ed: {  	v3 =	vadd.f32 v59, v58;
	v26 =	vadd.f32 v61, v60  }
0x2ee: {  	v27 =	vadd.f32 v63, v62;
	v28 =	vadd.f32 v21, v20  }
0x2ef: {  	v29 =	vadd.f32 v23, v22;
	v30 =	vadd.f32 v25, v24  }
0x2f0: {  	v1 =	vadd.f32 v2, v1;
	v2 =	vadd.f32 v26, v3  }
0x2f1: {  	v3 =	vadd.f32 v28, v27;
	v31 =	vadd.f32 v30, v29;
	_ =	sdelay $0x1  }
0x2f2: {  	v1 =	vadd.f32 v2, v1;
	v2 =	vadd.f32 v31, v3;
	_ =	sdelay $0x1  }
0x2f3: {  	v1 =	vadd.f32 v2, v1;
	_ =	sdelay $0x1  }
0x2f4: {  	[tilespmem:v0+s14+$0x630 ss:$0x1] =	vst.idx.msk $0xffff, v1  }
0x2f5: {  	v1 =	vld [tilespmem:s13+$0x4440]  }
0x2f6: {  	v2 =	vld [tilespmem:s13+$0x44C0]  }
0x2f7: {  	v3 =	vld [tilespmem:s13+$0x4540]  }
0x2f8: {  	v32 =	vld [tilespmem:s13+$0x45C0]  }
0x2f9: {  	v33 =	vld [tilespmem:s13+$0x4640]  }
0x2fa: {  	v34 =	vld [tilespmem:s13+$0x46C0]  }
0x2fb: {  	v35 =	vld [tilespmem:s13+$0x4740]  }
0x2fc: {  	v36 =	vld [tilespmem:s13+$0x47C0]  }
0x2fd: {  	v37 =	vld [tilespmem:s13+$0x4C40]  }
0x2fe: {  	v38 =	vld [tilespmem:s13+$0x4CC0]  }
0x2ff: {  	v39 =	vld [tilespmem:s13+$0x4D40]  }
0x300: {  	v40 =	vld [tilespmem:s13+$0x4DC0]  }
0x301: {  	v41 =	vld [tilespmem:s13+$0x4E40]  }
0x302: {  	v42 =	vld [tilespmem:s13+$0x4EC0]  }
0x303: {  	v43 =	vld [tilespmem:s13+$0x4F40]  }
0x304: {  	v44 =	vld [tilespmem:s13+$0x4FC0];
	_ =	sdelay $0x1  }
0x305: {  	v1 =	vadd.f32 v2, v1;
	v2 =	vadd.f32 v32, v3  }
0x306: {  	v3 =	vadd.f32 v34, v33;
	v45 =	vadd.f32 v36, v35  }
0x307: {  	v46 =	vadd.f32 v38, v37;
	v47 =	vadd.f32 v40, v39  }
0x308: {  	v48 =	vadd.f32 v42, v41;
	v49 =	vadd.f32 v44, v43  }
0x309: {  	v1 =	vadd.f32 v2, v1;
	v2 =	vadd.f32 v45, v3  }
0x30a: {  	v3 =	vadd.f32 v47, v46;
	v50 =	vadd.f32 v49, v48;
	_ =	sdelay $0x1  }
0x30b: {  	v1 =	vadd.f32 v2, v1;
	v2 =	vadd.f32 v50, v3;
	_ =	sdelay $0x1  }
0x30c: {  	v1 =	vadd.f32 v2, v1;
	_ =	sdelay $0x1  }
0x30d: {  	[tilespmem:v0+s14+$0x640 ss:$0x1] =	vst.idx.msk $0xffff, v1  }
0x30e: {  	v1 =	vld [tilespmem:s13+$0x4450]  }
0x30f: {  	v2 =	vld [tilespmem:s13+$0x44D0]  }
0x310: {  	v3 =	vld [tilespmem:s13+$0x4550]  }
0x311: {  	v51 =	vld [tilespmem:s13+$0x45D0]  }
0x312: {  	v52 =	vld [tilespmem:s13+$0x4650]  }
0x313: {  	v53 =	vld [tilespmem:s13+$0x46D0]  }
0x314: {  	v54 =	vld [tilespmem:s13+$0x4750]  }
0x315: {  	v55 =	vld [tilespmem:s13+$0x47D0]  }
0x316: {  	v56 =	vld [tilespmem:s13+$0x4C50]  }
0x317: {  	v57 =	vld [tilespmem:s13+$0x4CD0]  }
0x318: {  	v58 =	vld [tilespmem:s13+$0x4D50]  }
0x319: {  	v59 =	vld [tilespmem:s13+$0x4DD0]  }
0x31a: {  	v60 =	vld [tilespmem:s13+$0x4E50]  }
0x31b: {  	v61 =	vld [tilespmem:s13+$0x4ED0]  }
0x31c: {  	v62 =	vld [tilespmem:s13+$0x4F50]  }
0x31d: {  	v63 =	vld [tilespmem:s13+$0x4FD0];
	_ =	sdelay $0x1  }
0x31e: {  	v1 =	vadd.f32 v2, v1;
	v2 =	vadd.f32 v51, v3  }
0x31f: {  	v3 =	vadd.f32 v53, v52;
	v20 =	vadd.f32 v55, v54  }
0x320: {  	v21 =	vadd.f32 v57, v56;
	v22 =	vadd.f32 v59, v58  }
0x321: {  	v23 =	vadd.f32 v61, v60;
	v24 =	vadd.f32 v63, v62  }
0x322: {  	v1 =	vadd.f32 v2, v1;
	v2 =	vadd.f32 v20, v3  }
0x323: {  	v3 =	vadd.f32 v22, v21;
	v25 =	vadd.f32 v24, v23;
	_ =	sdelay $0x1  }
0x324: {  	v1 =	vadd.f32 v2, v1;
	v2 =	vadd.f32 v25, v3;
	_ =	sdelay $0x1  }
0x325: {  	v1 =	vadd.f32 v2, v1;
	_ =	sdelay $0x1  }
0x326: {  	[tilespmem:v0+s14+$0x650 ss:$0x1] =	vst.idx.msk $0xffff, v1  }
0x327: {  	v1 =	vld [tilespmem:s13+$0x4460]  }
0x328: {  	v2 =	vld [tilespmem:s13+$0x44E0]  }
0x329: {  	v3 =	vld [tilespmem:s13+$0x4560]  }
0x32a: {  	v26 =	vld [tilespmem:s13+$0x45E0]  }
0x32b: {  	v27 =	vld [tilespmem:s13+$0x4660]  }
0x32c: {  	v28 =	vld [tilespmem:s13+$0x46E0]  }
0x32d: {  	v29 =	vld [tilespmem:s13+$0x4760]  }
0x32e: {  	v30 =	vld [tilespmem:s13+$0x47E0]  }
0x32f: {  	v31 =	vld [tilespmem:s13+$0x4C60]  }
0x330: {  	v32 =	vld [tilespmem:s13+$0x4CE0]  }
0x331: {  	v33 =	vld [tilespmem:s13+$0x4D60]  }
0x332: {  	v34 =	vld [tilespmem:s13+$0x4DE0]  }
0x333: {  	v35 =	vld [tilespmem:s13+$0x4E60]  }
0x334: {  	v36 =	vld [tilespmem:s13+$0x4EE0]  }
0x335: {  	v37 =	vld [tilespmem:s13+$0x4F60]  }
0x336: {  	v38 =	vld [tilespmem:s13+$0x4FE0];
	_ =	sdelay $0x1  }
0x337: {  	v1 =	vadd.f32 v2, v1;
	v2 =	vadd.f32 v26, v3  }
0x338: {  	v3 =	vadd.f32 v28, v27;
	v39 =	vadd.f32 v30, v29  }
0x339: {  	v40 =	vadd.f32 v32, v31;
	v41 =	vadd.f32 v34, v33  }
0x33a: {  	v42 =	vadd.f32 v36, v35;
	v43 =	vadd.f32 v38, v37  }
0x33b: {  	v1 =	vadd.f32 v2, v1;
	v2 =	vadd.f32 v39, v3  }
0x33c: {  	v3 =	vadd.f32 v41, v40;
	v44 =	vadd.f32 v43, v42;
	_ =	sdelay $0x1  }
0x33d: {  	v1 =	vadd.f32 v2, v1;
	v2 =	vadd.f32 v44, v3;
	_ =	sdelay $0x1  }
0x33e: {  	v1 =	vadd.f32 v2, v1;
	_ =	sdelay $0x1  }
0x33f: {  	[tilespmem:v0+s14+$0x660 ss:$0x1] =	vst.idx.msk $0xffff, v1  }
0x340: {  	v1 =	vld [tilespmem:s13+$0x4470]  }
0x341: {  	v2 =	vld [tilespmem:s13+$0x44F0]  }
0x342: {  	v3 =	vld [tilespmem:s13+$0x4570]  }
0x343: {  	v45 =	vld [tilespmem:s13+$0x45F0]  }
0x344: {  	v46 =	vld [tilespmem:s13+$0x4670]  }
0x345: {  	v47 =	vld [tilespmem:s13+$0x46F0]  }
0x346: {  	v48 =	vld [tilespmem:s13+$0x4770]  }
0x347: {  	v49 =	vld [tilespmem:s13+$0x47F0]  }
0x348: {  	v50 =	vld [tilespmem:s13+$0x4C70]  }
0x349: {  	v51 =	vld [tilespmem:s13+$0x4CF0]  }
0x34a: {  	v52 =	vld [tilespmem:s13+$0x4D70]  }
0x34b: {  	v53 =	vld [tilespmem:s13+$0x4DF0]  }
0x34c: {  	v54 =	vld [tilespmem:s13+$0x4E70]  }
0x34d: {  	v55 =	vld [tilespmem:s13+$0x4EF0]  }
0x34e: {  	v56 =	vld [tilespmem:s13+$0x4F70]  }
0x34f: {  	v57 =	vld [tilespmem:s13+$0x4FF0];
	_ =	sdelay $0x1  }
0x350: {  	v1 =	vadd.f32 v2, v1;
	v2 =	vadd.f32 v45, v3  }
0x351: {  	v3 =	vadd.f32 v47, v46;
	v58 =	vadd.f32 v49, v48  }
0x352: {  	v59 =	vadd.f32 v51, v50;
	v60 =	vadd.f32 v53, v52  }
0x353: {  	v61 =	vadd.f32 v55, v54;
	v62 =	vadd.f32 v57, v56  }
0x354: {  	v1 =	vadd.f32 v2, v1;
	v2 =	vadd.f32 v58, v3  }
0x355: {  	v3 =	vadd.f32 v60, v59;
	v63 =	vadd.f32 v62, v61  }
0x356: {  	p1 =	sne.s32 s12, $0x3  }
.Ltmp7:
0x357: {  	v1 =	vadd.f32 v2, v1;
	v2 =	vadd.f32 v63, v3;
	(pc) =	sbr.rel @p1 .LBB2_7-.Ltmp7, $3  }
0x358: {  	_ = 	snop  }
0x359: {  	v1 =	vadd.f32 v2, v1;
	_ =	sdelay $0x1  }
0x35a: {  	s12 =	sadd.s32 $0x1, s12;
	[tilespmem:v0+s14+$0x670 ss:$0x1] =	vst.idx.msk $0xffff, v1  }
.Ltmp8:
0x35b: {  	_ = 	snop;
	(pc) =	sbr.rel .LBB2_8-.Ltmp8, $1  }
0x35c: {  	_ =	sdelay $0x3  }
.LBB2_10:
0x35d: {  	_ =	sfence.sel $0x180000  }
0x35e: {  	[bflag:$0x0] =	sbarrier.arrive $0xFFFF  }
0x35f: {  	p0 =	sne.s32 s1, $0x0;
	_ =	strace $0x90000047  }
0x360: {  	s0 =	sadd.s32 @!p0 $0x100000, s0;
	[bflag:$0x2] =	sbarrier.arrive $0xFFFF  }
0x361: {  	[sflag:s0] =	ssyncadd.tile.s32 @!p0 $0x1;
	_ =	shalt  }
.Lfunc_end2:
_tile_overlayer_lowered:
.L_overlay_start_2:
0x362: {  	(tag) =	ssettag $0x2  }
0x363: {  	s0 =	rddreg [dreg:$0x0];
	s2 =	stileid.u32  }
0x364: {  	s1 =	rddreg [dreg:$0x1];
	p0 =	sne.s32 s2, $0x0  }
0x365: {  	s3 =	rddreg [dreg:$0x2];
	[bflag:$0x3] =	sbarrier.arrive $0xFFFF;
	s2 =	simm.s32 @!p0 $0x1C03  }
0x366: {  	[timem:s3], [sflag:s2] =	dma.local @!p0 [hbm:s0], s1  }
0x367: {  	s0 =	simm.s32 @!p0 $0x3  }
0x368: {  	_ =	swait.ge @!p0 [sflag:s0], s1  }
0x369: {  	s1 =	ssub.s32 @!p0 $0x0, s1;
	[sflag:s0] =	ssyncset.done @!p0 $0x0  }
0x36a: {  	[sflag:s0] =	ssyncadd.s32 @!p0 s1  }
0x36b: {  	[bflag:$0x3] =	sbarrier.arrive $0xFFFF  }
0x36c: {  	_ =	shalt  }

</sc_bundles>
